<compile_context>
chip_gen: v7x
topology: tpu7x:2x2x1
jax: 0.10.2.dev20260603
libtpu: 0.0.44.dev20260713+nightly
codegen_flags: <defaults>
</compile_context>

<pallas_src>
import functools

import jax
import jax.numpy as jnp
from jax import lax
from jax.experimental import pallas as pl
from jax.experimental.pallas import tpu as pltpu
from jax.experimental.pallas import tpu_sc as plsc

_B = 16384
_DM = 64
_DY = 16
_DG = 16
_CH = 32


def _sc_gather(movie_id, year, g0, g1, g2, tab, ytT, gtT):
    info = plsc.get_sparse_core_info()
    nc, ns = info.num_cores, info.num_subcores
    nw = nc * ns
    bpw = _B // nw
    nt = bpw // 16
    nch = bpw // _CH
    mesh = plsc.VectorSubcoreMesh(core_axis_name="c", subcore_axis_name="s")

    @functools.partial(
        pl.kernel,
        out_type=(
            jax.ShapeDtypeStruct((_B, _DM), jnp.float32),
            jax.ShapeDtypeStruct((_DY, _B), jnp.float32),
            jax.ShapeDtypeStruct((_DG, _B), jnp.float32),
        ),
        mesh=mesh,
        compiler_params=pltpu.CompilerParams(
            use_tc_tiling_on_sc=True, needs_layout_passes=False),
        scratch_types=[
            pltpu.VMEM((bpw,), jnp.int32),
            pltpu.VMEM((bpw,), jnp.int32),
            pltpu.VMEM((bpw,), jnp.int32),
            pltpu.VMEM((bpw,), jnp.int32),
            pltpu.VMEM((bpw,), jnp.int32),
            pltpu.VMEM((2, _CH, 8, 2 * _DM), jnp.float32),
            pltpu.VMEM((_CH, _DM), jnp.float32),
            pltpu.VMEM((_DY, 128), jnp.float32),
            pltpu.VMEM((_DG, 32), jnp.float32),
            pltpu.VMEM((_DY, bpw), jnp.float32),
            pltpu.VMEM((_DG, bpw), jnp.float32),
            pltpu.SemaphoreType.DMA,
        ],
    )
    def gather(mid_h, yr_h, g0_h, g1_h, g2_h, tab_h, ytT_h, gtT_h,
               out_x, out_y, out_g,
               midx, yidx, gidx0, gidx1, gidx2, tbuf, xv, ytv, gtv,
               yvT, gvT, sem):
        wid = lax.axis_index("s") * nc + lax.axis_index("c")
        base = wid * bpw
        iota16 = jax.lax.iota(jnp.int32, 16)
        pltpu.sync_copy(mid_h.at[pl.ds(base, bpw)], midx)
        pltpu.sync_copy(yr_h.at[pl.ds(base, bpw)], yidx)
        pltpu.sync_copy(g0_h.at[pl.ds(base, bpw)], gidx0)
        pltpu.sync_copy(g1_h.at[pl.ds(base, bpw)], gidx1)
        pltpu.sync_copy(g2_h.at[pl.ds(base, bpw)], gidx2)
        pltpu.sync_copy(ytT_h, ytv)
        pltpu.sync_copy(gtT_h, gtv)

        def fire_chunk(c):
            def fire(t, carry2):
                m16 = midx[pl.ds(c * _CH + t * 16, 16)]
                for k in range(16):
                    row = ((m16[k] >> 14) << 13) + (m16[k] & 8191)
                    lb = pl.multiple_of((row >> 3) << 3, 8)
                    pltpu.async_copy(
                        tab_h.at[pl.ds(lb, 8), :],
                        tbuf.at[c & 1, t * 16 + k], sem)
                return carry2

            lax.fori_loop(0, _CH // 16, fire, 0)

        fire_chunk(0)

        def movie_chunk(c, carry):
            @pl.when(c + 1 < nch)
            def _():
                fire_chunk(c + 1)

            def drain(k, carry2):
                pltpu.make_async_copy(
                    tab_h.at[pl.ds(0, 8), :], tbuf.at[c & 1, k], sem).wait()
                return carry2

            lax.fori_loop(0, _CH, drain, 0)

            def select(t, carry2):
                m16 = midx[pl.ds(c * _CH + t * 16, 16)]
                for k in range(16):
                    r = m16[k] & 7
                    off = ((m16[k] >> 13) & 1) * _DM
                    for j in range(_DM // 16):
                        xv[t * 16 + k, pl.ds(16 * j, 16)] = (
                            tbuf[c & 1, t * 16 + k, r, pl.ds(off + 16 * j, 16)])
                return carry2

            lax.fori_loop(0, _CH // 16, select, 0)
            pltpu.sync_copy(xv, out_x.at[pl.ds(base + c * _CH, _CH)])
            return carry

        lax.fori_loop(0, nch, movie_chunk, 0)

        def small_lookups(t, carry):
            y16 = yidx[pl.ds(t * 16, 16)]
            a16 = gidx0[pl.ds(t * 16, 16)]
            b16 = gidx1[pl.ds(t * 16, 16)]
            c16 = gidx2[pl.ds(t * 16, 16)]
            for f in range(_DY):
                row = jnp.full((16,), f, dtype=jnp.int32)
                yvT[f, pl.ds(t * 16, 16)] = plsc.load_gather(ytv, [row, y16])
                ga = plsc.load_gather(gtv, [row, a16])
                gb = plsc.load_gather(gtv, [row, b16])
                gc = plsc.load_gather(gtv, [row, c16])
                gvT[f, pl.ds(t * 16, 16)] = (ga + gb + gc) * (1.0 / 3.0)
            return carry

        lax.fori_loop(0, nt, small_lookups, 0)
        pltpu.sync_copy(yvT, out_y.at[:, pl.ds(base, bpw)])
        pltpu.sync_copy(gvT, out_g.at[:, pl.ds(base, bpw)])

    return gather(movie_id, year, g0, g1, g2, tab, ytT, gtT)


_TBT = 16384


def _transpose_body(x_ref, eye_ref, o_ref):
    t = lax.dot_general(x_ref[...], eye_ref[...], (((0,), (0,)), ((), ())),
                        preferred_element_type=jnp.float32)
    h = _TBT // 2
    o_ref[...] = jnp.concatenate([t[:h], t[h:]], axis=1)


def _transpose_tc(t64T):
    n = t64T.shape[1]
    nsteps = (n + _TBT - 1) // _TBT
    eye = jnp.eye(_DM, dtype=jnp.float32)
    return pl.pallas_call(
        _transpose_body,
        grid=(nsteps,),
        compiler_params=pltpu.CompilerParams(
            vmem_limit_bytes=100 * 1024 * 1024),
        in_specs=[pl.BlockSpec((_DM, _TBT), lambda j: (0, j)),
                  pl.BlockSpec((_DM, _DM), lambda j: (0, 0))],
        out_specs=pl.BlockSpec((_TBT // 2, 2 * _DM), lambda j: (j, 0)),
        out_shape=jax.ShapeDtypeStruct((nsteps * (_TBT // 2), 2 * _DM),
                                       jnp.float32),
    )(t64T, eye)


def _mlp_body(x_ref, yvT_ref, gvT_ref, w1a, w1b, w1c, b1, w2, b2, w3, b3,
              o_ref):
    h = jnp.dot(x_ref[...], w1a[...], preferred_element_type=jnp.float32)
    tdot = lambda a, b: lax.dot_general(
        a, b, (((0,), (0,)), ((), ())), preferred_element_type=jnp.float32)
    h += tdot(yvT_ref[...], w1b[...])
    h += tdot(gvT_ref[...], w1c[...])
    h = jnp.maximum(h + b1[...], 0.0)
    h = jnp.maximum(
        jnp.dot(h, w2[...], preferred_element_type=jnp.float32) + b2[...], 0.0)
    o_ref[...] = lax.dot_general(
        w3[...], h, (((0,), (1,)), ((), ())),
        preferred_element_type=jnp.float32) + b3[...]


def _mlp_tc(x64, yvT, gvT, w1a, w1b, w1c, b1, w2, b2, w3, b3, bt=2048):
    nsteps = _B // bt
    full = lambda a: pl.BlockSpec(a.shape, lambda i: (0, 0))
    return pl.pallas_call(
        _mlp_body,
        grid=(nsteps,),
        in_specs=[
            pl.BlockSpec((bt, _DM), lambda i: (i, 0)),
            pl.BlockSpec((_DY, bt), lambda i: (0, i)),
            pl.BlockSpec((_DG, bt), lambda i: (0, i)),
            full(w1a), full(w1b), full(w1c), full(b1),
            full(w2), full(b2), full(w3), full(b3),
        ],
        out_specs=pl.BlockSpec((64, bt), lambda i: (0, i)),
        out_shape=jax.ShapeDtypeStruct((64, _B), jnp.float32),
    )(x64, yvT, gvT, w1a, w1b, w1c, b1, w2, b2, w3, b3)


def kernel(movie_id, year, genre, id_table, year_table, genre_table,
           W1, b1, W2, b2, W3, b3):
    ytT = year_table.T
    gtT = genre_table.T
    g0 = genre[:, 0]
    g1 = genre[:, 1]
    g2 = genre[:, 2]
    relay = _transpose_tc(id_table.T)
    x64, yvT, gvT = _sc_gather(movie_id, year, g0, g1, g2, relay, ytT, gtT)
    w1a = W1[:_DM]
    w1b = W1[_DM:_DM + _DY]
    w1c = W1[_DM + _DY:]
    oT = _mlp_tc(x64, yvT, gvT, w1a, w1b, w1c, b1.reshape(1, -1),
                 W2, b2.reshape(1, -1), W3, b3.reshape(-1, 1))
    return oT.T

# --- scband reference (transcript-rebuilt; emitter-appended) ---
"""Pipeline reference for scband-item-tower-84301618086238 (READ-ONLY COPY).

The authoritative reference and input builder live on the scoring server;
editing this copy changes nothing except your own understanding.
"""

import jax, jax.numpy as jnp
import numpy as np

MOVIE_COUNT = 1000000
YEAR_VOCAB = 128
GENRE_COUNT = 32
ITEM_EMB = 64
YEAR_EMB = 16
GENRE_EMB = 16
HIDDEN = [256, 128]
OUT_DIM = 64
BATCH = 16384


def setup_inputs(seed: int = 0) -> dict:
    key = jax.random.key(seed)
    ks = jax.random.split(key, 12)
    movie_id = jax.random.randint(ks[0], (BATCH,), 0, MOVIE_COUNT, dtype=jnp.int32)
    year = jax.random.randint(ks[1], (BATCH,), 0, YEAR_VOCAB, dtype=jnp.int32)
    genre = jax.random.randint(ks[2], (BATCH, 3), 0, GENRE_COUNT, dtype=jnp.int32)
    id_table = jax.random.normal(ks[3], (MOVIE_COUNT, ITEM_EMB), dtype=jnp.float32) * 0.02
    id_table = id_table.at[0].set(0.0)  # padding_idx=0
    year_table = jax.random.normal(ks[4], (YEAR_VOCAB, YEAR_EMB), dtype=jnp.float32) * 0.02
    genre_table = jax.random.normal(ks[5], (GENRE_COUNT, GENRE_EMB), dtype=jnp.float32) * 0.02
    genre_table = genre_table.at[0].set(0.0)  # padding_idx=0
    d_in = ITEM_EMB + YEAR_EMB + GENRE_EMB
    dims = [d_in] + HIDDEN + [OUT_DIM]
    params = {}
    for i in range(len(dims) - 1):
        fan_in = dims[i]
        bound = 1.0 / np.sqrt(fan_in)
        params[f"W{i+1}"] = jax.random.uniform(ks[6 + i], (dims[i], dims[i + 1]), dtype=jnp.float32, minval=-bound, maxval=bound)
        params[f"b{i+1}"] = jax.random.uniform(ks[9 + i], (dims[i + 1],), dtype=jnp.float32, minval=-bound, maxval=bound)
    return {
        "movie_id": movie_id,
        "year": year,
        "genre": genre,
        "id_table": id_table,
        "year_table": year_table,
        "genre_table": genre_table,
        **params,
    }


def reference(movie_id, year, genre, id_table, year_table, genre_table, W1, b1, W2, b2, W3, b3):
    movie_id_vec = jnp.take(id_table, movie_id, axis=0)          # (B, 64)
    year_vec = jnp.take(year_table, year, axis=0)                # (B, 16)
    genre_vec = jnp.take(genre_table, genre, axis=0)             # (B, 3, 16)
    genre_vec_pooled = jnp.mean(genre_vec, axis=1)               # (B, 16)
    combined = jnp.concatenate([movie_id_vec, year_vec, genre_vec_pooled], axis=1)
    h = jax.nn.relu(combined @ W1 + b1)
    h = jax.nn.relu(h @ W2 + b2)
    out = h @ W3 + b3
    return out

if __name__ == "__main__":
    import jax
    _d = setup_inputs()
    print(jax.jit(kernel)(*tuple(_d.values())))

</pallas_src>

<mosaic_0001>
#map = affine_map<(d0, d1) -> (0)>
#map1 = affine_map<(d0, d1) -> (0, 0)>
module attributes {stable_mosaic.version = 14 : i64} {
  func.func @gather(%arg0: i32, %arg1: i32, %arg2: memref<16384xi32, #tpu.memory_space<hbm>>, %arg3: memref<16384xi32, #tpu.memory_space<hbm>>, %arg4: memref<16384xi32, #tpu.memory_space<hbm>>, %arg5: memref<16384xi32, #tpu.memory_space<hbm>>, %arg6: memref<16384xi32, #tpu.memory_space<hbm>>, %arg7: memref<507904x128xf32, #tpu.memory_space<hbm>>, %arg8: memref<16x128xf32, #tpu.memory_space<hbm>>, %arg9: memref<16x32xf32, #tpu.memory_space<hbm>>, %arg10: memref<16384x64xf32, #tpu.memory_space<hbm>>, %arg11: memref<16x16384xf32, #tpu.memory_space<hbm>>, %arg12: memref<16x16384xf32, #tpu.memory_space<hbm>>, %arg13: memref<512xi32, #tpu.memory_space<vmem>>, %arg14: memref<512xi32, #tpu.memory_space<vmem>>, %arg15: memref<512xi32, #tpu.memory_space<vmem>>, %arg16: memref<512xi32, #tpu.memory_space<vmem>>, %arg17: memref<512xi32, #tpu.memory_space<vmem>>, %arg18: memref<2x32x8x128xf32, #tpu.memory_space<vmem>>, %arg19: memref<32x64xf32, #tpu.memory_space<vmem>>, %arg20: memref<16x128xf32, #tpu.memory_space<vmem>>, %arg21: memref<16x32xf32, #tpu.memory_space<vmem>>, %arg22: memref<16x512xf32, #tpu.memory_space<vmem>>, %arg23: memref<16x512xf32, #tpu.memory_space<vmem>>, %arg24: memref<!tpu.dma_semaphore, #tpu.memory_space<semaphore_mem>>) attributes {dimension_semantics = [#tpu.dimension_semantics<core_parallel>, #tpu.dimension_semantics<subcore_parallel>], iteration_bounds = array<i64: 2, 16>, scalar_prefetch = 0 : i64, scratch_operands = 12 : i64, tpu.core_type = #tpu.core_type<sc_vector_subcore>, window_params = [{transform_indices = #map}, {transform_indices = #map}, {transform_indices = #map}, {transform_indices = #map}, {transform_indices = #map}, {transform_indices = #map1}, {transform_indices = #map1}, {transform_indices = #map1}, {transform_indices = #map1}, {transform_indices = #map1}, {transform_indices = #map1}]} {
    %mul3A = arith.constant 2 : i32
    %mul3A_0 = arith.muli %arg1, %mul3A : i32
    %add3A = arith.addi %mul3A_0, %arg0 : i32
    %mul3A_1 = arith.constant 512 : i32
    %mul3A_2 = arith.muli %add3A, %mul3A_1 : i32
    %iota3A = tpu.iota {dimensions = array<i32: 0>} : vector<16xi32>
    "tpu.region"() ({
      %run_scoped3A = tpu.sem_alloc : memref<!tpu.dma_semaphore, #tpu.memory_space<semaphore_mem>>
      %dma_start3A = tpu.memref_slice %arg2[%mul3A_2] : memref<16384xi32, #tpu.memory_space<hbm>> -> memref<512xi32, #tpu.memory_space<hbm>>
      %dma_start3A_20 = tpu.memref_slice %arg2[%mul3A_2] : memref<16384xi32, #tpu.memory_space<hbm>> -> memref<512xi32, #tpu.memory_space<hbm>>
      tpu.enqueue_dma source(%dma_start3A_20 : memref<512xi32, #tpu.memory_space<hbm>>) target(%arg13 : memref<512xi32, #tpu.memory_space<vmem>>) target_semaphore(%run_scoped3A : memref<!tpu.dma_semaphore, #tpu.memory_space<semaphore_mem>>)
      %dma_wait3A = tpu.memref_slice %arg2[%mul3A_2] : memref<16384xi32, #tpu.memory_space<hbm>> -> memref<512xi32, #tpu.memory_space<hbm>>
      %dma_wait3A_21 = tpu.memref_slice %arg2[%mul3A_2] : memref<16384xi32, #tpu.memory_space<hbm>> -> memref<512xi32, #tpu.memory_space<hbm>>
      tpu.wait_dma2 semaphore(%run_scoped3A : memref<!tpu.dma_semaphore, #tpu.memory_space<semaphore_mem>>) src(%dma_wait3A_21 : memref<512xi32, #tpu.memory_space<hbm>>) dst(%arg13 : memref<512xi32, #tpu.memory_space<vmem>>)
      tpu.yield
    }) : () -> ()
    "tpu.region"() ({
      %run_scoped3A = tpu.sem_alloc : memref<!tpu.dma_semaphore, #tpu.memory_space<semaphore_mem>>
      %dma_start3A = tpu.memref_slice %arg3[%mul3A_2] : memref<16384xi32, #tpu.memory_space<hbm>> -> memref<512xi32, #tpu.memory_space<hbm>>
      %dma_start3A_20 = tpu.memref_slice %arg3[%mul3A_2] : memref<16384xi32, #tpu.memory_space<hbm>> -> memref<512xi32, #tpu.memory_space<hbm>>
      tpu.enqueue_dma source(%dma_start3A_20 : memref<512xi32, #tpu.memory_space<hbm>>) target(%arg14 : memref<512xi32, #tpu.memory_space<vmem>>) target_semaphore(%run_scoped3A : memref<!tpu.dma_semaphore, #tpu.memory_space<semaphore_mem>>)
      %dma_wait3A = tpu.memref_slice %arg3[%mul3A_2] : memref<16384xi32, #tpu.memory_space<hbm>> -> memref<512xi32, #tpu.memory_space<hbm>>
      %dma_wait3A_21 = tpu.memref_slice %arg3[%mul3A_2] : memref<16384xi32, #tpu.memory_space<hbm>> -> memref<512xi32, #tpu.memory_space<hbm>>
      tpu.wait_dma2 semaphore(%run_scoped3A : memref<!tpu.dma_semaphore, #tpu.memory_space<semaphore_mem>>) src(%dma_wait3A_21 : memref<512xi32, #tpu.memory_space<hbm>>) dst(%arg14 : memref<512xi32, #tpu.memory_space<vmem>>)
      tpu.yield
    }) : () -> ()
    "tpu.region"() ({
      %run_scoped3A = tpu.sem_alloc : memref<!tpu.dma_semaphore, #tpu.memory_space<semaphore_mem>>
      %dma_start3A = tpu.memref_slice %arg4[%mul3A_2] : memref<16384xi32, #tpu.memory_space<hbm>> -> memref<512xi32, #tpu.memory_space<hbm>>
      %dma_start3A_20 = tpu.memref_slice %arg4[%mul3A_2] : memref<16384xi32, #tpu.memory_space<hbm>> -> memref<512xi32, #tpu.memory_space<hbm>>
      tpu.enqueue_dma source(%dma_start3A_20 : memref<512xi32, #tpu.memory_space<hbm>>) target(%arg15 : memref<512xi32, #tpu.memory_space<vmem>>) target_semaphore(%run_scoped3A : memref<!tpu.dma_semaphore, #tpu.memory_space<semaphore_mem>>)
      %dma_wait3A = tpu.memref_slice %arg4[%mul3A_2] : memref<16384xi32, #tpu.memory_space<hbm>> -> memref<512xi32, #tpu.memory_space<hbm>>
      %dma_wait3A_21 = tpu.memref_slice %arg4[%mul3A_2] : memref<16384xi32, #tpu.memory_space<hbm>> -> memref<512xi32, #tpu.memory_space<hbm>>
      tpu.wait_dma2 semaphore(%run_scoped3A : memref<!tpu.dma_semaphore, #tpu.memory_space<semaphore_mem>>) src(%dma_wait3A_21 : memref<512xi32, #tpu.memory_space<hbm>>) dst(%arg15 : memref<512xi32, #tpu.memory_space<vmem>>)
      tpu.yield
    }) : () -> ()
    "tpu.region"() ({
      %run_scoped3A = tpu.sem_alloc : memref<!tpu.dma_semaphore, #tpu.memory_space<semaphore_mem>>
      %dma_start3A = tpu.memref_slice %arg5[%mul3A_2] : memref<16384xi32, #tpu.memory_space<hbm>> -> memref<512xi32, #tpu.memory_space<hbm>>
      %dma_start3A_20 = tpu.memref_slice %arg5[%mul3A_2] : memref<16384xi32, #tpu.memory_space<hbm>> -> memref<512xi32, #tpu.memory_space<hbm>>
      tpu.enqueue_dma source(%dma_start3A_20 : memref<512xi32, #tpu.memory_space<hbm>>) target(%arg16 : memref<512xi32, #tpu.memory_space<vmem>>) target_semaphore(%run_scoped3A : memref<!tpu.dma_semaphore, #tpu.memory_space<semaphore_mem>>)
      %dma_wait3A = tpu.memref_slice %arg5[%mul3A_2] : memref<16384xi32, #tpu.memory_space<hbm>> -> memref<512xi32, #tpu.memory_space<hbm>>
      %dma_wait3A_21 = tpu.memref_slice %arg5[%mul3A_2] : memref<16384xi32, #tpu.memory_space<hbm>> -> memref<512xi32, #tpu.memory_space<hbm>>
      tpu.wait_dma2 semaphore(%run_scoped3A : memref<!tpu.dma_semaphore, #tpu.memory_space<semaphore_mem>>) src(%dma_wait3A_21 : memref<512xi32, #tpu.memory_space<hbm>>) dst(%arg16 : memref<512xi32, #tpu.memory_space<vmem>>)
      tpu.yield
    }) : () -> ()
    "tpu.region"() ({
      %run_scoped3A = tpu.sem_alloc : memref<!tpu.dma_semaphore, #tpu.memory_space<semaphore_mem>>
      %dma_start3A = tpu.memref_slice %arg6[%mul3A_2] : memref<16384xi32, #tpu.memory_space<hbm>> -> memref<512xi32, #tpu.memory_space<hbm>>
      %dma_start3A_20 = tpu.memref_slice %arg6[%mul3A_2] : memref<16384xi32, #tpu.memory_space<hbm>> -> memref<512xi32, #tpu.memory_space<hbm>>
      tpu.enqueue_dma source(%dma_start3A_20 : memref<512xi32, #tpu.memory_space<hbm>>) target(%arg17 : memref<512xi32, #tpu.memory_space<vmem>>) target_semaphore(%run_scoped3A : memref<!tpu.dma_semaphore, #tpu.memory_space<semaphore_mem>>)
      %dma_wait3A = tpu.memref_slice %arg6[%mul3A_2] : memref<16384xi32, #tpu.memory_space<hbm>> -> memref<512xi32, #tpu.memory_space<hbm>>
      %dma_wait3A_21 = tpu.memref_slice %arg6[%mul3A_2] : memref<16384xi32, #tpu.memory_space<hbm>> -> memref<512xi32, #tpu.memory_space<hbm>>
      tpu.wait_dma2 semaphore(%run_scoped3A : memref<!tpu.dma_semaphore, #tpu.memory_space<semaphore_mem>>) src(%dma_wait3A_21 : memref<512xi32, #tpu.memory_space<hbm>>) dst(%arg17 : memref<512xi32, #tpu.memory_space<vmem>>)
      tpu.yield
    }) : () -> ()
    "tpu.region"() ({
      %run_scoped3A = tpu.sem_alloc : memref<!tpu.dma_semaphore, #tpu.memory_space<semaphore_mem>>
      tpu.enqueue_dma source(%arg8 : memref<16x128xf32, #tpu.memory_space<hbm>>) target(%arg20 : memref<16x128xf32, #tpu.memory_space<vmem>>) target_semaphore(%run_scoped3A : memref<!tpu.dma_semaphore, #tpu.memory_space<semaphore_mem>>)
      tpu.wait_dma2 semaphore(%run_scoped3A : memref<!tpu.dma_semaphore, #tpu.memory_space<semaphore_mem>>) src(%arg8 : memref<16x128xf32, #tpu.memory_space<hbm>>) dst(%arg20 : memref<16x128xf32, #tpu.memory_space<vmem>>)
      tpu.yield
    }) : () -> ()
    "tpu.region"() ({
      %run_scoped3A = tpu.sem_alloc : memref<!tpu.dma_semaphore, #tpu.memory_space<semaphore_mem>>
      tpu.enqueue_dma source(%arg9 : memref<16x32xf32, #tpu.memory_space<hbm>>) target(%arg21 : memref<16x32xf32, #tpu.memory_space<vmem>>) target_semaphore(%run_scoped3A : memref<!tpu.dma_semaphore, #tpu.memory_space<semaphore_mem>>)
      tpu.wait_dma2 semaphore(%run_scoped3A : memref<!tpu.dma_semaphore, #tpu.memory_space<semaphore_mem>>) src(%arg9 : memref<16x32xf32, #tpu.memory_space<hbm>>) dst(%arg21 : memref<16x32xf32, #tpu.memory_space<vmem>>)
      tpu.yield
    }) : () -> ()
    %scan3A = arith.constant 0 : i32
    %scan3A_3 = arith.constant 0 : i32
    %scan3A_4 = arith.constant 2 : i32
    %scan3A_5 = arith.addi %scan3A_3, %scan3A_4 : i32
    %scan3A_6 = arith.constant 1 : i32
    scf.for %scan3A_20 = %scan3A_3 to %scan3A_5 step %scan3A_6  : i32 {
      %mul3A_21 = arith.constant 16 : i32
      %mul3A_22 = arith.muli %scan3A_20, %mul3A_21 : i32
      %add3A_23 = arith.constant 0 : i32
      %add3A_24 = arith.addi %add3A_23, %mul3A_22 : i32
      %get3A = arith.index_cast %add3A_24 : i32 to index
      %get3A_25 = tpu.vector_load %arg13[%get3A] {strides = array<i32>} : memref<512xi32, #tpu.memory_space<vmem>>, vector<16xi32>,
      %slice3A = vector.extract_strided_slice %get3A_25 {offsets = [0], sizes = [1], strides = [1]} : vector<16xi32> to vector<1xi32>
      %squeeze3A = vector.extract %slice3A[0] : i32 from vector<1xi32>
      %shift_right_arithmetic3A = arith.constant 14 : i32
      %shift_right_arithmetic3A_26 = arith.shrsi %squeeze3A, %shift_right_arithmetic3A : i32
      %shift_left3A = arith.constant 13 : i32
      %shift_left3A_27 = arith.shli %shift_right_arithmetic3A_26, %shift_left3A : i32
      %slice3A_28 = vector.extract_strided_slice %get3A_25 {offsets = [0], sizes = [1], strides = [1]} : vector<16xi32> to vector<1xi32>
      %squeeze3A_29 = vector.extract %slice3A_28[0] : i32 from vector<1xi32>
      %and3A = arith.constant 8191 : i32
      %and3A_30 = arith.andi %squeeze3A_29, %and3A : i32
      %add3A_31 = arith.addi %shift_left3A_27, %and3A_30 : i32
      %shift_right_arithmetic3A_32 = arith.constant 3 : i32
      %shift_right_arithmetic3A_33 = arith.shrsi %add3A_31, %shift_right_arithmetic3A_32 : i32
      %shift_left3A_34 = arith.constant 3 : i32
      %shift_left3A_35 = arith.shli %shift_right_arithmetic3A_33, %shift_left3A_34 : i32
      %multiple_of3A = tpu.assume_multiple %shift_left3A_35, 8 : i32
      %mul3A_36 = arith.constant 16 : i32
      %mul3A_37 = arith.muli %scan3A_20, %mul3A_36 : i32
      %add3A_38 = arith.constant 0 : i32
      %add3A_39 = arith.addi %mul3A_37, %add3A_38 : i32
      %dma_start3A = arith.constant 0 : i32
      %dma_start3A_40 = arith.constant 0 : i32
      %dma_start3A_41 = arith.constant 0 : i32
      %dma_start3A_42 = tpu.memref_slice %arg18[%dma_start3A, %add3A_39, %dma_start3A_40, %dma_start3A_41] : memref<2x32x8x128xf32, #tpu.memory_space<vmem>> -> memref<1x1x8x128xf32, #tpu.memory_space<vmem>>
      %dma_start3A_43 = tpu.memref_squeeze %dma_start3A_42 : memref<1x1x8x128xf32, #tpu.memory_space<vmem>> -> memref<8x128xf32, #tpu.memory_space<vmem>>
      %dma_start3A_44 = arith.constant 0 : i32
      %dma_start3A_45 = tpu.memref_slice %arg7[%multiple_of3A, %dma_start3A_44] : memref<507904x128xf32, #tpu.memory_space<hbm>> -> memref<8x128xf32, #tpu.memory_space<hbm>>
      %dma_start3A_46 = arith.constant 0 : i32
      %dma_start3A_47 = arith.constant 0 : i32
      %dma_start3A_48 = tpu.memref_slice %arg18[%dma_start3A, %add3A_39, %dma_start3A_46, %dma_start3A_47] : memref<2x32x8x128xf32, #tpu.memory_space<vmem>> -> memref<1x1x8x128xf32, #tpu.memory_space<vmem>>
      %dma_start3A_49 = tpu.memref_squeeze %dma_start3A_48 : memref<1x1x8x128xf32, #tpu.memory_space<vmem>> -> memref<8x128xf32, #tpu.memory_space<vmem>>
      %dma_start3A_50 = arith.constant 0 : i32
      %dma_start3A_51 = tpu.memref_slice %arg7[%multiple_of3A, %dma_start3A_50] : memref<507904x128xf32, #tpu.memory_space<hbm>> -> memref<8x128xf32, #tpu.memory_space<hbm>>
      tpu.enqueue_dma source(%dma_start3A_51 : memref<8x128xf32, #tpu.memory_space<hbm>>) target(%dma_start3A_49 : memref<8x128xf32, #tpu.memory_space<vmem>>) target_semaphore(%arg24 : memref<!tpu.dma_semaphore, #tpu.memory_space<semaphore_mem>>)
      %slice3A_52 = vector.extract_strided_slice %get3A_25 {offsets = [1], sizes = [1], strides = [1]} : vector<16xi32> to vector<1xi32>
      %squeeze3A_53 = vector.extract %slice3A_52[0] : i32 from vector<1xi32>
      %shift_right_arithmetic3A_54 = arith.constant 14 : i32
      %shift_right_arithmetic3A_55 = arith.shrsi %squeeze3A_53, %shift_right_arithmetic3A_54 : i32
      %shift_left3A_56 = arith.constant 13 : i32
      %shift_left3A_57 = arith.shli %shift_right_arithmetic3A_55, %shift_left3A_56 : i32
      %slice3A_58 = vector.extract_strided_slice %get3A_25 {offsets = [1], sizes = [1], strides = [1]} : vector<16xi32> to vector<1xi32>
      %squeeze3A_59 = vector.extract %slice3A_58[0] : i32 from vector<1xi32>
      %and3A_60 = arith.constant 8191 : i32
      %and3A_61 = arith.andi %squeeze3A_59, %and3A_60 : i32
      %add3A_62 = arith.addi %shift_left3A_57, %and3A_61 : i32
      %shift_right_arithmetic3A_63 = arith.constant 3 : i32
      %shift_right_arithmetic3A_64 = arith.shrsi %add3A_62, %shift_right_arithmetic3A_63 : i32
      %shift_left3A_65 = arith.constant 3 : i32
      %shift_left3A_66 = arith.shli %shift_right_arithmetic3A_64, %shift_left3A_65 : i32
      %multiple_of3A_67 = tpu.assume_multiple %shift_left3A_66, 8 : i32
      %mul3A_68 = arith.constant 16 : i32
      %mul3A_69 = arith.muli %scan3A_20, %mul3A_68 : i32
      %add3A_70 = arith.constant 1 : i32
      %add3A_71 = arith.addi %mul3A_69, %add3A_70 : i32
      %dma_start3A_72 = arith.constant 0 : i32
      %dma_start3A_73 = arith.constant 0 : i32
      %dma_start3A_74 = arith.constant 0 : i32
      %dma_start3A_75 = tpu.memref_slice %arg18[%dma_start3A_72, %add3A_71, %dma_start3A_73, %dma_start3A_74] : memref<2x32x8x128xf32, #tpu.memory_space<vmem>> -> memref<1x1x8x128xf32, #tpu.memory_space<vmem>>
      %dma_start3A_76 = tpu.memref_squeeze %dma_start3A_75 : memref<1x1x8x128xf32, #tpu.memory_space<vmem>> -> memref<8x128xf32, #tpu.memory_space<vmem>>
      %dma_start3A_77 = arith.constant 0 : i32
      %dma_start3A_78 = tpu.memref_slice %arg7[%multiple_of3A_67, %dma_start3A_77] : memref<507904x128xf32, #tpu.memory_space<hbm>> -> memref<8x128xf32, #tpu.memory_space<hbm>>
      %dma_start3A_79 = arith.constant 0 : i32
      %dma_start3A_80 = arith.constant 0 : i32
      %dma_start3A_81 = tpu.memref_slice %arg18[%dma_start3A_72, %add3A_71, %dma_start3A_79, %dma_start3A_80] : memref<2x32x8x128xf32, #tpu.memory_space<vmem>> -> memref<1x1x8x128xf32, #tpu.memory_space<vmem>>
      %dma_start3A_82 = tpu.memref_squeeze %dma_start3A_81 : memref<1x1x8x128xf32, #tpu.memory_space<vmem>> -> memref<8x128xf32, #tpu.memory_space<vmem>>
      %dma_start3A_83 = arith.constant 0 : i32
      %dma_start3A_84 = tpu.memref_slice %arg7[%multiple_of3A_67, %dma_start3A_83] : memref<507904x128xf32, #tpu.memory_space<hbm>> -> memref<8x128xf32, #tpu.memory_space<hbm>>
      tpu.enqueue_dma source(%dma_start3A_84 : memref<8x128xf32, #tpu.memory_space<hbm>>) target(%dma_start3A_82 : memref<8x128xf32, #tpu.memory_space<vmem>>) target_semaphore(%arg24 : memref<!tpu.dma_semaphore, #tpu.memory_space<semaphore_mem>>)
      %slice3A_85 = vector.extract_strided_slice %get3A_25 {offsets = [2], sizes = [1], strides = [1]} : vector<16xi32> to vector<1xi32>
      %squeeze3A_86 = vector.extract %slice3A_85[0] : i32 from vector<1xi32>
      %shift_right_arithmetic3A_87 = arith.constant 14 : i32
      %shift_right_arithmetic3A_88 = arith.shrsi %squeeze3A_86, %shift_right_arithmetic3A_87 : i32
      %shift_left3A_89 = arith.constant 13 : i32
      %shift_left3A_90 = arith.shli %shift_right_arithmetic3A_88, %shift_left3A_89 : i32
      %slice3A_91 = vector.extract_strided_slice %get3A_25 {offsets = [2], sizes = [1], strides = [1]} : vector<16xi32> to vector<1xi32>
      %squeeze3A_92 = vector.extract %slice3A_91[0] : i32 from vector<1xi32>
      %and3A_93 = arith.constant 8191 : i32
      %and3A_94 = arith.andi %squeeze3A_92, %and3A_93 : i32
      %add3A_95 = arith.addi %shift_left3A_90, %and3A_94 : i32
      %shift_right_arithmetic3A_96 = arith.constant 3 : i32
      %shift_right_arithmetic3A_97 = arith.shrsi %add3A_95, %shift_right_arithmetic3A_96 : i32
      %shift_left3A_98 = arith.constant 3 : i32
      %shift_left3A_99 = arith.shli %shift_right_arithmetic3A_97, %shift_left3A_98 : i32
      %multiple_of3A_100 = tpu.assume_multiple %shift_left3A_99, 8 : i32
      %mul3A_101 = arith.constant 16 : i32
      %mul3A_102 = arith.muli %scan3A_20, %mul3A_101 : i32
      %add3A_103 = arith.constant 2 : i32
      %add3A_104 = arith.addi %mul3A_102, %add3A_103 : i32
      %dma_start3A_105 = arith.constant 0 : i32
      %dma_start3A_106 = arith.constant 0 : i32
      %dma_start3A_107 = arith.constant 0 : i32
      %dma_start3A_108 = tpu.memref_slice %arg18[%dma_start3A_105, %add3A_104, %dma_start3A_106, %dma_start3A_107] : memref<2x32x8x128xf32, #tpu.memory_space<vmem>> -> memref<1x1x8x128xf32, #tpu.memory_space<vmem>>
      %dma_start3A_109 = tpu.memref_squeeze %dma_start3A_108 : memref<1x1x8x128xf32, #tpu.memory_space<vmem>> -> memref<8x128xf32, #tpu.memory_space<vmem>>
      %dma_start3A_110 = arith.constant 0 : i32
      %dma_start3A_111 = tpu.memref_slice %arg7[%multiple_of3A_100, %dma_start3A_110] : memref<507904x128xf32, #tpu.memory_space<hbm>> -> memref<8x128xf32, #tpu.memory_space<hbm>>
      %dma_start3A_112 = arith.constant 0 : i32
      %dma_start3A_113 = arith.constant 0 : i32
      %dma_start3A_114 = tpu.memref_slice %arg18[%dma_start3A_105, %add3A_104, %dma_start3A_112, %dma_start3A_113] : memref<2x32x8x128xf32, #tpu.memory_space<vmem>> -> memref<1x1x8x128xf32, #tpu.memory_space<vmem>>
      %dma_start3A_115 = tpu.memref_squeeze %dma_start3A_114 : memref<1x1x8x128xf32, #tpu.memory_space<vmem>> -> memref<8x128xf32, #tpu.memory_space<vmem>>
      %dma_start3A_116 = arith.constant 0 : i32
      %dma_start3A_117 = tpu.memref_slice %arg7[%multiple_of3A_100, %dma_start3A_116] : memref<507904x128xf32, #tpu.memory_space<hbm>> -> memref<8x128xf32, #tpu.memory_space<hbm>>
      tpu.enqueue_dma source(%dma_start3A_117 : memref<8x128xf32, #tpu.memory_space<hbm>>) target(%dma_start3A_115 : memref<8x128xf32, #tpu.memory_space<vmem>>) target_semaphore(%arg24 : memref<!tpu.dma_semaphore, #tpu.memory_space<semaphore_mem>>)
      %slice3A_118 = vector.extract_strided_slice %get3A_25 {offsets = [3], sizes = [1], strides = [1]} : vector<16xi32> to vector<1xi32>
      %squeeze3A_119 = vector.extract %slice3A_118[0] : i32 from vector<1xi32>
      %shift_right_arithmetic3A_120 = arith.constant 14 : i32
      %shift_right_arithmetic3A_121 = arith.shrsi %squeeze3A_119, %shift_right_arithmetic3A_120 : i32
      %shift_left3A_122 = arith.constant 13 : i32
      %shift_left3A_123 = arith.shli %shift_right_arithmetic3A_121, %shift_left3A_122 : i32
      %slice3A_124 = vector.extract_strided_slice %get3A_25 {offsets = [3], sizes = [1], strides = [1]} : vector<16xi32> to vector<1xi32>
      %squeeze3A_125 = vector.extract %slice3A_124[0] : i32 from vector<1xi32>
      %and3A_126 = arith.constant 8191 : i32
      %and3A_127 = arith.andi %squeeze3A_125, %and3A_126 : i32
      %add3A_128 = arith.addi %shift_left3A_123, %and3A_127 : i32
      %shift_right_arithmetic3A_129 = arith.constant 3 : i32
      %shift_right_arithmetic3A_130 = arith.shrsi %add3A_128, %shift_right_arithmetic3A_129 : i32
      %shift_left3A_131 = arith.constant 3 : i32
      %shift_left3A_132 = arith.shli %shift_right_arithmetic3A_130, %shift_left3A_131 : i32
      %multiple_of3A_133 = tpu.assume_multiple %shift_left3A_132, 8 : i32
      %mul3A_134 = arith.constant 16 : i32
      %mul3A_135 = arith.muli %scan3A_20, %mul3A_134 : i32
      %add3A_136 = arith.constant 3 : i32
      %add3A_137 = arith.addi %mul3A_135, %add3A_136 : i32
      %dma_start3A_138 = arith.constant 0 : i32
      %dma_start3A_139 = arith.constant 0 : i32
      %dma_start3A_140 = arith.constant 0 : i32
      %dma_start3A_141 = tpu.memref_slice %arg18[%dma_start3A_138, %add3A_137, %dma_start3A_139, %dma_start3A_140] : memref<2x32x8x128xf32, #tpu.memory_space<vmem>> -> memref<1x1x8x128xf32, #tpu.memory_space<vmem>>
      %dma_start3A_142 = tpu.memref_squeeze %dma_start3A_141 : memref<1x1x8x128xf32, #tpu.memory_space<vmem>> -> memref<8x128xf32, #tpu.memory_space<vmem>>
      %dma_start3A_143 = arith.constant 0 : i32
      %dma_start3A_144 = tpu.memref_slice %arg7[%multiple_of3A_133, %dma_start3A_143] : memref<507904x128xf32, #tpu.memory_space<hbm>> -> memref<8x128xf32, #tpu.memory_space<hbm>>
      %dma_start3A_145 = arith.constant 0 : i32
      %dma_start3A_146 = arith.constant 0 : i32
      %dma_start3A_147 = tpu.memref_slice %arg18[%dma_start3A_138, %add3A_137, %dma_start3A_145, %dma_start3A_146] : memref<2x32x8x128xf32, #tpu.memory_space<vmem>> -> memref<1x1x8x128xf32, #tpu.memory_space<vmem>>
      %dma_start3A_148 = tpu.memref_squeeze %dma_start3A_147 : memref<1x1x8x128xf32, #tpu.memory_space<vmem>> -> memref<8x128xf32, #tpu.memory_space<vmem>>
      %dma_start3A_149 = arith.constant 0 : i32
      %dma_start3A_150 = tpu.memref_slice %arg7[%multiple_of3A_133, %dma_start3A_149] : memref<507904x128xf32, #tpu.memory_space<hbm>> -> memref<8x128xf32, #tpu.memory_space<hbm>>
      tpu.enqueue_dma source(%dma_start3A_150 : memref<8x128xf32, #tpu.memory_space<hbm>>) target(%dma_start3A_148 : memref<8x128xf32, #tpu.memory_space<vmem>>) target_semaphore(%arg24 : memref<!tpu.dma_semaphore, #tpu.memory_space<semaphore_mem>>)
      %slice3A_151 = vector.extract_strided_slice %get3A_25 {offsets = [4], sizes = [1], strides = [1]} : vector<16xi32> to vector<1xi32>
      %squeeze3A_152 = vector.extract %slice3A_151[0] : i32 from vector<1xi32>
      %shift_right_arithmetic3A_153 = arith.constant 14 : i32
      %shift_right_arithmetic3A_154 = arith.shrsi %squeeze3A_152, %shift_right_arithmetic3A_153 : i32
      %shift_left3A_155 = arith.constant 13 : i32
      %shift_left3A_156 = arith.shli %shift_right_arithmetic3A_154, %shift_left3A_155 : i32
      %slice3A_157 = vector.extract_strided_slice %get3A_25 {offsets = [4], sizes = [1], strides = [1]} : vector<16xi32> to vector<1xi32>
      %squeeze3A_158 = vector.extract %slice3A_157[0] : i32 from vector<1xi32>
      %and3A_159 = arith.constant 8191 : i32
      %and3A_160 = arith.andi %squeeze3A_158, %and3A_159 : i32
      %add3A_161 = arith.addi %shift_left3A_156, %and3A_160 : i32
      %shift_right_arithmetic3A_162 = arith.constant 3 : i32
      %shift_right_arithmetic3A_163 = arith.shrsi %add3A_161, %shift_right_arithmetic3A_162 : i32
      %shift_left3A_164 = arith.constant 3 : i32
      %shift_left3A_165 = arith.shli %shift_right_arithmetic3A_163, %shift_left3A_164 : i32
      %multiple_of3A_166 = tpu.assume_multiple %shift_left3A_165, 8 : i32
      %mul3A_167 = arith.constant 16 : i32
      %mul3A_168 = arith.muli %scan3A_20, %mul3A_167 : i32
      %add3A_169 = arith.constant 4 : i32
      %add3A_170 = arith.addi %mul3A_168, %add3A_169 : i32
      %dma_start3A_171 = arith.constant 0 : i32
      %dma_start3A_172 = arith.constant 0 : i32
      %dma_start3A_173 = arith.constant 0 : i32
      %dma_start3A_174 = tpu.memref_slice %arg18[%dma_start3A_171, %add3A_170, %dma_start3A_172, %dma_start3A_173] : memref<2x32x8x128xf32, #tpu.memory_space<vmem>> -> memref<1x1x8x128xf32, #tpu.memory_space<vmem>>
      %dma_start3A_175 = tpu.memref_squeeze %dma_start3A_174 : memref<1x1x8x128xf32, #tpu.memory_space<vmem>> -> memref<8x128xf32, #tpu.memory_space<vmem>>
      %dma_start3A_176 = arith.constant 0 : i32
      %dma_start3A_177 = tpu.memref_slice %arg7[%multiple_of3A_166, %dma_start3A_176] : memref<507904x128xf32, #tpu.memory_space<hbm>> -> memref<8x128xf32, #tpu.memory_space<hbm>>
      %dma_start3A_178 = arith.constant 0 : i32
      %dma_start3A_179 = arith.constant 0 : i32
      %dma_start3A_180 = tpu.memref_slice %arg18[%dma_start3A_171, %add3A_170, %dma_start3A_178, %dma_start3A_179] : memref<2x32x8x128xf32, #tpu.memory_space<vmem>> -> memref<1x1x8x128xf32, #tpu.memory_space<vmem>>
      %dma_start3A_181 = tpu.memref_squeeze %dma_start3A_180 : memref<1x1x8x128xf32, #tpu.memory_space<vmem>> -> memref<8x128xf32, #tpu.memory_space<vmem>>
      %dma_start3A_182 = arith.constant 0 : i32
      %dma_start3A_183 = tpu.memref_slice %arg7[%multiple_of3A_166, %dma_start3A_182] : memref<507904x128xf32, #tpu.memory_space<hbm>> -> memref<8x128xf32, #tpu.memory_space<hbm>>
      tpu.enqueue_dma source(%dma_start3A_183 : memref<8x128xf32, #tpu.memory_space<hbm>>) target(%dma_start3A_181 : memref<8x128xf32, #tpu.memory_space<vmem>>) target_semaphore(%arg24 : memref<!tpu.dma_semaphore, #tpu.memory_space<semaphore_mem>>)
      %slice3A_184 = vector.extract_strided_slice %get3A_25 {offsets = [5], sizes = [1], strides = [1]} : vector<16xi32> to vector<1xi32>
      %squeeze3A_185 = vector.extract %slice3A_184[0] : i32 from vector<1xi32>
      %shift_right_arithmetic3A_186 = arith.constant 14 : i32
      %shift_right_arithmetic3A_187 = arith.shrsi %squeeze3A_185, %shift_right_arithmetic3A_186 : i32
      %shift_left3A_188 = arith.constant 13 : i32
      %shift_left3A_189 = arith.shli %shift_right_arithmetic3A_187, %shift_left3A_188 : i32
      %slice3A_190 = vector.extract_strided_slice %get3A_25 {offsets = [5], sizes = [1], strides = [1]} : vector<16xi32> to vector<1xi32>
      %squeeze3A_191 = vector.extract %slice3A_190[0] : i32 from vector<1xi32>
      %and3A_192 = arith.constant 8191 : i32
      %and3A_193 = arith.andi %squeeze3A_191, %and3A_192 : i32
      %add3A_194 = arith.addi %shift_left3A_189, %and3A_193 : i32
      %shift_right_arithmetic3A_195 = arith.constant 3 : i32
      %shift_right_arithmetic3A_196 = arith.shrsi %add3A_194, %shift_right_arithmetic3A_195 : i32
      %shift_left3A_197 = arith.constant 3 : i32
      %shift_left3A_198 = arith.shli %shift_right_arithmetic3A_196, %shift_left3A_197 : i32
      %multiple_of3A_199 = tpu.assume_multiple %shift_left3A_198, 8 : i32
      %mul3A_200 = arith.constant 16 : i32
      %mul3A_201 = arith.muli %scan3A_20, %mul3A_200 : i32
      %add3A_202 = arith.constant 5 : i32
      %add3A_203 = arith.addi %mul3A_201, %add3A_202 : i32
      %dma_start3A_204 = arith.constant 0 : i32
      %dma_start3A_205 = arith.constant 0 : i32
      %dma_start3A_206 = arith.constant 0 : i32
      %dma_start3A_207 = tpu.memref_slice %arg18[%dma_start3A_204, %add3A_203, %dma_start3A_205, %dma_start3A_206] : memref<2x32x8x128xf32, #tpu.memory_space<vmem>> -> memref<1x1x8x128xf32, #tpu.memory_space<vmem>>
      %dma_start3A_208 = tpu.memref_squeeze %dma_start3A_207 : memref<1x1x8x128xf32, #tpu.memory_space<vmem>> -> memref<8x128xf32, #tpu.memory_space<vmem>>
      %dma_start3A_209 = arith.constant 0 : i32
      %dma_start3A_210 = tpu.memref_slice %arg7[%multiple_of3A_199, %dma_start3A_209] : memref<507904x128xf32, #tpu.memory_space<hbm>> -> memref<8x128xf32, #tpu.memory_space<hbm>>
      %dma_start3A_211 = arith.constant 0 : i32
      %dma_start3A_212 = arith.constant 0 : i32
      %dma_start3A_213 = tpu.memref_slice %arg18[%dma_start3A_204, %add3A_203, %dma_start3A_211, %dma_start3A_212] : memref<2x32x8x128xf32, #tpu.memory_space<vmem>> -> memref<1x1x8x128xf32, #tpu.memory_space<vmem>>
      %dma_start3A_214 = tpu.memref_squeeze %dma_start3A_213 : memref<1x1x8x128xf32, #tpu.memory_space<vmem>> -> memref<8x128xf32, #tpu.memory_space<vmem>>
      %dma_start3A_215 = arith.constant 0 : i32
      %dma_start3A_216 = tpu.memref_slice %arg7[%multiple_of3A_199, %dma_start3A_215] : memref<507904x128xf32, #tpu.memory_space<hbm>> -> memref<8x128xf32, #tpu.memory_space<hbm>>
      tpu.enqueue_dma source(%dma_start3A_216 : memref<8x128xf32, #tpu.memory_space<hbm>>) target(%dma_start3A_214 : memref<8x128xf32, #tpu.memory_space<vmem>>) target_semaphore(%arg24 : memref<!tpu.dma_semaphore, #tpu.memory_space<semaphore_mem>>)
      %slice3A_217 = vector.extract_strided_slice %get3A_25 {offsets = [6], sizes = [1], strides = [1]} : vector<16xi32> to vector<1xi32>
      %squeeze3A_218 = vector.extract %slice3A_217[0] : i32 from vector<1xi32>
      %shift_right_arithmetic3A_219 = arith.constant 14 : i32
      %shift_right_arithmetic3A_220 = arith.shrsi %squeeze3A_218, %shift_right_arithmetic3A_219 : i32
      %shift_left3A_221 = arith.constant 13 : i32
      %shift_left3A_222 = arith.shli %shift_right_arithmetic3A_220, %shift_left3A_221 : i32
      %slice3A_223 = vector.extract_strided_slice %get3A_25 {offsets = [6], sizes = [1], strides = [1]} : vector<16xi32> to vector<1xi32>
      %squeeze3A_224 = vector.extract %slice3A_223[0] : i32 from vector<1xi32>
      %and3A_225 = arith.constant 8191 : i32
      %and3A_226 = arith.andi %squeeze3A_224, %and3A_225 : i32
      %add3A_227 = arith.addi %shift_left3A_222, %and3A_226 : i32
      %shift_right_arithmetic3A_228 = arith.constant 3 : i32
      %shift_right_arithmetic3A_229 = arith.shrsi %add3A_227, %shift_right_arithmetic3A_228 : i32
      %shift_left3A_230 = arith.constant 3 : i32
      %shift_left3A_231 = arith.shli %shift_right_arithmetic3A_229, %shift_left3A_230 : i32
      %multiple_of3A_232 = tpu.assume_multiple %shift_left3A_231, 8 : i32
      %mul3A_233 = arith.constant 16 : i32
      %mul3A_234 = arith.muli %scan3A_20, %mul3A_233 : i32
      %add3A_235 = arith.constant 6 : i32
      %add3A_236 = arith.addi %mul3A_234, %add3A_235 : i32
      %dma_start3A_237 = arith.constant 0 : i32
      %dma_start3A_238 = arith.constant 0 : i32
      %dma_start3A_239 = arith.constant 0 : i32
      %dma_start3A_240 = tpu.memref_slice %arg18[%dma_start3A_237, %add3A_236, %dma_start3A_238, %dma_start3A_239] : memref<2x32x8x128xf32, #tpu.memory_space<vmem>> -> memref<1x1x8x128xf32, #tpu.memory_space<vmem>>
      %dma_start3A_241 = tpu.memref_squeeze %dma_start3A_240 : memref<1x1x8x128xf32, #tpu.memory_space<vmem>> -> memref<8x128xf32, #tpu.memory_space<vmem>>
      %dma_start3A_242 = arith.constant 0 : i32
      %dma_start3A_243 = tpu.memref_slice %arg7[%multiple_of3A_232, %dma_start3A_242] : memref<507904x128xf32, #tpu.memory_space<hbm>> -> memref<8x128xf32, #tpu.memory_space<hbm>>
      %dma_start3A_244 = arith.constant 0 : i32
      %dma_start3A_245 = arith.constant 0 : i32
      %dma_start3A_246 = tpu.memref_slice %arg18[%dma_start3A_237, %add3A_236, %dma_start3A_244, %dma_start3A_245] : memref<2x32x8x128xf32, #tpu.memory_space<vmem>> -> memref<1x1x8x128xf32, #tpu.memory_space<vmem>>
      %dma_start3A_247 = tpu.memref_squeeze %dma_start3A_246 : memref<1x1x8x128xf32, #tpu.memory_space<vmem>> -> memref<8x128xf32, #tpu.memory_space<vmem>>
      %dma_start3A_248 = arith.constant 0 : i32
      %dma_start3A_249 = tpu.memref_slice %arg7[%multiple_of3A_232, %dma_start3A_248] : memref<507904x128xf32, #tpu.memory_space<hbm>> -> memref<8x128xf32, #tpu.memory_space<hbm>>
      tpu.enqueue_dma source(%dma_start3A_249 : memref<8x128xf32, #tpu.memory_space<hbm>>) target(%dma_start3A_247 : memref<8x128xf32, #tpu.memory_space<vmem>>) target_semaphore(%arg24 : memref<!tpu.dma_semaphore, #tpu.memory_space<semaphore_mem>>)
      %slice3A_250 = vector.extract_strided_slice %get3A_25 {offsets = [7], sizes = [1], strides = [1]} : vector<16xi32> to vector<1xi32>
      %squeeze3A_251 = vector.extract %slice3A_250[0] : i32 from vector<1xi32>
      %shift_right_arithmetic3A_252 = arith.constant 14 : i32
      %shift_right_arithmetic3A_253 = arith.shrsi %squeeze3A_251, %shift_right_arithmetic3A_252 : i32
      %shift_left3A_254 = arith.constant 13 : i32
      %shift_left3A_255 = arith.shli %shift_right_arithmetic3A_253, %shift_left3A_254 : i32
      %slice3A_256 = vector.extract_strided_slice %get3A_25 {offsets = [7], sizes = [1], strides = [1]} : vector<16xi32> to vector<1xi32>
      %squeeze3A_257 = vector.extract %slice3A_256[0] : i32 from vector<1xi32>
      %and3A_258 = arith.constant 8191 : i32
      %and3A_259 = arith.andi %squeeze3A_257, %and3A_258 : i32
      %add3A_260 = arith.addi %shift_left3A_255, %and3A_259 : i32
      %shift_right_arithmetic3A_261 = arith.constant 3 : i32
      %shift_right_arithmetic3A_262 = arith.shrsi %add3A_260, %shift_right_arithmetic3A_261 : i32
      %shift_left3A_263 = arith.constant 3 : i32
      %shift_left3A_264 = arith.shli %shift_right_arithmetic3A_262, %shift_left3A_263 : i32
      %multiple_of3A_265 = tpu.assume_multiple %shift_left3A_264, 8 : i32
      %mul3A_266 = arith.constant 16 : i32
      %mul3A_267 = arith.muli %scan3A_20, %mul3A_266 : i32
      %add3A_268 = arith.constant 7 : i32
      %add3A_269 = arith.addi %mul3A_267, %add3A_268 : i32
      %dma_start3A_270 = arith.constant 0 : i32
      %dma_start3A_271 = arith.constant 0 : i32
      %dma_start3A_272 = arith.constant 0 : i32
      %dma_start3A_273 = tpu.memref_slice %arg18[%dma_start3A_270, %add3A_269, %dma_start3A_271, %dma_start3A_272] : memref<2x32x8x128xf32, #tpu.memory_space<vmem>> -> memref<1x1x8x128xf32, #tpu.memory_space<vmem>>
      %dma_start3A_274 = tpu.memref_squeeze %dma_start3A_273 : memref<1x1x8x128xf32, #tpu.memory_space<vmem>> -> memref<8x128xf32, #tpu.memory_space<vmem>>
      %dma_start3A_275 = arith.constant 0 : i32
      %dma_start3A_276 = tpu.memref_slice %arg7[%multiple_of3A_265, %dma_start3A_275] : memref<507904x128xf32, #tpu.memory_space<hbm>> -> memref<8x128xf32, #tpu.memory_space<hbm>>
      %dma_start3A_277 = arith.constant 0 : i32
      %dma_start3A_278 = arith.constant 0 : i32
      %dma_start3A_279 = tpu.memref_slice %arg18[%dma_start3A_270, %add3A_269, %dma_start3A_277, %dma_start3A_278] : memref<2x32x8x128xf32, #tpu.memory_space<vmem>> -> memref<1x1x8x128xf32, #tpu.memory_space<vmem>>
      %dma_start3A_280 = tpu.memref_squeeze %dma_start3A_279 : memref<1x1x8x128xf32, #tpu.memory_space<vmem>> -> memref<8x128xf32, #tpu.memory_space<vmem>>
      %dma_start3A_281 = arith.constant 0 : i32
      %dma_start3A_282 = tpu.memref_slice %arg7[%multiple_of3A_265, %dma_start3A_281] : memref<507904x128xf32, #tpu.memory_space<hbm>> -> memref<8x128xf32, #tpu.memory_space<hbm>>
      tpu.enqueue_dma source(%dma_start3A_282 : memref<8x128xf32, #tpu.memory_space<hbm>>) target(%dma_start3A_280 : memref<8x128xf32, #tpu.memory_space<vmem>>) target_semaphore(%arg24 : memref<!tpu.dma_semaphore, #tpu.memory_space<semaphore_mem>>)
      %slice3A_283 = vector.extract_strided_slice %get3A_25 {offsets = [8], sizes = [1], strides = [1]} : vector<16xi32> to vector<1xi32>
      %squeeze3A_284 = vector.extract %slice3A_283[0] : i32 from vector<1xi32>
      %shift_right_arithmetic3A_285 = arith.constant 14 : i32
      %shift_right_arithmetic3A_286 = arith.shrsi %squeeze3A_284, %shift_right_arithmetic3A_285 : i32
      %shift_left3A_287 = arith.constant 13 : i32
      %shift_left3A_288 = arith.shli %shift_right_arithmetic3A_286, %shift_left3A_287 : i32
      %slice3A_289 = vector.extract_strided_slice %get3A_25 {offsets = [8], sizes = [1], strides = [1]} : vector<16xi32> to vector<1xi32>
      %squeeze3A_290 = vector.extract %slice3A_289[0] : i32 from vector<1xi32>
      %and3A_291 = arith.constant 8191 : i32
      %and3A_292 = arith.andi %squeeze3A_290, %and3A_291 : i32
      %add3A_293 = arith.addi %shift_left3A_288, %and3A_292 : i32
      %shift_right_arithmetic3A_294 = arith.constant 3 : i32
      %shift_right_arithmetic3A_295 = arith.shrsi %add3A_293, %shift_right_arithmetic3A_294 : i32
      %shift_left3A_296 = arith.constant 3 : i32
      %shift_left3A_297 = arith.shli %shift_right_arithmetic3A_295, %shift_left3A_296 : i32
      %multiple_of3A_298 = tpu.assume_multiple %shift_left3A_297, 8 : i32
      %mul3A_299 = arith.constant 16 : i32
      %mul3A_300 = arith.muli %scan3A_20, %mul3A_299 : i32
      %add3A_301 = arith.constant 8 : i32
      %add3A_302 = arith.addi %mul3A_300, %add3A_301 : i32
      %dma_start3A_303 = arith.constant 0 : i32
      %dma_start3A_304 = arith.constant 0 : i32
      %dma_start3A_305 = arith.constant 0 : i32
      %dma_start3A_306 = tpu.memref_slice %arg18[%dma_start3A_303, %add3A_302, %dma_start3A_304, %dma_start3A_305] : memref<2x32x8x128xf32, #tpu.memory_space<vmem>> -> memref<1x1x8x128xf32, #tpu.memory_space<vmem>>
      %dma_start3A_307 = tpu.memref_squeeze %dma_start3A_306 : memref<1x1x8x128xf32, #tpu.memory_space<vmem>> -> memref<8x128xf32, #tpu.memory_space<vmem>>
      %dma_start3A_308 = arith.constant 0 : i32
      %dma_start3A_309 = tpu.memref_slice %arg7[%multiple_of3A_298, %dma_start3A_308] : memref<507904x128xf32, #tpu.memory_space<hbm>> -> memref<8x128xf32, #tpu.memory_space<hbm>>
      %dma_start3A_310 = arith.constant 0 : i32
      %dma_start3A_311 = arith.constant 0 : i32
      %dma_start3A_312 = tpu.memref_slice %arg18[%dma_start3A_303, %add3A_302, %dma_start3A_310, %dma_start3A_311] : memref<2x32x8x128xf32, #tpu.memory_space<vmem>> -> memref<1x1x8x128xf32, #tpu.memory_space<vmem>>
      %dma_start3A_313 = tpu.memref_squeeze %dma_start3A_312 : memref<1x1x8x128xf32, #tpu.memory_space<vmem>> -> memref<8x128xf32, #tpu.memory_space<vmem>>
      %dma_start3A_314 = arith.constant 0 : i32
      %dma_start3A_315 = tpu.memref_slice %arg7[%multiple_of3A_298, %dma_start3A_314] : memref<507904x128xf32, #tpu.memory_space<hbm>> -> memref<8x128xf32, #tpu.memory_space<hbm>>
      tpu.enqueue_dma source(%dma_start3A_315 : memref<8x128xf32, #tpu.memory_space<hbm>>) target(%dma_start3A_313 : memref<8x128xf32, #tpu.memory_space<vmem>>) target_semaphore(%arg24 : memref<!tpu.dma_semaphore, #tpu.memory_space<semaphore_mem>>)
      %slice3A_316 = vector.extract_strided_slice %get3A_25 {offsets = [9], sizes = [1], strides = [1]} : vector<16xi32> to vector<1xi32>
      %squeeze3A_317 = vector.extract %slice3A_316[0] : i32 from vector<1xi32>
      %shift_right_arithmetic3A_318 = arith.constant 14 : i32
      %shift_right_arithmetic3A_319 = arith.shrsi %squeeze3A_317, %shift_right_arithmetic3A_318 : i32
      %shift_left3A_320 = arith.constant 13 : i32
      %shift_left3A_321 = arith.shli %shift_right_arithmetic3A_319, %shift_left3A_320 : i32
      %slice3A_322 = vector.extract_strided_slice %get3A_25 {offsets = [9], sizes = [1], strides = [1]} : vector<16xi32> to vector<1xi32>
      %squeeze3A_323 = vector.extract %slice3A_322[0] : i32 from vector<1xi32>
      %and3A_324 = arith.constant 8191 : i32
      %and3A_325 = arith.andi %squeeze3A_323, %and3A_324 : i32
      %add3A_326 = arith.addi %shift_left3A_321, %and3A_325 : i32
      %shift_right_arithmetic3A_327 = arith.constant 3 : i32
      %shift_right_arithmetic3A_328 = arith.shrsi %add3A_326, %shift_right_arithmetic3A_327 : i32
      %shift_left3A_329 = arith.constant 3 : i32
      %shift_left3A_330 = arith.shli %shift_right_arithmetic3A_328, %shift_left3A_329 : i32
      %multiple_of3A_331 = tpu.assume_multiple %shift_left3A_330, 8 : i32
      %mul3A_332 = arith.constant 16 : i32
      %mul3A_333 = arith.muli %scan3A_20, %mul3A_332 : i32
      %add3A_334 = arith.constant 9 : i32
      %add3A_335 = arith.addi %mul3A_333, %add3A_334 : i32
      %dma_start3A_336 = arith.constant 0 : i32
      %dma_start3A_337 = arith.constant 0 : i32
      %dma_start3A_338 = arith.constant 0 : i32
      %dma_start3A_339 = tpu.memref_slice %arg18[%dma_start3A_336, %add3A_335, %dma_start3A_337, %dma_start3A_338] : memref<2x32x8x128xf32, #tpu.memory_space<vmem>> -> memref<1x1x8x128xf32, #tpu.memory_space<vmem>>
      %dma_start3A_340 = tpu.memref_squeeze %dma_start3A_339 : memref<1x1x8x128xf32, #tpu.memory_space<vmem>> -> memref<8x128xf32, #tpu.memory_space<vmem>>
      %dma_start3A_341 = arith.constant 0 : i32
      %dma_start3A_342 = tpu.memref_slice %arg7[%multiple_of3A_331, %dma_start3A_341] : memref<507904x128xf32, #tpu.memory_space<hbm>> -> memref<8x128xf32, #tpu.memory_space<hbm>>
      %dma_start3A_343 = arith.constant 0 : i32
      %dma_start3A_344 = arith.constant 0 : i32
      %dma_start3A_345 = tpu.memref_slice %arg18[%dma_start3A_336, %add3A_335, %dma_start3A_343, %dma_start3A_344] : memref<2x32x8x128xf32, #tpu.memory_space<vmem>> -> memref<1x1x8x128xf32, #tpu.memory_space<vmem>>
      %dma_start3A_346 = tpu.memref_squeeze %dma_start3A_345 : memref<1x1x8x128xf32, #tpu.memory_space<vmem>> -> memref<8x128xf32, #tpu.memory_space<vmem>>
      %dma_start3A_347 = arith.constant 0 : i32
      %dma_start3A_348 = tpu.memref_slice %arg7[%multiple_of3A_331, %dma_start3A_347] : memref<507904x128xf32, #tpu.memory_space<hbm>> -> memref<8x128xf32, #tpu.memory_space<hbm>>
      tpu.enqueue_dma source(%dma_start3A_348 : memref<8x128xf32, #tpu.memory_space<hbm>>) target(%dma_start3A_346 : memref<8x128xf32, #tpu.memory_space<vmem>>) target_semaphore(%arg24 : memref<!tpu.dma_semaphore, #tpu.memory_space<semaphore_mem>>)
      %slice3A_349 = vector.extract_strided_slice %get3A_25 {offsets = [10], sizes = [1], strides = [1]} : vector<16xi32> to vector<1xi32>
      %squeeze3A_350 = vector.extract %slice3A_349[0] : i32 from vector<1xi32>
      %shift_right_arithmetic3A_351 = arith.constant 14 : i32
      %shift_right_arithmetic3A_352 = arith.shrsi %squeeze3A_350, %shift_right_arithmetic3A_351 : i32
      %shift_left3A_353 = arith.constant 13 : i32
      %shift_left3A_354 = arith.shli %shift_right_arithmetic3A_352, %shift_left3A_353 : i32
      %slice3A_355 = vector.extract_strided_slice %get3A_25 {offsets = [10], sizes = [1], strides = [1]} : vector<16xi32> to vector<1xi32>
      %squeeze3A_356 = vector.extract %slice3A_355[0] : i32 from vector<1xi32>
      %and3A_357 = arith.constant 8191 : i32
      %and3A_358 = arith.andi %squeeze3A_356, %and3A_357 : i32
      %add3A_359 = arith.addi %shift_left3A_354, %and3A_358 : i32
      %shift_right_arithmetic3A_360 = arith.constant 3 : i32
      %shift_right_arithmetic3A_361 = arith.shrsi %add3A_359, %shift_right_arithmetic3A_360 : i32
      %shift_left3A_362 = arith.constant 3 : i32
      %shift_left3A_363 = arith.shli %shift_right_arithmetic3A_361, %shift_left3A_362 : i32
      %multiple_of3A_364 = tpu.assume_multiple %shift_left3A_363, 8 : i32
      %mul3A_365 = arith.constant 16 : i32
      %mul3A_366 = arith.muli %scan3A_20, %mul3A_365 : i32
      %add3A_367 = arith.constant 10 : i32
      %add3A_368 = arith.addi %mul3A_366, %add3A_367 : i32
      %dma_start3A_369 = arith.constant 0 : i32
      %dma_start3A_370 = arith.constant 0 : i32
      %dma_start3A_371 = arith.constant 0 : i32
      %dma_start3A_372 = tpu.memref_slice %arg18[%dma_start3A_369, %add3A_368, %dma_start3A_370, %dma_start3A_371] : memref<2x32x8x128xf32, #tpu.memory_space<vmem>> -> memref<1x1x8x128xf32, #tpu.memory_space<vmem>>
      %dma_start3A_373 = tpu.memref_squeeze %dma_start3A_372 : memref<1x1x8x128xf32, #tpu.memory_space<vmem>> -> memref<8x128xf32, #tpu.memory_space<vmem>>
      %dma_start3A_374 = arith.constant 0 : i32
      %dma_start3A_375 = tpu.memref_slice %arg7[%multiple_of3A_364, %dma_start3A_374] : memref<507904x128xf32, #tpu.memory_space<hbm>> -> memref<8x128xf32, #tpu.memory_space<hbm>>
      %dma_start3A_376 = arith.constant 0 : i32
      %dma_start3A_377 = arith.constant 0 : i32
      %dma_start3A_378 = tpu.memref_slice %arg18[%dma_start3A_369, %add3A_368, %dma_start3A_376, %dma_start3A_377] : memref<2x32x8x128xf32, #tpu.memory_space<vmem>> -> memref<1x1x8x128xf32, #tpu.memory_space<vmem>>
      %dma_start3A_379 = tpu.memref_squeeze %dma_start3A_378 : memref<1x1x8x128xf32, #tpu.memory_space<vmem>> -> memref<8x128xf32, #tpu.memory_space<vmem>>
      %dma_start3A_380 = arith.constant 0 : i32
      %dma_start3A_381 = tpu.memref_slice %arg7[%multiple_of3A_364, %dma_start3A_380] : memref<507904x128xf32, #tpu.memory_space<hbm>> -> memref<8x128xf32, #tpu.memory_space<hbm>>
      tpu.enqueue_dma source(%dma_start3A_381 : memref<8x128xf32, #tpu.memory_space<hbm>>) target(%dma_start3A_379 : memref<8x128xf32, #tpu.memory_space<vmem>>) target_semaphore(%arg24 : memref<!tpu.dma_semaphore, #tpu.memory_space<semaphore_mem>>)
      %slice3A_382 = vector.extract_strided_slice %get3A_25 {offsets = [11], sizes = [1], strides = [1]} : vector<16xi32> to vector<1xi32>
      %squeeze3A_383 = vector.extract %slice3A_382[0] : i32 from vector<1xi32>
      %shift_right_arithmetic3A_384 = arith.constant 14 : i32
      %shift_right_arithmetic3A_385 = arith.shrsi %squeeze3A_383, %shift_right_arithmetic3A_384 : i32
      %shift_left3A_386 = arith.constant 13 : i32
      %shift_left3A_387 = arith.shli %shift_right_arithmetic3A_385, %shift_left3A_386 : i32
      %slice3A_388 = vector.extract_strided_slice %get3A_25 {offsets = [11], sizes = [1], strides = [1]} : vector<16xi32> to vector<1xi32>
      %squeeze3A_389 = vector.extract %slice3A_388[0] : i32 from vector<1xi32>
      %and3A_390 = arith.constant 8191 : i32
      %and3A_391 = arith.andi %squeeze3A_389, %and3A_390 : i32
      %add3A_392 = arith.addi %shift_left3A_387, %and3A_391 : i32
      %shift_right_arithmetic3A_393 = arith.constant 3 : i32
      %shift_right_arithmetic3A_394 = arith.shrsi %add3A_392, %shift_right_arithmetic3A_393 : i32
      %shift_left3A_395 = arith.constant 3 : i32
      %shift_left3A_396 = arith.shli %shift_right_arithmetic3A_394, %shift_left3A_395 : i32
      %multiple_of3A_397 = tpu.assume_multiple %shift_left3A_396, 8 : i32
      %mul3A_398 = arith.constant 16 : i32
      %mul3A_399 = arith.muli %scan3A_20, %mul3A_398 : i32
      %add3A_400 = arith.constant 11 : i32
      %add3A_401 = arith.addi %mul3A_399, %add3A_400 : i32
      %dma_start3A_402 = arith.constant 0 : i32
      %dma_start3A_403 = arith.constant 0 : i32
      %dma_start3A_404 = arith.constant 0 : i32
      %dma_start3A_405 = tpu.memref_slice %arg18[%dma_start3A_402, %add3A_401, %dma_start3A_403, %dma_start3A_404] : memref<2x32x8x128xf32, #tpu.memory_space<vmem>> -> memref<1x1x8x128xf32, #tpu.memory_space<vmem>>
      %dma_start3A_406 = tpu.memref_squeeze %dma_start3A_405 : memref<1x1x8x128xf32, #tpu.memory_space<vmem>> -> memref<8x128xf32, #tpu.memory_space<vmem>>
      %dma_start3A_407 = arith.constant 0 : i32
      %dma_start3A_408 = tpu.memref_slice %arg7[%multiple_of3A_397, %dma_start3A_407] : memref<507904x128xf32, #tpu.memory_space<hbm>> -> memref<8x128xf32, #tpu.memory_space<hbm>>
      %dma_start3A_409 = arith.constant 0 : i32
      %dma_start3A_410 = arith.constant 0 : i32
      %dma_start3A_411 = tpu.memref_slice %arg18[%dma_start3A_402, %add3A_401, %dma_start3A_409, %dma_start3A_410] : memref<2x32x8x128xf32, #tpu.memory_space<vmem>> -> memref<1x1x8x128xf32, #tpu.memory_space<vmem>>
      %dma_start3A_412 = tpu.memref_squeeze %dma_start3A_411 : memref<1x1x8x128xf32, #tpu.memory_space<vmem>> -> memref<8x128xf32, #tpu.memory_space<vmem>>
      %dma_start3A_413 = arith.constant 0 : i32
      %dma_start3A_414 = tpu.memref_slice %arg7[%multiple_of3A_397, %dma_start3A_413] : memref<507904x128xf32, #tpu.memory_space<hbm>> -> memref<8x128xf32, #tpu.memory_space<hbm>>
      tpu.enqueue_dma source(%dma_start3A_414 : memref<8x128xf32, #tpu.memory_space<hbm>>) target(%dma_start3A_412 : memref<8x128xf32, #tpu.memory_space<vmem>>) target_semaphore(%arg24 : memref<!tpu.dma_semaphore, #tpu.memory_space<semaphore_mem>>)
      %slice3A_415 = vector.extract_strided_slice %get3A_25 {offsets = [12], sizes = [1], strides = [1]} : vector<16xi32> to vector<1xi32>
      %squeeze3A_416 = vector.extract %slice3A_415[0] : i32 from vector<1xi32>
      %shift_right_arithmetic3A_417 = arith.constant 14 : i32
      %shift_right_arithmetic3A_418 = arith.shrsi %squeeze3A_416, %shift_right_arithmetic3A_417 : i32
      %shift_left3A_419 = arith.constant 13 : i32
      %shift_left3A_420 = arith.shli %shift_right_arithmetic3A_418, %shift_left3A_419 : i32
      %slice3A_421 = vector.extract_strided_slice %get3A_25 {offsets = [12], sizes = [1], strides = [1]} : vector<16xi32> to vector<1xi32>
      %squeeze3A_422 = vector.extract %slice3A_421[0] : i32 from vector<1xi32>
      %and3A_423 = arith.constant 8191 : i32
      %and3A_424 = arith.andi %squeeze3A_422, %and3A_423 : i32
      %add3A_425 = arith.addi %shift_left3A_420, %and3A_424 : i32
      %shift_right_arithmetic3A_426 = arith.constant 3 : i32
      %shift_right_arithmetic3A_427 = arith.shrsi %add3A_425, %shift_right_arithmetic3A_426 : i32
      %shift_left3A_428 = arith.constant 3 : i32
      %shift_left3A_429 = arith.shli %shift_right_arithmetic3A_427, %shift_left3A_428 : i32
      %multiple_of3A_430 = tpu.assume_multiple %shift_left3A_429, 8 : i32
      %mul3A_431 = arith.constant 16 : i32
      %mul3A_432 = arith.muli %scan3A_20, %mul3A_431 : i32
      %add3A_433 = arith.constant 12 : i32
      %add3A_434 = arith.addi %mul3A_432, %add3A_433 : i32
      %dma_start3A_435 = arith.constant 0 : i32
      %dma_start3A_436 = arith.constant 0 : i32
      %dma_start3A_437 = arith.constant 0 : i32
      %dma_start3A_438 = tpu.memref_slice %arg18[%dma_start3A_435, %add3A_434, %dma_start3A_436, %dma_start3A_437] : memref<2x32x8x128xf32, #tpu.memory_space<vmem>> -> memref<1x1x8x128xf32, #tpu.memory_space<vmem>>
      %dma_start3A_439 = tpu.memref_squeeze %dma_start3A_438 : memref<1x1x8x128xf32, #tpu.memory_space<vmem>> -> memref<8x128xf32, #tpu.memory_space<vmem>>
      %dma_start3A_440 = arith.constant 0 : i32
      %dma_start3A_441 = tpu.memref_slice %arg7[%multiple_of3A_430, %dma_start3A_440] : memref<507904x128xf32, #tpu.memory_space<hbm>> -> memref<8x128xf32, #tpu.memory_space<hbm>>
      %dma_start3A_442 = arith.constant 0 : i32
      %dma_start3A_443 = arith.constant 0 : i32
      %dma_start3A_444 = tpu.memref_slice %arg18[%dma_start3A_435, %add3A_434, %dma_start3A_442, %dma_start3A_443] : memref<2x32x8x128xf32, #tpu.memory_space<vmem>> -> memref<1x1x8x128xf32, #tpu.memory_space<vmem>>
      %dma_start3A_445 = tpu.memref_squeeze %dma_start3A_444 : memref<1x1x8x128xf32, #tpu.memory_space<vmem>> -> memref<8x128xf32, #tpu.memory_space<vmem>>
      %dma_start3A_446 = arith.constant 0 : i32
      %dma_start3A_447 = tpu.memref_slice %arg7[%multiple_of3A_430, %dma_start3A_446] : memref<507904x128xf32, #tpu.memory_space<hbm>> -> memref<8x128xf32, #tpu.memory_space<hbm>>
      tpu.enqueue_dma source(%dma_start3A_447 : memref<8x128xf32, #tpu.memory_space<hbm>>) target(%dma_start3A_445 : memref<8x128xf32, #tpu.memory_space<vmem>>) target_semaphore(%arg24 : memref<!tpu.dma_semaphore, #tpu.memory_space<semaphore_mem>>)
      %slice3A_448 = vector.extract_strided_slice %get3A_25 {offsets = [13], sizes = [1], strides = [1]} : vector<16xi32> to vector<1xi32>
      %squeeze3A_449 = vector.extract %slice3A_448[0] : i32 from vector<1xi32>
      %shift_right_arithmetic3A_450 = arith.constant 14 : i32
      %shift_right_arithmetic3A_451 = arith.shrsi %squeeze3A_449, %shift_right_arithmetic3A_450 : i32
      %shift_left3A_452 = arith.constant 13 : i32
      %shift_left3A_453 = arith.shli %shift_right_arithmetic3A_451, %shift_left3A_452 : i32
      %slice3A_454 = vector.extract_strided_slice %get3A_25 {offsets = [13], sizes = [1], strides = [1]} : vector<16xi32> to vector<1xi32>
      %squeeze3A_455 = vector.extract %slice3A_454[0] : i32 from vector<1xi32>
      %and3A_456 = arith.constant 8191 : i32
      %and3A_457 = arith.andi %squeeze3A_455, %and3A_456 : i32
      %add3A_458 = arith.addi %shift_left3A_453, %and3A_457 : i32
      %shift_right_arithmetic3A_459 = arith.constant 3 : i32
      %shift_right_arithmetic3A_460 = arith.shrsi %add3A_458, %shift_right_arithmetic3A_459 : i32
      %shift_left3A_461 = arith.constant 3 : i32
      %shift_left3A_462 = arith.shli %shift_right_arithmetic3A_460, %shift_left3A_461 : i32
      %multiple_of3A_463 = tpu.assume_multiple %shift_left3A_462, 8 : i32
      %mul3A_464 = arith.constant 16 : i32
      %mul3A_465 = arith.muli %scan3A_20, %mul3A_464 : i32
      %add3A_466 = arith.constant 13 : i32
      %add3A_467 = arith.addi %mul3A_465, %add3A_466 : i32
      %dma_start3A_468 = arith.constant 0 : i32
      %dma_start3A_469 = arith.constant 0 : i32
      %dma_start3A_470 = arith.constant 0 : i32
      %dma_start3A_471 = tpu.memref_slice %arg18[%dma_start3A_468, %add3A_467, %dma_start3A_469, %dma_start3A_470] : memref<2x32x8x128xf32, #tpu.memory_space<vmem>> -> memref<1x1x8x128xf32, #tpu.memory_space<vmem>>
      %dma_start3A_472 = tpu.memref_squeeze %dma_start3A_471 : memref<1x1x8x128xf32, #tpu.memory_space<vmem>> -> memref<8x128xf32, #tpu.memory_space<vmem>>
      %dma_start3A_473 = arith.constant 0 : i32
      %dma_start3A_474 = tpu.memref_slice %arg7[%multiple_of3A_463, %dma_start3A_473] : memref<507904x128xf32, #tpu.memory_space<hbm>> -> memref<8x128xf32, #tpu.memory_space<hbm>>
      %dma_start3A_475 = arith.constant 0 : i32
      %dma_start3A_476 = arith.constant 0 : i32
      %dma_start3A_477 = tpu.memref_slice %arg18[%dma_start3A_468, %add3A_467, %dma_start3A_475, %dma_start3A_476] : memref<2x32x8x128xf32, #tpu.memory_space<vmem>> -> memref<1x1x8x128xf32, #tpu.memory_space<vmem>>
      %dma_start3A_478 = tpu.memref_squeeze %dma_start3A_477 : memref<1x1x8x128xf32, #tpu.memory_space<vmem>> -> memref<8x128xf32, #tpu.memory_space<vmem>>
      %dma_start3A_479 = arith.constant 0 : i32
      %dma_start3A_480 = tpu.memref_slice %arg7[%multiple_of3A_463, %dma_start3A_479] : memref<507904x128xf32, #tpu.memory_space<hbm>> -> memref<8x128xf32, #tpu.memory_space<hbm>>
      tpu.enqueue_dma source(%dma_start3A_480 : memref<8x128xf32, #tpu.memory_space<hbm>>) target(%dma_start3A_478 : memref<8x128xf32, #tpu.memory_space<vmem>>) target_semaphore(%arg24 : memref<!tpu.dma_semaphore, #tpu.memory_space<semaphore_mem>>)
      %slice3A_481 = vector.extract_strided_slice %get3A_25 {offsets = [14], sizes = [1], strides = [1]} : vector<16xi32> to vector<1xi32>
      %squeeze3A_482 = vector.extract %slice3A_481[0] : i32 from vector<1xi32>
      %shift_right_arithmetic3A_483 = arith.constant 14 : i32
      %shift_right_arithmetic3A_484 = arith.shrsi %squeeze3A_482, %shift_right_arithmetic3A_483 : i32
      %shift_left3A_485 = arith.constant 13 : i32
      %shift_left3A_486 = arith.shli %shift_right_arithmetic3A_484, %shift_left3A_485 : i32
      %slice3A_487 = vector.extract_strided_slice %get3A_25 {offsets = [14], sizes = [1], strides = [1]} : vector<16xi32> to vector<1xi32>
      %squeeze3A_488 = vector.extract %slice3A_487[0] : i32 from vector<1xi32>
      %and3A_489 = arith.constant 8191 : i32
      %and3A_490 = arith.andi %squeeze3A_488, %and3A_489 : i32
      %add3A_491 = arith.addi %shift_left3A_486, %and3A_490 : i32
      %shift_right_arithmetic3A_492 = arith.constant 3 : i32
      %shift_right_arithmetic3A_493 = arith.shrsi %add3A_491, %shift_right_arithmetic3A_492 : i32
      %shift_left3A_494 = arith.constant 3 : i32
      %shift_left3A_495 = arith.shli %shift_right_arithmetic3A_493, %shift_left3A_494 : i32
      %multiple_of3A_496 = tpu.assume_multiple %shift_left3A_495, 8 : i32
      %mul3A_497 = arith.constant 16 : i32
      %mul3A_498 = arith.muli %scan3A_20, %mul3A_497 : i32
      %add3A_499 = arith.constant 14 : i32
      %add3A_500 = arith.addi %mul3A_498, %add3A_499 : i32
      %dma_start3A_501 = arith.constant 0 : i32
      %dma_start3A_502 = arith.constant 0 : i32
      %dma_start3A_503 = arith.constant 0 : i32
      %dma_start3A_504 = tpu.memref_slice %arg18[%dma_start3A_501, %add3A_500, %dma_start3A_502, %dma_start3A_503] : memref<2x32x8x128xf32, #tpu.memory_space<vmem>> -> memref<1x1x8x128xf32, #tpu.memory_space<vmem>>
      %dma_start3A_505 = tpu.memref_squeeze %dma_start3A_504 : memref<1x1x8x128xf32, #tpu.memory_space<vmem>> -> memref<8x128xf32, #tpu.memory_space<vmem>>
      %dma_start3A_506 = arith.constant 0 : i32
      %dma_start3A_507 = tpu.memref_slice %arg7[%multiple_of3A_496, %dma_start3A_506] : memref<507904x128xf32, #tpu.memory_space<hbm>> -> memref<8x128xf32, #tpu.memory_space<hbm>>
      %dma_start3A_508 = arith.constant 0 : i32
      %dma_start3A_509 = arith.constant 0 : i32
      %dma_start3A_510 = tpu.memref_slice %arg18[%dma_start3A_501, %add3A_500, %dma_start3A_508, %dma_start3A_509] : memref<2x32x8x128xf32, #tpu.memory_space<vmem>> -> memref<1x1x8x128xf32, #tpu.memory_space<vmem>>
      %dma_start3A_511 = tpu.memref_squeeze %dma_start3A_510 : memref<1x1x8x128xf32, #tpu.memory_space<vmem>> -> memref<8x128xf32, #tpu.memory_space<vmem>>
      %dma_start3A_512 = arith.constant 0 : i32
      %dma_start3A_513 = tpu.memref_slice %arg7[%multiple_of3A_496, %dma_start3A_512] : memref<507904x128xf32, #tpu.memory_space<hbm>> -> memref<8x128xf32, #tpu.memory_space<hbm>>
      tpu.enqueue_dma source(%dma_start3A_513 : memref<8x128xf32, #tpu.memory_space<hbm>>) target(%dma_start3A_511 : memref<8x128xf32, #tpu.memory_space<vmem>>) target_semaphore(%arg24 : memref<!tpu.dma_semaphore, #tpu.memory_space<semaphore_mem>>)
      %slice3A_514 = vector.extract_strided_slice %get3A_25 {offsets = [15], sizes = [1], strides = [1]} : vector<16xi32> to vector<1xi32>
      %squeeze3A_515 = vector.extract %slice3A_514[0] : i32 from vector<1xi32>
      %shift_right_arithmetic3A_516 = arith.constant 14 : i32
      %shift_right_arithmetic3A_517 = arith.shrsi %squeeze3A_515, %shift_right_arithmetic3A_516 : i32
      %shift_left3A_518 = arith.constant 13 : i32
      %shift_left3A_519 = arith.shli %shift_right_arithmetic3A_517, %shift_left3A_518 : i32
      %slice3A_520 = vector.extract_strided_slice %get3A_25 {offsets = [15], sizes = [1], strides = [1]} : vector<16xi32> to vector<1xi32>
      %squeeze3A_521 = vector.extract %slice3A_520[0] : i32 from vector<1xi32>
      %and3A_522 = arith.constant 8191 : i32
      %and3A_523 = arith.andi %squeeze3A_521, %and3A_522 : i32
      %add3A_524 = arith.addi %shift_left3A_519, %and3A_523 : i32
      %shift_right_arithmetic3A_525 = arith.constant 3 : i32
      %shift_right_arithmetic3A_526 = arith.shrsi %add3A_524, %shift_right_arithmetic3A_525 : i32
      %shift_left3A_527 = arith.constant 3 : i32
      %shift_left3A_528 = arith.shli %shift_right_arithmetic3A_526, %shift_left3A_527 : i32
      %multiple_of3A_529 = tpu.assume_multiple %shift_left3A_528, 8 : i32
      %mul3A_530 = arith.constant 16 : i32
      %mul3A_531 = arith.muli %scan3A_20, %mul3A_530 : i32
      %add3A_532 = arith.constant 15 : i32
      %add3A_533 = arith.addi %mul3A_531, %add3A_532 : i32
      %dma_start3A_534 = arith.constant 0 : i32
      %dma_start3A_535 = arith.constant 0 : i32
      %dma_start3A_536 = arith.constant 0 : i32
      %dma_start3A_537 = tpu.memref_slice %arg18[%dma_start3A_534, %add3A_533, %dma_start3A_535, %dma_start3A_536] : memref<2x32x8x128xf32, #tpu.memory_space<vmem>> -> memref<1x1x8x128xf32, #tpu.memory_space<vmem>>
      %dma_start3A_538 = tpu.memref_squeeze %dma_start3A_537 : memref<1x1x8x128xf32, #tpu.memory_space<vmem>> -> memref<8x128xf32, #tpu.memory_space<vmem>>
      %dma_start3A_539 = arith.constant 0 : i32
      %dma_start3A_540 = tpu.memref_slice %arg7[%multiple_of3A_529, %dma_start3A_539] : memref<507904x128xf32, #tpu.memory_space<hbm>> -> memref<8x128xf32, #tpu.memory_space<hbm>>
      %dma_start3A_541 = arith.constant 0 : i32
      %dma_start3A_542 = arith.constant 0 : i32
      %dma_start3A_543 = tpu.memref_slice %arg18[%dma_start3A_534, %add3A_533, %dma_start3A_541, %dma_start3A_542] : memref<2x32x8x128xf32, #tpu.memory_space<vmem>> -> memref<1x1x8x128xf32, #tpu.memory_space<vmem>>
      %dma_start3A_544 = tpu.memref_squeeze %dma_start3A_543 : memref<1x1x8x128xf32, #tpu.memory_space<vmem>> -> memref<8x128xf32, #tpu.memory_space<vmem>>
      %dma_start3A_545 = arith.constant 0 : i32
      %dma_start3A_546 = tpu.memref_slice %arg7[%multiple_of3A_529, %dma_start3A_545] : memref<507904x128xf32, #tpu.memory_space<hbm>> -> memref<8x128xf32, #tpu.memory_space<hbm>>
      tpu.enqueue_dma source(%dma_start3A_546 : memref<8x128xf32, #tpu.memory_space<hbm>>) target(%dma_start3A_544 : memref<8x128xf32, #tpu.memory_space<vmem>>) target_semaphore(%arg24 : memref<!tpu.dma_semaphore, #tpu.memory_space<semaphore_mem>>)
    }
    %scan3A_7 = arith.constant 2 : i32
    %scan3A_8 = arith.constant 0 : i32
    %scan3A_9 = arith.constant 0 : i32
    %scan3A_10 = arith.constant 16 : i32
    %scan3A_11 = arith.addi %scan3A_9, %scan3A_10 : i32
    %scan3A_12 = arith.constant 1 : i32
    scf.for %scan3A_20 = %scan3A_9 to %scan3A_11 step %scan3A_12  : i32 {
      %add3A_21 = arith.constant 1 : i32
      %add3A_22 = arith.addi %scan3A_20, %add3A_21 : i32
      %lt3A = arith.constant 16 : i32
      %lt3A_23 = arith.cmpi slt, %add3A_22, %lt3A : i32
      %convert_element_type3A = arith.extui %lt3A_23 : i1 to i32
      %cond3A = arith.constant 0 : i32
      %cond3A_24 = arith.cmpi ne, %convert_element_type3A, %cond3A : i32
      scf.if %cond3A_24 {
        %add3A_40 = arith.constant 1 : i32
        %add3A_41 = arith.addi %scan3A_20, %add3A_40 : i32
        %scan3A_42 = arith.constant 0 : i32
        %scan3A_43 = arith.constant 0 : i32
        %scan3A_44 = arith.constant 2 : i32
        %scan3A_45 = arith.addi %scan3A_43, %scan3A_44 : i32
        %scan3A_46 = arith.constant 1 : i32
        scf.for %scan3A_48 = %scan3A_43 to %scan3A_45 step %scan3A_46  : i32 {
          %mul3A_49 = arith.constant 32 : i32
          %mul3A_50 = arith.muli %add3A_41, %mul3A_49 : i32
          %mul3A_51 = arith.constant 16 : i32
          %mul3A_52 = arith.muli %scan3A_48, %mul3A_51 : i32
          %add3A_53 = arith.addi %mul3A_50, %mul3A_52 : i32
          %get3A = arith.index_cast %add3A_53 : i32 to index
          %get3A_54 = tpu.vector_load %arg13[%get3A] {strides = array<i32>} : memref<512xi32, #tpu.memory_space<vmem>>, vector<16xi32>,
          %slice3A = vector.extract_strided_slice %get3A_54 {offsets = [0], sizes = [1], strides = [1]} : vector<16xi32> to vector<1xi32>
          %squeeze3A = vector.extract %slice3A[0] : i32 from vector<1xi32>
          %shift_right_arithmetic3A = arith.constant 14 : i32
          %shift_right_arithmetic3A_55 = arith.shrsi %squeeze3A, %shift_right_arithmetic3A : i32
          %shift_left3A = arith.constant 13 : i32
          %shift_left3A_56 = arith.shli %shift_right_arithmetic3A_55, %shift_left3A : i32
          %slice3A_57 = vector.extract_strided_slice %get3A_54 {offsets = [0], sizes = [1], strides = [1]} : vector<16xi32> to vector<1xi32>
          %squeeze3A_58 = vector.extract %slice3A_57[0] : i32 from vector<1xi32>
          %and3A = arith.constant 8191 : i32
          %and3A_59 = arith.andi %squeeze3A_58, %and3A : i32
          %add3A_60 = arith.addi %shift_left3A_56, %and3A_59 : i32
          %shift_right_arithmetic3A_61 = arith.constant 3 : i32
          %shift_right_arithmetic3A_62 = arith.shrsi %add3A_60, %shift_right_arithmetic3A_61 : i32
          %shift_left3A_63 = arith.constant 3 : i32
          %shift_left3A_64 = arith.shli %shift_right_arithmetic3A_62, %shift_left3A_63 : i32
          %multiple_of3A = tpu.assume_multiple %shift_left3A_64, 8 : i32
          %and3A_65 = arith.constant 1 : i32
          %and3A_66 = arith.andi %add3A_41, %and3A_65 : i32
          %mul3A_67 = arith.constant 16 : i32
          %mul3A_68 = arith.muli %scan3A_48, %mul3A_67 : i32
          %add3A_69 = arith.constant 0 : i32
          %add3A_70 = arith.addi %mul3A_68, %add3A_69 : i32
          %dma_start3A = arith.constant 0 : i32
          %dma_start3A_71 = arith.constant 0 : i32
          %dma_start3A_72 = tpu.memref_slice %arg18[%and3A_66, %add3A_70, %dma_start3A, %dma_start3A_71] : memref<2x32x8x128xf32, #tpu.memory_space<vmem>> -> memref<1x1x8x128xf32, #tpu.memory_space<vmem>>
          %dma_start3A_73 = tpu.memref_squeeze %dma_start3A_72 : memref<1x1x8x128xf32, #tpu.memory_space<vmem>> -> memref<8x128xf32, #tpu.memory_space<vmem>>
          %dma_start3A_74 = arith.constant 0 : i32
          %dma_start3A_75 = tpu.memref_slice %arg7[%multiple_of3A, %dma_start3A_74] : memref<507904x128xf32, #tpu.memory_space<hbm>> -> memref<8x128xf32, #tpu.memory_space<hbm>>
          %dma_start3A_76 = arith.constant 0 : i32
          %dma_start3A_77 = arith.constant 0 : i32
          %dma_start3A_78 = tpu.memref_slice %arg18[%and3A_66, %add3A_70, %dma_start3A_76, %dma_start3A_77] : memref<2x32x8x128xf32, #tpu.memory_space<vmem>> -> memref<1x1x8x128xf32, #tpu.memory_space<vmem>>
          %dma_start3A_79 = tpu.memref_squeeze %dma_start3A_78 : memref<1x1x8x128xf32, #tpu.memory_space<vmem>> -> memref<8x128xf32, #tpu.memory_space<vmem>>
          %dma_start3A_80 = arith.constant 0 : i32
          %dma_start3A_81 = tpu.memref_slice %arg7[%multiple_of3A, %dma_start3A_80] : memref<507904x128xf32, #tpu.memory_space<hbm>> -> memref<8x128xf32, #tpu.memory_space<hbm>>
          tpu.enqueue_dma source(%dma_start3A_81 : memref<8x128xf32, #tpu.memory_space<hbm>>) target(%dma_start3A_79 : memref<8x128xf32, #tpu.memory_space<vmem>>) target_semaphore(%arg24 : memref<!tpu.dma_semaphore, #tpu.memory_space<semaphore_mem>>)
          %slice3A_82 = vector.extract_strided_slice %get3A_54 {offsets = [1], sizes = [1], strides = [1]} : vector<16xi32> to vector<1xi32>
          %squeeze3A_83 = vector.extract %slice3A_82[0] : i32 from vector<1xi32>
          %shift_right_arithmetic3A_84 = arith.constant 14 : i32
          %shift_right_arithmetic3A_85 = arith.shrsi %squeeze3A_83, %shift_right_arithmetic3A_84 : i32
          %shift_left3A_86 = arith.constant 13 : i32
          %shift_left3A_87 = arith.shli %shift_right_arithmetic3A_85, %shift_left3A_86 : i32
          %slice3A_88 = vector.extract_strided_slice %get3A_54 {offsets = [1], sizes = [1], strides = [1]} : vector<16xi32> to vector<1xi32>
          %squeeze3A_89 = vector.extract %slice3A_88[0] : i32 from vector<1xi32>
          %and3A_90 = arith.constant 8191 : i32
          %and3A_91 = arith.andi %squeeze3A_89, %and3A_90 : i32
          %add3A_92 = arith.addi %shift_left3A_87, %and3A_91 : i32
          %shift_right_arithmetic3A_93 = arith.constant 3 : i32
          %shift_right_arithmetic3A_94 = arith.shrsi %add3A_92, %shift_right_arithmetic3A_93 : i32
          %shift_left3A_95 = arith.constant 3 : i32
          %shift_left3A_96 = arith.shli %shift_right_arithmetic3A_94, %shift_left3A_95 : i32
          %multiple_of3A_97 = tpu.assume_multiple %shift_left3A_96, 8 : i32
          %and3A_98 = arith.constant 1 : i32
          %and3A_99 = arith.andi %add3A_41, %and3A_98 : i32
          %mul3A_100 = arith.constant 16 : i32
          %mul3A_101 = arith.muli %scan3A_48, %mul3A_100 : i32
          %add3A_102 = arith.constant 1 : i32
          %add3A_103 = arith.addi %mul3A_101, %add3A_102 : i32
          %dma_start3A_104 = arith.constant 0 : i32
          %dma_start3A_105 = arith.constant 0 : i32
          %dma_start3A_106 = tpu.memref_slice %arg18[%and3A_99, %add3A_103, %dma_start3A_104, %dma_start3A_105] : memref<2x32x8x128xf32, #tpu.memory_space<vmem>> -> memref<1x1x8x128xf32, #tpu.memory_space<vmem>>
          %dma_start3A_107 = tpu.memref_squeeze %dma_start3A_106 : memref<1x1x8x128xf32, #tpu.memory_space<vmem>> -> memref<8x128xf32, #tpu.memory_space<vmem>>
          %dma_start3A_108 = arith.constant 0 : i32
          %dma_start3A_109 = tpu.memref_slice %arg7[%multiple_of3A_97, %dma_start3A_108] : memref<507904x128xf32, #tpu.memory_space<hbm>> -> memref<8x128xf32, #tpu.memory_space<hbm>>
          %dma_start3A_110 = arith.constant 0 : i32
          %dma_start3A_111 = arith.constant 0 : i32
          %dma_start3A_112 = tpu.memref_slice %arg18[%and3A_99, %add3A_103, %dma_start3A_110, %dma_start3A_111] : memref<2x32x8x128xf32, #tpu.memory_space<vmem>> -> memref<1x1x8x128xf32, #tpu.memory_space<vmem>>
          %dma_start3A_113 = tpu.memref_squeeze %dma_start3A_112 : memref<1x1x8x128xf32, #tpu.memory_space<vmem>> -> memref<8x128xf32, #tpu.memory_space<vmem>>
          %dma_start3A_114 = arith.constant 0 : i32
          %dma_start3A_115 = tpu.memref_slice %arg7[%multiple_of3A_97, %dma_start3A_114] : memref<507904x128xf32, #tpu.memory_space<hbm>> -> memref<8x128xf32, #tpu.memory_space<hbm>>
          tpu.enqueue_dma source(%dma_start3A_115 : memref<8x128xf32, #tpu.memory_space<hbm>>) target(%dma_start3A_113 : memref<8x128xf32, #tpu.memory_space<vmem>>) target_semaphore(%arg24 : memref<!tpu.dma_semaphore, #tpu.memory_space<semaphore_mem>>)
          %slice3A_116 = vector.extract_strided_slice %get3A_54 {offsets = [2], sizes = [1], strides = [1]} : vector<16xi32> to vector<1xi32>
          %squeeze3A_117 = vector.extract %slice3A_116[0] : i32 from vector<1xi32>
          %shift_right_arithmetic3A_118 = arith.constant 14 : i32
          %shift_right_arithmetic3A_119 = arith.shrsi %squeeze3A_117, %shift_right_arithmetic3A_118 : i32
          %shift_left3A_120 = arith.constant 13 : i32
          %shift_left3A_121 = arith.shli %shift_right_arithmetic3A_119, %shift_left3A_120 : i32
          %slice3A_122 = vector.extract_strided_slice %get3A_54 {offsets = [2], sizes = [1], strides = [1]} : vector<16xi32> to vector<1xi32>
          %squeeze3A_123 = vector.extract %slice3A_122[0] : i32 from vector<1xi32>
          %and3A_124 = arith.constant 8191 : i32
          %and3A_125 = arith.andi %squeeze3A_123, %and3A_124 : i32
          %add3A_126 = arith.addi %shift_left3A_121, %and3A_125 : i32
          %shift_right_arithmetic3A_127 = arith.constant 3 : i32
          %shift_right_arithmetic3A_128 = arith.shrsi %add3A_126, %shift_right_arithmetic3A_127 : i32
          %shift_left3A_129 = arith.constant 3 : i32
          %shift_left3A_130 = arith.shli %shift_right_arithmetic3A_128, %shift_left3A_129 : i32
          %multiple_of3A_131 = tpu.assume_multiple %shift_left3A_130, 8 : i32
          %and3A_132 = arith.constant 1 : i32
          %and3A_133 = arith.andi %add3A_41, %and3A_132 : i32
          %mul3A_134 = arith.constant 16 : i32
          %mul3A_135 = arith.muli %scan3A_48, %mul3A_134 : i32
          %add3A_136 = arith.constant 2 : i32
          %add3A_137 = arith.addi %mul3A_135, %add3A_136 : i32
          %dma_start3A_138 = arith.constant 0 : i32
          %dma_start3A_139 = arith.constant 0 : i32
          %dma_start3A_140 = tpu.memref_slice %arg18[%and3A_133, %add3A_137, %dma_start3A_138, %dma_start3A_139] : memref<2x32x8x128xf32, #tpu.memory_space<vmem>> -> memref<1x1x8x128xf32, #tpu.memory_space<vmem>>
          %dma_start3A_141 = tpu.memref_squeeze %dma_start3A_140 : memref<1x1x8x128xf32, #tpu.memory_space<vmem>> -> memref<8x128xf32, #tpu.memory_space<vmem>>
          %dma_start3A_142 = arith.constant 0 : i32
          %dma_start3A_143 = tpu.memref_slice %arg7[%multiple_of3A_131, %dma_start3A_142] : memref<507904x128xf32, #tpu.memory_space<hbm>> -> memref<8x128xf32, #tpu.memory_space<hbm>>
          %dma_start3A_144 = arith.constant 0 : i32
          %dma_start3A_145 = arith.constant 0 : i32
          %dma_start3A_146 = tpu.memref_slice %arg18[%and3A_133, %add3A_137, %dma_start3A_144, %dma_start3A_145] : memref<2x32x8x128xf32, #tpu.memory_space<vmem>> -> memref<1x1x8x128xf32, #tpu.memory_space<vmem>>
          %dma_start3A_147 = tpu.memref_squeeze %dma_start3A_146 : memref<1x1x8x128xf32, #tpu.memory_space<vmem>> -> memref<8x128xf32, #tpu.memory_space<vmem>>
          %dma_start3A_148 = arith.constant 0 : i32
          %dma_start3A_149 = tpu.memref_slice %arg7[%multiple_of3A_131, %dma_start3A_148] : memref<507904x128xf32, #tpu.memory_space<hbm>> -> memref<8x128xf32, #tpu.memory_space<hbm>>
          tpu.enqueue_dma source(%dma_start3A_149 : memref<8x128xf32, #tpu.memory_space<hbm>>) target(%dma_start3A_147 : memref<8x128xf32, #tpu.memory_space<vmem>>) target_semaphore(%arg24 : memref<!tpu.dma_semaphore, #tpu.memory_space<semaphore_mem>>)
          %slice3A_150 = vector.extract_strided_slice %get3A_54 {offsets = [3], sizes = [1], strides = [1]} : vector<16xi32> to vector<1xi32>
          %squeeze3A_151 = vector.extract %slice3A_150[0] : i32 from vector<1xi32>
          %shift_right_arithmetic3A_152 = arith.constant 14 : i32
          %shift_right_arithmetic3A_153 = arith.shrsi %squeeze3A_151, %shift_right_arithmetic3A_152 : i32
          %shift_left3A_154 = arith.constant 13 : i32
          %shift_left3A_155 = arith.shli %shift_right_arithmetic3A_153, %shift_left3A_154 : i32
          %slice3A_156 = vector.extract_strided_slice %get3A_54 {offsets = [3], sizes = [1], strides = [1]} : vector<16xi32> to vector<1xi32>
          %squeeze3A_157 = vector.extract %slice3A_156[0] : i32 from vector<1xi32>
          %and3A_158 = arith.constant 8191 : i32
          %and3A_159 = arith.andi %squeeze3A_157, %and3A_158 : i32
          %add3A_160 = arith.addi %shift_left3A_155, %and3A_159 : i32
          %shift_right_arithmetic3A_161 = arith.constant 3 : i32
          %shift_right_arithmetic3A_162 = arith.shrsi %add3A_160, %shift_right_arithmetic3A_161 : i32
          %shift_left3A_163 = arith.constant 3 : i32
          %shift_left3A_164 = arith.shli %shift_right_arithmetic3A_162, %shift_left3A_163 : i32
          %multiple_of3A_165 = tpu.assume_multiple %shift_left3A_164, 8 : i32
          %and3A_166 = arith.constant 1 : i32
          %and3A_167 = arith.andi %add3A_41, %and3A_166 : i32
          %mul3A_168 = arith.constant 16 : i32
          %mul3A_169 = arith.muli %scan3A_48, %mul3A_168 : i32
          %add3A_170 = arith.constant 3 : i32
          %add3A_171 = arith.addi %mul3A_169, %add3A_170 : i32
          %dma_start3A_172 = arith.constant 0 : i32
          %dma_start3A_173 = arith.constant 0 : i32
          %dma_start3A_174 = tpu.memref_slice %arg18[%and3A_167, %add3A_171, %dma_start3A_172, %dma_start3A_173] : memref<2x32x8x128xf32, #tpu.memory_space<vmem>> -> memref<1x1x8x128xf32, #tpu.memory_space<vmem>>
          %dma_start3A_175 = tpu.memref_squeeze %dma_start3A_174 : memref<1x1x8x128xf32, #tpu.memory_space<vmem>> -> memref<8x128xf32, #tpu.memory_space<vmem>>
          %dma_start3A_176 = arith.constant 0 : i32
          %dma_start3A_177 = tpu.memref_slice %arg7[%multiple_of3A_165, %dma_start3A_176] : memref<507904x128xf32, #tpu.memory_space<hbm>> -> memref<8x128xf32, #tpu.memory_space<hbm>>
          %dma_start3A_178 = arith.constant 0 : i32
          %dma_start3A_179 = arith.constant 0 : i32
          %dma_start3A_180 = tpu.memref_slice %arg18[%and3A_167, %add3A_171, %dma_start3A_178, %dma_start3A_179] : memref<2x32x8x128xf32, #tpu.memory_space<vmem>> -> memref<1x1x8x128xf32, #tpu.memory_space<vmem>>
          %dma_start3A_181 = tpu.memref_squeeze %dma_start3A_180 : memref<1x1x8x128xf32, #tpu.memory_space<vmem>> -> memref<8x128xf32, #tpu.memory_space<vmem>>
          %dma_start3A_182 = arith.constant 0 : i32
          %dma_start3A_183 = tpu.memref_slice %arg7[%multiple_of3A_165, %dma_start3A_182] : memref<507904x128xf32, #tpu.memory_space<hbm>> -> memref<8x128xf32, #tpu.memory_space<hbm>>
          tpu.enqueue_dma source(%dma_start3A_183 : memref<8x128xf32, #tpu.memory_space<hbm>>) target(%dma_start3A_181 : memref<8x128xf32, #tpu.memory_space<vmem>>) target_semaphore(%arg24 : memref<!tpu.dma_semaphore, #tpu.memory_space<semaphore_mem>>)
          %slice3A_184 = vector.extract_strided_slice %get3A_54 {offsets = [4], sizes = [1], strides = [1]} : vector<16xi32> to vector<1xi32>
          %squeeze3A_185 = vector.extract %slice3A_184[0] : i32 from vector<1xi32>
          %shift_right_arithmetic3A_186 = arith.constant 14 : i32
          %shift_right_arithmetic3A_187 = arith.shrsi %squeeze3A_185, %shift_right_arithmetic3A_186 : i32
          %shift_left3A_188 = arith.constant 13 : i32
          %shift_left3A_189 = arith.shli %shift_right_arithmetic3A_187, %shift_left3A_188 : i32
          %slice3A_190 = vector.extract_strided_slice %get3A_54 {offsets = [4], sizes = [1], strides = [1]} : vector<16xi32> to vector<1xi32>
          %squeeze3A_191 = vector.extract %slice3A_190[0] : i32 from vector<1xi32>
          %and3A_192 = arith.constant 8191 : i32
          %and3A_193 = arith.andi %squeeze3A_191, %and3A_192 : i32
          %add3A_194 = arith.addi %shift_left3A_189, %and3A_193 : i32
          %shift_right_arithmetic3A_195 = arith.constant 3 : i32
          %shift_right_arithmetic3A_196 = arith.shrsi %add3A_194, %shift_right_arithmetic3A_195 : i32
          %shift_left3A_197 = arith.constant 3 : i32
          %shift_left3A_198 = arith.shli %shift_right_arithmetic3A_196, %shift_left3A_197 : i32
          %multiple_of3A_199 = tpu.assume_multiple %shift_left3A_198, 8 : i32
          %and3A_200 = arith.constant 1 : i32
          %and3A_201 = arith.andi %add3A_41, %and3A_200 : i32
          %mul3A_202 = arith.constant 16 : i32
          %mul3A_203 = arith.muli %scan3A_48, %mul3A_202 : i32
          %add3A_204 = arith.constant 4 : i32
          %add3A_205 = arith.addi %mul3A_203, %add3A_204 : i32
          %dma_start3A_206 = arith.constant 0 : i32
          %dma_start3A_207 = arith.constant 0 : i32
          %dma_start3A_208 = tpu.memref_slice %arg18[%and3A_201, %add3A_205, %dma_start3A_206, %dma_start3A_207] : memref<2x32x8x128xf32, #tpu.memory_space<vmem>> -> memref<1x1x8x128xf32, #tpu.memory_space<vmem>>
          %dma_start3A_209 = tpu.memref_squeeze %dma_start3A_208 : memref<1x1x8x128xf32, #tpu.memory_space<vmem>> -> memref<8x128xf32, #tpu.memory_space<vmem>>
          %dma_start3A_210 = arith.constant 0 : i32
          %dma_start3A_211 = tpu.memref_slice %arg7[%multiple_of3A_199, %dma_start3A_210] : memref<507904x128xf32, #tpu.memory_space<hbm>> -> memref<8x128xf32, #tpu.memory_space<hbm>>
          %dma_start3A_212 = arith.constant 0 : i32
          %dma_start3A_213 = arith.constant 0 : i32
          %dma_start3A_214 = tpu.memref_slice %arg18[%and3A_201, %add3A_205, %dma_start3A_212, %dma_start3A_213] : memref<2x32x8x128xf32, #tpu.memory_space<vmem>> -> memref<1x1x8x128xf32, #tpu.memory_space<vmem>>
          %dma_start3A_215 = tpu.memref_squeeze %dma_start3A_214 : memref<1x1x8x128xf32, #tpu.memory_space<vmem>> -> memref<8x128xf32, #tpu.memory_space<vmem>>
          %dma_start3A_216 = arith.constant 0 : i32
          %dma_start3A_217 = tpu.memref_slice %arg7[%multiple_of3A_199, %dma_start3A_216] : memref<507904x128xf32, #tpu.memory_space<hbm>> -> memref<8x128xf32, #tpu.memory_space<hbm>>
          tpu.enqueue_dma source(%dma_start3A_217 : memref<8x128xf32, #tpu.memory_space<hbm>>) target(%dma_start3A_215 : memref<8x128xf32, #tpu.memory_space<vmem>>) target_semaphore(%arg24 : memref<!tpu.dma_semaphore, #tpu.memory_space<semaphore_mem>>)
          %slice3A_218 = vector.extract_strided_slice %get3A_54 {offsets = [5], sizes = [1], strides = [1]} : vector<16xi32> to vector<1xi32>
          %squeeze3A_219 = vector.extract %slice3A_218[0] : i32 from vector<1xi32>
          %shift_right_arithmetic3A_220 = arith.constant 14 : i32
          %shift_right_arithmetic3A_221 = arith.shrsi %squeeze3A_219, %shift_right_arithmetic3A_220 : i32
          %shift_left3A_222 = arith.constant 13 : i32
          %shift_left3A_223 = arith.shli %shift_right_arithmetic3A_221, %shift_left3A_222 : i32
          %slice3A_224 = vector.extract_strided_slice %get3A_54 {offsets = [5], sizes = [1], strides = [1]} : vector<16xi32> to vector<1xi32>
          %squeeze3A_225 = vector.extract %slice3A_224[0] : i32 from vector<1xi32>
          %and3A_226 = arith.constant 8191 : i32
          %and3A_227 = arith.andi %squeeze3A_225, %and3A_226 : i32
          %add3A_228 = arith.addi %shift_left3A_223, %and3A_227 : i32
          %shift_right_arithmetic3A_229 = arith.constant 3 : i32
          %shift_right_arithmetic3A_230 = arith.shrsi %add3A_228, %shift_right_arithmetic3A_229 : i32
          %shift_left3A_231 = arith.constant 3 : i32
          %shift_left3A_232 = arith.shli %shift_right_arithmetic3A_230, %shift_left3A_231 : i32
          %multiple_of3A_233 = tpu.assume_multiple %shift_left3A_232, 8 : i32
          %and3A_234 = arith.constant 1 : i32
          %and3A_235 = arith.andi %add3A_41, %and3A_234 : i32
          %mul3A_236 = arith.constant 16 : i32
          %mul3A_237 = arith.muli %scan3A_48, %mul3A_236 : i32
          %add3A_238 = arith.constant 5 : i32
          %add3A_239 = arith.addi %mul3A_237, %add3A_238 : i32
          %dma_start3A_240 = arith.constant 0 : i32
          %dma_start3A_241 = arith.constant 0 : i32
          %dma_start3A_242 = tpu.memref_slice %arg18[%and3A_235, %add3A_239, %dma_start3A_240, %dma_start3A_241] : memref<2x32x8x128xf32, #tpu.memory_space<vmem>> -> memref<1x1x8x128xf32, #tpu.memory_space<vmem>>
          %dma_start3A_243 = tpu.memref_squeeze %dma_start3A_242 : memref<1x1x8x128xf32, #tpu.memory_space<vmem>> -> memref<8x128xf32, #tpu.memory_space<vmem>>
          %dma_start3A_244 = arith.constant 0 : i32
          %dma_start3A_245 = tpu.memref_slice %arg7[%multiple_of3A_233, %dma_start3A_244] : memref<507904x128xf32, #tpu.memory_space<hbm>> -> memref<8x128xf32, #tpu.memory_space<hbm>>
          %dma_start3A_246 = arith.constant 0 : i32
          %dma_start3A_247 = arith.constant 0 : i32
          %dma_start3A_248 = tpu.memref_slice %arg18[%and3A_235, %add3A_239, %dma_start3A_246, %dma_start3A_247] : memref<2x32x8x128xf32, #tpu.memory_space<vmem>> -> memref<1x1x8x128xf32, #tpu.memory_space<vmem>>
          %dma_start3A_249 = tpu.memref_squeeze %dma_start3A_248 : memref<1x1x8x128xf32, #tpu.memory_space<vmem>> -> memref<8x128xf32, #tpu.memory_space<vmem>>
          %dma_start3A_250 = arith.constant 0 : i32
          %dma_start3A_251 = tpu.memref_slice %arg7[%multiple_of3A_233, %dma_start3A_250] : memref<507904x128xf32, #tpu.memory_space<hbm>> -> memref<8x128xf32, #tpu.memory_space<hbm>>
          tpu.enqueue_dma source(%dma_start3A_251 : memref<8x128xf32, #tpu.memory_space<hbm>>) target(%dma_start3A_249 : memref<8x128xf32, #tpu.memory_space<vmem>>) target_semaphore(%arg24 : memref<!tpu.dma_semaphore, #tpu.memory_space<semaphore_mem>>)
          %slice3A_252 = vector.extract_strided_slice %get3A_54 {offsets = [6], sizes = [1], strides = [1]} : vector<16xi32> to vector<1xi32>
          %squeeze3A_253 = vector.extract %slice3A_252[0] : i32 from vector<1xi32>
          %shift_right_arithmetic3A_254 = arith.constant 14 : i32
          %shift_right_arithmetic3A_255 = arith.shrsi %squeeze3A_253, %shift_right_arithmetic3A_254 : i32
          %shift_left3A_256 = arith.constant 13 : i32
          %shift_left3A_257 = arith.shli %shift_right_arithmetic3A_255, %shift_left3A_256 : i32
          %slice3A_258 = vector.extract_strided_slice %get3A_54 {offsets = [6], sizes = [1], strides = [1]} : vector<16xi32> to vector<1xi32>
          %squeeze3A_259 = vector.extract %slice3A_258[0] : i32 from vector<1xi32>
          %and3A_260 = arith.constant 8191 : i32
          %and3A_261 = arith.andi %squeeze3A_259, %and3A_260 : i32
          %add3A_262 = arith.addi %shift_left3A_257, %and3A_261 : i32
          %shift_right_arithmetic3A_263 = arith.constant 3 : i32
          %shift_right_arithmetic3A_264 = arith.shrsi %add3A_262, %shift_right_arithmetic3A_263 : i32
          %shift_left3A_265 = arith.constant 3 : i32
          %shift_left3A_266 = arith.shli %shift_right_arithmetic3A_264, %shift_left3A_265 : i32
          %multiple_of3A_267 = tpu.assume_multiple %shift_left3A_266, 8 : i32
          %and3A_268 = arith.constant 1 : i32
          %and3A_269 = arith.andi %add3A_41, %and3A_268 : i32
          %mul3A_270 = arith.constant 16 : i32
          %mul3A_271 = arith.muli %scan3A_48, %mul3A_270 : i32
          %add3A_272 = arith.constant 6 : i32
          %add3A_273 = arith.addi %mul3A_271, %add3A_272 : i32
          %dma_start3A_274 = arith.constant 0 : i32
          %dma_start3A_275 = arith.constant 0 : i32
          %dma_start3A_276 = tpu.memref_slice %arg18[%and3A_269, %add3A_273, %dma_start3A_274, %dma_start3A_275] : memref<2x32x8x128xf32, #tpu.memory_space<vmem>> -> memref<1x1x8x128xf32, #tpu.memory_space<vmem>>
          %dma_start3A_277 = tpu.memref_squeeze %dma_start3A_276 : memref<1x1x8x128xf32, #tpu.memory_space<vmem>> -> memref<8x128xf32, #tpu.memory_space<vmem>>
          %dma_start3A_278 = arith.constant 0 : i32
          %dma_start3A_279 = tpu.memref_slice %arg7[%multiple_of3A_267, %dma_start3A_278] : memref<507904x128xf32, #tpu.memory_space<hbm>> -> memref<8x128xf32, #tpu.memory_space<hbm>>
          %dma_start3A_280 = arith.constant 0 : i32
          %dma_start3A_281 = arith.constant 0 : i32
          %dma_start3A_282 = tpu.memref_slice %arg18[%and3A_269, %add3A_273, %dma_start3A_280, %dma_start3A_281] : memref<2x32x8x128xf32, #tpu.memory_space<vmem>> -> memref<1x1x8x128xf32, #tpu.memory_space<vmem>>
          %dma_start3A_283 = tpu.memref_squeeze %dma_start3A_282 : memref<1x1x8x128xf32, #tpu.memory_space<vmem>> -> memref<8x128xf32, #tpu.memory_space<vmem>>
          %dma_start3A_284 = arith.constant 0 : i32
          %dma_start3A_285 = tpu.memref_slice %arg7[%multiple_of3A_267, %dma_start3A_284] : memref<507904x128xf32, #tpu.memory_space<hbm>> -> memref<8x128xf32, #tpu.memory_space<hbm>>
          tpu.enqueue_dma source(%dma_start3A_285 : memref<8x128xf32, #tpu.memory_space<hbm>>) target(%dma_start3A_283 : memref<8x128xf32, #tpu.memory_space<vmem>>) target_semaphore(%arg24 : memref<!tpu.dma_semaphore, #tpu.memory_space<semaphore_mem>>)
          %slice3A_286 = vector.extract_strided_slice %get3A_54 {offsets = [7], sizes = [1], strides = [1]} : vector<16xi32> to vector<1xi32>
          %squeeze3A_287 = vector.extract %slice3A_286[0] : i32 from vector<1xi32>
          %shift_right_arithmetic3A_288 = arith.constant 14 : i32
          %shift_right_arithmetic3A_289 = arith.shrsi %squeeze3A_287, %shift_right_arithmetic3A_288 : i32
          %shift_left3A_290 = arith.constant 13 : i32
          %shift_left3A_291 = arith.shli %shift_right_arithmetic3A_289, %shift_left3A_290 : i32
          %slice3A_292 = vector.extract_strided_slice %get3A_54 {offsets = [7], sizes = [1], strides = [1]} : vector<16xi32> to vector<1xi32>
          %squeeze3A_293 = vector.extract %slice3A_292[0] : i32 from vector<1xi32>
          %and3A_294 = arith.constant 8191 : i32
          %and3A_295 = arith.andi %squeeze3A_293, %and3A_294 : i32
          %add3A_296 = arith.addi %shift_left3A_291, %and3A_295 : i32
          %shift_right_arithmetic3A_297 = arith.constant 3 : i32
          %shift_right_arithmetic3A_298 = arith.shrsi %add3A_296, %shift_right_arithmetic3A_297 : i32
          %shift_left3A_299 = arith.constant 3 : i32
          %shift_left3A_300 = arith.shli %shift_right_arithmetic3A_298, %shift_left3A_299 : i32
          %multiple_of3A_301 = tpu.assume_multiple %shift_left3A_300, 8 : i32
          %and3A_302 = arith.constant 1 : i32
          %and3A_303 = arith.andi %add3A_41, %and3A_302 : i32
          %mul3A_304 = arith.constant 16 : i32
          %mul3A_305 = arith.muli %scan3A_48, %mul3A_304 : i32
          %add3A_306 = arith.constant 7 : i32
          %add3A_307 = arith.addi %mul3A_305, %add3A_306 : i32
          %dma_start3A_308 = arith.constant 0 : i32
          %dma_start3A_309 = arith.constant 0 : i32
          %dma_start3A_310 = tpu.memref_slice %arg18[%and3A_303, %add3A_307, %dma_start3A_308, %dma_start3A_309] : memref<2x32x8x128xf32, #tpu.memory_space<vmem>> -> memref<1x1x8x128xf32, #tpu.memory_space<vmem>>
          %dma_start3A_311 = tpu.memref_squeeze %dma_start3A_310 : memref<1x1x8x128xf32, #tpu.memory_space<vmem>> -> memref<8x128xf32, #tpu.memory_space<vmem>>
          %dma_start3A_312 = arith.constant 0 : i32
          %dma_start3A_313 = tpu.memref_slice %arg7[%multiple_of3A_301, %dma_start3A_312] : memref<507904x128xf32, #tpu.memory_space<hbm>> -> memref<8x128xf32, #tpu.memory_space<hbm>>
          %dma_start3A_314 = arith.constant 0 : i32
          %dma_start3A_315 = arith.constant 0 : i32
          %dma_start3A_316 = tpu.memref_slice %arg18[%and3A_303, %add3A_307, %dma_start3A_314, %dma_start3A_315] : memref<2x32x8x128xf32, #tpu.memory_space<vmem>> -> memref<1x1x8x128xf32, #tpu.memory_space<vmem>>
          %dma_start3A_317 = tpu.memref_squeeze %dma_start3A_316 : memref<1x1x8x128xf32, #tpu.memory_space<vmem>> -> memref<8x128xf32, #tpu.memory_space<vmem>>
          %dma_start3A_318 = arith.constant 0 : i32
          %dma_start3A_319 = tpu.memref_slice %arg7[%multiple_of3A_301, %dma_start3A_318] : memref<507904x128xf32, #tpu.memory_space<hbm>> -> memref<8x128xf32, #tpu.memory_space<hbm>>
          tpu.enqueue_dma source(%dma_start3A_319 : memref<8x128xf32, #tpu.memory_space<hbm>>) target(%dma_start3A_317 : memref<8x128xf32, #tpu.memory_space<vmem>>) target_semaphore(%arg24 : memref<!tpu.dma_semaphore, #tpu.memory_space<semaphore_mem>>)
          %slice3A_320 = vector.extract_strided_slice %get3A_54 {offsets = [8], sizes = [1], strides = [1]} : vector<16xi32> to vector<1xi32>
          %squeeze3A_321 = vector.extract %slice3A_320[0] : i32 from vector<1xi32>
          %shift_right_arithmetic3A_322 = arith.constant 14 : i32
          %shift_right_arithmetic3A_323 = arith.shrsi %squeeze3A_321, %shift_right_arithmetic3A_322 : i32
          %shift_left3A_324 = arith.constant 13 : i32
          %shift_left3A_325 = arith.shli %shift_right_arithmetic3A_323, %shift_left3A_324 : i32
          %slice3A_326 = vector.extract_strided_slice %get3A_54 {offsets = [8], sizes = [1], strides = [1]} : vector<16xi32> to vector<1xi32>
          %squeeze3A_327 = vector.extract %slice3A_326[0] : i32 from vector<1xi32>
          %and3A_328 = arith.constant 8191 : i32
          %and3A_329 = arith.andi %squeeze3A_327, %and3A_328 : i32
          %add3A_330 = arith.addi %shift_left3A_325, %and3A_329 : i32
          %shift_right_arithmetic3A_331 = arith.constant 3 : i32
          %shift_right_arithmetic3A_332 = arith.shrsi %add3A_330, %shift_right_arithmetic3A_331 : i32
          %shift_left3A_333 = arith.constant 3 : i32
          %shift_left3A_334 = arith.shli %shift_right_arithmetic3A_332, %shift_left3A_333 : i32
          %multiple_of3A_335 = tpu.assume_multiple %shift_left3A_334, 8 : i32
          %and3A_336 = arith.constant 1 : i32
          %and3A_337 = arith.andi %add3A_41, %and3A_336 : i32
          %mul3A_338 = arith.constant 16 : i32
          %mul3A_339 = arith.muli %scan3A_48, %mul3A_338 : i32
          %add3A_340 = arith.constant 8 : i32
          %add3A_341 = arith.addi %mul3A_339, %add3A_340 : i32
          %dma_start3A_342 = arith.constant 0 : i32
          %dma_start3A_343 = arith.constant 0 : i32
          %dma_start3A_344 = tpu.memref_slice %arg18[%and3A_337, %add3A_341, %dma_start3A_342, %dma_start3A_343] : memref<2x32x8x128xf32, #tpu.memory_space<vmem>> -> memref<1x1x8x128xf32, #tpu.memory_space<vmem>>
          %dma_start3A_345 = tpu.memref_squeeze %dma_start3A_344 : memref<1x1x8x128xf32, #tpu.memory_space<vmem>> -> memref<8x128xf32, #tpu.memory_space<vmem>>
          %dma_start3A_346 = arith.constant 0 : i32
          %dma_start3A_347 = tpu.memref_slice %arg7[%multiple_of3A_335, %dma_start3A_346] : memref<507904x128xf32, #tpu.memory_space<hbm>> -> memref<8x128xf32, #tpu.memory_space<hbm>>
          %dma_start3A_348 = arith.constant 0 : i32
          %dma_start3A_349 = arith.constant 0 : i32
          %dma_start3A_350 = tpu.memref_slice %arg18[%and3A_337, %add3A_341, %dma_start3A_348, %dma_start3A_349] : memref<2x32x8x128xf32, #tpu.memory_space<vmem>> -> memref<1x1x8x128xf32, #tpu.memory_space<vmem>>
          %dma_start3A_351 = tpu.memref_squeeze %dma_start3A_350 : memref<1x1x8x128xf32, #tpu.memory_space<vmem>> -> memref<8x128xf32, #tpu.memory_space<vmem>>
          %dma_start3A_352 = arith.constant 0 : i32
          %dma_start3A_353 = tpu.memref_slice %arg7[%multiple_of3A_335, %dma_start3A_352] : memref<507904x128xf32, #tpu.memory_space<hbm>> -> memref<8x128xf32, #tpu.memory_space<hbm>>
          tpu.enqueue_dma source(%dma_start3A_353 : memref<8x128xf32, #tpu.memory_space<hbm>>) target(%dma_start3A_351 : memref<8x128xf32, #tpu.memory_space<vmem>>) target_semaphore(%arg24 : memref<!tpu.dma_semaphore, #tpu.memory_space<semaphore_mem>>)
          %slice3A_354 = vector.extract_strided_slice %get3A_54 {offsets = [9], sizes = [1], strides = [1]} : vector<16xi32> to vector<1xi32>
          %squeeze3A_355 = vector.extract %slice3A_354[0] : i32 from vector<1xi32>
          %shift_right_arithmetic3A_356 = arith.constant 14 : i32
          %shift_right_arithmetic3A_357 = arith.shrsi %squeeze3A_355, %shift_right_arithmetic3A_356 : i32
          %shift_left3A_358 = arith.constant 13 : i32
          %shift_left3A_359 = arith.shli %shift_right_arithmetic3A_357, %shift_left3A_358 : i32
          %slice3A_360 = vector.extract_strided_slice %get3A_54 {offsets = [9], sizes = [1], strides = [1]} : vector<16xi32> to vector<1xi32>
          %squeeze3A_361 = vector.extract %slice3A_360[0] : i32 from vector<1xi32>
          %and3A_362 = arith.constant 8191 : i32
          %and3A_363 = arith.andi %squeeze3A_361, %and3A_362 : i32
          %add3A_364 = arith.addi %shift_left3A_359, %and3A_363 : i32
          %shift_right_arithmetic3A_365 = arith.constant 3 : i32
          %shift_right_arithmetic3A_366 = arith.shrsi %add3A_364, %shift_right_arithmetic3A_365 : i32
          %shift_left3A_367 = arith.constant 3 : i32
          %shift_left3A_368 = arith.shli %shift_right_arithmetic3A_366, %shift_left3A_367 : i32
          %multiple_of3A_369 = tpu.assume_multiple %shift_left3A_368, 8 : i32
          %and3A_370 = arith.constant 1 : i32
          %and3A_371 = arith.andi %add3A_41, %and3A_370 : i32
          %mul3A_372 = arith.constant 16 : i32
          %mul3A_373 = arith.muli %scan3A_48, %mul3A_372 : i32
          %add3A_374 = arith.constant 9 : i32
          %add3A_375 = arith.addi %mul3A_373, %add3A_374 : i32
          %dma_start3A_376 = arith.constant 0 : i32
          %dma_start3A_377 = arith.constant 0 : i32
          %dma_start3A_378 = tpu.memref_slice %arg18[%and3A_371, %add3A_375, %dma_start3A_376, %dma_start3A_377] : memref<2x32x8x128xf32, #tpu.memory_space<vmem>> -> memref<1x1x8x128xf32, #tpu.memory_space<vmem>>
          %dma_start3A_379 = tpu.memref_squeeze %dma_start3A_378 : memref<1x1x8x128xf32, #tpu.memory_space<vmem>> -> memref<8x128xf32, #tpu.memory_space<vmem>>
          %dma_start3A_380 = arith.constant 0 : i32
          %dma_start3A_381 = tpu.memref_slice %arg7[%multiple_of3A_369, %dma_start3A_380] : memref<507904x128xf32, #tpu.memory_space<hbm>> -> memref<8x128xf32, #tpu.memory_space<hbm>>
          %dma_start3A_382 = arith.constant 0 : i32
          %dma_start3A_383 = arith.constant 0 : i32
          %dma_start3A_384 = tpu.memref_slice %arg18[%and3A_371, %add3A_375, %dma_start3A_382, %dma_start3A_383] : memref<2x32x8x128xf32, #tpu.memory_space<vmem>> -> memref<1x1x8x128xf32, #tpu.memory_space<vmem>>
          %dma_start3A_385 = tpu.memref_squeeze %dma_start3A_384 : memref<1x1x8x128xf32, #tpu.memory_space<vmem>> -> memref<8x128xf32, #tpu.memory_space<vmem>>
          %dma_start3A_386 = arith.constant 0 : i32
          %dma_start3A_387 = tpu.memref_slice %arg7[%multiple_of3A_369, %dma_start3A_386] : memref<507904x128xf32, #tpu.memory_space<hbm>> -> memref<8x128xf32, #tpu.memory_space<hbm>>
          tpu.enqueue_dma source(%dma_start3A_387 : memref<8x128xf32, #tpu.memory_space<hbm>>) target(%dma_start3A_385 : memref<8x128xf32, #tpu.memory_space<vmem>>) target_semaphore(%arg24 : memref<!tpu.dma_semaphore, #tpu.memory_space<semaphore_mem>>)
          %slice3A_388 = vector.extract_strided_slice %get3A_54 {offsets = [10], sizes = [1], strides = [1]} : vector<16xi32> to vector<1xi32>
          %squeeze3A_389 = vector.extract %slice3A_388[0] : i32 from vector<1xi32>
          %shift_right_arithmetic3A_390 = arith.constant 14 : i32
          %shift_right_arithmetic3A_391 = arith.shrsi %squeeze3A_389, %shift_right_arithmetic3A_390 : i32
          %shift_left3A_392 = arith.constant 13 : i32
          %shift_left3A_393 = arith.shli %shift_right_arithmetic3A_391, %shift_left3A_392 : i32
          %slice3A_394 = vector.extract_strided_slice %get3A_54 {offsets = [10], sizes = [1], strides = [1]} : vector<16xi32> to vector<1xi32>
          %squeeze3A_395 = vector.extract %slice3A_394[0] : i32 from vector<1xi32>
          %and3A_396 = arith.constant 8191 : i32
          %and3A_397 = arith.andi %squeeze3A_395, %and3A_396 : i32
          %add3A_398 = arith.addi %shift_left3A_393, %and3A_397 : i32
          %shift_right_arithmetic3A_399 = arith.constant 3 : i32
          %shift_right_arithmetic3A_400 = arith.shrsi %add3A_398, %shift_right_arithmetic3A_399 : i32
          %shift_left3A_401 = arith.constant 3 : i32
          %shift_left3A_402 = arith.shli %shift_right_arithmetic3A_400, %shift_left3A_401 : i32
          %multiple_of3A_403 = tpu.assume_multiple %shift_left3A_402, 8 : i32
          %and3A_404 = arith.constant 1 : i32
          %and3A_405 = arith.andi %add3A_41, %and3A_404 : i32
          %mul3A_406 = arith.constant 16 : i32
          %mul3A_407 = arith.muli %scan3A_48, %mul3A_406 : i32
          %add3A_408 = arith.constant 10 : i32
          %add3A_409 = arith.addi %mul3A_407, %add3A_408 : i32
          %dma_start3A_410 = arith.constant 0 : i32
          %dma_start3A_411 = arith.constant 0 : i32
          %dma_start3A_412 = tpu.memref_slice %arg18[%and3A_405, %add3A_409, %dma_start3A_410, %dma_start3A_411] : memref<2x32x8x128xf32, #tpu.memory_space<vmem>> -> memref<1x1x8x128xf32, #tpu.memory_space<vmem>>
          %dma_start3A_413 = tpu.memref_squeeze %dma_start3A_412 : memref<1x1x8x128xf32, #tpu.memory_space<vmem>> -> memref<8x128xf32, #tpu.memory_space<vmem>>
          %dma_start3A_414 = arith.constant 0 : i32
          %dma_start3A_415 = tpu.memref_slice %arg7[%multiple_of3A_403, %dma_start3A_414] : memref<507904x128xf32, #tpu.memory_space<hbm>> -> memref<8x128xf32, #tpu.memory_space<hbm>>
          %dma_start3A_416 = arith.constant 0 : i32
          %dma_start3A_417 = arith.constant 0 : i32
          %dma_start3A_418 = tpu.memref_slice %arg18[%and3A_405, %add3A_409, %dma_start3A_416, %dma_start3A_417] : memref<2x32x8x128xf32, #tpu.memory_space<vmem>> -> memref<1x1x8x128xf32, #tpu.memory_space<vmem>>
          %dma_start3A_419 = tpu.memref_squeeze %dma_start3A_418 : memref<1x1x8x128xf32, #tpu.memory_space<vmem>> -> memref<8x128xf32, #tpu.memory_space<vmem>>
          %dma_start3A_420 = arith.constant 0 : i32
          %dma_start3A_421 = tpu.memref_slice %arg7[%multiple_of3A_403, %dma_start3A_420] : memref<507904x128xf32, #tpu.memory_space<hbm>> -> memref<8x128xf32, #tpu.memory_space<hbm>>
          tpu.enqueue_dma source(%dma_start3A_421 : memref<8x128xf32, #tpu.memory_space<hbm>>) target(%dma_start3A_419 : memref<8x128xf32, #tpu.memory_space<vmem>>) target_semaphore(%arg24 : memref<!tpu.dma_semaphore, #tpu.memory_space<semaphore_mem>>)
          %slice3A_422 = vector.extract_strided_slice %get3A_54 {offsets = [11], sizes = [1], strides = [1]} : vector<16xi32> to vector<1xi32>
          %squeeze3A_423 = vector.extract %slice3A_422[0] : i32 from vector<1xi32>
          %shift_right_arithmetic3A_424 = arith.constant 14 : i32
          %shift_right_arithmetic3A_425 = arith.shrsi %squeeze3A_423, %shift_right_arithmetic3A_424 : i32
          %shift_left3A_426 = arith.constant 13 : i32
          %shift_left3A_427 = arith.shli %shift_right_arithmetic3A_425, %shift_left3A_426 : i32
          %slice3A_428 = vector.extract_strided_slice %get3A_54 {offsets = [11], sizes = [1], strides = [1]} : vector<16xi32> to vector<1xi32>
          %squeeze3A_429 = vector.extract %slice3A_428[0] : i32 from vector<1xi32>
          %and3A_430 = arith.constant 8191 : i32
          %and3A_431 = arith.andi %squeeze3A_429, %and3A_430 : i32
          %add3A_432 = arith.addi %shift_left3A_427, %and3A_431 : i32
          %shift_right_arithmetic3A_433 = arith.constant 3 : i32
          %shift_right_arithmetic3A_434 = arith.shrsi %add3A_432, %shift_right_arithmetic3A_433 : i32
          %shift_left3A_435 = arith.constant 3 : i32
          %shift_left3A_436 = arith.shli %shift_right_arithmetic3A_434, %shift_left3A_435 : i32
          %multiple_of3A_437 = tpu.assume_multiple %shift_left3A_436, 8 : i32
          %and3A_438 = arith.constant 1 : i32
          %and3A_439 = arith.andi %add3A_41, %and3A_438 : i32
          %mul3A_440 = arith.constant 16 : i32
          %mul3A_441 = arith.muli %scan3A_48, %mul3A_440 : i32
          %add3A_442 = arith.constant 11 : i32
          %add3A_443 = arith.addi %mul3A_441, %add3A_442 : i32
          %dma_start3A_444 = arith.constant 0 : i32
          %dma_start3A_445 = arith.constant 0 : i32
          %dma_start3A_446 = tpu.memref_slice %arg18[%and3A_439, %add3A_443, %dma_start3A_444, %dma_start3A_445] : memref<2x32x8x128xf32, #tpu.memory_space<vmem>> -> memref<1x1x8x128xf32, #tpu.memory_space<vmem>>
          %dma_start3A_447 = tpu.memref_squeeze %dma_start3A_446 : memref<1x1x8x128xf32, #tpu.memory_space<vmem>> -> memref<8x128xf32, #tpu.memory_space<vmem>>
          %dma_start3A_448 = arith.constant 0 : i32
          %dma_start3A_449 = tpu.memref_slice %arg7[%multiple_of3A_437, %dma_start3A_448] : memref<507904x128xf32, #tpu.memory_space<hbm>> -> memref<8x128xf32, #tpu.memory_space<hbm>>
          %dma_start3A_450 = arith.constant 0 : i32
          %dma_start3A_451 = arith.constant 0 : i32
          %dma_start3A_452 = tpu.memref_slice %arg18[%and3A_439, %add3A_443, %dma_start3A_450, %dma_start3A_451] : memref<2x32x8x128xf32, #tpu.memory_space<vmem>> -> memref<1x1x8x128xf32, #tpu.memory_space<vmem>>
          %dma_start3A_453 = tpu.memref_squeeze %dma_start3A_452 : memref<1x1x8x128xf32, #tpu.memory_space<vmem>> -> memref<8x128xf32, #tpu.memory_space<vmem>>
          %dma_start3A_454 = arith.constant 0 : i32
          %dma_start3A_455 = tpu.memref_slice %arg7[%multiple_of3A_437, %dma_start3A_454] : memref<507904x128xf32, #tpu.memory_space<hbm>> -> memref<8x128xf32, #tpu.memory_space<hbm>>
          tpu.enqueue_dma source(%dma_start3A_455 : memref<8x128xf32, #tpu.memory_space<hbm>>) target(%dma_start3A_453 : memref<8x128xf32, #tpu.memory_space<vmem>>) target_semaphore(%arg24 : memref<!tpu.dma_semaphore, #tpu.memory_space<semaphore_mem>>)
          %slice3A_456 = vector.extract_strided_slice %get3A_54 {offsets = [12], sizes = [1], strides = [1]} : vector<16xi32> to vector<1xi32>
          %squeeze3A_457 = vector.extract %slice3A_456[0] : i32 from vector<1xi32>
          %shift_right_arithmetic3A_458 = arith.constant 14 : i32
          %shift_right_arithmetic3A_459 = arith.shrsi %squeeze3A_457, %shift_right_arithmetic3A_458 : i32
          %shift_left3A_460 = arith.constant 13 : i32
          %shift_left3A_461 = arith.shli %shift_right_arithmetic3A_459, %shift_left3A_460 : i32
          %slice3A_462 = vector.extract_strided_slice %get3A_54 {offsets = [12], sizes = [1], strides = [1]} : vector<16xi32> to vector<1xi32>
          %squeeze3A_463 = vector.extract %slice3A_462[0] : i32 from vector<1xi32>
          %and3A_464 = arith.constant 8191 : i32
          %and3A_465 = arith.andi %squeeze3A_463, %and3A_464 : i32
          %add3A_466 = arith.addi %shift_left3A_461, %and3A_465 : i32
          %shift_right_arithmetic3A_467 = arith.constant 3 : i32
          %shift_right_arithmetic3A_468 = arith.shrsi %add3A_466, %shift_right_arithmetic3A_467 : i32
          %shift_left3A_469 = arith.constant 3 : i32
          %shift_left3A_470 = arith.shli %shift_right_arithmetic3A_468, %shift_left3A_469 : i32
          %multiple_of3A_471 = tpu.assume_multiple %shift_left3A_470, 8 : i32
          %and3A_472 = arith.constant 1 : i32
          %and3A_473 = arith.andi %add3A_41, %and3A_472 : i32
          %mul3A_474 = arith.constant 16 : i32
          %mul3A_475 = arith.muli %scan3A_48, %mul3A_474 : i32
          %add3A_476 = arith.constant 12 : i32
          %add3A_477 = arith.addi %mul3A_475, %add3A_476 : i32
          %dma_start3A_478 = arith.constant 0 : i32
          %dma_start3A_479 = arith.constant 0 : i32
          %dma_start3A_480 = tpu.memref_slice %arg18[%and3A_473, %add3A_477, %dma_start3A_478, %dma_start3A_479] : memref<2x32x8x128xf32, #tpu.memory_space<vmem>> -> memref<1x1x8x128xf32, #tpu.memory_space<vmem>>
          %dma_start3A_481 = tpu.memref_squeeze %dma_start3A_480 : memref<1x1x8x128xf32, #tpu.memory_space<vmem>> -> memref<8x128xf32, #tpu.memory_space<vmem>>
          %dma_start3A_482 = arith.constant 0 : i32
          %dma_start3A_483 = tpu.memref_slice %arg7[%multiple_of3A_471, %dma_start3A_482] : memref<507904x128xf32, #tpu.memory_space<hbm>> -> memref<8x128xf32, #tpu.memory_space<hbm>>
          %dma_start3A_484 = arith.constant 0 : i32
          %dma_start3A_485 = arith.constant 0 : i32
          %dma_start3A_486 = tpu.memref_slice %arg18[%and3A_473, %add3A_477, %dma_start3A_484, %dma_start3A_485] : memref<2x32x8x128xf32, #tpu.memory_space<vmem>> -> memref<1x1x8x128xf32, #tpu.memory_space<vmem>>
          %dma_start3A_487 = tpu.memref_squeeze %dma_start3A_486 : memref<1x1x8x128xf32, #tpu.memory_space<vmem>> -> memref<8x128xf32, #tpu.memory_space<vmem>>
          %dma_start3A_488 = arith.constant 0 : i32
          %dma_start3A_489 = tpu.memref_slice %arg7[%multiple_of3A_471, %dma_start3A_488] : memref<507904x128xf32, #tpu.memory_space<hbm>> -> memref<8x128xf32, #tpu.memory_space<hbm>>
          tpu.enqueue_dma source(%dma_start3A_489 : memref<8x128xf32, #tpu.memory_space<hbm>>) target(%dma_start3A_487 : memref<8x128xf32, #tpu.memory_space<vmem>>) target_semaphore(%arg24 : memref<!tpu.dma_semaphore, #tpu.memory_space<semaphore_mem>>)
          %slice3A_490 = vector.extract_strided_slice %get3A_54 {offsets = [13], sizes = [1], strides = [1]} : vector<16xi32> to vector<1xi32>
          %squeeze3A_491 = vector.extract %slice3A_490[0] : i32 from vector<1xi32>
          %shift_right_arithmetic3A_492 = arith.constant 14 : i32
          %shift_right_arithmetic3A_493 = arith.shrsi %squeeze3A_491, %shift_right_arithmetic3A_492 : i32
          %shift_left3A_494 = arith.constant 13 : i32
          %shift_left3A_495 = arith.shli %shift_right_arithmetic3A_493, %shift_left3A_494 : i32
          %slice3A_496 = vector.extract_strided_slice %get3A_54 {offsets = [13], sizes = [1], strides = [1]} : vector<16xi32> to vector<1xi32>
          %squeeze3A_497 = vector.extract %slice3A_496[0] : i32 from vector<1xi32>
          %and3A_498 = arith.constant 8191 : i32
          %and3A_499 = arith.andi %squeeze3A_497, %and3A_498 : i32
          %add3A_500 = arith.addi %shift_left3A_495, %and3A_499 : i32
          %shift_right_arithmetic3A_501 = arith.constant 3 : i32
          %shift_right_arithmetic3A_502 = arith.shrsi %add3A_500, %shift_right_arithmetic3A_501 : i32
          %shift_left3A_503 = arith.constant 3 : i32
          %shift_left3A_504 = arith.shli %shift_right_arithmetic3A_502, %shift_left3A_503 : i32
          %multiple_of3A_505 = tpu.assume_multiple %shift_left3A_504, 8 : i32
          %and3A_506 = arith.constant 1 : i32
          %and3A_507 = arith.andi %add3A_41, %and3A_506 : i32
          %mul3A_508 = arith.constant 16 : i32
          %mul3A_509 = arith.muli %scan3A_48, %mul3A_508 : i32
          %add3A_510 = arith.constant 13 : i32
          %add3A_511 = arith.addi %mul3A_509, %add3A_510 : i32
          %dma_start3A_512 = arith.constant 0 : i32
          %dma_start3A_513 = arith.constant 0 : i32
          %dma_start3A_514 = tpu.memref_slice %arg18[%and3A_507, %add3A_511, %dma_start3A_512, %dma_start3A_513] : memref<2x32x8x128xf32, #tpu.memory_space<vmem>> -> memref<1x1x8x128xf32, #tpu.memory_space<vmem>>
          %dma_start3A_515 = tpu.memref_squeeze %dma_start3A_514 : memref<1x1x8x128xf32, #tpu.memory_space<vmem>> -> memref<8x128xf32, #tpu.memory_space<vmem>>
          %dma_start3A_516 = arith.constant 0 : i32
          %dma_start3A_517 = tpu.memref_slice %arg7[%multiple_of3A_505, %dma_start3A_516] : memref<507904x128xf32, #tpu.memory_space<hbm>> -> memref<8x128xf32, #tpu.memory_space<hbm>>
          %dma_start3A_518 = arith.constant 0 : i32
          %dma_start3A_519 = arith.constant 0 : i32
          %dma_start3A_520 = tpu.memref_slice %arg18[%and3A_507, %add3A_511, %dma_start3A_518, %dma_start3A_519] : memref<2x32x8x128xf32, #tpu.memory_space<vmem>> -> memref<1x1x8x128xf32, #tpu.memory_space<vmem>>
          %dma_start3A_521 = tpu.memref_squeeze %dma_start3A_520 : memref<1x1x8x128xf32, #tpu.memory_space<vmem>> -> memref<8x128xf32, #tpu.memory_space<vmem>>
          %dma_start3A_522 = arith.constant 0 : i32
          %dma_start3A_523 = tpu.memref_slice %arg7[%multiple_of3A_505, %dma_start3A_522] : memref<507904x128xf32, #tpu.memory_space<hbm>> -> memref<8x128xf32, #tpu.memory_space<hbm>>
          tpu.enqueue_dma source(%dma_start3A_523 : memref<8x128xf32, #tpu.memory_space<hbm>>) target(%dma_start3A_521 : memref<8x128xf32, #tpu.memory_space<vmem>>) target_semaphore(%arg24 : memref<!tpu.dma_semaphore, #tpu.memory_space<semaphore_mem>>)
          %slice3A_524 = vector.extract_strided_slice %get3A_54 {offsets = [14], sizes = [1], strides = [1]} : vector<16xi32> to vector<1xi32>
          %squeeze3A_525 = vector.extract %slice3A_524[0] : i32 from vector<1xi32>
          %shift_right_arithmetic3A_526 = arith.constant 14 : i32
          %shift_right_arithmetic3A_527 = arith.shrsi %squeeze3A_525, %shift_right_arithmetic3A_526 : i32
          %shift_left3A_528 = arith.constant 13 : i32
          %shift_left3A_529 = arith.shli %shift_right_arithmetic3A_527, %shift_left3A_528 : i32
          %slice3A_530 = vector.extract_strided_slice %get3A_54 {offsets = [14], sizes = [1], strides = [1]} : vector<16xi32> to vector<1xi32>
          %squeeze3A_531 = vector.extract %slice3A_530[0] : i32 from vector<1xi32>
          %and3A_532 = arith.constant 8191 : i32
          %and3A_533 = arith.andi %squeeze3A_531, %and3A_532 : i32
          %add3A_534 = arith.addi %shift_left3A_529, %and3A_533 : i32
          %shift_right_arithmetic3A_535 = arith.constant 3 : i32
          %shift_right_arithmetic3A_536 = arith.shrsi %add3A_534, %shift_right_arithmetic3A_535 : i32
          %shift_left3A_537 = arith.constant 3 : i32
          %shift_left3A_538 = arith.shli %shift_right_arithmetic3A_536, %shift_left3A_537 : i32
          %multiple_of3A_539 = tpu.assume_multiple %shift_left3A_538, 8 : i32
          %and3A_540 = arith.constant 1 : i32
          %and3A_541 = arith.andi %add3A_41, %and3A_540 : i32
          %mul3A_542 = arith.constant 16 : i32
          %mul3A_543 = arith.muli %scan3A_48, %mul3A_542 : i32
          %add3A_544 = arith.constant 14 : i32
          %add3A_545 = arith.addi %mul3A_543, %add3A_544 : i32
          %dma_start3A_546 = arith.constant 0 : i32
          %dma_start3A_547 = arith.constant 0 : i32
          %dma_start3A_548 = tpu.memref_slice %arg18[%and3A_541, %add3A_545, %dma_start3A_546, %dma_start3A_547] : memref<2x32x8x128xf32, #tpu.memory_space<vmem>> -> memref<1x1x8x128xf32, #tpu.memory_space<vmem>>
          %dma_start3A_549 = tpu.memref_squeeze %dma_start3A_548 : memref<1x1x8x128xf32, #tpu.memory_space<vmem>> -> memref<8x128xf32, #tpu.memory_space<vmem>>
          %dma_start3A_550 = arith.constant 0 : i32
          %dma_start3A_551 = tpu.memref_slice %arg7[%multiple_of3A_539, %dma_start3A_550] : memref<507904x128xf32, #tpu.memory_space<hbm>> -> memref<8x128xf32, #tpu.memory_space<hbm>>
          %dma_start3A_552 = arith.constant 0 : i32
          %dma_start3A_553 = arith.constant 0 : i32
          %dma_start3A_554 = tpu.memref_slice %arg18[%and3A_541, %add3A_545, %dma_start3A_552, %dma_start3A_553] : memref<2x32x8x128xf32, #tpu.memory_space<vmem>> -> memref<1x1x8x128xf32, #tpu.memory_space<vmem>>
          %dma_start3A_555 = tpu.memref_squeeze %dma_start3A_554 : memref<1x1x8x128xf32, #tpu.memory_space<vmem>> -> memref<8x128xf32, #tpu.memory_space<vmem>>
          %dma_start3A_556 = arith.constant 0 : i32
          %dma_start3A_557 = tpu.memref_slice %arg7[%multiple_of3A_539, %dma_start3A_556] : memref<507904x128xf32, #tpu.memory_space<hbm>> -> memref<8x128xf32, #tpu.memory_space<hbm>>
          tpu.enqueue_dma source(%dma_start3A_557 : memref<8x128xf32, #tpu.memory_space<hbm>>) target(%dma_start3A_555 : memref<8x128xf32, #tpu.memory_space<vmem>>) target_semaphore(%arg24 : memref<!tpu.dma_semaphore, #tpu.memory_space<semaphore_mem>>)
          %slice3A_558 = vector.extract_strided_slice %get3A_54 {offsets = [15], sizes = [1], strides = [1]} : vector<16xi32> to vector<1xi32>
          %squeeze3A_559 = vector.extract %slice3A_558[0] : i32 from vector<1xi32>
          %shift_right_arithmetic3A_560 = arith.constant 14 : i32
          %shift_right_arithmetic3A_561 = arith.shrsi %squeeze3A_559, %shift_right_arithmetic3A_560 : i32
          %shift_left3A_562 = arith.constant 13 : i32
          %shift_left3A_563 = arith.shli %shift_right_arithmetic3A_561, %shift_left3A_562 : i32
          %slice3A_564 = vector.extract_strided_slice %get3A_54 {offsets = [15], sizes = [1], strides = [1]} : vector<16xi32> to vector<1xi32>
          %squeeze3A_565 = vector.extract %slice3A_564[0] : i32 from vector<1xi32>
          %and3A_566 = arith.constant 8191 : i32
          %and3A_567 = arith.andi %squeeze3A_565, %and3A_566 : i32
          %add3A_568 = arith.addi %shift_left3A_563, %and3A_567 : i32
          %shift_right_arithmetic3A_569 = arith.constant 3 : i32
          %shift_right_arithmetic3A_570 = arith.shrsi %add3A_568, %shift_right_arithmetic3A_569 : i32
          %shift_left3A_571 = arith.constant 3 : i32
          %shift_left3A_572 = arith.shli %shift_right_arithmetic3A_570, %shift_left3A_571 : i32
          %multiple_of3A_573 = tpu.assume_multiple %shift_left3A_572, 8 : i32
          %and3A_574 = arith.constant 1 : i32
          %and3A_575 = arith.andi %add3A_41, %and3A_574 : i32
          %mul3A_576 = arith.constant 16 : i32
          %mul3A_577 = arith.muli %scan3A_48, %mul3A_576 : i32
          %add3A_578 = arith.constant 15 : i32
          %add3A_579 = arith.addi %mul3A_577, %add3A_578 : i32
          %dma_start3A_580 = arith.constant 0 : i32
          %dma_start3A_581 = arith.constant 0 : i32
          %dma_start3A_582 = tpu.memref_slice %arg18[%and3A_575, %add3A_579, %dma_start3A_580, %dma_start3A_581] : memref<2x32x8x128xf32, #tpu.memory_space<vmem>> -> memref<1x1x8x128xf32, #tpu.memory_space<vmem>>
          %dma_start3A_583 = tpu.memref_squeeze %dma_start3A_582 : memref<1x1x8x128xf32, #tpu.memory_space<vmem>> -> memref<8x128xf32, #tpu.memory_space<vmem>>
          %dma_start3A_584 = arith.constant 0 : i32
          %dma_start3A_585 = tpu.memref_slice %arg7[%multiple_of3A_573, %dma_start3A_584] : memref<507904x128xf32, #tpu.memory_space<hbm>> -> memref<8x128xf32, #tpu.memory_space<hbm>>
          %dma_start3A_586 = arith.constant 0 : i32
          %dma_start3A_587 = arith.constant 0 : i32
          %dma_start3A_588 = tpu.memref_slice %arg18[%and3A_575, %add3A_579, %dma_start3A_586, %dma_start3A_587] : memref<2x32x8x128xf32, #tpu.memory_space<vmem>> -> memref<1x1x8x128xf32, #tpu.memory_space<vmem>>
          %dma_start3A_589 = tpu.memref_squeeze %dma_start3A_588 : memref<1x1x8x128xf32, #tpu.memory_space<vmem>> -> memref<8x128xf32, #tpu.memory_space<vmem>>
          %dma_start3A_590 = arith.constant 0 : i32
          %dma_start3A_591 = tpu.memref_slice %arg7[%multiple_of3A_573, %dma_start3A_590] : memref<507904x128xf32, #tpu.memory_space<hbm>> -> memref<8x128xf32, #tpu.memory_space<hbm>>
          tpu.enqueue_dma source(%dma_start3A_591 : memref<8x128xf32, #tpu.memory_space<hbm>>) target(%dma_start3A_589 : memref<8x128xf32, #tpu.memory_space<vmem>>) target_semaphore(%arg24 : memref<!tpu.dma_semaphore, #tpu.memory_space<semaphore_mem>>)
        }
        %scan3A_47 = arith.constant 2 : i32
      } else {
      }
      %scan3A_25 = arith.constant 0 : i32
      %scan3A_26 = arith.constant 0 : i32
      %scan3A_27 = arith.constant 32 : i32
      %scan3A_28 = arith.addi %scan3A_26, %scan3A_27 : i32
      %scan3A_29 = arith.constant 1 : i32
      scf.for %scan3A_40 = %scan3A_26 to %scan3A_28 step %scan3A_29  : i32 {
        %and3A = arith.constant 1 : i32
        %and3A_41 = arith.andi %scan3A_20, %and3A : i32
        %dma_wait3A = arith.constant 0 : i32
        %dma_wait3A_42 = arith.constant 0 : i32
        %dma_wait3A_43 = tpu.memref_slice %arg18[%and3A_41, %scan3A_40, %dma_wait3A, %dma_wait3A_42] : memref<2x32x8x128xf32, #tpu.memory_space<vmem>> -> memref<1x1x8x128xf32, #tpu.memory_space<vmem>>
        %dma_wait3A_44 = tpu.memref_squeeze %dma_wait3A_43 : memref<1x1x8x128xf32, #tpu.memory_space<vmem>> -> memref<8x128xf32, #tpu.memory_space<vmem>>
        %dma_wait3A_45 = arith.constant 0 : i32
        %dma_wait3A_46 = arith.constant 0 : i32
        %dma_wait3A_47 = tpu.memref_slice %arg7[%dma_wait3A_45, %dma_wait3A_46] : memref<507904x128xf32, #tpu.memory_space<hbm>> -> memref<8x128xf32, #tpu.memory_space<hbm>>
        %dma_wait3A_48 = arith.constant 0 : i32
        %dma_wait3A_49 = arith.constant 0 : i32
        %dma_wait3A_50 = tpu.memref_slice %arg18[%and3A_41, %scan3A_40, %dma_wait3A_48, %dma_wait3A_49] : memref<2x32x8x128xf32, #tpu.memory_space<vmem>> -> memref<1x1x8x128xf32, #tpu.memory_space<vmem>>
        %dma_wait3A_51 = tpu.memref_squeeze %dma_wait3A_50 : memref<1x1x8x128xf32, #tpu.memory_space<vmem>> -> memref<8x128xf32, #tpu.memory_space<vmem>>
        %dma_wait3A_52 = arith.constant 0 : i32
        %dma_wait3A_53 = arith.constant 0 : i32
        %dma_wait3A_54 = tpu.memref_slice %arg7[%dma_wait3A_52, %dma_wait3A_53] : memref<507904x128xf32, #tpu.memory_space<hbm>> -> memref<8x128xf32, #tpu.memory_space<hbm>>
        tpu.wait_dma2 semaphore(%arg24 : memref<!tpu.dma_semaphore, #tpu.memory_space<semaphore_mem>>) src(%dma_wait3A_54 : memref<8x128xf32, #tpu.memory_space<hbm>>) dst(%dma_wait3A_51 : memref<8x128xf32, #tpu.memory_space<vmem>>)
      }
      %scan3A_30 = arith.constant 32 : i32
      %scan3A_31 = arith.constant 0 : i32
      %scan3A_32 = arith.constant 0 : i32
      %scan3A_33 = arith.constant 2 : i32
      %scan3A_34 = arith.addi %scan3A_32, %scan3A_33 : i32
      %scan3A_35 = arith.constant 1 : i32
      scf.for %scan3A_40 = %scan3A_32 to %scan3A_34 step %scan3A_35  : i32 {
        %mul3A_41 = arith.constant 32 : i32
        %mul3A_42 = arith.muli %scan3A_20, %mul3A_41 : i32
        %mul3A_43 = arith.constant 16 : i32
        %mul3A_44 = arith.muli %scan3A_40, %mul3A_43 : i32
        %add3A_45 = arith.addi %mul3A_42, %mul3A_44 : i32
        %get3A = arith.index_cast %add3A_45 : i32 to index
        %get3A_46 = tpu.vector_load %arg13[%get3A] {strides = array<i32>} : memref<512xi32, #tpu.memory_space<vmem>>, vector<16xi32>,
        %slice3A = vector.extract_strided_slice %get3A_46 {offsets = [0], sizes = [1], strides = [1]} : vector<16xi32> to vector<1xi32>
        %squeeze3A = vector.extract %slice3A[0] : i32 from vector<1xi32>
        %and3A = arith.constant 7 : i32
        %and3A_47 = arith.andi %squeeze3A, %and3A : i32
        %slice3A_48 = vector.extract_strided_slice %get3A_46 {offsets = [0], sizes = [1], strides = [1]} : vector<16xi32> to vector<1xi32>
        %squeeze3A_49 = vector.extract %slice3A_48[0] : i32 from vector<1xi32>
        %shift_right_arithmetic3A = arith.constant 13 : i32
        %shift_right_arithmetic3A_50 = arith.shrsi %squeeze3A_49, %shift_right_arithmetic3A : i32
        %and3A_51 = arith.constant 1 : i32
        %and3A_52 = arith.andi %shift_right_arithmetic3A_50, %and3A_51 : i32
        %mul3A_53 = arith.constant 64 : i32
        %mul3A_54 = arith.muli %and3A_52, %mul3A_53 : i32
        %and3A_55 = arith.constant 1 : i32
        %and3A_56 = arith.andi %scan3A_20, %and3A_55 : i32
        %mul3A_57 = arith.constant 16 : i32
        %mul3A_58 = arith.muli %scan3A_40, %mul3A_57 : i32
        %add3A_59 = arith.constant 0 : i32
        %add3A_60 = arith.addi %mul3A_58, %add3A_59 : i32
        %add3A_61 = arith.constant 0 : i32
        %add3A_62 = arith.addi %mul3A_54, %add3A_61 : i32
        %get3A_63 = arith.index_cast %and3A_56 : i32 to index
        %get3A_64 = arith.index_cast %add3A_60 : i32 to index
        %get3A_65 = arith.index_cast %and3A_47 : i32 to index
        %get3A_66 = arith.index_cast %add3A_62 : i32 to index
        %get3A_67 = tpu.vector_load %arg18[%get3A_63, %get3A_64, %get3A_65, %get3A_66] {strides = array<i32>} : memref<2x32x8x128xf32, #tpu.memory_space<vmem>>, vector<16xf32>,
        %mul3A_68 = arith.constant 16 : i32
        %mul3A_69 = arith.muli %scan3A_40, %mul3A_68 : i32
        %add3A_70 = arith.constant 0 : i32
        %add3A_71 = arith.addi %mul3A_69, %add3A_70 : i32
        %swap3A = arith.index_cast %add3A_71 : i32 to index
        %swap3A_72 = arith.constant 0 : index
        %swap3A_73 = tpu.vector_load %arg19[%swap3A, %swap3A_72] {strides = array<i32>} : memref<32x64xf32, #tpu.memory_space<vmem>>, vector<16xf32>,
        tpu.vector_store %arg19[%swap3A, %swap3A_72], %get3A_67 {strides = array<i32>} : memref<32x64xf32, #tpu.memory_space<vmem>>, vector<16xf32>,
        %and3A_74 = arith.constant 1 : i32
        %and3A_75 = arith.andi %scan3A_20, %and3A_74 : i32
        %mul3A_76 = arith.constant 16 : i32
        %mul3A_77 = arith.muli %scan3A_40, %mul3A_76 : i32
        %add3A_78 = arith.constant 0 : i32
        %add3A_79 = arith.addi %mul3A_77, %add3A_78 : i32
        %add3A_80 = arith.constant 16 : i32
        %add3A_81 = arith.addi %mul3A_54, %add3A_80 : i32
        %get3A_82 = arith.index_cast %and3A_75 : i32 to index
        %get3A_83 = arith.index_cast %add3A_79 : i32 to index
        %get3A_84 = arith.index_cast %and3A_47 : i32 to index
        %get3A_85 = arith.index_cast %add3A_81 : i32 to index
        %get3A_86 = tpu.vector_load %arg18[%get3A_82, %get3A_83, %get3A_84, %get3A_85] {strides = array<i32>} : memref<2x32x8x128xf32, #tpu.memory_space<vmem>>, vector<16xf32>,
        %mul3A_87 = arith.constant 16 : i32
        %mul3A_88 = arith.muli %scan3A_40, %mul3A_87 : i32
        %add3A_89 = arith.constant 0 : i32
        %add3A_90 = arith.addi %mul3A_88, %add3A_89 : i32
        %swap3A_91 = arith.index_cast %add3A_90 : i32 to index
        %swap3A_92 = arith.constant 16 : index
        %swap3A_93 = tpu.vector_load %arg19[%swap3A_91, %swap3A_92] {strides = array<i32>} : memref<32x64xf32, #tpu.memory_space<vmem>>, vector<16xf32>,
        tpu.vector_store %arg19[%swap3A_91, %swap3A_92], %get3A_86 {strides = array<i32>} : memref<32x64xf32, #tpu.memory_space<vmem>>, vector<16xf32>,
        %and3A_94 = arith.constant 1 : i32
        %and3A_95 = arith.andi %scan3A_20, %and3A_94 : i32
        %mul3A_96 = arith.constant 16 : i32
        %mul3A_97 = arith.muli %scan3A_40, %mul3A_96 : i32
        %add3A_98 = arith.constant 0 : i32
        %add3A_99 = arith.addi %mul3A_97, %add3A_98 : i32
        %add3A_100 = arith.constant 32 : i32
        %add3A_101 = arith.addi %mul3A_54, %add3A_100 : i32
        %get3A_102 = arith.index_cast %and3A_95 : i32 to index
        %get3A_103 = arith.index_cast %add3A_99 : i32 to index
        %get3A_104 = arith.index_cast %and3A_47 : i32 to index
        %get3A_105 = arith.index_cast %add3A_101 : i32 to index
        %get3A_106 = tpu.vector_load %arg18[%get3A_102, %get3A_103, %get3A_104, %get3A_105] {strides = array<i32>} : memref<2x32x8x128xf32, #tpu.memory_space<vmem>>, vector<16xf32>,
        %mul3A_107 = arith.constant 16 : i32
        %mul3A_108 = arith.muli %scan3A_40, %mul3A_107 : i32
        %add3A_109 = arith.constant 0 : i32
        %add3A_110 = arith.addi %mul3A_108, %add3A_109 : i32
        %swap3A_111 = arith.index_cast %add3A_110 : i32 to index
        %swap3A_112 = arith.constant 32 : index
        %swap3A_113 = tpu.vector_load %arg19[%swap3A_111, %swap3A_112] {strides = array<i32>} : memref<32x64xf32, #tpu.memory_space<vmem>>, vector<16xf32>,
        tpu.vector_store %arg19[%swap3A_111, %swap3A_112], %get3A_106 {strides = array<i32>} : memref<32x64xf32, #tpu.memory_space<vmem>>, vector<16xf32>,
        %and3A_114 = arith.constant 1 : i32
        %and3A_115 = arith.andi %scan3A_20, %and3A_114 : i32
        %mul3A_116 = arith.constant 16 : i32
        %mul3A_117 = arith.muli %scan3A_40, %mul3A_116 : i32
        %add3A_118 = arith.constant 0 : i32
        %add3A_119 = arith.addi %mul3A_117, %add3A_118 : i32
        %add3A_120 = arith.constant 48 : i32
        %add3A_121 = arith.addi %mul3A_54, %add3A_120 : i32
        %get3A_122 = arith.index_cast %and3A_115 : i32 to index
        %get3A_123 = arith.index_cast %add3A_119 : i32 to index
        %get3A_124 = arith.index_cast %and3A_47 : i32 to index
        %get3A_125 = arith.index_cast %add3A_121 : i32 to index
        %get3A_126 = tpu.vector_load %arg18[%get3A_122, %get3A_123, %get3A_124, %get3A_125] {strides = array<i32>} : memref<2x32x8x128xf32, #tpu.memory_space<vmem>>, vector<16xf32>,
        %mul3A_127 = arith.constant 16 : i32
        %mul3A_128 = arith.muli %scan3A_40, %mul3A_127 : i32
        %add3A_129 = arith.constant 0 : i32
        %add3A_130 = arith.addi %mul3A_128, %add3A_129 : i32
        %swap3A_131 = arith.index_cast %add3A_130 : i32 to index
        %swap3A_132 = arith.constant 48 : index
        %swap3A_133 = tpu.vector_load %arg19[%swap3A_131, %swap3A_132] {strides = array<i32>} : memref<32x64xf32, #tpu.memory_space<vmem>>, vector<16xf32>,
        tpu.vector_store %arg19[%swap3A_131, %swap3A_132], %get3A_126 {strides = array<i32>} : memref<32x64xf32, #tpu.memory_space<vmem>>, vector<16xf32>,
        %slice3A_134 = vector.extract_strided_slice %get3A_46 {offsets = [1], sizes = [1], strides = [1]} : vector<16xi32> to vector<1xi32>
        %squeeze3A_135 = vector.extract %slice3A_134[0] : i32 from vector<1xi32>
        %and3A_136 = arith.constant 7 : i32
        %and3A_137 = arith.andi %squeeze3A_135, %and3A_136 : i32
        %slice3A_138 = vector.extract_strided_slice %get3A_46 {offsets = [1], sizes = [1], strides = [1]} : vector<16xi32> to vector<1xi32>
        %squeeze3A_139 = vector.extract %slice3A_138[0] : i32 from vector<1xi32>
        %shift_right_arithmetic3A_140 = arith.constant 13 : i32
        %shift_right_arithmetic3A_141 = arith.shrsi %squeeze3A_139, %shift_right_arithmetic3A_140 : i32
        %and3A_142 = arith.constant 1 : i32
        %and3A_143 = arith.andi %shift_right_arithmetic3A_141, %and3A_142 : i32
        %mul3A_144 = arith.constant 64 : i32
        %mul3A_145 = arith.muli %and3A_143, %mul3A_144 : i32
        %and3A_146 = arith.constant 1 : i32
        %and3A_147 = arith.andi %scan3A_20, %and3A_146 : i32
        %mul3A_148 = arith.constant 16 : i32
        %mul3A_149 = arith.muli %scan3A_40, %mul3A_148 : i32
        %add3A_150 = arith.constant 1 : i32
        %add3A_151 = arith.addi %mul3A_149, %add3A_150 : i32
        %add3A_152 = arith.constant 0 : i32
        %add3A_153 = arith.addi %mul3A_145, %add3A_152 : i32
        %get3A_154 = arith.index_cast %and3A_147 : i32 to index
        %get3A_155 = arith.index_cast %add3A_151 : i32 to index
        %get3A_156 = arith.index_cast %and3A_137 : i32 to index
        %get3A_157 = arith.index_cast %add3A_153 : i32 to index
        %get3A_158 = tpu.vector_load %arg18[%get3A_154, %get3A_155, %get3A_156, %get3A_157] {strides = array<i32>} : memref<2x32x8x128xf32, #tpu.memory_space<vmem>>, vector<16xf32>,
        %mul3A_159 = arith.constant 16 : i32
        %mul3A_160 = arith.muli %scan3A_40, %mul3A_159 : i32
        %add3A_161 = arith.constant 1 : i32
        %add3A_162 = arith.addi %mul3A_160, %add3A_161 : i32
        %swap3A_163 = arith.index_cast %add3A_162 : i32 to index
        %swap3A_164 = arith.constant 0 : index
        %swap3A_165 = tpu.vector_load %arg19[%swap3A_163, %swap3A_164] {strides = array<i32>} : memref<32x64xf32, #tpu.memory_space<vmem>>, vector<16xf32>,
        tpu.vector_store %arg19[%swap3A_163, %swap3A_164], %get3A_158 {strides = array<i32>} : memref<32x64xf32, #tpu.memory_space<vmem>>, vector<16xf32>,
        %and3A_166 = arith.constant 1 : i32
        %and3A_167 = arith.andi %scan3A_20, %and3A_166 : i32
        %mul3A_168 = arith.constant 16 : i32
        %mul3A_169 = arith.muli %scan3A_40, %mul3A_168 : i32
        %add3A_170 = arith.constant 1 : i32
        %add3A_171 = arith.addi %mul3A_169, %add3A_170 : i32
        %add3A_172 = arith.constant 16 : i32
        %add3A_173 = arith.addi %mul3A_145, %add3A_172 : i32
        %get3A_174 = arith.index_cast %and3A_167 : i32 to index
        %get3A_175 = arith.index_cast %add3A_171 : i32 to index
        %get3A_176 = arith.index_cast %and3A_137 : i32 to index
        %get3A_177 = arith.index_cast %add3A_173 : i32 to index
        %get3A_178 = tpu.vector_load %arg18[%get3A_174, %get3A_175, %get3A_176, %get3A_177] {strides = array<i32>} : memref<2x32x8x128xf32, #tpu.memory_space<vmem>>, vector<16xf32>,
        %mul3A_179 = arith.constant 16 : i32
        %mul3A_180 = arith.muli %scan3A_40, %mul3A_179 : i32
        %add3A_181 = arith.constant 1 : i32
        %add3A_182 = arith.addi %mul3A_180, %add3A_181 : i32
        %swap3A_183 = arith.index_cast %add3A_182 : i32 to index
        %swap3A_184 = arith.constant 16 : index
        %swap3A_185 = tpu.vector_load %arg19[%swap3A_183, %swap3A_184] {strides = array<i32>} : memref<32x64xf32, #tpu.memory_space<vmem>>, vector<16xf32>,
        tpu.vector_store %arg19[%swap3A_183, %swap3A_184], %get3A_178 {strides = array<i32>} : memref<32x64xf32, #tpu.memory_space<vmem>>, vector<16xf32>,
        %and3A_186 = arith.constant 1 : i32
        %and3A_187 = arith.andi %scan3A_20, %and3A_186 : i32
        %mul3A_188 = arith.constant 16 : i32
        %mul3A_189 = arith.muli %scan3A_40, %mul3A_188 : i32
        %add3A_190 = arith.constant 1 : i32
        %add3A_191 = arith.addi %mul3A_189, %add3A_190 : i32
        %add3A_192 = arith.constant 32 : i32
        %add3A_193 = arith.addi %mul3A_145, %add3A_192 : i32
        %get3A_194 = arith.index_cast %and3A_187 : i32 to index
        %get3A_195 = arith.index_cast %add3A_191 : i32 to index
        %get3A_196 = arith.index_cast %and3A_137 : i32 to index
        %get3A_197 = arith.index_cast %add3A_193 : i32 to index
        %get3A_198 = tpu.vector_load %arg18[%get3A_194, %get3A_195, %get3A_196, %get3A_197] {strides = array<i32>} : memref<2x32x8x128xf32, #tpu.memory_space<vmem>>, vector<16xf32>,
        %mul3A_199 = arith.constant 16 : i32
        %mul3A_200 = arith.muli %scan3A_40, %mul3A_199 : i32
        %add3A_201 = arith.constant 1 : i32
        %add3A_202 = arith.addi %mul3A_200, %add3A_201 : i32
        %swap3A_203 = arith.index_cast %add3A_202 : i32 to index
        %swap3A_204 = arith.constant 32 : index
        %swap3A_205 = tpu.vector_load %arg19[%swap3A_203, %swap3A_204] {strides = array<i32>} : memref<32x64xf32, #tpu.memory_space<vmem>>, vector<16xf32>,
        tpu.vector_store %arg19[%swap3A_203, %swap3A_204], %get3A_198 {strides = array<i32>} : memref<32x64xf32, #tpu.memory_space<vmem>>, vector<16xf32>,
        %and3A_206 = arith.constant 1 : i32
        %and3A_207 = arith.andi %scan3A_20, %and3A_206 : i32
        %mul3A_208 = arith.constant 16 : i32
        %mul3A_209 = arith.muli %scan3A_40, %mul3A_208 : i32
        %add3A_210 = arith.constant 1 : i32
        %add3A_211 = arith.addi %mul3A_209, %add3A_210 : i32
        %add3A_212 = arith.constant 48 : i32
        %add3A_213 = arith.addi %mul3A_145, %add3A_212 : i32
        %get3A_214 = arith.index_cast %and3A_207 : i32 to index
        %get3A_215 = arith.index_cast %add3A_211 : i32 to index
        %get3A_216 = arith.index_cast %and3A_137 : i32 to index
        %get3A_217 = arith.index_cast %add3A_213 : i32 to index
        %get3A_218 = tpu.vector_load %arg18[%get3A_214, %get3A_215, %get3A_216, %get3A_217] {strides = array<i32>} : memref<2x32x8x128xf32, #tpu.memory_space<vmem>>, vector<16xf32>,
        %mul3A_219 = arith.constant 16 : i32
        %mul3A_220 = arith.muli %scan3A_40, %mul3A_219 : i32
        %add3A_221 = arith.constant 1 : i32
        %add3A_222 = arith.addi %mul3A_220, %add3A_221 : i32
        %swap3A_223 = arith.index_cast %add3A_222 : i32 to index
        %swap3A_224 = arith.constant 48 : index
        %swap3A_225 = tpu.vector_load %arg19[%swap3A_223, %swap3A_224] {strides = array<i32>} : memref<32x64xf32, #tpu.memory_space<vmem>>, vector<16xf32>,
        tpu.vector_store %arg19[%swap3A_223, %swap3A_224], %get3A_218 {strides = array<i32>} : memref<32x64xf32, #tpu.memory_space<vmem>>, vector<16xf32>,
        %slice3A_226 = vector.extract_strided_slice %get3A_46 {offsets = [2], sizes = [1], strides = [1]} : vector<16xi32> to vector<1xi32>
        %squeeze3A_227 = vector.extract %slice3A_226[0] : i32 from vector<1xi32>
        %and3A_228 = arith.constant 7 : i32
        %and3A_229 = arith.andi %squeeze3A_227, %and3A_228 : i32
        %slice3A_230 = vector.extract_strided_slice %get3A_46 {offsets = [2], sizes = [1], strides = [1]} : vector<16xi32> to vector<1xi32>
        %squeeze3A_231 = vector.extract %slice3A_230[0] : i32 from vector<1xi32>
        %shift_right_arithmetic3A_232 = arith.constant 13 : i32
        %shift_right_arithmetic3A_233 = arith.shrsi %squeeze3A_231, %shift_right_arithmetic3A_232 : i32
        %and3A_234 = arith.constant 1 : i32
        %and3A_235 = arith.andi %shift_right_arithmetic3A_233, %and3A_234 : i32
        %mul3A_236 = arith.constant 64 : i32
        %mul3A_237 = arith.muli %and3A_235, %mul3A_236 : i32
        %and3A_238 = arith.constant 1 : i32
        %and3A_239 = arith.andi %scan3A_20, %and3A_238 : i32
        %mul3A_240 = arith.constant 16 : i32
        %mul3A_241 = arith.muli %scan3A_40, %mul3A_240 : i32
        %add3A_242 = arith.constant 2 : i32
        %add3A_243 = arith.addi %mul3A_241, %add3A_242 : i32
        %add3A_244 = arith.constant 0 : i32
        %add3A_245 = arith.addi %mul3A_237, %add3A_244 : i32
        %get3A_246 = arith.index_cast %and3A_239 : i32 to index
        %get3A_247 = arith.index_cast %add3A_243 : i32 to index
        %get3A_248 = arith.index_cast %and3A_229 : i32 to index
        %get3A_249 = arith.index_cast %add3A_245 : i32 to index
        %get3A_250 = tpu.vector_load %arg18[%get3A_246, %get3A_247, %get3A_248, %get3A_249] {strides = array<i32>} : memref<2x32x8x128xf32, #tpu.memory_space<vmem>>, vector<16xf32>,
        %mul3A_251 = arith.constant 16 : i32
        %mul3A_252 = arith.muli %scan3A_40, %mul3A_251 : i32
        %add3A_253 = arith.constant 2 : i32
        %add3A_254 = arith.addi %mul3A_252, %add3A_253 : i32
        %swap3A_255 = arith.index_cast %add3A_254 : i32 to index
        %swap3A_256 = arith.constant 0 : index
        %swap3A_257 = tpu.vector_load %arg19[%swap3A_255, %swap3A_256] {strides = array<i32>} : memref<32x64xf32, #tpu.memory_space<vmem>>, vector<16xf32>,
        tpu.vector_store %arg19[%swap3A_255, %swap3A_256], %get3A_250 {strides = array<i32>} : memref<32x64xf32, #tpu.memory_space<vmem>>, vector<16xf32>,
        %and3A_258 = arith.constant 1 : i32
        %and3A_259 = arith.andi %scan3A_20, %and3A_258 : i32
        %mul3A_260 = arith.constant 16 : i32
        %mul3A_261 = arith.muli %scan3A_40, %mul3A_260 : i32
        %add3A_262 = arith.constant 2 : i32
        %add3A_263 = arith.addi %mul3A_261, %add3A_262 : i32
        %add3A_264 = arith.constant 16 : i32
        %add3A_265 = arith.addi %mul3A_237, %add3A_264 : i32
        %get3A_266 = arith.index_cast %and3A_259 : i32 to index
        %get3A_267 = arith.index_cast %add3A_263 : i32 to index
        %get3A_268 = arith.index_cast %and3A_229 : i32 to index
        %get3A_269 = arith.index_cast %add3A_265 : i32 to index
        %get3A_270 = tpu.vector_load %arg18[%get3A_266, %get3A_267, %get3A_268, %get3A_269] {strides = array<i32>} : memref<2x32x8x128xf32, #tpu.memory_space<vmem>>, vector<16xf32>,
        %mul3A_271 = arith.constant 16 : i32
        %mul3A_272 = arith.muli %scan3A_40, %mul3A_271 : i32
        %add3A_273 = arith.constant 2 : i32
        %add3A_274 = arith.addi %mul3A_272, %add3A_273 : i32
        %swap3A_275 = arith.index_cast %add3A_274 : i32 to index
        %swap3A_276 = arith.constant 16 : index
        %swap3A_277 = tpu.vector_load %arg19[%swap3A_275, %swap3A_276] {strides = array<i32>} : memref<32x64xf32, #tpu.memory_space<vmem>>, vector<16xf32>,
        tpu.vector_store %arg19[%swap3A_275, %swap3A_276], %get3A_270 {strides = array<i32>} : memref<32x64xf32, #tpu.memory_space<vmem>>, vector<16xf32>,
        %and3A_278 = arith.constant 1 : i32
        %and3A_279 = arith.andi %scan3A_20, %and3A_278 : i32
        %mul3A_280 = arith.constant 16 : i32
        %mul3A_281 = arith.muli %scan3A_40, %mul3A_280 : i32
        %add3A_282 = arith.constant 2 : i32
        %add3A_283 = arith.addi %mul3A_281, %add3A_282 : i32
        %add3A_284 = arith.constant 32 : i32
        %add3A_285 = arith.addi %mul3A_237, %add3A_284 : i32
        %get3A_286 = arith.index_cast %and3A_279 : i32 to index
        %get3A_287 = arith.index_cast %add3A_283 : i32 to index
        %get3A_288 = arith.index_cast %and3A_229 : i32 to index
        %get3A_289 = arith.index_cast %add3A_285 : i32 to index
        %get3A_290 = tpu.vector_load %arg18[%get3A_286, %get3A_287, %get3A_288, %get3A_289] {strides = array<i32>} : memref<2x32x8x128xf32, #tpu.memory_space<vmem>>, vector<16xf32>,
        %mul3A_291 = arith.constant 16 : i32
        %mul3A_292 = arith.muli %scan3A_40, %mul3A_291 : i32
        %add3A_293 = arith.constant 2 : i32
        %add3A_294 = arith.addi %mul3A_292, %add3A_293 : i32
        %swap3A_295 = arith.index_cast %add3A_294 : i32 to index
        %swap3A_296 = arith.constant 32 : index
        %swap3A_297 = tpu.vector_load %arg19[%swap3A_295, %swap3A_296] {strides = array<i32>} : memref<32x64xf32, #tpu.memory_space<vmem>>, vector<16xf32>,
        tpu.vector_store %arg19[%swap3A_295, %swap3A_296], %get3A_290 {strides = array<i32>} : memref<32x64xf32, #tpu.memory_space<vmem>>, vector<16xf32>,
        %and3A_298 = arith.constant 1 : i32
        %and3A_299 = arith.andi %scan3A_20, %and3A_298 : i32
        %mul3A_300 = arith.constant 16 : i32
        %mul3A_301 = arith.muli %scan3A_40, %mul3A_300 : i32
        %add3A_302 = arith.constant 2 : i32
        %add3A_303 = arith.addi %mul3A_301, %add3A_302 : i32
        %add3A_304 = arith.constant 48 : i32
        %add3A_305 = arith.addi %mul3A_237, %add3A_304 : i32
        %get3A_306 = arith.index_cast %and3A_299 : i32 to index
        %get3A_307 = arith.index_cast %add3A_303 : i32 to index
        %get3A_308 = arith.index_cast %and3A_229 : i32 to index
        %get3A_309 = arith.index_cast %add3A_305 : i32 to index
        %get3A_310 = tpu.vector_load %arg18[%get3A_306, %get3A_307, %get3A_308, %get3A_309] {strides = array<i32>} : memref<2x32x8x128xf32, #tpu.memory_space<vmem>>, vector<16xf32>,
        %mul3A_311 = arith.constant 16 : i32
        %mul3A_312 = arith.muli %scan3A_40, %mul3A_311 : i32
        %add3A_313 = arith.constant 2 : i32
        %add3A_314 = arith.addi %mul3A_312, %add3A_313 : i32
        %swap3A_315 = arith.index_cast %add3A_314 : i32 to index
        %swap3A_316 = arith.constant 48 : index
        %swap3A_317 = tpu.vector_load %arg19[%swap3A_315, %swap3A_316] {strides = array<i32>} : memref<32x64xf32, #tpu.memory_space<vmem>>, vector<16xf32>,
        tpu.vector_store %arg19[%swap3A_315, %swap3A_316], %get3A_310 {strides = array<i32>} : memref<32x64xf32, #tpu.memory_space<vmem>>, vector<16xf32>,
        %slice3A_318 = vector.extract_strided_slice %get3A_46 {offsets = [3], sizes = [1], strides = [1]} : vector<16xi32> to vector<1xi32>
        %squeeze3A_319 = vector.extract %slice3A_318[0] : i32 from vector<1xi32>
        %and3A_320 = arith.constant 7 : i32
        %and3A_321 = arith.andi %squeeze3A_319, %and3A_320 : i32
        %slice3A_322 = vector.extract_strided_slice %get3A_46 {offsets = [3], sizes = [1], strides = [1]} : vector<16xi32> to vector<1xi32>
        %squeeze3A_323 = vector.extract %slice3A_322[0] : i32 from vector<1xi32>
        %shift_right_arithmetic3A_324 = arith.constant 13 : i32
        %shift_right_arithmetic3A_325 = arith.shrsi %squeeze3A_323, %shift_right_arithmetic3A_324 : i32
        %and3A_326 = arith.constant 1 : i32
        %and3A_327 = arith.andi %shift_right_arithmetic3A_325, %and3A_326 : i32
        %mul3A_328 = arith.constant 64 : i32
        %mul3A_329 = arith.muli %and3A_327, %mul3A_328 : i32
        %and3A_330 = arith.constant 1 : i32
        %and3A_331 = arith.andi %scan3A_20, %and3A_330 : i32
        %mul3A_332 = arith.constant 16 : i32
        %mul3A_333 = arith.muli %scan3A_40, %mul3A_332 : i32
        %add3A_334 = arith.constant 3 : i32
        %add3A_335 = arith.addi %mul3A_333, %add3A_334 : i32
        %add3A_336 = arith.constant 0 : i32
        %add3A_337 = arith.addi %mul3A_329, %add3A_336 : i32
        %get3A_338 = arith.index_cast %and3A_331 : i32 to index
        %get3A_339 = arith.index_cast %add3A_335 : i32 to index
        %get3A_340 = arith.index_cast %and3A_321 : i32 to index
        %get3A_341 = arith.index_cast %add3A_337 : i32 to index
        %get3A_342 = tpu.vector_load %arg18[%get3A_338, %get3A_339, %get3A_340, %get3A_341] {strides = array<i32>} : memref<2x32x8x128xf32, #tpu.memory_space<vmem>>, vector<16xf32>,
        %mul3A_343 = arith.constant 16 : i32
        %mul3A_344 = arith.muli %scan3A_40, %mul3A_343 : i32
        %add3A_345 = arith.constant 3 : i32
        %add3A_346 = arith.addi %mul3A_344, %add3A_345 : i32
        %swap3A_347 = arith.index_cast %add3A_346 : i32 to index
        %swap3A_348 = arith.constant 0 : index
        %swap3A_349 = tpu.vector_load %arg19[%swap3A_347, %swap3A_348] {strides = array<i32>} : memref<32x64xf32, #tpu.memory_space<vmem>>, vector<16xf32>,
        tpu.vector_store %arg19[%swap3A_347, %swap3A_348], %get3A_342 {strides = array<i32>} : memref<32x64xf32, #tpu.memory_space<vmem>>, vector<16xf32>,
        %and3A_350 = arith.constant 1 : i32
        %and3A_351 = arith.andi %scan3A_20, %and3A_350 : i32
        %mul3A_352 = arith.constant 16 : i32
        %mul3A_353 = arith.muli %scan3A_40, %mul3A_352 : i32
        %add3A_354 = arith.constant 3 : i32
        %add3A_355 = arith.addi %mul3A_353, %add3A_354 : i32
        %add3A_356 = arith.constant 16 : i32
        %add3A_357 = arith.addi %mul3A_329, %add3A_356 : i32
        %get3A_358 = arith.index_cast %and3A_351 : i32 to index
        %get3A_359 = arith.index_cast %add3A_355 : i32 to index
        %get3A_360 = arith.index_cast %and3A_321 : i32 to index
        %get3A_361 = arith.index_cast %add3A_357 : i32 to index
        %get3A_362 = tpu.vector_load %arg18[%get3A_358, %get3A_359, %get3A_360, %get3A_361] {strides = array<i32>} : memref<2x32x8x128xf32, #tpu.memory_space<vmem>>, vector<16xf32>,
        %mul3A_363 = arith.constant 16 : i32
        %mul3A_364 = arith.muli %scan3A_40, %mul3A_363 : i32
        %add3A_365 = arith.constant 3 : i32
        %add3A_366 = arith.addi %mul3A_364, %add3A_365 : i32
        %swap3A_367 = arith.index_cast %add3A_366 : i32 to index
        %swap3A_368 = arith.constant 16 : index
        %swap3A_369 = tpu.vector_load %arg19[%swap3A_367, %swap3A_368] {strides = array<i32>} : memref<32x64xf32, #tpu.memory_space<vmem>>, vector<16xf32>,
        tpu.vector_store %arg19[%swap3A_367, %swap3A_368], %get3A_362 {strides = array<i32>} : memref<32x64xf32, #tpu.memory_space<vmem>>, vector<16xf32>,
        %and3A_370 = arith.constant 1 : i32
        %and3A_371 = arith.andi %scan3A_20, %and3A_370 : i32
        %mul3A_372 = arith.constant 16 : i32
        %mul3A_373 = arith.muli %scan3A_40, %mul3A_372 : i32
        %add3A_374 = arith.constant 3 : i32
        %add3A_375 = arith.addi %mul3A_373, %add3A_374 : i32
        %add3A_376 = arith.constant 32 : i32
        %add3A_377 = arith.addi %mul3A_329, %add3A_376 : i32
        %get3A_378 = arith.index_cast %and3A_371 : i32 to index
        %get3A_379 = arith.index_cast %add3A_375 : i32 to index
        %get3A_380 = arith.index_cast %and3A_321 : i32 to index
        %get3A_381 = arith.index_cast %add3A_377 : i32 to index
        %get3A_382 = tpu.vector_load %arg18[%get3A_378, %get3A_379, %get3A_380, %get3A_381] {strides = array<i32>} : memref<2x32x8x128xf32, #tpu.memory_space<vmem>>, vector<16xf32>,
        %mul3A_383 = arith.constant 16 : i32
        %mul3A_384 = arith.muli %scan3A_40, %mul3A_383 : i32
        %add3A_385 = arith.constant 3 : i32
        %add3A_386 = arith.addi %mul3A_384, %add3A_385 : i32
        %swap3A_387 = arith.index_cast %add3A_386 : i32 to index
        %swap3A_388 = arith.constant 32 : index
        %swap3A_389 = tpu.vector_load %arg19[%swap3A_387, %swap3A_388] {strides = array<i32>} : memref<32x64xf32, #tpu.memory_space<vmem>>, vector<16xf32>,
        tpu.vector_store %arg19[%swap3A_387, %swap3A_388], %get3A_382 {strides = array<i32>} : memref<32x64xf32, #tpu.memory_space<vmem>>, vector<16xf32>,
        %and3A_390 = arith.constant 1 : i32
        %and3A_391 = arith.andi %scan3A_20, %and3A_390 : i32
        %mul3A_392 = arith.constant 16 : i32
        %mul3A_393 = arith.muli %scan3A_40, %mul3A_392 : i32
        %add3A_394 = arith.constant 3 : i32
        %add3A_395 = arith.addi %mul3A_393, %add3A_394 : i32
        %add3A_396 = arith.constant 48 : i32
        %add3A_397 = arith.addi %mul3A_329, %add3A_396 : i32
        %get3A_398 = arith.index_cast %and3A_391 : i32 to index
        %get3A_399 = arith.index_cast %add3A_395 : i32 to index
        %get3A_400 = arith.index_cast %and3A_321 : i32 to index
        %get3A_401 = arith.index_cast %add3A_397 : i32 to index
        %get3A_402 = tpu.vector_load %arg18[%get3A_398, %get3A_399, %get3A_400, %get3A_401] {strides = array<i32>} : memref<2x32x8x128xf32, #tpu.memory_space<vmem>>, vector<16xf32>,
        %mul3A_403 = arith.constant 16 : i32
        %mul3A_404 = arith.muli %scan3A_40, %mul3A_403 : i32
        %add3A_405 = arith.constant 3 : i32
        %add3A_406 = arith.addi %mul3A_404, %add3A_405 : i32
        %swap3A_407 = arith.index_cast %add3A_406 : i32 to index
        %swap3A_408 = arith.constant 48 : index
        %swap3A_409 = tpu.vector_load %arg19[%swap3A_407, %swap3A_408] {strides = array<i32>} : memref<32x64xf32, #tpu.memory_space<vmem>>, vector<16xf32>,
        tpu.vector_store %arg19[%swap3A_407, %swap3A_408], %get3A_402 {strides = array<i32>} : memref<32x64xf32, #tpu.memory_space<vmem>>, vector<16xf32>,
        %slice3A_410 = vector.extract_strided_slice %get3A_46 {offsets = [4], sizes = [1], strides = [1]} : vector<16xi32> to vector<1xi32>
        %squeeze3A_411 = vector.extract %slice3A_410[0] : i32 from vector<1xi32>
        %and3A_412 = arith.constant 7 : i32
        %and3A_413 = arith.andi %squeeze3A_411, %and3A_412 : i32
        %slice3A_414 = vector.extract_strided_slice %get3A_46 {offsets = [4], sizes = [1], strides = [1]} : vector<16xi32> to vector<1xi32>
        %squeeze3A_415 = vector.extract %slice3A_414[0] : i32 from vector<1xi32>
        %shift_right_arithmetic3A_416 = arith.constant 13 : i32
        %shift_right_arithmetic3A_417 = arith.shrsi %squeeze3A_415, %shift_right_arithmetic3A_416 : i32
        %and3A_418 = arith.constant 1 : i32
        %and3A_419 = arith.andi %shift_right_arithmetic3A_417, %and3A_418 : i32
        %mul3A_420 = arith.constant 64 : i32
        %mul3A_421 = arith.muli %and3A_419, %mul3A_420 : i32
        %and3A_422 = arith.constant 1 : i32
        %and3A_423 = arith.andi %scan3A_20, %and3A_422 : i32
        %mul3A_424 = arith.constant 16 : i32
        %mul3A_425 = arith.muli %scan3A_40, %mul3A_424 : i32
        %add3A_426 = arith.constant 4 : i32
        %add3A_427 = arith.addi %mul3A_425, %add3A_426 : i32
        %add3A_428 = arith.constant 0 : i32
        %add3A_429 = arith.addi %mul3A_421, %add3A_428 : i32
        %get3A_430 = arith.index_cast %and3A_423 : i32 to index
        %get3A_431 = arith.index_cast %add3A_427 : i32 to index
        %get3A_432 = arith.index_cast %and3A_413 : i32 to index
        %get3A_433 = arith.index_cast %add3A_429 : i32 to index
        %get3A_434 = tpu.vector_load %arg18[%get3A_430, %get3A_431, %get3A_432, %get3A_433] {strides = array<i32>} : memref<2x32x8x128xf32, #tpu.memory_space<vmem>>, vector<16xf32>,
        %mul3A_435 = arith.constant 16 : i32
        %mul3A_436 = arith.muli %scan3A_40, %mul3A_435 : i32
        %add3A_437 = arith.constant 4 : i32
        %add3A_438 = arith.addi %mul3A_436, %add3A_437 : i32
        %swap3A_439 = arith.index_cast %add3A_438 : i32 to index
        %swap3A_440 = arith.constant 0 : index
        %swap3A_441 = tpu.vector_load %arg19[%swap3A_439, %swap3A_440] {strides = array<i32>} : memref<32x64xf32, #tpu.memory_space<vmem>>, vector<16xf32>,
        tpu.vector_store %arg19[%swap3A_439, %swap3A_440], %get3A_434 {strides = array<i32>} : memref<32x64xf32, #tpu.memory_space<vmem>>, vector<16xf32>,
        %and3A_442 = arith.constant 1 : i32
        %and3A_443 = arith.andi %scan3A_20, %and3A_442 : i32
        %mul3A_444 = arith.constant 16 : i32
        %mul3A_445 = arith.muli %scan3A_40, %mul3A_444 : i32
        %add3A_446 = arith.constant 4 : i32
        %add3A_447 = arith.addi %mul3A_445, %add3A_446 : i32
        %add3A_448 = arith.constant 16 : i32
        %add3A_449 = arith.addi %mul3A_421, %add3A_448 : i32
        %get3A_450 = arith.index_cast %and3A_443 : i32 to index
        %get3A_451 = arith.index_cast %add3A_447 : i32 to index
        %get3A_452 = arith.index_cast %and3A_413 : i32 to index
        %get3A_453 = arith.index_cast %add3A_449 : i32 to index
        %get3A_454 = tpu.vector_load %arg18[%get3A_450, %get3A_451, %get3A_452, %get3A_453] {strides = array<i32>} : memref<2x32x8x128xf32, #tpu.memory_space<vmem>>, vector<16xf32>,
        %mul3A_455 = arith.constant 16 : i32
        %mul3A_456 = arith.muli %scan3A_40, %mul3A_455 : i32
        %add3A_457 = arith.constant 4 : i32
        %add3A_458 = arith.addi %mul3A_456, %add3A_457 : i32
        %swap3A_459 = arith.index_cast %add3A_458 : i32 to index
        %swap3A_460 = arith.constant 16 : index
        %swap3A_461 = tpu.vector_load %arg19[%swap3A_459, %swap3A_460] {strides = array<i32>} : memref<32x64xf32, #tpu.memory_space<vmem>>, vector<16xf32>,
        tpu.vector_store %arg19[%swap3A_459, %swap3A_460], %get3A_454 {strides = array<i32>} : memref<32x64xf32, #tpu.memory_space<vmem>>, vector<16xf32>,
        %and3A_462 = arith.constant 1 : i32
        %and3A_463 = arith.andi %scan3A_20, %and3A_462 : i32
        %mul3A_464 = arith.constant 16 : i32
        %mul3A_465 = arith.muli %scan3A_40, %mul3A_464 : i32
        %add3A_466 = arith.constant 4 : i32
        %add3A_467 = arith.addi %mul3A_465, %add3A_466 : i32
        %add3A_468 = arith.constant 32 : i32
        %add3A_469 = arith.addi %mul3A_421, %add3A_468 : i32
        %get3A_470 = arith.index_cast %and3A_463 : i32 to index
        %get3A_471 = arith.index_cast %add3A_467 : i32 to index
        %get3A_472 = arith.index_cast %and3A_413 : i32 to index
        %get3A_473 = arith.index_cast %add3A_469 : i32 to index
        %get3A_474 = tpu.vector_load %arg18[%get3A_470, %get3A_471, %get3A_472, %get3A_473] {strides = array<i32>} : memref<2x32x8x128xf32, #tpu.memory_space<vmem>>, vector<16xf32>,
        %mul3A_475 = arith.constant 16 : i32
        %mul3A_476 = arith.muli %scan3A_40, %mul3A_475 : i32
        %add3A_477 = arith.constant 4 : i32
        %add3A_478 = arith.addi %mul3A_476, %add3A_477 : i32
        %swap3A_479 = arith.index_cast %add3A_478 : i32 to index
        %swap3A_480 = arith.constant 32 : index
        %swap3A_481 = tpu.vector_load %arg19[%swap3A_479, %swap3A_480] {strides = array<i32>} : memref<32x64xf32, #tpu.memory_space<vmem>>, vector<16xf32>,
        tpu.vector_store %arg19[%swap3A_479, %swap3A_480], %get3A_474 {strides = array<i32>} : memref<32x64xf32, #tpu.memory_space<vmem>>, vector<16xf32>,
        %and3A_482 = arith.constant 1 : i32
        %and3A_483 = arith.andi %scan3A_20, %and3A_482 : i32
        %mul3A_484 = arith.constant 16 : i32
        %mul3A_485 = arith.muli %scan3A_40, %mul3A_484 : i32
        %add3A_486 = arith.constant 4 : i32
        %add3A_487 = arith.addi %mul3A_485, %add3A_486 : i32
        %add3A_488 = arith.constant 48 : i32
        %add3A_489 = arith.addi %mul3A_421, %add3A_488 : i32
        %get3A_490 = arith.index_cast %and3A_483 : i32 to index
        %get3A_491 = arith.index_cast %add3A_487 : i32 to index
        %get3A_492 = arith.index_cast %and3A_413 : i32 to index
        %get3A_493 = arith.index_cast %add3A_489 : i32 to index
        %get3A_494 = tpu.vector_load %arg18[%get3A_490, %get3A_491, %get3A_492, %get3A_493] {strides = array<i32>} : memref<2x32x8x128xf32, #tpu.memory_space<vmem>>, vector<16xf32>,
        %mul3A_495 = arith.constant 16 : i32
        %mul3A_496 = arith.muli %scan3A_40, %mul3A_495 : i32
        %add3A_497 = arith.constant 4 : i32
        %add3A_498 = arith.addi %mul3A_496, %add3A_497 : i32
        %swap3A_499 = arith.index_cast %add3A_498 : i32 to index
        %swap3A_500 = arith.constant 48 : index
        %swap3A_501 = tpu.vector_load %arg19[%swap3A_499, %swap3A_500] {strides = array<i32>} : memref<32x64xf32, #tpu.memory_space<vmem>>, vector<16xf32>,
        tpu.vector_store %arg19[%swap3A_499, %swap3A_500], %get3A_494 {strides = array<i32>} : memref<32x64xf32, #tpu.memory_space<vmem>>, vector<16xf32>,
        %slice3A_502 = vector.extract_strided_slice %get3A_46 {offsets = [5], sizes = [1], strides = [1]} : vector<16xi32> to vector<1xi32>
        %squeeze3A_503 = vector.extract %slice3A_502[0] : i32 from vector<1xi32>
        %and3A_504 = arith.constant 7 : i32
        %and3A_505 = arith.andi %squeeze3A_503, %and3A_504 : i32
        %slice3A_506 = vector.extract_strided_slice %get3A_46 {offsets = [5], sizes = [1], strides = [1]} : vector<16xi32> to vector<1xi32>
        %squeeze3A_507 = vector.extract %slice3A_506[0] : i32 from vector<1xi32>
        %shift_right_arithmetic3A_508 = arith.constant 13 : i32
        %shift_right_arithmetic3A_509 = arith.shrsi %squeeze3A_507, %shift_right_arithmetic3A_508 : i32
        %and3A_510 = arith.constant 1 : i32
        %and3A_511 = arith.andi %shift_right_arithmetic3A_509, %and3A_510 : i32
        %mul3A_512 = arith.constant 64 : i32
        %mul3A_513 = arith.muli %and3A_511, %mul3A_512 : i32
        %and3A_514 = arith.constant 1 : i32
        %and3A_515 = arith.andi %scan3A_20, %and3A_514 : i32
        %mul3A_516 = arith.constant 16 : i32
        %mul3A_517 = arith.muli %scan3A_40, %mul3A_516 : i32
        %add3A_518 = arith.constant 5 : i32
        %add3A_519 = arith.addi %mul3A_517, %add3A_518 : i32
        %add3A_520 = arith.constant 0 : i32
        %add3A_521 = arith.addi %mul3A_513, %add3A_520 : i32
        %get3A_522 = arith.index_cast %and3A_515 : i32 to index
        %get3A_523 = arith.index_cast %add3A_519 : i32 to index
        %get3A_524 = arith.index_cast %and3A_505 : i32 to index
        %get3A_525 = arith.index_cast %add3A_521 : i32 to index
        %get3A_526 = tpu.vector_load %arg18[%get3A_522, %get3A_523, %get3A_524, %get3A_525] {strides = array<i32>} : memref<2x32x8x128xf32, #tpu.memory_space<vmem>>, vector<16xf32>,
        %mul3A_527 = arith.constant 16 : i32
        %mul3A_528 = arith.muli %scan3A_40, %mul3A_527 : i32
        %add3A_529 = arith.constant 5 : i32
        %add3A_530 = arith.addi %mul3A_528, %add3A_529 : i32
        %swap3A_531 = arith.index_cast %add3A_530 : i32 to index
        %swap3A_532 = arith.constant 0 : index
        %swap3A_533 = tpu.vector_load %arg19[%swap3A_531, %swap3A_532] {strides = array<i32>} : memref<32x64xf32, #tpu.memory_space<vmem>>, vector<16xf32>,
        tpu.vector_store %arg19[%swap3A_531, %swap3A_532], %get3A_526 {strides = array<i32>} : memref<32x64xf32, #tpu.memory_space<vmem>>, vector<16xf32>,
        %and3A_534 = arith.constant 1 : i32
        %and3A_535 = arith.andi %scan3A_20, %and3A_534 : i32
        %mul3A_536 = arith.constant 16 : i32
        %mul3A_537 = arith.muli %scan3A_40, %mul3A_536 : i32
        %add3A_538 = arith.constant 5 : i32
        %add3A_539 = arith.addi %mul3A_537, %add3A_538 : i32
        %add3A_540 = arith.constant 16 : i32
        %add3A_541 = arith.addi %mul3A_513, %add3A_540 : i32
        %get3A_542 = arith.index_cast %and3A_535 : i32 to index
        %get3A_543 = arith.index_cast %add3A_539 : i32 to index
        %get3A_544 = arith.index_cast %and3A_505 : i32 to index
        %get3A_545 = arith.index_cast %add3A_541 : i32 to index
        %get3A_546 = tpu.vector_load %arg18[%get3A_542, %get3A_543, %get3A_544, %get3A_545] {strides = array<i32>} : memref<2x32x8x128xf32, #tpu.memory_space<vmem>>, vector<16xf32>,
        %mul3A_547 = arith.constant 16 : i32
        %mul3A_548 = arith.muli %scan3A_40, %mul3A_547 : i32
        %add3A_549 = arith.constant 5 : i32
        %add3A_550 = arith.addi %mul3A_548, %add3A_549 : i32
        %swap3A_551 = arith.index_cast %add3A_550 : i32 to index
        %swap3A_552 = arith.constant 16 : index
        %swap3A_553 = tpu.vector_load %arg19[%swap3A_551, %swap3A_552] {strides = array<i32>} : memref<32x64xf32, #tpu.memory_space<vmem>>, vector<16xf32>,
        tpu.vector_store %arg19[%swap3A_551, %swap3A_552], %get3A_546 {strides = array<i32>} : memref<32x64xf32, #tpu.memory_space<vmem>>, vector<16xf32>,
        %and3A_554 = arith.constant 1 : i32
        %and3A_555 = arith.andi %scan3A_20, %and3A_554 : i32
        %mul3A_556 = arith.constant 16 : i32
        %mul3A_557 = arith.muli %scan3A_40, %mul3A_556 : i32
        %add3A_558 = arith.constant 5 : i32
        %add3A_559 = arith.addi %mul3A_557, %add3A_558 : i32
        %add3A_560 = arith.constant 32 : i32
        %add3A_561 = arith.addi %mul3A_513, %add3A_560 : i32
        %get3A_562 = arith.index_cast %and3A_555 : i32 to index
        %get3A_563 = arith.index_cast %add3A_559 : i32 to index
        %get3A_564 = arith.index_cast %and3A_505 : i32 to index
        %get3A_565 = arith.index_cast %add3A_561 : i32 to index
        %get3A_566 = tpu.vector_load %arg18[%get3A_562, %get3A_563, %get3A_564, %get3A_565] {strides = array<i32>} : memref<2x32x8x128xf32, #tpu.memory_space<vmem>>, vector<16xf32>,
        %mul3A_567 = arith.constant 16 : i32
        %mul3A_568 = arith.muli %scan3A_40, %mul3A_567 : i32
        %add3A_569 = arith.constant 5 : i32
        %add3A_570 = arith.addi %mul3A_568, %add3A_569 : i32
        %swap3A_571 = arith.index_cast %add3A_570 : i32 to index
        %swap3A_572 = arith.constant 32 : index
        %swap3A_573 = tpu.vector_load %arg19[%swap3A_571, %swap3A_572] {strides = array<i32>} : memref<32x64xf32, #tpu.memory_space<vmem>>, vector<16xf32>,
        tpu.vector_store %arg19[%swap3A_571, %swap3A_572], %get3A_566 {strides = array<i32>} : memref<32x64xf32, #tpu.memory_space<vmem>>, vector<16xf32>,
        %and3A_574 = arith.constant 1 : i32
        %and3A_575 = arith.andi %scan3A_20, %and3A_574 : i32
        %mul3A_576 = arith.constant 16 : i32
        %mul3A_577 = arith.muli %scan3A_40, %mul3A_576 : i32
        %add3A_578 = arith.constant 5 : i32
        %add3A_579 = arith.addi %mul3A_577, %add3A_578 : i32
        %add3A_580 = arith.constant 48 : i32
        %add3A_581 = arith.addi %mul3A_513, %add3A_580 : i32
        %get3A_582 = arith.index_cast %and3A_575 : i32 to index
        %get3A_583 = arith.index_cast %add3A_579 : i32 to index
        %get3A_584 = arith.index_cast %and3A_505 : i32 to index
        %get3A_585 = arith.index_cast %add3A_581 : i32 to index
        %get3A_586 = tpu.vector_load %arg18[%get3A_582, %get3A_583, %get3A_584, %get3A_585] {strides = array<i32>} : memref<2x32x8x128xf32, #tpu.memory_space<vmem>>, vector<16xf32>,
        %mul3A_587 = arith.constant 16 : i32
        %mul3A_588 = arith.muli %scan3A_40, %mul3A_587 : i32
        %add3A_589 = arith.constant 5 : i32
        %add3A_590 = arith.addi %mul3A_588, %add3A_589 : i32
        %swap3A_591 = arith.index_cast %add3A_590 : i32 to index
        %swap3A_592 = arith.constant 48 : index
        %swap3A_593 = tpu.vector_load %arg19[%swap3A_591, %swap3A_592] {strides = array<i32>} : memref<32x64xf32, #tpu.memory_space<vmem>>, vector<16xf32>,
        tpu.vector_store %arg19[%swap3A_591, %swap3A_592], %get3A_586 {strides = array<i32>} : memref<32x64xf32, #tpu.memory_space<vmem>>, vector<16xf32>,
        %slice3A_594 = vector.extract_strided_slice %get3A_46 {offsets = [6], sizes = [1], strides = [1]} : vector<16xi32> to vector<1xi32>
        %squeeze3A_595 = vector.extract %slice3A_594[0] : i32 from vector<1xi32>
        %and3A_596 = arith.constant 7 : i32
        %and3A_597 = arith.andi %squeeze3A_595, %and3A_596 : i32
        %slice3A_598 = vector.extract_strided_slice %get3A_46 {offsets = [6], sizes = [1], strides = [1]} : vector<16xi32> to vector<1xi32>
        %squeeze3A_599 = vector.extract %slice3A_598[0] : i32 from vector<1xi32>
        %shift_right_arithmetic3A_600 = arith.constant 13 : i32
        %shift_right_arithmetic3A_601 = arith.shrsi %squeeze3A_599, %shift_right_arithmetic3A_600 : i32
        %and3A_602 = arith.constant 1 : i32
        %and3A_603 = arith.andi %shift_right_arithmetic3A_601, %and3A_602 : i32
        %mul3A_604 = arith.constant 64 : i32
        %mul3A_605 = arith.muli %and3A_603, %mul3A_604 : i32
        %and3A_606 = arith.constant 1 : i32
        %and3A_607 = arith.andi %scan3A_20, %and3A_606 : i32
        %mul3A_608 = arith.constant 16 : i32
        %mul3A_609 = arith.muli %scan3A_40, %mul3A_608 : i32
        %add3A_610 = arith.constant 6 : i32
        %add3A_611 = arith.addi %mul3A_609, %add3A_610 : i32
        %add3A_612 = arith.constant 0 : i32
        %add3A_613 = arith.addi %mul3A_605, %add3A_612 : i32
        %get3A_614 = arith.index_cast %and3A_607 : i32 to index
        %get3A_615 = arith.index_cast %add3A_611 : i32 to index
        %get3A_616 = arith.index_cast %and3A_597 : i32 to index
        %get3A_617 = arith.index_cast %add3A_613 : i32 to index
        %get3A_618 = tpu.vector_load %arg18[%get3A_614, %get3A_615, %get3A_616, %get3A_617] {strides = array<i32>} : memref<2x32x8x128xf32, #tpu.memory_space<vmem>>, vector<16xf32>,
        %mul3A_619 = arith.constant 16 : i32
        %mul3A_620 = arith.muli %scan3A_40, %mul3A_619 : i32
        %add3A_621 = arith.constant 6 : i32
        %add3A_622 = arith.addi %mul3A_620, %add3A_621 : i32
        %swap3A_623 = arith.index_cast %add3A_622 : i32 to index
        %swap3A_624 = arith.constant 0 : index
        %swap3A_625 = tpu.vector_load %arg19[%swap3A_623, %swap3A_624] {strides = array<i32>} : memref<32x64xf32, #tpu.memory_space<vmem>>, vector<16xf32>,
        tpu.vector_store %arg19[%swap3A_623, %swap3A_624], %get3A_618 {strides = array<i32>} : memref<32x64xf32, #tpu.memory_space<vmem>>, vector<16xf32>,
        %and3A_626 = arith.constant 1 : i32
        %and3A_627 = arith.andi %scan3A_20, %and3A_626 : i32
        %mul3A_628 = arith.constant 16 : i32
        %mul3A_629 = arith.muli %scan3A_40, %mul3A_628 : i32
        %add3A_630 = arith.constant 6 : i32
        %add3A_631 = arith.addi %mul3A_629, %add3A_630 : i32
        %add3A_632 = arith.constant 16 : i32
        %add3A_633 = arith.addi %mul3A_605, %add3A_632 : i32
        %get3A_634 = arith.index_cast %and3A_627 : i32 to index
        %get3A_635 = arith.index_cast %add3A_631 : i32 to index
        %get3A_636 = arith.index_cast %and3A_597 : i32 to index
        %get3A_637 = arith.index_cast %add3A_633 : i32 to index
        %get3A_638 = tpu.vector_load %arg18[%get3A_634, %get3A_635, %get3A_636, %get3A_637] {strides = array<i32>} : memref<2x32x8x128xf32, #tpu.memory_space<vmem>>, vector<16xf32>,
        %mul3A_639 = arith.constant 16 : i32
        %mul3A_640 = arith.muli %scan3A_40, %mul3A_639 : i32
        %add3A_641 = arith.constant 6 : i32
        %add3A_642 = arith.addi %mul3A_640, %add3A_641 : i32
        %swap3A_643 = arith.index_cast %add3A_642 : i32 to index
        %swap3A_644 = arith.constant 16 : index
        %swap3A_645 = tpu.vector_load %arg19[%swap3A_643, %swap3A_644] {strides = array<i32>} : memref<32x64xf32, #tpu.memory_space<vmem>>, vector<16xf32>,
        tpu.vector_store %arg19[%swap3A_643, %swap3A_644], %get3A_638 {strides = array<i32>} : memref<32x64xf32, #tpu.memory_space<vmem>>, vector<16xf32>,
        %and3A_646 = arith.constant 1 : i32
        %and3A_647 = arith.andi %scan3A_20, %and3A_646 : i32
        %mul3A_648 = arith.constant 16 : i32
        %mul3A_649 = arith.muli %scan3A_40, %mul3A_648 : i32
        %add3A_650 = arith.constant 6 : i32
        %add3A_651 = arith.addi %mul3A_649, %add3A_650 : i32
        %add3A_652 = arith.constant 32 : i32
        %add3A_653 = arith.addi %mul3A_605, %add3A_652 : i32
        %get3A_654 = arith.index_cast %and3A_647 : i32 to index
        %get3A_655 = arith.index_cast %add3A_651 : i32 to index
        %get3A_656 = arith.index_cast %and3A_597 : i32 to index
        %get3A_657 = arith.index_cast %add3A_653 : i32 to index
        %get3A_658 = tpu.vector_load %arg18[%get3A_654, %get3A_655, %get3A_656, %get3A_657] {strides = array<i32>} : memref<2x32x8x128xf32, #tpu.memory_space<vmem>>, vector<16xf32>,
        %mul3A_659 = arith.constant 16 : i32
        %mul3A_660 = arith.muli %scan3A_40, %mul3A_659 : i32
        %add3A_661 = arith.constant 6 : i32
        %add3A_662 = arith.addi %mul3A_660, %add3A_661 : i32
        %swap3A_663 = arith.index_cast %add3A_662 : i32 to index
        %swap3A_664 = arith.constant 32 : index
        %swap3A_665 = tpu.vector_load %arg19[%swap3A_663, %swap3A_664] {strides = array<i32>} : memref<32x64xf32, #tpu.memory_space<vmem>>, vector<16xf32>,
        tpu.vector_store %arg19[%swap3A_663, %swap3A_664], %get3A_658 {strides = array<i32>} : memref<32x64xf32, #tpu.memory_space<vmem>>, vector<16xf32>,
        %and3A_666 = arith.constant 1 : i32
        %and3A_667 = arith.andi %scan3A_20, %and3A_666 : i32
        %mul3A_668 = arith.constant 16 : i32
        %mul3A_669 = arith.muli %scan3A_40, %mul3A_668 : i32
        %add3A_670 = arith.constant 6 : i32
        %add3A_671 = arith.addi %mul3A_669, %add3A_670 : i32
        %add3A_672 = arith.constant 48 : i32
        %add3A_673 = arith.addi %mul3A_605, %add3A_672 : i32
        %get3A_674 = arith.index_cast %and3A_667 : i32 to index
        %get3A_675 = arith.index_cast %add3A_671 : i32 to index
        %get3A_676 = arith.index_cast %and3A_597 : i32 to index
        %get3A_677 = arith.index_cast %add3A_673 : i32 to index
        %get3A_678 = tpu.vector_load %arg18[%get3A_674, %get3A_675, %get3A_676, %get3A_677] {strides = array<i32>} : memref<2x32x8x128xf32, #tpu.memory_space<vmem>>, vector<16xf32>,
        %mul3A_679 = arith.constant 16 : i32
        %mul3A_680 = arith.muli %scan3A_40, %mul3A_679 : i32
        %add3A_681 = arith.constant 6 : i32
        %add3A_682 = arith.addi %mul3A_680, %add3A_681 : i32
        %swap3A_683 = arith.index_cast %add3A_682 : i32 to index
        %swap3A_684 = arith.constant 48 : index
        %swap3A_685 = tpu.vector_load %arg19[%swap3A_683, %swap3A_684] {strides = array<i32>} : memref<32x64xf32, #tpu.memory_space<vmem>>, vector<16xf32>,
        tpu.vector_store %arg19[%swap3A_683, %swap3A_684], %get3A_678 {strides = array<i32>} : memref<32x64xf32, #tpu.memory_space<vmem>>, vector<16xf32>,
        %slice3A_686 = vector.extract_strided_slice %get3A_46 {offsets = [7], sizes = [1], strides = [1]} : vector<16xi32> to vector<1xi32>
        %squeeze3A_687 = vector.extract %slice3A_686[0] : i32 from vector<1xi32>
        %and3A_688 = arith.constant 7 : i32
        %and3A_689 = arith.andi %squeeze3A_687, %and3A_688 : i32
        %slice3A_690 = vector.extract_strided_slice %get3A_46 {offsets = [7], sizes = [1], strides = [1]} : vector<16xi32> to vector<1xi32>
        %squeeze3A_691 = vector.extract %slice3A_690[0] : i32 from vector<1xi32>
        %shift_right_arithmetic3A_692 = arith.constant 13 : i32
        %shift_right_arithmetic3A_693 = arith.shrsi %squeeze3A_691, %shift_right_arithmetic3A_692 : i32
        %and3A_694 = arith.constant 1 : i32
        %and3A_695 = arith.andi %shift_right_arithmetic3A_693, %and3A_694 : i32
        %mul3A_696 = arith.constant 64 : i32
        %mul3A_697 = arith.muli %and3A_695, %mul3A_696 : i32
        %and3A_698 = arith.constant 1 : i32
        %and3A_699 = arith.andi %scan3A_20, %and3A_698 : i32
        %mul3A_700 = arith.constant 16 : i32
        %mul3A_701 = arith.muli %scan3A_40, %mul3A_700 : i32
        %add3A_702 = arith.constant 7 : i32
        %add3A_703 = arith.addi %mul3A_701, %add3A_702 : i32
        %add3A_704 = arith.constant 0 : i32
        %add3A_705 = arith.addi %mul3A_697, %add3A_704 : i32
        %get3A_706 = arith.index_cast %and3A_699 : i32 to index
        %get3A_707 = arith.index_cast %add3A_703 : i32 to index
        %get3A_708 = arith.index_cast %and3A_689 : i32 to index
        %get3A_709 = arith.index_cast %add3A_705 : i32 to index
        %get3A_710 = tpu.vector_load %arg18[%get3A_706, %get3A_707, %get3A_708, %get3A_709] {strides = array<i32>} : memref<2x32x8x128xf32, #tpu.memory_space<vmem>>, vector<16xf32>,
        %mul3A_711 = arith.constant 16 : i32
        %mul3A_712 = arith.muli %scan3A_40, %mul3A_711 : i32
        %add3A_713 = arith.constant 7 : i32
        %add3A_714 = arith.addi %mul3A_712, %add3A_713 : i32
        %swap3A_715 = arith.index_cast %add3A_714 : i32 to index
        %swap3A_716 = arith.constant 0 : index
        %swap3A_717 = tpu.vector_load %arg19[%swap3A_715, %swap3A_716] {strides = array<i32>} : memref<32x64xf32, #tpu.memory_space<vmem>>, vector<16xf32>,
        tpu.vector_store %arg19[%swap3A_715, %swap3A_716], %get3A_710 {strides = array<i32>} : memref<32x64xf32, #tpu.memory_space<vmem>>, vector<16xf32>,
        %and3A_718 = arith.constant 1 : i32
        %and3A_719 = arith.andi %scan3A_20, %and3A_718 : i32
        %mul3A_720 = arith.constant 16 : i32
        %mul3A_721 = arith.muli %scan3A_40, %mul3A_720 : i32
        %add3A_722 = arith.constant 7 : i32
        %add3A_723 = arith.addi %mul3A_721, %add3A_722 : i32
        %add3A_724 = arith.constant 16 : i32
        %add3A_725 = arith.addi %mul3A_697, %add3A_724 : i32
        %get3A_726 = arith.index_cast %and3A_719 : i32 to index
        %get3A_727 = arith.index_cast %add3A_723 : i32 to index
        %get3A_728 = arith.index_cast %and3A_689 : i32 to index
        %get3A_729 = arith.index_cast %add3A_725 : i32 to index
        %get3A_730 = tpu.vector_load %arg18[%get3A_726, %get3A_727, %get3A_728, %get3A_729] {strides = array<i32>} : memref<2x32x8x128xf32, #tpu.memory_space<vmem>>, vector<16xf32>,
        %mul3A_731 = arith.constant 16 : i32
        %mul3A_732 = arith.muli %scan3A_40, %mul3A_731 : i32
        %add3A_733 = arith.constant 7 : i32
        %add3A_734 = arith.addi %mul3A_732, %add3A_733 : i32
        %swap3A_735 = arith.index_cast %add3A_734 : i32 to index
        %swap3A_736 = arith.constant 16 : index
        %swap3A_737 = tpu.vector_load %arg19[%swap3A_735, %swap3A_736] {strides = array<i32>} : memref<32x64xf32, #tpu.memory_space<vmem>>, vector<16xf32>,
        tpu.vector_store %arg19[%swap3A_735, %swap3A_736], %get3A_730 {strides = array<i32>} : memref<32x64xf32, #tpu.memory_space<vmem>>, vector<16xf32>,
        %and3A_738 = arith.constant 1 : i32
        %and3A_739 = arith.andi %scan3A_20, %and3A_738 : i32
        %mul3A_740 = arith.constant 16 : i32
        %mul3A_741 = arith.muli %scan3A_40, %mul3A_740 : i32
        %add3A_742 = arith.constant 7 : i32
        %add3A_743 = arith.addi %mul3A_741, %add3A_742 : i32
        %add3A_744 = arith.constant 32 : i32
        %add3A_745 = arith.addi %mul3A_697, %add3A_744 : i32
        %get3A_746 = arith.index_cast %and3A_739 : i32 to index
        %get3A_747 = arith.index_cast %add3A_743 : i32 to index
        %get3A_748 = arith.index_cast %and3A_689 : i32 to index
        %get3A_749 = arith.index_cast %add3A_745 : i32 to index
        %get3A_750 = tpu.vector_load %arg18[%get3A_746, %get3A_747, %get3A_748, %get3A_749] {strides = array<i32>} : memref<2x32x8x128xf32, #tpu.memory_space<vmem>>, vector<16xf32>,
        %mul3A_751 = arith.constant 16 : i32
        %mul3A_752 = arith.muli %scan3A_40, %mul3A_751 : i32
        %add3A_753 = arith.constant 7 : i32
        %add3A_754 = arith.addi %mul3A_752, %add3A_753 : i32
        %swap3A_755 = arith.index_cast %add3A_754 : i32 to index
        %swap3A_756 = arith.constant 32 : index
        %swap3A_757 = tpu.vector_load %arg19[%swap3A_755, %swap3A_756] {strides = array<i32>} : memref<32x64xf32, #tpu.memory_space<vmem>>, vector<16xf32>,
        tpu.vector_store %arg19[%swap3A_755, %swap3A_756], %get3A_750 {strides = array<i32>} : memref<32x64xf32, #tpu.memory_space<vmem>>, vector<16xf32>,
        %and3A_758 = arith.constant 1 : i32
        %and3A_759 = arith.andi %scan3A_20, %and3A_758 : i32
        %mul3A_760 = arith.constant 16 : i32
        %mul3A_761 = arith.muli %scan3A_40, %mul3A_760 : i32
        %add3A_762 = arith.constant 7 : i32
        %add3A_763 = arith.addi %mul3A_761, %add3A_762 : i32
        %add3A_764 = arith.constant 48 : i32
        %add3A_765 = arith.addi %mul3A_697, %add3A_764 : i32
        %get3A_766 = arith.index_cast %and3A_759 : i32 to index
        %get3A_767 = arith.index_cast %add3A_763 : i32 to index
        %get3A_768 = arith.index_cast %and3A_689 : i32 to index
        %get3A_769 = arith.index_cast %add3A_765 : i32 to index
        %get3A_770 = tpu.vector_load %arg18[%get3A_766, %get3A_767, %get3A_768, %get3A_769] {strides = array<i32>} : memref<2x32x8x128xf32, #tpu.memory_space<vmem>>, vector<16xf32>,
        %mul3A_771 = arith.constant 16 : i32
        %mul3A_772 = arith.muli %scan3A_40, %mul3A_771 : i32
        %add3A_773 = arith.constant 7 : i32
        %add3A_774 = arith.addi %mul3A_772, %add3A_773 : i32
        %swap3A_775 = arith.index_cast %add3A_774 : i32 to index
        %swap3A_776 = arith.constant 48 : index
        %swap3A_777 = tpu.vector_load %arg19[%swap3A_775, %swap3A_776] {strides = array<i32>} : memref<32x64xf32, #tpu.memory_space<vmem>>, vector<16xf32>,
        tpu.vector_store %arg19[%swap3A_775, %swap3A_776], %get3A_770 {strides = array<i32>} : memref<32x64xf32, #tpu.memory_space<vmem>>, vector<16xf32>,
        %slice3A_778 = vector.extract_strided_slice %get3A_46 {offsets = [8], sizes = [1], strides = [1]} : vector<16xi32> to vector<1xi32>
        %squeeze3A_779 = vector.extract %slice3A_778[0] : i32 from vector<1xi32>
        %and3A_780 = arith.constant 7 : i32
        %and3A_781 = arith.andi %squeeze3A_779, %and3A_780 : i32
        %slice3A_782 = vector.extract_strided_slice %get3A_46 {offsets = [8], sizes = [1], strides = [1]} : vector<16xi32> to vector<1xi32>
        %squeeze3A_783 = vector.extract %slice3A_782[0] : i32 from vector<1xi32>
        %shift_right_arithmetic3A_784 = arith.constant 13 : i32
        %shift_right_arithmetic3A_785 = arith.shrsi %squeeze3A_783, %shift_right_arithmetic3A_784 : i32
        %and3A_786 = arith.constant 1 : i32
        %and3A_787 = arith.andi %shift_right_arithmetic3A_785, %and3A_786 : i32
        %mul3A_788 = arith.constant 64 : i32
        %mul3A_789 = arith.muli %and3A_787, %mul3A_788 : i32
        %and3A_790 = arith.constant 1 : i32
        %and3A_791 = arith.andi %scan3A_20, %and3A_790 : i32
        %mul3A_792 = arith.constant 16 : i32
        %mul3A_793 = arith.muli %scan3A_40, %mul3A_792 : i32
        %add3A_794 = arith.constant 8 : i32
        %add3A_795 = arith.addi %mul3A_793, %add3A_794 : i32
        %add3A_796 = arith.constant 0 : i32
        %add3A_797 = arith.addi %mul3A_789, %add3A_796 : i32
        %get3A_798 = arith.index_cast %and3A_791 : i32 to index
        %get3A_799 = arith.index_cast %add3A_795 : i32 to index
        %get3A_800 = arith.index_cast %and3A_781 : i32 to index
        %get3A_801 = arith.index_cast %add3A_797 : i32 to index
        %get3A_802 = tpu.vector_load %arg18[%get3A_798, %get3A_799, %get3A_800, %get3A_801] {strides = array<i32>} : memref<2x32x8x128xf32, #tpu.memory_space<vmem>>, vector<16xf32>,
        %mul3A_803 = arith.constant 16 : i32
        %mul3A_804 = arith.muli %scan3A_40, %mul3A_803 : i32
        %add3A_805 = arith.constant 8 : i32
        %add3A_806 = arith.addi %mul3A_804, %add3A_805 : i32
        %swap3A_807 = arith.index_cast %add3A_806 : i32 to index
        %swap3A_808 = arith.constant 0 : index
        %swap3A_809 = tpu.vector_load %arg19[%swap3A_807, %swap3A_808] {strides = array<i32>} : memref<32x64xf32, #tpu.memory_space<vmem>>, vector<16xf32>,
        tpu.vector_store %arg19[%swap3A_807, %swap3A_808], %get3A_802 {strides = array<i32>} : memref<32x64xf32, #tpu.memory_space<vmem>>, vector<16xf32>,
        %and3A_810 = arith.constant 1 : i32
        %and3A_811 = arith.andi %scan3A_20, %and3A_810 : i32
        %mul3A_812 = arith.constant 16 : i32
        %mul3A_813 = arith.muli %scan3A_40, %mul3A_812 : i32
        %add3A_814 = arith.constant 8 : i32
        %add3A_815 = arith.addi %mul3A_813, %add3A_814 : i32
        %add3A_816 = arith.constant 16 : i32
        %add3A_817 = arith.addi %mul3A_789, %add3A_816 : i32
        %get3A_818 = arith.index_cast %and3A_811 : i32 to index
        %get3A_819 = arith.index_cast %add3A_815 : i32 to index
        %get3A_820 = arith.index_cast %and3A_781 : i32 to index
        %get3A_821 = arith.index_cast %add3A_817 : i32 to index
        %get3A_822 = tpu.vector_load %arg18[%get3A_818, %get3A_819, %get3A_820, %get3A_821] {strides = array<i32>} : memref<2x32x8x128xf32, #tpu.memory_space<vmem>>, vector<16xf32>,
        %mul3A_823 = arith.constant 16 : i32
        %mul3A_824 = arith.muli %scan3A_40, %mul3A_823 : i32
        %add3A_825 = arith.constant 8 : i32
        %add3A_826 = arith.addi %mul3A_824, %add3A_825 : i32
        %swap3A_827 = arith.index_cast %add3A_826 : i32 to index
        %swap3A_828 = arith.constant 16 : index
        %swap3A_829 = tpu.vector_load %arg19[%swap3A_827, %swap3A_828] {strides = array<i32>} : memref<32x64xf32, #tpu.memory_space<vmem>>, vector<16xf32>,
        tpu.vector_store %arg19[%swap3A_827, %swap3A_828], %get3A_822 {strides = array<i32>} : memref<32x64xf32, #tpu.memory_space<vmem>>, vector<16xf32>,
        %and3A_830 = arith.constant 1 : i32
        %and3A_831 = arith.andi %scan3A_20, %and3A_830 : i32
        %mul3A_832 = arith.constant 16 : i32
        %mul3A_833 = arith.muli %scan3A_40, %mul3A_832 : i32
        %add3A_834 = arith.constant 8 : i32
        %add3A_835 = arith.addi %mul3A_833, %add3A_834 : i32
        %add3A_836 = arith.constant 32 : i32
        %add3A_837 = arith.addi %mul3A_789, %add3A_836 : i32
        %get3A_838 = arith.index_cast %and3A_831 : i32 to index
        %get3A_839 = arith.index_cast %add3A_835 : i32 to index
        %get3A_840 = arith.index_cast %and3A_781 : i32 to index
        %get3A_841 = arith.index_cast %add3A_837 : i32 to index
        %get3A_842 = tpu.vector_load %arg18[%get3A_838, %get3A_839, %get3A_840, %get3A_841] {strides = array<i32>} : memref<2x32x8x128xf32, #tpu.memory_space<vmem>>, vector<16xf32>,
        %mul3A_843 = arith.constant 16 : i32
        %mul3A_844 = arith.muli %scan3A_40, %mul3A_843 : i32
        %add3A_845 = arith.constant 8 : i32
        %add3A_846 = arith.addi %mul3A_844, %add3A_845 : i32
        %swap3A_847 = arith.index_cast %add3A_846 : i32 to index
        %swap3A_848 = arith.constant 32 : index
        %swap3A_849 = tpu.vector_load %arg19[%swap3A_847, %swap3A_848] {strides = array<i32>} : memref<32x64xf32, #tpu.memory_space<vmem>>, vector<16xf32>,
        tpu.vector_store %arg19[%swap3A_847, %swap3A_848], %get3A_842 {strides = array<i32>} : memref<32x64xf32, #tpu.memory_space<vmem>>, vector<16xf32>,
        %and3A_850 = arith.constant 1 : i32
        %and3A_851 = arith.andi %scan3A_20, %and3A_850 : i32
        %mul3A_852 = arith.constant 16 : i32
        %mul3A_853 = arith.muli %scan3A_40, %mul3A_852 : i32
        %add3A_854 = arith.constant 8 : i32
        %add3A_855 = arith.addi %mul3A_853, %add3A_854 : i32
        %add3A_856 = arith.constant 48 : i32
        %add3A_857 = arith.addi %mul3A_789, %add3A_856 : i32
        %get3A_858 = arith.index_cast %and3A_851 : i32 to index
        %get3A_859 = arith.index_cast %add3A_855 : i32 to index
        %get3A_860 = arith.index_cast %and3A_781 : i32 to index
        %get3A_861 = arith.index_cast %add3A_857 : i32 to index
        %get3A_862 = tpu.vector_load %arg18[%get3A_858, %get3A_859, %get3A_860, %get3A_861] {strides = array<i32>} : memref<2x32x8x128xf32, #tpu.memory_space<vmem>>, vector<16xf32>,
        %mul3A_863 = arith.constant 16 : i32
        %mul3A_864 = arith.muli %scan3A_40, %mul3A_863 : i32
        %add3A_865 = arith.constant 8 : i32
        %add3A_866 = arith.addi %mul3A_864, %add3A_865 : i32
        %swap3A_867 = arith.index_cast %add3A_866 : i32 to index
        %swap3A_868 = arith.constant 48 : index
        %swap3A_869 = tpu.vector_load %arg19[%swap3A_867, %swap3A_868] {strides = array<i32>} : memref<32x64xf32, #tpu.memory_space<vmem>>, vector<16xf32>,
        tpu.vector_store %arg19[%swap3A_867, %swap3A_868], %get3A_862 {strides = array<i32>} : memref<32x64xf32, #tpu.memory_space<vmem>>, vector<16xf32>,
        %slice3A_870 = vector.extract_strided_slice %get3A_46 {offsets = [9], sizes = [1], strides = [1]} : vector<16xi32> to vector<1xi32>
        %squeeze3A_871 = vector.extract %slice3A_870[0] : i32 from vector<1xi32>
        %and3A_872 = arith.constant 7 : i32
        %and3A_873 = arith.andi %squeeze3A_871, %and3A_872 : i32
        %slice3A_874 = vector.extract_strided_slice %get3A_46 {offsets = [9], sizes = [1], strides = [1]} : vector<16xi32> to vector<1xi32>
        %squeeze3A_875 = vector.extract %slice3A_874[0] : i32 from vector<1xi32>
        %shift_right_arithmetic3A_876 = arith.constant 13 : i32
        %shift_right_arithmetic3A_877 = arith.shrsi %squeeze3A_875, %shift_right_arithmetic3A_876 : i32
        %and3A_878 = arith.constant 1 : i32
        %and3A_879 = arith.andi %shift_right_arithmetic3A_877, %and3A_878 : i32
        %mul3A_880 = arith.constant 64 : i32
        %mul3A_881 = arith.muli %and3A_879, %mul3A_880 : i32
        %and3A_882 = arith.constant 1 : i32
        %and3A_883 = arith.andi %scan3A_20, %and3A_882 : i32
        %mul3A_884 = arith.constant 16 : i32
        %mul3A_885 = arith.muli %scan3A_40, %mul3A_884 : i32
        %add3A_886 = arith.constant 9 : i32
        %add3A_887 = arith.addi %mul3A_885, %add3A_886 : i32
        %add3A_888 = arith.constant 0 : i32
        %add3A_889 = arith.addi %mul3A_881, %add3A_888 : i32
        %get3A_890 = arith.index_cast %and3A_883 : i32 to index
        %get3A_891 = arith.index_cast %add3A_887 : i32 to index
        %get3A_892 = arith.index_cast %and3A_873 : i32 to index
        %get3A_893 = arith.index_cast %add3A_889 : i32 to index
        %get3A_894 = tpu.vector_load %arg18[%get3A_890, %get3A_891, %get3A_892, %get3A_893] {strides = array<i32>} : memref<2x32x8x128xf32, #tpu.memory_space<vmem>>, vector<16xf32>,
        %mul3A_895 = arith.constant 16 : i32
        %mul3A_896 = arith.muli %scan3A_40, %mul3A_895 : i32
        %add3A_897 = arith.constant 9 : i32
        %add3A_898 = arith.addi %mul3A_896, %add3A_897 : i32
        %swap3A_899 = arith.index_cast %add3A_898 : i32 to index
        %swap3A_900 = arith.constant 0 : index
        %swap3A_901 = tpu.vector_load %arg19[%swap3A_899, %swap3A_900] {strides = array<i32>} : memref<32x64xf32, #tpu.memory_space<vmem>>, vector<16xf32>,
        tpu.vector_store %arg19[%swap3A_899, %swap3A_900], %get3A_894 {strides = array<i32>} : memref<32x64xf32, #tpu.memory_space<vmem>>, vector<16xf32>,
        %and3A_902 = arith.constant 1 : i32
        %and3A_903 = arith.andi %scan3A_20, %and3A_902 : i32
        %mul3A_904 = arith.constant 16 : i32
        %mul3A_905 = arith.muli %scan3A_40, %mul3A_904 : i32
        %add3A_906 = arith.constant 9 : i32
        %add3A_907 = arith.addi %mul3A_905, %add3A_906 : i32
        %add3A_908 = arith.constant 16 : i32
        %add3A_909 = arith.addi %mul3A_881, %add3A_908 : i32
        %get3A_910 = arith.index_cast %and3A_903 : i32 to index
        %get3A_911 = arith.index_cast %add3A_907 : i32 to index
        %get3A_912 = arith.index_cast %and3A_873 : i32 to index
        %get3A_913 = arith.index_cast %add3A_909 : i32 to index
        %get3A_914 = tpu.vector_load %arg18[%get3A_910, %get3A_911, %get3A_912, %get3A_913] {strides = array<i32>} : memref<2x32x8x128xf32, #tpu.memory_space<vmem>>, vector<16xf32>,
        %mul3A_915 = arith.constant 16 : i32
        %mul3A_916 = arith.muli %scan3A_40, %mul3A_915 : i32
        %add3A_917 = arith.constant 9 : i32
        %add3A_918 = arith.addi %mul3A_916, %add3A_917 : i32
        %swap3A_919 = arith.index_cast %add3A_918 : i32 to index
        %swap3A_920 = arith.constant 16 : index
        %swap3A_921 = tpu.vector_load %arg19[%swap3A_919, %swap3A_920] {strides = array<i32>} : memref<32x64xf32, #tpu.memory_space<vmem>>, vector<16xf32>,
        tpu.vector_store %arg19[%swap3A_919, %swap3A_920], %get3A_914 {strides = array<i32>} : memref<32x64xf32, #tpu.memory_space<vmem>>, vector<16xf32>,
        %and3A_922 = arith.constant 1 : i32
        %and3A_923 = arith.andi %scan3A_20, %and3A_922 : i32
        %mul3A_924 = arith.constant 16 : i32
        %mul3A_925 = arith.muli %scan3A_40, %mul3A_924 : i32
        %add3A_926 = arith.constant 9 : i32
        %add3A_927 = arith.addi %mul3A_925, %add3A_926 : i32
        %add3A_928 = arith.constant 32 : i32
        %add3A_929 = arith.addi %mul3A_881, %add3A_928 : i32
        %get3A_930 = arith.index_cast %and3A_923 : i32 to index
        %get3A_931 = arith.index_cast %add3A_927 : i32 to index
        %get3A_932 = arith.index_cast %and3A_873 : i32 to index
        %get3A_933 = arith.index_cast %add3A_929 : i32 to index
        %get3A_934 = tpu.vector_load %arg18[%get3A_930, %get3A_931, %get3A_932, %get3A_933] {strides = array<i32>} : memref<2x32x8x128xf32, #tpu.memory_space<vmem>>, vector<16xf32>,
        %mul3A_935 = arith.constant 16 : i32
        %mul3A_936 = arith.muli %scan3A_40, %mul3A_935 : i32
        %add3A_937 = arith.constant 9 : i32
        %add3A_938 = arith.addi %mul3A_936, %add3A_937 : i32
        %swap3A_939 = arith.index_cast %add3A_938 : i32 to index
        %swap3A_940 = arith.constant 32 : index
        %swap3A_941 = tpu.vector_load %arg19[%swap3A_939, %swap3A_940] {strides = array<i32>} : memref<32x64xf32, #tpu.memory_space<vmem>>, vector<16xf32>,
        tpu.vector_store %arg19[%swap3A_939, %swap3A_940], %get3A_934 {strides = array<i32>} : memref<32x64xf32, #tpu.memory_space<vmem>>, vector<16xf32>,
        %and3A_942 = arith.constant 1 : i32
        %and3A_943 = arith.andi %scan3A_20, %and3A_942 : i32
        %mul3A_944 = arith.constant 16 : i32
        %mul3A_945 = arith.muli %scan3A_40, %mul3A_944 : i32
        %add3A_946 = arith.constant 9 : i32
        %add3A_947 = arith.addi %mul3A_945, %add3A_946 : i32
        %add3A_948 = arith.constant 48 : i32
        %add3A_949 = arith.addi %mul3A_881, %add3A_948 : i32
        %get3A_950 = arith.index_cast %and3A_943 : i32 to index
        %get3A_951 = arith.index_cast %add3A_947 : i32 to index
        %get3A_952 = arith.index_cast %and3A_873 : i32 to index
        %get3A_953 = arith.index_cast %add3A_949 : i32 to index
        %get3A_954 = tpu.vector_load %arg18[%get3A_950, %get3A_951, %get3A_952, %get3A_953] {strides = array<i32>} : memref<2x32x8x128xf32, #tpu.memory_space<vmem>>, vector<16xf32>,
        %mul3A_955 = arith.constant 16 : i32
        %mul3A_956 = arith.muli %scan3A_40, %mul3A_955 : i32
        %add3A_957 = arith.constant 9 : i32
        %add3A_958 = arith.addi %mul3A_956, %add3A_957 : i32
        %swap3A_959 = arith.index_cast %add3A_958 : i32 to index
        %swap3A_960 = arith.constant 48 : index
        %swap3A_961 = tpu.vector_load %arg19[%swap3A_959, %swap3A_960] {strides = array<i32>} : memref<32x64xf32, #tpu.memory_space<vmem>>, vector<16xf32>,
        tpu.vector_store %arg19[%swap3A_959, %swap3A_960], %get3A_954 {strides = array<i32>} : memref<32x64xf32, #tpu.memory_space<vmem>>, vector<16xf32>,
        %slice3A_962 = vector.extract_strided_slice %get3A_46 {offsets = [10], sizes = [1], strides = [1]} : vector<16xi32> to vector<1xi32>
        %squeeze3A_963 = vector.extract %slice3A_962[0] : i32 from vector<1xi32>
        %and3A_964 = arith.constant 7 : i32
        %and3A_965 = arith.andi %squeeze3A_963, %and3A_964 : i32
        %slice3A_966 = vector.extract_strided_slice %get3A_46 {offsets = [10], sizes = [1], strides = [1]} : vector<16xi32> to vector<1xi32>
        %squeeze3A_967 = vector.extract %slice3A_966[0] : i32 from vector<1xi32>
        %shift_right_arithmetic3A_968 = arith.constant 13 : i32
        %shift_right_arithmetic3A_969 = arith.shrsi %squeeze3A_967, %shift_right_arithmetic3A_968 : i32
        %and3A_970 = arith.constant 1 : i32
        %and3A_971 = arith.andi %shift_right_arithmetic3A_969, %and3A_970 : i32
        %mul3A_972 = arith.constant 64 : i32
        %mul3A_973 = arith.muli %and3A_971, %mul3A_972 : i32
        %and3A_974 = arith.constant 1 : i32
        %and3A_975 = arith.andi %scan3A_20, %and3A_974 : i32
        %mul3A_976 = arith.constant 16 : i32
        %mul3A_977 = arith.muli %scan3A_40, %mul3A_976 : i32
        %add3A_978 = arith.constant 10 : i32
        %add3A_979 = arith.addi %mul3A_977, %add3A_978 : i32
        %add3A_980 = arith.constant 0 : i32
        %add3A_981 = arith.addi %mul3A_973, %add3A_980 : i32
        %get3A_982 = arith.index_cast %and3A_975 : i32 to index
        %get3A_983 = arith.index_cast %add3A_979 : i32 to index
        %get3A_984 = arith.index_cast %and3A_965 : i32 to index
        %get3A_985 = arith.index_cast %add3A_981 : i32 to index
        %get3A_986 = tpu.vector_load %arg18[%get3A_982, %get3A_983, %get3A_984, %get3A_985] {strides = array<i32>} : memref<2x32x8x128xf32, #tpu.memory_space<vmem>>, vector<16xf32>,
        %mul3A_987 = arith.constant 16 : i32
        %mul3A_988 = arith.muli %scan3A_40, %mul3A_987 : i32
        %add3A_989 = arith.constant 10 : i32
        %add3A_990 = arith.addi %mul3A_988, %add3A_989 : i32
        %swap3A_991 = arith.index_cast %add3A_990 : i32 to index
        %swap3A_992 = arith.constant 0 : index
        %swap3A_993 = tpu.vector_load %arg19[%swap3A_991, %swap3A_992] {strides = array<i32>} : memref<32x64xf32, #tpu.memory_space<vmem>>, vector<16xf32>,
        tpu.vector_store %arg19[%swap3A_991, %swap3A_992], %get3A_986 {strides = array<i32>} : memref<32x64xf32, #tpu.memory_space<vmem>>, vector<16xf32>,
        %and3A_994 = arith.constant 1 : i32
        %and3A_995 = arith.andi %scan3A_20, %and3A_994 : i32
        %mul3A_996 = arith.constant 16 : i32
        %mul3A_997 = arith.muli %scan3A_40, %mul3A_996 : i32
        %add3A_998 = arith.constant 10 : i32
        %add3A_999 = arith.addi %mul3A_997, %add3A_998 : i32
        %add3A_1000 = arith.constant 16 : i32
        %add3A_1001 = arith.addi %mul3A_973, %add3A_1000 : i32
        %get3A_1002 = arith.index_cast %and3A_995 : i32 to index
        %get3A_1003 = arith.index_cast %add3A_999 : i32 to index
        %get3A_1004 = arith.index_cast %and3A_965 : i32 to index
        %get3A_1005 = arith.index_cast %add3A_1001 : i32 to index
        %get3A_1006 = tpu.vector_load %arg18[%get3A_1002, %get3A_1003, %get3A_1004, %get3A_1005] {strides = array<i32>} : memref<2x32x8x128xf32, #tpu.memory_space<vmem>>, vector<16xf32>,
        %mul3A_1007 = arith.constant 16 : i32
        %mul3A_1008 = arith.muli %scan3A_40, %mul3A_1007 : i32
        %add3A_1009 = arith.constant 10 : i32
        %add3A_1010 = arith.addi %mul3A_1008, %add3A_1009 : i32
        %swap3A_1011 = arith.index_cast %add3A_1010 : i32 to index
        %swap3A_1012 = arith.constant 16 : index
        %swap3A_1013 = tpu.vector_load %arg19[%swap3A_1011, %swap3A_1012] {strides = array<i32>} : memref<32x64xf32, #tpu.memory_space<vmem>>, vector<16xf32>,
        tpu.vector_store %arg19[%swap3A_1011, %swap3A_1012], %get3A_1006 {strides = array<i32>} : memref<32x64xf32, #tpu.memory_space<vmem>>, vector<16xf32>,
        %and3A_1014 = arith.constant 1 : i32
        %and3A_1015 = arith.andi %scan3A_20, %and3A_1014 : i32
        %mul3A_1016 = arith.constant 16 : i32
        %mul3A_1017 = arith.muli %scan3A_40, %mul3A_1016 : i32
        %add3A_1018 = arith.constant 10 : i32
        %add3A_1019 = arith.addi %mul3A_1017, %add3A_1018 : i32
        %add3A_1020 = arith.constant 32 : i32
        %add3A_1021 = arith.addi %mul3A_973, %add3A_1020 : i32
        %get3A_1022 = arith.index_cast %and3A_1015 : i32 to index
        %get3A_1023 = arith.index_cast %add3A_1019 : i32 to index
        %get3A_1024 = arith.index_cast %and3A_965 : i32 to index
        %get3A_1025 = arith.index_cast %add3A_1021 : i32 to index
        %get3A_1026 = tpu.vector_load %arg18[%get3A_1022, %get3A_1023, %get3A_1024, %get3A_1025] {strides = array<i32>} : memref<2x32x8x128xf32, #tpu.memory_space<vmem>>, vector<16xf32>,
        %mul3A_1027 = arith.constant 16 : i32
        %mul3A_1028 = arith.muli %scan3A_40, %mul3A_1027 : i32
        %add3A_1029 = arith.constant 10 : i32
        %add3A_1030 = arith.addi %mul3A_1028, %add3A_1029 : i32
        %swap3A_1031 = arith.index_cast %add3A_1030 : i32 to index
        %swap3A_1032 = arith.constant 32 : index
        %swap3A_1033 = tpu.vector_load %arg19[%swap3A_1031, %swap3A_1032] {strides = array<i32>} : memref<32x64xf32, #tpu.memory_space<vmem>>, vector<16xf32>,
        tpu.vector_store %arg19[%swap3A_1031, %swap3A_1032], %get3A_1026 {strides = array<i32>} : memref<32x64xf32, #tpu.memory_space<vmem>>, vector<16xf32>,
        %and3A_1034 = arith.constant 1 : i32
        %and3A_1035 = arith.andi %scan3A_20, %and3A_1034 : i32
        %mul3A_1036 = arith.constant 16 : i32
        %mul3A_1037 = arith.muli %scan3A_40, %mul3A_1036 : i32
        %add3A_1038 = arith.constant 10 : i32
        %add3A_1039 = arith.addi %mul3A_1037, %add3A_1038 : i32
        %add3A_1040 = arith.constant 48 : i32
        %add3A_1041 = arith.addi %mul3A_973, %add3A_1040 : i32
        %get3A_1042 = arith.index_cast %and3A_1035 : i32 to index
        %get3A_1043 = arith.index_cast %add3A_1039 : i32 to index
        %get3A_1044 = arith.index_cast %and3A_965 : i32 to index
        %get3A_1045 = arith.index_cast %add3A_1041 : i32 to index
        %get3A_1046 = tpu.vector_load %arg18[%get3A_1042, %get3A_1043, %get3A_1044, %get3A_1045] {strides = array<i32>} : memref<2x32x8x128xf32, #tpu.memory_space<vmem>>, vector<16xf32>,
        %mul3A_1047 = arith.constant 16 : i32
        %mul3A_1048 = arith.muli %scan3A_40, %mul3A_1047 : i32
        %add3A_1049 = arith.constant 10 : i32
        %add3A_1050 = arith.addi %mul3A_1048, %add3A_1049 : i32
        %swap3A_1051 = arith.index_cast %add3A_1050 : i32 to index
        %swap3A_1052 = arith.constant 48 : index
        %swap3A_1053 = tpu.vector_load %arg19[%swap3A_1051, %swap3A_1052] {strides = array<i32>} : memref<32x64xf32, #tpu.memory_space<vmem>>, vector<16xf32>,
        tpu.vector_store %arg19[%swap3A_1051, %swap3A_1052], %get3A_1046 {strides = array<i32>} : memref<32x64xf32, #tpu.memory_space<vmem>>, vector<16xf32>,
        %slice3A_1054 = vector.extract_strided_slice %get3A_46 {offsets = [11], sizes = [1], strides = [1]} : vector<16xi32> to vector<1xi32>
        %squeeze3A_1055 = vector.extract %slice3A_1054[0] : i32 from vector<1xi32>
        %and3A_1056 = arith.constant 7 : i32
        %and3A_1057 = arith.andi %squeeze3A_1055, %and3A_1056 : i32
        %slice3A_1058 = vector.extract_strided_slice %get3A_46 {offsets = [11], sizes = [1], strides = [1]} : vector<16xi32> to vector<1xi32>
        %squeeze3A_1059 = vector.extract %slice3A_1058[0] : i32 from vector<1xi32>
        %shift_right_arithmetic3A_1060 = arith.constant 13 : i32
        %shift_right_arithmetic3A_1061 = arith.shrsi %squeeze3A_1059, %shift_right_arithmetic3A_1060 : i32
        %and3A_1062 = arith.constant 1 : i32
        %and3A_1063 = arith.andi %shift_right_arithmetic3A_1061, %and3A_1062 : i32
        %mul3A_1064 = arith.constant 64 : i32
        %mul3A_1065 = arith.muli %and3A_1063, %mul3A_1064 : i32
        %and3A_1066 = arith.constant 1 : i32
        %and3A_1067 = arith.andi %scan3A_20, %and3A_1066 : i32
        %mul3A_1068 = arith.constant 16 : i32
        %mul3A_1069 = arith.muli %scan3A_40, %mul3A_1068 : i32
        %add3A_1070 = arith.constant 11 : i32
        %add3A_1071 = arith.addi %mul3A_1069, %add3A_1070 : i32
        %add3A_1072 = arith.constant 0 : i32
        %add3A_1073 = arith.addi %mul3A_1065, %add3A_1072 : i32
        %get3A_1074 = arith.index_cast %and3A_1067 : i32 to index
        %get3A_1075 = arith.index_cast %add3A_1071 : i32 to index
        %get3A_1076 = arith.index_cast %and3A_1057 : i32 to index
        %get3A_1077 = arith.index_cast %add3A_1073 : i32 to index
        %get3A_1078 = tpu.vector_load %arg18[%get3A_1074, %get3A_1075, %get3A_1076, %get3A_1077] {strides = array<i32>} : memref<2x32x8x128xf32, #tpu.memory_space<vmem>>, vector<16xf32>,
        %mul3A_1079 = arith.constant 16 : i32
        %mul3A_1080 = arith.muli %scan3A_40, %mul3A_1079 : i32
        %add3A_1081 = arith.constant 11 : i32
        %add3A_1082 = arith.addi %mul3A_1080, %add3A_1081 : i32
        %swap3A_1083 = arith.index_cast %add3A_1082 : i32 to index
        %swap3A_1084 = arith.constant 0 : index
        %swap3A_1085 = tpu.vector_load %arg19[%swap3A_1083, %swap3A_1084] {strides = array<i32>} : memref<32x64xf32, #tpu.memory_space<vmem>>, vector<16xf32>,
        tpu.vector_store %arg19[%swap3A_1083, %swap3A_1084], %get3A_1078 {strides = array<i32>} : memref<32x64xf32, #tpu.memory_space<vmem>>, vector<16xf32>,
        %and3A_1086 = arith.constant 1 : i32
        %and3A_1087 = arith.andi %scan3A_20, %and3A_1086 : i32
        %mul3A_1088 = arith.constant 16 : i32
        %mul3A_1089 = arith.muli %scan3A_40, %mul3A_1088 : i32
        %add3A_1090 = arith.constant 11 : i32
        %add3A_1091 = arith.addi %mul3A_1089, %add3A_1090 : i32
        %add3A_1092 = arith.constant 16 : i32
        %add3A_1093 = arith.addi %mul3A_1065, %add3A_1092 : i32
        %get3A_1094 = arith.index_cast %and3A_1087 : i32 to index
        %get3A_1095 = arith.index_cast %add3A_1091 : i32 to index
        %get3A_1096 = arith.index_cast %and3A_1057 : i32 to index
        %get3A_1097 = arith.index_cast %add3A_1093 : i32 to index
        %get3A_1098 = tpu.vector_load %arg18[%get3A_1094, %get3A_1095, %get3A_1096, %get3A_1097] {strides = array<i32>} : memref<2x32x8x128xf32, #tpu.memory_space<vmem>>, vector<16xf32>,
        %mul3A_1099 = arith.constant 16 : i32
        %mul3A_1100 = arith.muli %scan3A_40, %mul3A_1099 : i32
        %add3A_1101 = arith.constant 11 : i32
        %add3A_1102 = arith.addi %mul3A_1100, %add3A_1101 : i32
        %swap3A_1103 = arith.index_cast %add3A_1102 : i32 to index
        %swap3A_1104 = arith.constant 16 : index
        %swap3A_1105 = tpu.vector_load %arg19[%swap3A_1103, %swap3A_1104] {strides = array<i32>} : memref<32x64xf32, #tpu.memory_space<vmem>>, vector<16xf32>,
        tpu.vector_store %arg19[%swap3A_1103, %swap3A_1104], %get3A_1098 {strides = array<i32>} : memref<32x64xf32, #tpu.memory_space<vmem>>, vector<16xf32>,
        %and3A_1106 = arith.constant 1 : i32
        %and3A_1107 = arith.andi %scan3A_20, %and3A_1106 : i32
        %mul3A_1108 = arith.constant 16 : i32
        %mul3A_1109 = arith.muli %scan3A_40, %mul3A_1108 : i32
        %add3A_1110 = arith.constant 11 : i32
        %add3A_1111 = arith.addi %mul3A_1109, %add3A_1110 : i32
        %add3A_1112 = arith.constant 32 : i32
        %add3A_1113 = arith.addi %mul3A_1065, %add3A_1112 : i32
        %get3A_1114 = arith.index_cast %and3A_1107 : i32 to index
        %get3A_1115 = arith.index_cast %add3A_1111 : i32 to index
        %get3A_1116 = arith.index_cast %and3A_1057 : i32 to index
        %get3A_1117 = arith.index_cast %add3A_1113 : i32 to index
        %get3A_1118 = tpu.vector_load %arg18[%get3A_1114, %get3A_1115, %get3A_1116, %get3A_1117] {strides = array<i32>} : memref<2x32x8x128xf32, #tpu.memory_space<vmem>>, vector<16xf32>,
        %mul3A_1119 = arith.constant 16 : i32
        %mul3A_1120 = arith.muli %scan3A_40, %mul3A_1119 : i32
        %add3A_1121 = arith.constant 11 : i32
        %add3A_1122 = arith.addi %mul3A_1120, %add3A_1121 : i32
        %swap3A_1123 = arith.index_cast %add3A_1122 : i32 to index
        %swap3A_1124 = arith.constant 32 : index
        %swap3A_1125 = tpu.vector_load %arg19[%swap3A_1123, %swap3A_1124] {strides = array<i32>} : memref<32x64xf32, #tpu.memory_space<vmem>>, vector<16xf32>,
        tpu.vector_store %arg19[%swap3A_1123, %swap3A_1124], %get3A_1118 {strides = array<i32>} : memref<32x64xf32, #tpu.memory_space<vmem>>, vector<16xf32>,
        %and3A_1126 = arith.constant 1 : i32
        %and3A_1127 = arith.andi %scan3A_20, %and3A_1126 : i32
        %mul3A_1128 = arith.constant 16 : i32
        %mul3A_1129 = arith.muli %scan3A_40, %mul3A_1128 : i32
        %add3A_1130 = arith.constant 11 : i32
        %add3A_1131 = arith.addi %mul3A_1129, %add3A_1130 : i32
        %add3A_1132 = arith.constant 48 : i32
        %add3A_1133 = arith.addi %mul3A_1065, %add3A_1132 : i32
        %get3A_1134 = arith.index_cast %and3A_1127 : i32 to index
        %get3A_1135 = arith.index_cast %add3A_1131 : i32 to index
        %get3A_1136 = arith.index_cast %and3A_1057 : i32 to index
        %get3A_1137 = arith.index_cast %add3A_1133 : i32 to index
        %get3A_1138 = tpu.vector_load %arg18[%get3A_1134, %get3A_1135, %get3A_1136, %get3A_1137] {strides = array<i32>} : memref<2x32x8x128xf32, #tpu.memory_space<vmem>>, vector<16xf32>,
        %mul3A_1139 = arith.constant 16 : i32
        %mul3A_1140 = arith.muli %scan3A_40, %mul3A_1139 : i32
        %add3A_1141 = arith.constant 11 : i32
        %add3A_1142 = arith.addi %mul3A_1140, %add3A_1141 : i32
        %swap3A_1143 = arith.index_cast %add3A_1142 : i32 to index
        %swap3A_1144 = arith.constant 48 : index
        %swap3A_1145 = tpu.vector_load %arg19[%swap3A_1143, %swap3A_1144] {strides = array<i32>} : memref<32x64xf32, #tpu.memory_space<vmem>>, vector<16xf32>,
        tpu.vector_store %arg19[%swap3A_1143, %swap3A_1144], %get3A_1138 {strides = array<i32>} : memref<32x64xf32, #tpu.memory_space<vmem>>, vector<16xf32>,
        %slice3A_1146 = vector.extract_strided_slice %get3A_46 {offsets = [12], sizes = [1], strides = [1]} : vector<16xi32> to vector<1xi32>
        %squeeze3A_1147 = vector.extract %slice3A_1146[0] : i32 from vector<1xi32>
        %and3A_1148 = arith.constant 7 : i32
        %and3A_1149 = arith.andi %squeeze3A_1147, %and3A_1148 : i32
        %slice3A_1150 = vector.extract_strided_slice %get3A_46 {offsets = [12], sizes = [1], strides = [1]} : vector<16xi32> to vector<1xi32>
        %squeeze3A_1151 = vector.extract %slice3A_1150[0] : i32 from vector<1xi32>
        %shift_right_arithmetic3A_1152 = arith.constant 13 : i32
        %shift_right_arithmetic3A_1153 = arith.shrsi %squeeze3A_1151, %shift_right_arithmetic3A_1152 : i32
        %and3A_1154 = arith.constant 1 : i32
        %and3A_1155 = arith.andi %shift_right_arithmetic3A_1153, %and3A_1154 : i32
        %mul3A_1156 = arith.constant 64 : i32
        %mul3A_1157 = arith.muli %and3A_1155, %mul3A_1156 : i32
        %and3A_1158 = arith.constant 1 : i32
        %and3A_1159 = arith.andi %scan3A_20, %and3A_1158 : i32
        %mul3A_1160 = arith.constant 16 : i32
        %mul3A_1161 = arith.muli %scan3A_40, %mul3A_1160 : i32
        %add3A_1162 = arith.constant 12 : i32
        %add3A_1163 = arith.addi %mul3A_1161, %add3A_1162 : i32
        %add3A_1164 = arith.constant 0 : i32
        %add3A_1165 = arith.addi %mul3A_1157, %add3A_1164 : i32
        %get3A_1166 = arith.index_cast %and3A_1159 : i32 to index
        %get3A_1167 = arith.index_cast %add3A_1163 : i32 to index
        %get3A_1168 = arith.index_cast %and3A_1149 : i32 to index
        %get3A_1169 = arith.index_cast %add3A_1165 : i32 to index
        %get3A_1170 = tpu.vector_load %arg18[%get3A_1166, %get3A_1167, %get3A_1168, %get3A_1169] {strides = array<i32>} : memref<2x32x8x128xf32, #tpu.memory_space<vmem>>, vector<16xf32>,
        %mul3A_1171 = arith.constant 16 : i32
        %mul3A_1172 = arith.muli %scan3A_40, %mul3A_1171 : i32
        %add3A_1173 = arith.constant 12 : i32
        %add3A_1174 = arith.addi %mul3A_1172, %add3A_1173 : i32
        %swap3A_1175 = arith.index_cast %add3A_1174 : i32 to index
        %swap3A_1176 = arith.constant 0 : index
        %swap3A_1177 = tpu.vector_load %arg19[%swap3A_1175, %swap3A_1176] {strides = array<i32>} : memref<32x64xf32, #tpu.memory_space<vmem>>, vector<16xf32>,
        tpu.vector_store %arg19[%swap3A_1175, %swap3A_1176], %get3A_1170 {strides = array<i32>} : memref<32x64xf32, #tpu.memory_space<vmem>>, vector<16xf32>,
        %and3A_1178 = arith.constant 1 : i32
        %and3A_1179 = arith.andi %scan3A_20, %and3A_1178 : i32
        %mul3A_1180 = arith.constant 16 : i32
        %mul3A_1181 = arith.muli %scan3A_40, %mul3A_1180 : i32
        %add3A_1182 = arith.constant 12 : i32
        %add3A_1183 = arith.addi %mul3A_1181, %add3A_1182 : i32
        %add3A_1184 = arith.constant 16 : i32
        %add3A_1185 = arith.addi %mul3A_1157, %add3A_1184 : i32
        %get3A_1186 = arith.index_cast %and3A_1179 : i32 to index
        %get3A_1187 = arith.index_cast %add3A_1183 : i32 to index
        %get3A_1188 = arith.index_cast %and3A_1149 : i32 to index
        %get3A_1189 = arith.index_cast %add3A_1185 : i32 to index
        %get3A_1190 = tpu.vector_load %arg18[%get3A_1186, %get3A_1187, %get3A_1188, %get3A_1189] {strides = array<i32>} : memref<2x32x8x128xf32, #tpu.memory_space<vmem>>, vector<16xf32>,
        %mul3A_1191 = arith.constant 16 : i32
        %mul3A_1192 = arith.muli %scan3A_40, %mul3A_1191 : i32
        %add3A_1193 = arith.constant 12 : i32
        %add3A_1194 = arith.addi %mul3A_1192, %add3A_1193 : i32
        %swap3A_1195 = arith.index_cast %add3A_1194 : i32 to index
        %swap3A_1196 = arith.constant 16 : index
        %swap3A_1197 = tpu.vector_load %arg19[%swap3A_1195, %swap3A_1196] {strides = array<i32>} : memref<32x64xf32, #tpu.memory_space<vmem>>, vector<16xf32>,
        tpu.vector_store %arg19[%swap3A_1195, %swap3A_1196], %get3A_1190 {strides = array<i32>} : memref<32x64xf32, #tpu.memory_space<vmem>>, vector<16xf32>,
        %and3A_1198 = arith.constant 1 : i32
        %and3A_1199 = arith.andi %scan3A_20, %and3A_1198 : i32
        %mul3A_1200 = arith.constant 16 : i32
        %mul3A_1201 = arith.muli %scan3A_40, %mul3A_1200 : i32
        %add3A_1202 = arith.constant 12 : i32
        %add3A_1203 = arith.addi %mul3A_1201, %add3A_1202 : i32
        %add3A_1204 = arith.constant 32 : i32
        %add3A_1205 = arith.addi %mul3A_1157, %add3A_1204 : i32
        %get3A_1206 = arith.index_cast %and3A_1199 : i32 to index
        %get3A_1207 = arith.index_cast %add3A_1203 : i32 to index
        %get3A_1208 = arith.index_cast %and3A_1149 : i32 to index
        %get3A_1209 = arith.index_cast %add3A_1205 : i32 to index
        %get3A_1210 = tpu.vector_load %arg18[%get3A_1206, %get3A_1207, %get3A_1208, %get3A_1209] {strides = array<i32>} : memref<2x32x8x128xf32, #tpu.memory_space<vmem>>, vector<16xf32>,
        %mul3A_1211 = arith.constant 16 : i32
        %mul3A_1212 = arith.muli %scan3A_40, %mul3A_1211 : i32
        %add3A_1213 = arith.constant 12 : i32
        %add3A_1214 = arith.addi %mul3A_1212, %add3A_1213 : i32
        %swap3A_1215 = arith.index_cast %add3A_1214 : i32 to index
        %swap3A_1216 = arith.constant 32 : index
        %swap3A_1217 = tpu.vector_load %arg19[%swap3A_1215, %swap3A_1216] {strides = array<i32>} : memref<32x64xf32, #tpu.memory_space<vmem>>, vector<16xf32>,
        tpu.vector_store %arg19[%swap3A_1215, %swap3A_1216], %get3A_1210 {strides = array<i32>} : memref<32x64xf32, #tpu.memory_space<vmem>>, vector<16xf32>,
        %and3A_1218 = arith.constant 1 : i32
        %and3A_1219 = arith.andi %scan3A_20, %and3A_1218 : i32
        %mul3A_1220 = arith.constant 16 : i32
        %mul3A_1221 = arith.muli %scan3A_40, %mul3A_1220 : i32
        %add3A_1222 = arith.constant 12 : i32
        %add3A_1223 = arith.addi %mul3A_1221, %add3A_1222 : i32
        %add3A_1224 = arith.constant 48 : i32
        %add3A_1225 = arith.addi %mul3A_1157, %add3A_1224 : i32
        %get3A_1226 = arith.index_cast %and3A_1219 : i32 to index
        %get3A_1227 = arith.index_cast %add3A_1223 : i32 to index
        %get3A_1228 = arith.index_cast %and3A_1149 : i32 to index
        %get3A_1229 = arith.index_cast %add3A_1225 : i32 to index
        %get3A_1230 = tpu.vector_load %arg18[%get3A_1226, %get3A_1227, %get3A_1228, %get3A_1229] {strides = array<i32>} : memref<2x32x8x128xf32, #tpu.memory_space<vmem>>, vector<16xf32>,
        %mul3A_1231 = arith.constant 16 : i32
        %mul3A_1232 = arith.muli %scan3A_40, %mul3A_1231 : i32
        %add3A_1233 = arith.constant 12 : i32
        %add3A_1234 = arith.addi %mul3A_1232, %add3A_1233 : i32
        %swap3A_1235 = arith.index_cast %add3A_1234 : i32 to index
        %swap3A_1236 = arith.constant 48 : index
        %swap3A_1237 = tpu.vector_load %arg19[%swap3A_1235, %swap3A_1236] {strides = array<i32>} : memref<32x64xf32, #tpu.memory_space<vmem>>, vector<16xf32>,
        tpu.vector_store %arg19[%swap3A_1235, %swap3A_1236], %get3A_1230 {strides = array<i32>} : memref<32x64xf32, #tpu.memory_space<vmem>>, vector<16xf32>,
        %slice3A_1238 = vector.extract_strided_slice %get3A_46 {offsets = [13], sizes = [1], strides = [1]} : vector<16xi32> to vector<1xi32>
        %squeeze3A_1239 = vector.extract %slice3A_1238[0] : i32 from vector<1xi32>
        %and3A_1240 = arith.constant 7 : i32
        %and3A_1241 = arith.andi %squeeze3A_1239, %and3A_1240 : i32
        %slice3A_1242 = vector.extract_strided_slice %get3A_46 {offsets = [13], sizes = [1], strides = [1]} : vector<16xi32> to vector<1xi32>
        %squeeze3A_1243 = vector.extract %slice3A_1242[0] : i32 from vector<1xi32>
        %shift_right_arithmetic3A_1244 = arith.constant 13 : i32
        %shift_right_arithmetic3A_1245 = arith.shrsi %squeeze3A_1243, %shift_right_arithmetic3A_1244 : i32
        %and3A_1246 = arith.constant 1 : i32
        %and3A_1247 = arith.andi %shift_right_arithmetic3A_1245, %and3A_1246 : i32
        %mul3A_1248 = arith.constant 64 : i32
        %mul3A_1249 = arith.muli %and3A_1247, %mul3A_1248 : i32
        %and3A_1250 = arith.constant 1 : i32
        %and3A_1251 = arith.andi %scan3A_20, %and3A_1250 : i32
        %mul3A_1252 = arith.constant 16 : i32
        %mul3A_1253 = arith.muli %scan3A_40, %mul3A_1252 : i32
        %add3A_1254 = arith.constant 13 : i32
        %add3A_1255 = arith.addi %mul3A_1253, %add3A_1254 : i32
        %add3A_1256 = arith.constant 0 : i32
        %add3A_1257 = arith.addi %mul3A_1249, %add3A_1256 : i32
        %get3A_1258 = arith.index_cast %and3A_1251 : i32 to index
        %get3A_1259 = arith.index_cast %add3A_1255 : i32 to index
        %get3A_1260 = arith.index_cast %and3A_1241 : i32 to index
        %get3A_1261 = arith.index_cast %add3A_1257 : i32 to index
        %get3A_1262 = tpu.vector_load %arg18[%get3A_1258, %get3A_1259, %get3A_1260, %get3A_1261] {strides = array<i32>} : memref<2x32x8x128xf32, #tpu.memory_space<vmem>>, vector<16xf32>,
        %mul3A_1263 = arith.constant 16 : i32
        %mul3A_1264 = arith.muli %scan3A_40, %mul3A_1263 : i32
        %add3A_1265 = arith.constant 13 : i32
        %add3A_1266 = arith.addi %mul3A_1264, %add3A_1265 : i32
        %swap3A_1267 = arith.index_cast %add3A_1266 : i32 to index
        %swap3A_1268 = arith.constant 0 : index
        %swap3A_1269 = tpu.vector_load %arg19[%swap3A_1267, %swap3A_1268] {strides = array<i32>} : memref<32x64xf32, #tpu.memory_space<vmem>>, vector<16xf32>,
        tpu.vector_store %arg19[%swap3A_1267, %swap3A_1268], %get3A_1262 {strides = array<i32>} : memref<32x64xf32, #tpu.memory_space<vmem>>, vector<16xf32>,
        %and3A_1270 = arith.constant 1 : i32
        %and3A_1271 = arith.andi %scan3A_20, %and3A_1270 : i32
        %mul3A_1272 = arith.constant 16 : i32
        %mul3A_1273 = arith.muli %scan3A_40, %mul3A_1272 : i32
        %add3A_1274 = arith.constant 13 : i32
        %add3A_1275 = arith.addi %mul3A_1273, %add3A_1274 : i32
        %add3A_1276 = arith.constant 16 : i32
        %add3A_1277 = arith.addi %mul3A_1249, %add3A_1276 : i32
        %get3A_1278 = arith.index_cast %and3A_1271 : i32 to index
        %get3A_1279 = arith.index_cast %add3A_1275 : i32 to index
        %get3A_1280 = arith.index_cast %and3A_1241 : i32 to index
        %get3A_1281 = arith.index_cast %add3A_1277 : i32 to index
        %get3A_1282 = tpu.vector_load %arg18[%get3A_1278, %get3A_1279, %get3A_1280, %get3A_1281] {strides = array<i32>} : memref<2x32x8x128xf32, #tpu.memory_space<vmem>>, vector<16xf32>,
        %mul3A_1283 = arith.constant 16 : i32
        %mul3A_1284 = arith.muli %scan3A_40, %mul3A_1283 : i32
        %add3A_1285 = arith.constant 13 : i32
        %add3A_1286 = arith.addi %mul3A_1284, %add3A_1285 : i32
        %swap3A_1287 = arith.index_cast %add3A_1286 : i32 to index
        %swap3A_1288 = arith.constant 16 : index
        %swap3A_1289 = tpu.vector_load %arg19[%swap3A_1287, %swap3A_1288] {strides = array<i32>} : memref<32x64xf32, #tpu.memory_space<vmem>>, vector<16xf32>,
        tpu.vector_store %arg19[%swap3A_1287, %swap3A_1288], %get3A_1282 {strides = array<i32>} : memref<32x64xf32, #tpu.memory_space<vmem>>, vector<16xf32>,
        %and3A_1290 = arith.constant 1 : i32
        %and3A_1291 = arith.andi %scan3A_20, %and3A_1290 : i32
        %mul3A_1292 = arith.constant 16 : i32
        %mul3A_1293 = arith.muli %scan3A_40, %mul3A_1292 : i32
        %add3A_1294 = arith.constant 13 : i32
        %add3A_1295 = arith.addi %mul3A_1293, %add3A_1294 : i32
        %add3A_1296 = arith.constant 32 : i32
        %add3A_1297 = arith.addi %mul3A_1249, %add3A_1296 : i32
        %get3A_1298 = arith.index_cast %and3A_1291 : i32 to index
        %get3A_1299 = arith.index_cast %add3A_1295 : i32 to index
        %get3A_1300 = arith.index_cast %and3A_1241 : i32 to index
        %get3A_1301 = arith.index_cast %add3A_1297 : i32 to index
        %get3A_1302 = tpu.vector_load %arg18[%get3A_1298, %get3A_1299, %get3A_1300, %get3A_1301] {strides = array<i32>} : memref<2x32x8x128xf32, #tpu.memory_space<vmem>>, vector<16xf32>,
        %mul3A_1303 = arith.constant 16 : i32
        %mul3A_1304 = arith.muli %scan3A_40, %mul3A_1303 : i32
        %add3A_1305 = arith.constant 13 : i32
        %add3A_1306 = arith.addi %mul3A_1304, %add3A_1305 : i32
        %swap3A_1307 = arith.index_cast %add3A_1306 : i32 to index
        %swap3A_1308 = arith.constant 32 : index
        %swap3A_1309 = tpu.vector_load %arg19[%swap3A_1307, %swap3A_1308] {strides = array<i32>} : memref<32x64xf32, #tpu.memory_space<vmem>>, vector<16xf32>,
        tpu.vector_store %arg19[%swap3A_1307, %swap3A_1308], %get3A_1302 {strides = array<i32>} : memref<32x64xf32, #tpu.memory_space<vmem>>, vector<16xf32>,
        %and3A_1310 = arith.constant 1 : i32
        %and3A_1311 = arith.andi %scan3A_20, %and3A_1310 : i32
        %mul3A_1312 = arith.constant 16 : i32
        %mul3A_1313 = arith.muli %scan3A_40, %mul3A_1312 : i32
        %add3A_1314 = arith.constant 13 : i32
        %add3A_1315 = arith.addi %mul3A_1313, %add3A_1314 : i32
        %add3A_1316 = arith.constant 48 : i32
        %add3A_1317 = arith.addi %mul3A_1249, %add3A_1316 : i32
        %get3A_1318 = arith.index_cast %and3A_1311 : i32 to index
        %get3A_1319 = arith.index_cast %add3A_1315 : i32 to index
        %get3A_1320 = arith.index_cast %and3A_1241 : i32 to index
        %get3A_1321 = arith.index_cast %add3A_1317 : i32 to index
        %get3A_1322 = tpu.vector_load %arg18[%get3A_1318, %get3A_1319, %get3A_1320, %get3A_1321] {strides = array<i32>} : memref<2x32x8x128xf32, #tpu.memory_space<vmem>>, vector<16xf32>,
        %mul3A_1323 = arith.constant 16 : i32
        %mul3A_1324 = arith.muli %scan3A_40, %mul3A_1323 : i32
        %add3A_1325 = arith.constant 13 : i32
        %add3A_1326 = arith.addi %mul3A_1324, %add3A_1325 : i32
        %swap3A_1327 = arith.index_cast %add3A_1326 : i32 to index
        %swap3A_1328 = arith.constant 48 : index
        %swap3A_1329 = tpu.vector_load %arg19[%swap3A_1327, %swap3A_1328] {strides = array<i32>} : memref<32x64xf32, #tpu.memory_space<vmem>>, vector<16xf32>,
        tpu.vector_store %arg19[%swap3A_1327, %swap3A_1328], %get3A_1322 {strides = array<i32>} : memref<32x64xf32, #tpu.memory_space<vmem>>, vector<16xf32>,
        %slice3A_1330 = vector.extract_strided_slice %get3A_46 {offsets = [14], sizes = [1], strides = [1]} : vector<16xi32> to vector<1xi32>
        %squeeze3A_1331 = vector.extract %slice3A_1330[0] : i32 from vector<1xi32>
        %and3A_1332 = arith.constant 7 : i32
        %and3A_1333 = arith.andi %squeeze3A_1331, %and3A_1332 : i32
        %slice3A_1334 = vector.extract_strided_slice %get3A_46 {offsets = [14], sizes = [1], strides = [1]} : vector<16xi32> to vector<1xi32>
        %squeeze3A_1335 = vector.extract %slice3A_1334[0] : i32 from vector<1xi32>
        %shift_right_arithmetic3A_1336 = arith.constant 13 : i32
        %shift_right_arithmetic3A_1337 = arith.shrsi %squeeze3A_1335, %shift_right_arithmetic3A_1336 : i32
        %and3A_1338 = arith.constant 1 : i32
        %and3A_1339 = arith.andi %shift_right_arithmetic3A_1337, %and3A_1338 : i32
        %mul3A_1340 = arith.constant 64 : i32
        %mul3A_1341 = arith.muli %and3A_1339, %mul3A_1340 : i32
        %and3A_1342 = arith.constant 1 : i32
        %and3A_1343 = arith.andi %scan3A_20, %and3A_1342 : i32
        %mul3A_1344 = arith.constant 16 : i32
        %mul3A_1345 = arith.muli %scan3A_40, %mul3A_1344 : i32
        %add3A_1346 = arith.constant 14 : i32
        %add3A_1347 = arith.addi %mul3A_1345, %add3A_1346 : i32
        %add3A_1348 = arith.constant 0 : i32
        %add3A_1349 = arith.addi %mul3A_1341, %add3A_1348 : i32
        %get3A_1350 = arith.index_cast %and3A_1343 : i32 to index
        %get3A_1351 = arith.index_cast %add3A_1347 : i32 to index
        %get3A_1352 = arith.index_cast %and3A_1333 : i32 to index
        %get3A_1353 = arith.index_cast %add3A_1349 : i32 to index
        %get3A_1354 = tpu.vector_load %arg18[%get3A_1350, %get3A_1351, %get3A_1352, %get3A_1353] {strides = array<i32>} : memref<2x32x8x128xf32, #tpu.memory_space<vmem>>, vector<16xf32>,
        %mul3A_1355 = arith.constant 16 : i32
        %mul3A_1356 = arith.muli %scan3A_40, %mul3A_1355 : i32
        %add3A_1357 = arith.constant 14 : i32
        %add3A_1358 = arith.addi %mul3A_1356, %add3A_1357 : i32
        %swap3A_1359 = arith.index_cast %add3A_1358 : i32 to index
        %swap3A_1360 = arith.constant 0 : index
        %swap3A_1361 = tpu.vector_load %arg19[%swap3A_1359, %swap3A_1360] {strides = array<i32>} : memref<32x64xf32, #tpu.memory_space<vmem>>, vector<16xf32>,
        tpu.vector_store %arg19[%swap3A_1359, %swap3A_1360], %get3A_1354 {strides = array<i32>} : memref<32x64xf32, #tpu.memory_space<vmem>>, vector<16xf32>,
        %and3A_1362 = arith.constant 1 : i32
        %and3A_1363 = arith.andi %scan3A_20, %and3A_1362 : i32
        %mul3A_1364 = arith.constant 16 : i32
        %mul3A_1365 = arith.muli %scan3A_40, %mul3A_1364 : i32
        %add3A_1366 = arith.constant 14 : i32
        %add3A_1367 = arith.addi %mul3A_1365, %add3A_1366 : i32
        %add3A_1368 = arith.constant 16 : i32
        %add3A_1369 = arith.addi %mul3A_1341, %add3A_1368 : i32
        %get3A_1370 = arith.index_cast %and3A_1363 : i32 to index
        %get3A_1371 = arith.index_cast %add3A_1367 : i32 to index
        %get3A_1372 = arith.index_cast %and3A_1333 : i32 to index
        %get3A_1373 = arith.index_cast %add3A_1369 : i32 to index
        %get3A_1374 = tpu.vector_load %arg18[%get3A_1370, %get3A_1371, %get3A_1372, %get3A_1373] {strides = array<i32>} : memref<2x32x8x128xf32, #tpu.memory_space<vmem>>, vector<16xf32>,
        %mul3A_1375 = arith.constant 16 : i32
        %mul3A_1376 = arith.muli %scan3A_40, %mul3A_1375 : i32
        %add3A_1377 = arith.constant 14 : i32
        %add3A_1378 = arith.addi %mul3A_1376, %add3A_1377 : i32
        %swap3A_1379 = arith.index_cast %add3A_1378 : i32 to index
        %swap3A_1380 = arith.constant 16 : index
        %swap3A_1381 = tpu.vector_load %arg19[%swap3A_1379, %swap3A_1380] {strides = array<i32>} : memref<32x64xf32, #tpu.memory_space<vmem>>, vector<16xf32>,
        tpu.vector_store %arg19[%swap3A_1379, %swap3A_1380], %get3A_1374 {strides = array<i32>} : memref<32x64xf32, #tpu.memory_space<vmem>>, vector<16xf32>,
        %and3A_1382 = arith.constant 1 : i32
        %and3A_1383 = arith.andi %scan3A_20, %and3A_1382 : i32
        %mul3A_1384 = arith.constant 16 : i32
        %mul3A_1385 = arith.muli %scan3A_40, %mul3A_1384 : i32
        %add3A_1386 = arith.constant 14 : i32
        %add3A_1387 = arith.addi %mul3A_1385, %add3A_1386 : i32
        %add3A_1388 = arith.constant 32 : i32
        %add3A_1389 = arith.addi %mul3A_1341, %add3A_1388 : i32
        %get3A_1390 = arith.index_cast %and3A_1383 : i32 to index
        %get3A_1391 = arith.index_cast %add3A_1387 : i32 to index
        %get3A_1392 = arith.index_cast %and3A_1333 : i32 to index
        %get3A_1393 = arith.index_cast %add3A_1389 : i32 to index
        %get3A_1394 = tpu.vector_load %arg18[%get3A_1390, %get3A_1391, %get3A_1392, %get3A_1393] {strides = array<i32>} : memref<2x32x8x128xf32, #tpu.memory_space<vmem>>, vector<16xf32>,
        %mul3A_1395 = arith.constant 16 : i32
        %mul3A_1396 = arith.muli %scan3A_40, %mul3A_1395 : i32
        %add3A_1397 = arith.constant 14 : i32
        %add3A_1398 = arith.addi %mul3A_1396, %add3A_1397 : i32
        %swap3A_1399 = arith.index_cast %add3A_1398 : i32 to index
        %swap3A_1400 = arith.constant 32 : index
        %swap3A_1401 = tpu.vector_load %arg19[%swap3A_1399, %swap3A_1400] {strides = array<i32>} : memref<32x64xf32, #tpu.memory_space<vmem>>, vector<16xf32>,
        tpu.vector_store %arg19[%swap3A_1399, %swap3A_1400], %get3A_1394 {strides = array<i32>} : memref<32x64xf32, #tpu.memory_space<vmem>>, vector<16xf32>,
        %and3A_1402 = arith.constant 1 : i32
        %and3A_1403 = arith.andi %scan3A_20, %and3A_1402 : i32
        %mul3A_1404 = arith.constant 16 : i32
        %mul3A_1405 = arith.muli %scan3A_40, %mul3A_1404 : i32
        %add3A_1406 = arith.constant 14 : i32
        %add3A_1407 = arith.addi %mul3A_1405, %add3A_1406 : i32
        %add3A_1408 = arith.constant 48 : i32
        %add3A_1409 = arith.addi %mul3A_1341, %add3A_1408 : i32
        %get3A_1410 = arith.index_cast %and3A_1403 : i32 to index
        %get3A_1411 = arith.index_cast %add3A_1407 : i32 to index
        %get3A_1412 = arith.index_cast %and3A_1333 : i32 to index
        %get3A_1413 = arith.index_cast %add3A_1409 : i32 to index
        %get3A_1414 = tpu.vector_load %arg18[%get3A_1410, %get3A_1411, %get3A_1412, %get3A_1413] {strides = array<i32>} : memref<2x32x8x128xf32, #tpu.memory_space<vmem>>, vector<16xf32>,
        %mul3A_1415 = arith.constant 16 : i32
        %mul3A_1416 = arith.muli %scan3A_40, %mul3A_1415 : i32
        %add3A_1417 = arith.constant 14 : i32
        %add3A_1418 = arith.addi %mul3A_1416, %add3A_1417 : i32
        %swap3A_1419 = arith.index_cast %add3A_1418 : i32 to index
        %swap3A_1420 = arith.constant 48 : index
        %swap3A_1421 = tpu.vector_load %arg19[%swap3A_1419, %swap3A_1420] {strides = array<i32>} : memref<32x64xf32, #tpu.memory_space<vmem>>, vector<16xf32>,
        tpu.vector_store %arg19[%swap3A_1419, %swap3A_1420], %get3A_1414 {strides = array<i32>} : memref<32x64xf32, #tpu.memory_space<vmem>>, vector<16xf32>,
        %slice3A_1422 = vector.extract_strided_slice %get3A_46 {offsets = [15], sizes = [1], strides = [1]} : vector<16xi32> to vector<1xi32>
        %squeeze3A_1423 = vector.extract %slice3A_1422[0] : i32 from vector<1xi32>
        %and3A_1424 = arith.constant 7 : i32
        %and3A_1425 = arith.andi %squeeze3A_1423, %and3A_1424 : i32
        %slice3A_1426 = vector.extract_strided_slice %get3A_46 {offsets = [15], sizes = [1], strides = [1]} : vector<16xi32> to vector<1xi32>
        %squeeze3A_1427 = vector.extract %slice3A_1426[0] : i32 from vector<1xi32>
        %shift_right_arithmetic3A_1428 = arith.constant 13 : i32
        %shift_right_arithmetic3A_1429 = arith.shrsi %squeeze3A_1427, %shift_right_arithmetic3A_1428 : i32
        %and3A_1430 = arith.constant 1 : i32
        %and3A_1431 = arith.andi %shift_right_arithmetic3A_1429, %and3A_1430 : i32
        %mul3A_1432 = arith.constant 64 : i32
        %mul3A_1433 = arith.muli %and3A_1431, %mul3A_1432 : i32
        %and3A_1434 = arith.constant 1 : i32
        %and3A_1435 = arith.andi %scan3A_20, %and3A_1434 : i32
        %mul3A_1436 = arith.constant 16 : i32
        %mul3A_1437 = arith.muli %scan3A_40, %mul3A_1436 : i32
        %add3A_1438 = arith.constant 15 : i32
        %add3A_1439 = arith.addi %mul3A_1437, %add3A_1438 : i32
        %add3A_1440 = arith.constant 0 : i32
        %add3A_1441 = arith.addi %mul3A_1433, %add3A_1440 : i32
        %get3A_1442 = arith.index_cast %and3A_1435 : i32 to index
        %get3A_1443 = arith.index_cast %add3A_1439 : i32 to index
        %get3A_1444 = arith.index_cast %and3A_1425 : i32 to index
        %get3A_1445 = arith.index_cast %add3A_1441 : i32 to index
        %get3A_1446 = tpu.vector_load %arg18[%get3A_1442, %get3A_1443, %get3A_1444, %get3A_1445] {strides = array<i32>} : memref<2x32x8x128xf32, #tpu.memory_space<vmem>>, vector<16xf32>,
        %mul3A_1447 = arith.constant 16 : i32
        %mul3A_1448 = arith.muli %scan3A_40, %mul3A_1447 : i32
        %add3A_1449 = arith.constant 15 : i32
        %add3A_1450 = arith.addi %mul3A_1448, %add3A_1449 : i32
        %swap3A_1451 = arith.index_cast %add3A_1450 : i32 to index
        %swap3A_1452 = arith.constant 0 : index
        %swap3A_1453 = tpu.vector_load %arg19[%swap3A_1451, %swap3A_1452] {strides = array<i32>} : memref<32x64xf32, #tpu.memory_space<vmem>>, vector<16xf32>,
        tpu.vector_store %arg19[%swap3A_1451, %swap3A_1452], %get3A_1446 {strides = array<i32>} : memref<32x64xf32, #tpu.memory_space<vmem>>, vector<16xf32>,
        %and3A_1454 = arith.constant 1 : i32
        %and3A_1455 = arith.andi %scan3A_20, %and3A_1454 : i32
        %mul3A_1456 = arith.constant 16 : i32
        %mul3A_1457 = arith.muli %scan3A_40, %mul3A_1456 : i32
        %add3A_1458 = arith.constant 15 : i32
        %add3A_1459 = arith.addi %mul3A_1457, %add3A_1458 : i32
        %add3A_1460 = arith.constant 16 : i32
        %add3A_1461 = arith.addi %mul3A_1433, %add3A_1460 : i32
        %get3A_1462 = arith.index_cast %and3A_1455 : i32 to index
        %get3A_1463 = arith.index_cast %add3A_1459 : i32 to index
        %get3A_1464 = arith.index_cast %and3A_1425 : i32 to index
        %get3A_1465 = arith.index_cast %add3A_1461 : i32 to index
        %get3A_1466 = tpu.vector_load %arg18[%get3A_1462, %get3A_1463, %get3A_1464, %get3A_1465] {strides = array<i32>} : memref<2x32x8x128xf32, #tpu.memory_space<vmem>>, vector<16xf32>,
        %mul3A_1467 = arith.constant 16 : i32
        %mul3A_1468 = arith.muli %scan3A_40, %mul3A_1467 : i32
        %add3A_1469 = arith.constant 15 : i32
        %add3A_1470 = arith.addi %mul3A_1468, %add3A_1469 : i32
        %swap3A_1471 = arith.index_cast %add3A_1470 : i32 to index
        %swap3A_1472 = arith.constant 16 : index
        %swap3A_1473 = tpu.vector_load %arg19[%swap3A_1471, %swap3A_1472] {strides = array<i32>} : memref<32x64xf32, #tpu.memory_space<vmem>>, vector<16xf32>,
        tpu.vector_store %arg19[%swap3A_1471, %swap3A_1472], %get3A_1466 {strides = array<i32>} : memref<32x64xf32, #tpu.memory_space<vmem>>, vector<16xf32>,
        %and3A_1474 = arith.constant 1 : i32
        %and3A_1475 = arith.andi %scan3A_20, %and3A_1474 : i32
        %mul3A_1476 = arith.constant 16 : i32
        %mul3A_1477 = arith.muli %scan3A_40, %mul3A_1476 : i32
        %add3A_1478 = arith.constant 15 : i32
        %add3A_1479 = arith.addi %mul3A_1477, %add3A_1478 : i32
        %add3A_1480 = arith.constant 32 : i32
        %add3A_1481 = arith.addi %mul3A_1433, %add3A_1480 : i32
        %get3A_1482 = arith.index_cast %and3A_1475 : i32 to index
        %get3A_1483 = arith.index_cast %add3A_1479 : i32 to index
        %get3A_1484 = arith.index_cast %and3A_1425 : i32 to index
        %get3A_1485 = arith.index_cast %add3A_1481 : i32 to index
        %get3A_1486 = tpu.vector_load %arg18[%get3A_1482, %get3A_1483, %get3A_1484, %get3A_1485] {strides = array<i32>} : memref<2x32x8x128xf32, #tpu.memory_space<vmem>>, vector<16xf32>,
        %mul3A_1487 = arith.constant 16 : i32
        %mul3A_1488 = arith.muli %scan3A_40, %mul3A_1487 : i32
        %add3A_1489 = arith.constant 15 : i32
        %add3A_1490 = arith.addi %mul3A_1488, %add3A_1489 : i32
        %swap3A_1491 = arith.index_cast %add3A_1490 : i32 to index
        %swap3A_1492 = arith.constant 32 : index
        %swap3A_1493 = tpu.vector_load %arg19[%swap3A_1491, %swap3A_1492] {strides = array<i32>} : memref<32x64xf32, #tpu.memory_space<vmem>>, vector<16xf32>,
        tpu.vector_store %arg19[%swap3A_1491, %swap3A_1492], %get3A_1486 {strides = array<i32>} : memref<32x64xf32, #tpu.memory_space<vmem>>, vector<16xf32>,
        %and3A_1494 = arith.constant 1 : i32
        %and3A_1495 = arith.andi %scan3A_20, %and3A_1494 : i32
        %mul3A_1496 = arith.constant 16 : i32
        %mul3A_1497 = arith.muli %scan3A_40, %mul3A_1496 : i32
        %add3A_1498 = arith.constant 15 : i32
        %add3A_1499 = arith.addi %mul3A_1497, %add3A_1498 : i32
        %add3A_1500 = arith.constant 48 : i32
        %add3A_1501 = arith.addi %mul3A_1433, %add3A_1500 : i32
        %get3A_1502 = arith.index_cast %and3A_1495 : i32 to index
        %get3A_1503 = arith.index_cast %add3A_1499 : i32 to index
        %get3A_1504 = arith.index_cast %and3A_1425 : i32 to index
        %get3A_1505 = arith.index_cast %add3A_1501 : i32 to index
        %get3A_1506 = tpu.vector_load %arg18[%get3A_1502, %get3A_1503, %get3A_1504, %get3A_1505] {strides = array<i32>} : memref<2x32x8x128xf32, #tpu.memory_space<vmem>>, vector<16xf32>,
        %mul3A_1507 = arith.constant 16 : i32
        %mul3A_1508 = arith.muli %scan3A_40, %mul3A_1507 : i32
        %add3A_1509 = arith.constant 15 : i32
        %add3A_1510 = arith.addi %mul3A_1508, %add3A_1509 : i32
        %swap3A_1511 = arith.index_cast %add3A_1510 : i32 to index
        %swap3A_1512 = arith.constant 48 : index
        %swap3A_1513 = tpu.vector_load %arg19[%swap3A_1511, %swap3A_1512] {strides = array<i32>} : memref<32x64xf32, #tpu.memory_space<vmem>>, vector<16xf32>,
        tpu.vector_store %arg19[%swap3A_1511, %swap3A_1512], %get3A_1506 {strides = array<i32>} : memref<32x64xf32, #tpu.memory_space<vmem>>, vector<16xf32>,
      }
      %scan3A_36 = arith.constant 2 : i32
      %mul3A_37 = arith.constant 32 : i32
      %mul3A_38 = arith.muli %scan3A_20, %mul3A_37 : i32
      %add3A_39 = arith.addi %mul3A_2, %mul3A_38 : i32
      "tpu.region"() ({
        %run_scoped3A = tpu.sem_alloc : memref<!tpu.dma_semaphore, #tpu.memory_space<semaphore_mem>>
        %dma_start3A = arith.constant 0 : i32
        %dma_start3A_40 = tpu.memref_slice %arg10[%add3A_39, %dma_start3A] : memref<16384x64xf32, #tpu.memory_space<hbm>> -> memref<32x64xf32, #tpu.memory_space<hbm>>
        %dma_start3A_41 = arith.constant 0 : i32
        %dma_start3A_42 = tpu.memref_slice %arg10[%add3A_39, %dma_start3A_41] : memref<16384x64xf32, #tpu.memory_space<hbm>> -> memref<32x64xf32, #tpu.memory_space<hbm>>
        tpu.enqueue_dma source(%arg19 : memref<32x64xf32, #tpu.memory_space<vmem>>) target(%dma_start3A_42 : memref<32x64xf32, #tpu.memory_space<hbm>>) target_semaphore(%run_scoped3A : memref<!tpu.dma_semaphore, #tpu.memory_space<semaphore_mem>>)
        %dma_wait3A = arith.constant 0 : i32
        %dma_wait3A_43 = tpu.memref_slice %arg10[%add3A_39, %dma_wait3A] : memref<16384x64xf32, #tpu.memory_space<hbm>> -> memref<32x64xf32, #tpu.memory_space<hbm>>
        %dma_wait3A_44 = arith.constant 0 : i32
        %dma_wait3A_45 = tpu.memref_slice %arg10[%add3A_39, %dma_wait3A_44] : memref<16384x64xf32, #tpu.memory_space<hbm>> -> memref<32x64xf32, #tpu.memory_space<hbm>>
        tpu.wait_dma2 semaphore(%run_scoped3A : memref<!tpu.dma_semaphore, #tpu.memory_space<semaphore_mem>>) src(%arg19 : memref<32x64xf32, #tpu.memory_space<vmem>>) dst(%dma_wait3A_45 : memref<32x64xf32, #tpu.memory_space<hbm>>)
        tpu.yield
      }) : () -> ()
    }
    %scan3A_13 = arith.constant 16 : i32
    %scan3A_14 = arith.constant 0 : i32
    %scan3A_15 = arith.constant 0 : i32
    %scan3A_16 = arith.constant 32 : i32
    %scan3A_17 = arith.addi %scan3A_15, %scan3A_16 : i32
    %scan3A_18 = arith.constant 1 : i32
    scf.for %scan3A_20 = %scan3A_15 to %scan3A_17 step %scan3A_18  : i32 {
      %mul3A_21 = arith.constant 16 : i32
      %mul3A_22 = arith.muli %scan3A_20, %mul3A_21 : i32
      %get3A = arith.index_cast %mul3A_22 : i32 to index
      %get3A_23 = tpu.vector_load %arg14[%get3A] {strides = array<i32>} : memref<512xi32, #tpu.memory_space<vmem>>, vector<16xi32>,
      %mul3A_24 = arith.constant 16 : i32
      %mul3A_25 = arith.muli %scan3A_20, %mul3A_24 : i32
      %get3A_26 = arith.index_cast %mul3A_25 : i32 to index
      %get3A_27 = tpu.vector_load %arg15[%get3A_26] {strides = array<i32>} : memref<512xi32, #tpu.memory_space<vmem>>, vector<16xi32>,
      %mul3A_28 = arith.constant 16 : i32
      %mul3A_29 = arith.muli %scan3A_20, %mul3A_28 : i32
      %get3A_30 = arith.index_cast %mul3A_29 : i32 to index
      %get3A_31 = tpu.vector_load %arg16[%get3A_30] {strides = array<i32>} : memref<512xi32, #tpu.memory_space<vmem>>, vector<16xi32>,
      %mul3A_32 = arith.constant 16 : i32
      %mul3A_33 = arith.muli %scan3A_20, %mul3A_32 : i32
      %get3A_34 = arith.index_cast %mul3A_33 : i32 to index
      %get3A_35 = tpu.vector_load %arg17[%get3A_34] {strides = array<i32>} : memref<512xi32, #tpu.memory_space<vmem>>, vector<16xi32>,
      %broadcast_in_dim3A = arith.constant 0 : i32
      %broadcast_in_dim3A_36 = vector.broadcast %broadcast_in_dim3A : i32 to vector<16xi32>
      %gather3A = tpu.vector_load_idx %arg20[%broadcast_in_dim3A_36, %get3A_23] : memref<16x128xf32, #tpu.memory_space<vmem>>[vector<16xi32>, vector<16xi32>], vector<16xf32>,
      %mul3A_37 = arith.constant 16 : i32
      %mul3A_38 = arith.muli %scan3A_20, %mul3A_37 : i32
      %swap3A = arith.constant 0 : i32
      %swap3A_39 = arith.index_cast %swap3A : i32 to index
      %swap3A_40 = arith.index_cast %mul3A_38 : i32 to index
      %swap3A_41 = tpu.vector_load %arg22[%swap3A_39, %swap3A_40] {strides = array<i32>} : memref<16x512xf32, #tpu.memory_space<vmem>>, vector<16xf32>,
      tpu.vector_store %arg22[%swap3A_39, %swap3A_40], %gather3A {strides = array<i32>} : memref<16x512xf32, #tpu.memory_space<vmem>>, vector<16xf32>,
      %gather3A_42 = tpu.vector_load_idx %arg21[%broadcast_in_dim3A_36, %get3A_27] : memref<16x32xf32, #tpu.memory_space<vmem>>[vector<16xi32>, vector<16xi32>], vector<16xf32>,
      %gather3A_43 = tpu.vector_load_idx %arg21[%broadcast_in_dim3A_36, %get3A_31] : memref<16x32xf32, #tpu.memory_space<vmem>>[vector<16xi32>, vector<16xi32>], vector<16xf32>,
      %gather3A_44 = tpu.vector_load_idx %arg21[%broadcast_in_dim3A_36, %get3A_35] : memref<16x32xf32, #tpu.memory_space<vmem>>[vector<16xi32>, vector<16xi32>], vector<16xf32>,
      %add3A_45 = arith.addf %gather3A_42, %gather3A_43 : vector<16xf32>
      %add3A_46 = arith.addf %add3A_45, %gather3A_44 : vector<16xf32>
      %mul3A_47 = arith.constant 0.333333343 : f32
      %mul3A_48 = vector.broadcast %mul3A_47 : f32 to vector<16xf32>
      %mul3A_49 = arith.mulf %add3A_46, %mul3A_48 : vector<16xf32>
      %mul3A_50 = arith.constant 16 : i32
      %mul3A_51 = arith.muli %scan3A_20, %mul3A_50 : i32
      %swap3A_52 = arith.constant 0 : i32
      %swap3A_53 = arith.index_cast %swap3A_52 : i32 to index
      %swap3A_54 = arith.index_cast %mul3A_51 : i32 to index
      %swap3A_55 = tpu.vector_load %arg23[%swap3A_53, %swap3A_54] {strides = array<i32>} : memref<16x512xf32, #tpu.memory_space<vmem>>, vector<16xf32>,
      tpu.vector_store %arg23[%swap3A_53, %swap3A_54], %mul3A_49 {strides = array<i32>} : memref<16x512xf32, #tpu.memory_space<vmem>>, vector<16xf32>,
      %broadcast_in_dim3A_56 = arith.constant 1 : i32
      %broadcast_in_dim3A_57 = vector.broadcast %broadcast_in_dim3A_56 : i32 to vector<16xi32>
      %gather3A_58 = tpu.vector_load_idx %arg20[%broadcast_in_dim3A_57, %get3A_23] : memref<16x128xf32, #tpu.memory_space<vmem>>[vector<16xi32>, vector<16xi32>], vector<16xf32>,
      %mul3A_59 = arith.constant 16 : i32
      %mul3A_60 = arith.muli %scan3A_20, %mul3A_59 : i32
      %swap3A_61 = arith.constant 1 : i32
      %swap3A_62 = arith.index_cast %swap3A_61 : i32 to index
      %swap3A_63 = arith.index_cast %mul3A_60 : i32 to index
      %swap3A_64 = tpu.vector_load %arg22[%swap3A_62, %swap3A_63] {strides = array<i32>} : memref<16x512xf32, #tpu.memory_space<vmem>>, vector<16xf32>,
      tpu.vector_store %arg22[%swap3A_62, %swap3A_63], %gather3A_58 {strides = array<i32>} : memref<16x512xf32, #tpu.memory_space<vmem>>, vector<16xf32>,
      %gather3A_65 = tpu.vector_load_idx %arg21[%broadcast_in_dim3A_57, %get3A_27] : memref<16x32xf32, #tpu.memory_space<vmem>>[vector<16xi32>, vector<16xi32>], vector<16xf32>,
      %gather3A_66 = tpu.vector_load_idx %arg21[%broadcast_in_dim3A_57, %get3A_31] : memref<16x32xf32, #tpu.memory_space<vmem>>[vector<16xi32>, vector<16xi32>], vector<16xf32>,
      %gather3A_67 = tpu.vector_load_idx %arg21[%broadcast_in_dim3A_57, %get3A_35] : memref<16x32xf32, #tpu.memory_space<vmem>>[vector<16xi32>, vector<16xi32>], vector<16xf32>,
      %add3A_68 = arith.addf %gather3A_65, %gather3A_66 : vector<16xf32>
      %add3A_69 = arith.addf %add3A_68, %gather3A_67 : vector<16xf32>
      %mul3A_70 = arith.constant 0.333333343 : f32
      %mul3A_71 = vector.broadcast %mul3A_70 : f32 to vector<16xf32>
      %mul3A_72 = arith.mulf %add3A_69, %mul3A_71 : vector<16xf32>
      %mul3A_73 = arith.constant 16 : i32
      %mul3A_74 = arith.muli %scan3A_20, %mul3A_73 : i32
      %swap3A_75 = arith.constant 1 : i32
      %swap3A_76 = arith.index_cast %swap3A_75 : i32 to index
      %swap3A_77 = arith.index_cast %mul3A_74 : i32 to index
      %swap3A_78 = tpu.vector_load %arg23[%swap3A_76, %swap3A_77] {strides = array<i32>} : memref<16x512xf32, #tpu.memory_space<vmem>>, vector<16xf32>,
      tpu.vector_store %arg23[%swap3A_76, %swap3A_77], %mul3A_72 {strides = array<i32>} : memref<16x512xf32, #tpu.memory_space<vmem>>, vector<16xf32>,
      %broadcast_in_dim3A_79 = arith.constant 2 : i32
      %broadcast_in_dim3A_80 = vector.broadcast %broadcast_in_dim3A_79 : i32 to vector<16xi32>
      %gather3A_81 = tpu.vector_load_idx %arg20[%broadcast_in_dim3A_80, %get3A_23] : memref<16x128xf32, #tpu.memory_space<vmem>>[vector<16xi32>, vector<16xi32>], vector<16xf32>,
      %mul3A_82 = arith.constant 16 : i32
      %mul3A_83 = arith.muli %scan3A_20, %mul3A_82 : i32
      %swap3A_84 = arith.constant 2 : i32
      %swap3A_85 = arith.index_cast %swap3A_84 : i32 to index
      %swap3A_86 = arith.index_cast %mul3A_83 : i32 to index
      %swap3A_87 = tpu.vector_load %arg22[%swap3A_85, %swap3A_86] {strides = array<i32>} : memref<16x512xf32, #tpu.memory_space<vmem>>, vector<16xf32>,
      tpu.vector_store %arg22[%swap3A_85, %swap3A_86], %gather3A_81 {strides = array<i32>} : memref<16x512xf32, #tpu.memory_space<vmem>>, vector<16xf32>,
      %gather3A_88 = tpu.vector_load_idx %arg21[%broadcast_in_dim3A_80, %get3A_27] : memref<16x32xf32, #tpu.memory_space<vmem>>[vector<16xi32>, vector<16xi32>], vector<16xf32>,
      %gather3A_89 = tpu.vector_load_idx %arg21[%broadcast_in_dim3A_80, %get3A_31] : memref<16x32xf32, #tpu.memory_space<vmem>>[vector<16xi32>, vector<16xi32>], vector<16xf32>,
      %gather3A_90 = tpu.vector_load_idx %arg21[%broadcast_in_dim3A_80, %get3A_35] : memref<16x32xf32, #tpu.memory_space<vmem>>[vector<16xi32>, vector<16xi32>], vector<16xf32>,
      %add3A_91 = arith.addf %gather3A_88, %gather3A_89 : vector<16xf32>
      %add3A_92 = arith.addf %add3A_91, %gather3A_90 : vector<16xf32>
      %mul3A_93 = arith.constant 0.333333343 : f32
      %mul3A_94 = vector.broadcast %mul3A_93 : f32 to vector<16xf32>
      %mul3A_95 = arith.mulf %add3A_92, %mul3A_94 : vector<16xf32>
      %mul3A_96 = arith.constant 16 : i32
      %mul3A_97 = arith.muli %scan3A_20, %mul3A_96 : i32
      %swap3A_98 = arith.constant 2 : i32
      %swap3A_99 = arith.index_cast %swap3A_98 : i32 to index
      %swap3A_100 = arith.index_cast %mul3A_97 : i32 to index
      %swap3A_101 = tpu.vector_load %arg23[%swap3A_99, %swap3A_100] {strides = array<i32>} : memref<16x512xf32, #tpu.memory_space<vmem>>, vector<16xf32>,
      tpu.vector_store %arg23[%swap3A_99, %swap3A_100], %mul3A_95 {strides = array<i32>} : memref<16x512xf32, #tpu.memory_space<vmem>>, vector<16xf32>,
      %broadcast_in_dim3A_102 = arith.constant 3 : i32
      %broadcast_in_dim3A_103 = vector.broadcast %broadcast_in_dim3A_102 : i32 to vector<16xi32>
      %gather3A_104 = tpu.vector_load_idx %arg20[%broadcast_in_dim3A_103, %get3A_23] : memref<16x128xf32, #tpu.memory_space<vmem>>[vector<16xi32>, vector<16xi32>], vector<16xf32>,
      %mul3A_105 = arith.constant 16 : i32
      %mul3A_106 = arith.muli %scan3A_20, %mul3A_105 : i32
      %swap3A_107 = arith.constant 3 : i32
      %swap3A_108 = arith.index_cast %swap3A_107 : i32 to index
      %swap3A_109 = arith.index_cast %mul3A_106 : i32 to index
      %swap3A_110 = tpu.vector_load %arg22[%swap3A_108, %swap3A_109] {strides = array<i32>} : memref<16x512xf32, #tpu.memory_space<vmem>>, vector<16xf32>,
      tpu.vector_store %arg22[%swap3A_108, %swap3A_109], %gather3A_104 {strides = array<i32>} : memref<16x512xf32, #tpu.memory_space<vmem>>, vector<16xf32>,
      %gather3A_111 = tpu.vector_load_idx %arg21[%broadcast_in_dim3A_103, %get3A_27] : memref<16x32xf32, #tpu.memory_space<vmem>>[vector<16xi32>, vector<16xi32>], vector<16xf32>,
      %gather3A_112 = tpu.vector_load_idx %arg21[%broadcast_in_dim3A_103, %get3A_31] : memref<16x32xf32, #tpu.memory_space<vmem>>[vector<16xi32>, vector<16xi32>], vector<16xf32>,
      %gather3A_113 = tpu.vector_load_idx %arg21[%broadcast_in_dim3A_103, %get3A_35] : memref<16x32xf32, #tpu.memory_space<vmem>>[vector<16xi32>, vector<16xi32>], vector<16xf32>,
      %add3A_114 = arith.addf %gather3A_111, %gather3A_112 : vector<16xf32>
      %add3A_115 = arith.addf %add3A_114, %gather3A_113 : vector<16xf32>
      %mul3A_116 = arith.constant 0.333333343 : f32
      %mul3A_117 = vector.broadcast %mul3A_116 : f32 to vector<16xf32>
      %mul3A_118 = arith.mulf %add3A_115, %mul3A_117 : vector<16xf32>
      %mul3A_119 = arith.constant 16 : i32
      %mul3A_120 = arith.muli %scan3A_20, %mul3A_119 : i32
      %swap3A_121 = arith.constant 3 : i32
      %swap3A_122 = arith.index_cast %swap3A_121 : i32 to index
      %swap3A_123 = arith.index_cast %mul3A_120 : i32 to index
      %swap3A_124 = tpu.vector_load %arg23[%swap3A_122, %swap3A_123] {strides = array<i32>} : memref<16x512xf32, #tpu.memory_space<vmem>>, vector<16xf32>,
      tpu.vector_store %arg23[%swap3A_122, %swap3A_123], %mul3A_118 {strides = array<i32>} : memref<16x512xf32, #tpu.memory_space<vmem>>, vector<16xf32>,
      %broadcast_in_dim3A_125 = arith.constant 4 : i32
      %broadcast_in_dim3A_126 = vector.broadcast %broadcast_in_dim3A_125 : i32 to vector<16xi32>
      %gather3A_127 = tpu.vector_load_idx %arg20[%broadcast_in_dim3A_126, %get3A_23] : memref<16x128xf32, #tpu.memory_space<vmem>>[vector<16xi32>, vector<16xi32>], vector<16xf32>,
      %mul3A_128 = arith.constant 16 : i32
      %mul3A_129 = arith.muli %scan3A_20, %mul3A_128 : i32
      %swap3A_130 = arith.constant 4 : i32
      %swap3A_131 = arith.index_cast %swap3A_130 : i32 to index
      %swap3A_132 = arith.index_cast %mul3A_129 : i32 to index
      %swap3A_133 = tpu.vector_load %arg22[%swap3A_131, %swap3A_132] {strides = array<i32>} : memref<16x512xf32, #tpu.memory_space<vmem>>, vector<16xf32>,
      tpu.vector_store %arg22[%swap3A_131, %swap3A_132], %gather3A_127 {strides = array<i32>} : memref<16x512xf32, #tpu.memory_space<vmem>>, vector<16xf32>,
      %gather3A_134 = tpu.vector_load_idx %arg21[%broadcast_in_dim3A_126, %get3A_27] : memref<16x32xf32, #tpu.memory_space<vmem>>[vector<16xi32>, vector<16xi32>], vector<16xf32>,
      %gather3A_135 = tpu.vector_load_idx %arg21[%broadcast_in_dim3A_126, %get3A_31] : memref<16x32xf32, #tpu.memory_space<vmem>>[vector<16xi32>, vector<16xi32>], vector<16xf32>,
      %gather3A_136 = tpu.vector_load_idx %arg21[%broadcast_in_dim3A_126, %get3A_35] : memref<16x32xf32, #tpu.memory_space<vmem>>[vector<16xi32>, vector<16xi32>], vector<16xf32>,
      %add3A_137 = arith.addf %gather3A_134, %gather3A_135 : vector<16xf32>
      %add3A_138 = arith.addf %add3A_137, %gather3A_136 : vector<16xf32>
      %mul3A_139 = arith.constant 0.333333343 : f32
      %mul3A_140 = vector.broadcast %mul3A_139 : f32 to vector<16xf32>
      %mul3A_141 = arith.mulf %add3A_138, %mul3A_140 : vector<16xf32>
      %mul3A_142 = arith.constant 16 : i32
      %mul3A_143 = arith.muli %scan3A_20, %mul3A_142 : i32
      %swap3A_144 = arith.constant 4 : i32
      %swap3A_145 = arith.index_cast %swap3A_144 : i32 to index
      %swap3A_146 = arith.index_cast %mul3A_143 : i32 to index
      %swap3A_147 = tpu.vector_load %arg23[%swap3A_145, %swap3A_146] {strides = array<i32>} : memref<16x512xf32, #tpu.memory_space<vmem>>, vector<16xf32>,
      tpu.vector_store %arg23[%swap3A_145, %swap3A_146], %mul3A_141 {strides = array<i32>} : memref<16x512xf32, #tpu.memory_space<vmem>>, vector<16xf32>,
      %broadcast_in_dim3A_148 = arith.constant 5 : i32
      %broadcast_in_dim3A_149 = vector.broadcast %broadcast_in_dim3A_148 : i32 to vector<16xi32>
      %gather3A_150 = tpu.vector_load_idx %arg20[%broadcast_in_dim3A_149, %get3A_23] : memref<16x128xf32, #tpu.memory_space<vmem>>[vector<16xi32>, vector<16xi32>], vector<16xf32>,
      %mul3A_151 = arith.constant 16 : i32
      %mul3A_152 = arith.muli %scan3A_20, %mul3A_151 : i32
      %swap3A_153 = arith.constant 5 : i32
      %swap3A_154 = arith.index_cast %swap3A_153 : i32 to index
      %swap3A_155 = arith.index_cast %mul3A_152 : i32 to index
      %swap3A_156 = tpu.vector_load %arg22[%swap3A_154, %swap3A_155] {strides = array<i32>} : memref<16x512xf32, #tpu.memory_space<vmem>>, vector<16xf32>,
      tpu.vector_store %arg22[%swap3A_154, %swap3A_155], %gather3A_150 {strides = array<i32>} : memref<16x512xf32, #tpu.memory_space<vmem>>, vector<16xf32>,
      %gather3A_157 = tpu.vector_load_idx %arg21[%broadcast_in_dim3A_149, %get3A_27] : memref<16x32xf32, #tpu.memory_space<vmem>>[vector<16xi32>, vector<16xi32>], vector<16xf32>,
      %gather3A_158 = tpu.vector_load_idx %arg21[%broadcast_in_dim3A_149, %get3A_31] : memref<16x32xf32, #tpu.memory_space<vmem>>[vector<16xi32>, vector<16xi32>], vector<16xf32>,
      %gather3A_159 = tpu.vector_load_idx %arg21[%broadcast_in_dim3A_149, %get3A_35] : memref<16x32xf32, #tpu.memory_space<vmem>>[vector<16xi32>, vector<16xi32>], vector<16xf32>,
      %add3A_160 = arith.addf %gather3A_157, %gather3A_158 : vector<16xf32>
      %add3A_161 = arith.addf %add3A_160, %gather3A_159 : vector<16xf32>
      %mul3A_162 = arith.constant 0.333333343 : f32
      %mul3A_163 = vector.broadcast %mul3A_162 : f32 to vector<16xf32>
      %mul3A_164 = arith.mulf %add3A_161, %mul3A_163 : vector<16xf32>
      %mul3A_165 = arith.constant 16 : i32
      %mul3A_166 = arith.muli %scan3A_20, %mul3A_165 : i32
      %swap3A_167 = arith.constant 5 : i32
      %swap3A_168 = arith.index_cast %swap3A_167 : i32 to index
      %swap3A_169 = arith.index_cast %mul3A_166 : i32 to index
      %swap3A_170 = tpu.vector_load %arg23[%swap3A_168, %swap3A_169] {strides = array<i32>} : memref<16x512xf32, #tpu.memory_space<vmem>>, vector<16xf32>,
      tpu.vector_store %arg23[%swap3A_168, %swap3A_169], %mul3A_164 {strides = array<i32>} : memref<16x512xf32, #tpu.memory_space<vmem>>, vector<16xf32>,
      %broadcast_in_dim3A_171 = arith.constant 6 : i32
      %broadcast_in_dim3A_172 = vector.broadcast %broadcast_in_dim3A_171 : i32 to vector<16xi32>
      %gather3A_173 = tpu.vector_load_idx %arg20[%broadcast_in_dim3A_172, %get3A_23] : memref<16x128xf32, #tpu.memory_space<vmem>>[vector<16xi32>, vector<16xi32>], vector<16xf32>,
      %mul3A_174 = arith.constant 16 : i32
      %mul3A_175 = arith.muli %scan3A_20, %mul3A_174 : i32
      %swap3A_176 = arith.constant 6 : i32
      %swap3A_177 = arith.index_cast %swap3A_176 : i32 to index
      %swap3A_178 = arith.index_cast %mul3A_175 : i32 to index
      %swap3A_179 = tpu.vector_load %arg22[%swap3A_177, %swap3A_178] {strides = array<i32>} : memref<16x512xf32, #tpu.memory_space<vmem>>, vector<16xf32>,
      tpu.vector_store %arg22[%swap3A_177, %swap3A_178], %gather3A_173 {strides = array<i32>} : memref<16x512xf32, #tpu.memory_space<vmem>>, vector<16xf32>,
      %gather3A_180 = tpu.vector_load_idx %arg21[%broadcast_in_dim3A_172, %get3A_27] : memref<16x32xf32, #tpu.memory_space<vmem>>[vector<16xi32>, vector<16xi32>], vector<16xf32>,
      %gather3A_181 = tpu.vector_load_idx %arg21[%broadcast_in_dim3A_172, %get3A_31] : memref<16x32xf32, #tpu.memory_space<vmem>>[vector<16xi32>, vector<16xi32>], vector<16xf32>,
      %gather3A_182 = tpu.vector_load_idx %arg21[%broadcast_in_dim3A_172, %get3A_35] : memref<16x32xf32, #tpu.memory_space<vmem>>[vector<16xi32>, vector<16xi32>], vector<16xf32>,
      %add3A_183 = arith.addf %gather3A_180, %gather3A_181 : vector<16xf32>
      %add3A_184 = arith.addf %add3A_183, %gather3A_182 : vector<16xf32>
      %mul3A_185 = arith.constant 0.333333343 : f32
      %mul3A_186 = vector.broadcast %mul3A_185 : f32 to vector<16xf32>
      %mul3A_187 = arith.mulf %add3A_184, %mul3A_186 : vector<16xf32>
      %mul3A_188 = arith.constant 16 : i32
      %mul3A_189 = arith.muli %scan3A_20, %mul3A_188 : i32
      %swap3A_190 = arith.constant 6 : i32
      %swap3A_191 = arith.index_cast %swap3A_190 : i32 to index
      %swap3A_192 = arith.index_cast %mul3A_189 : i32 to index
      %swap3A_193 = tpu.vector_load %arg23[%swap3A_191, %swap3A_192] {strides = array<i32>} : memref<16x512xf32, #tpu.memory_space<vmem>>, vector<16xf32>,
      tpu.vector_store %arg23[%swap3A_191, %swap3A_192], %mul3A_187 {strides = array<i32>} : memref<16x512xf32, #tpu.memory_space<vmem>>, vector<16xf32>,
      %broadcast_in_dim3A_194 = arith.constant 7 : i32
      %broadcast_in_dim3A_195 = vector.broadcast %broadcast_in_dim3A_194 : i32 to vector<16xi32>
      %gather3A_196 = tpu.vector_load_idx %arg20[%broadcast_in_dim3A_195, %get3A_23] : memref<16x128xf32, #tpu.memory_space<vmem>>[vector<16xi32>, vector<16xi32>], vector<16xf32>,
      %mul3A_197 = arith.constant 16 : i32
      %mul3A_198 = arith.muli %scan3A_20, %mul3A_197 : i32
      %swap3A_199 = arith.constant 7 : i32
      %swap3A_200 = arith.index_cast %swap3A_199 : i32 to index
      %swap3A_201 = arith.index_cast %mul3A_198 : i32 to index
      %swap3A_202 = tpu.vector_load %arg22[%swap3A_200, %swap3A_201] {strides = array<i32>} : memref<16x512xf32, #tpu.memory_space<vmem>>, vector<16xf32>,
      tpu.vector_store %arg22[%swap3A_200, %swap3A_201], %gather3A_196 {strides = array<i32>} : memref<16x512xf32, #tpu.memory_space<vmem>>, vector<16xf32>,
      %gather3A_203 = tpu.vector_load_idx %arg21[%broadcast_in_dim3A_195, %get3A_27] : memref<16x32xf32, #tpu.memory_space<vmem>>[vector<16xi32>, vector<16xi32>], vector<16xf32>,
      %gather3A_204 = tpu.vector_load_idx %arg21[%broadcast_in_dim3A_195, %get3A_31] : memref<16x32xf32, #tpu.memory_space<vmem>>[vector<16xi32>, vector<16xi32>], vector<16xf32>,
      %gather3A_205 = tpu.vector_load_idx %arg21[%broadcast_in_dim3A_195, %get3A_35] : memref<16x32xf32, #tpu.memory_space<vmem>>[vector<16xi32>, vector<16xi32>], vector<16xf32>,
      %add3A_206 = arith.addf %gather3A_203, %gather3A_204 : vector<16xf32>
      %add3A_207 = arith.addf %add3A_206, %gather3A_205 : vector<16xf32>
      %mul3A_208 = arith.constant 0.333333343 : f32
      %mul3A_209 = vector.broadcast %mul3A_208 : f32 to vector<16xf32>
      %mul3A_210 = arith.mulf %add3A_207, %mul3A_209 : vector<16xf32>
      %mul3A_211 = arith.constant 16 : i32
      %mul3A_212 = arith.muli %scan3A_20, %mul3A_211 : i32
      %swap3A_213 = arith.constant 7 : i32
      %swap3A_214 = arith.index_cast %swap3A_213 : i32 to index
      %swap3A_215 = arith.index_cast %mul3A_212 : i32 to index
      %swap3A_216 = tpu.vector_load %arg23[%swap3A_214, %swap3A_215] {strides = array<i32>} : memref<16x512xf32, #tpu.memory_space<vmem>>, vector<16xf32>,
      tpu.vector_store %arg23[%swap3A_214, %swap3A_215], %mul3A_210 {strides = array<i32>} : memref<16x512xf32, #tpu.memory_space<vmem>>, vector<16xf32>,
      %broadcast_in_dim3A_217 = arith.constant 8 : i32
      %broadcast_in_dim3A_218 = vector.broadcast %broadcast_in_dim3A_217 : i32 to vector<16xi32>
      %gather3A_219 = tpu.vector_load_idx %arg20[%broadcast_in_dim3A_218, %get3A_23] : memref<16x128xf32, #tpu.memory_space<vmem>>[vector<16xi32>, vector<16xi32>], vector<16xf32>,
      %mul3A_220 = arith.constant 16 : i32
      %mul3A_221 = arith.muli %scan3A_20, %mul3A_220 : i32
      %swap3A_222 = arith.constant 8 : i32
      %swap3A_223 = arith.index_cast %swap3A_222 : i32 to index
      %swap3A_224 = arith.index_cast %mul3A_221 : i32 to index
      %swap3A_225 = tpu.vector_load %arg22[%swap3A_223, %swap3A_224] {strides = array<i32>} : memref<16x512xf32, #tpu.memory_space<vmem>>, vector<16xf32>,
      tpu.vector_store %arg22[%swap3A_223, %swap3A_224], %gather3A_219 {strides = array<i32>} : memref<16x512xf32, #tpu.memory_space<vmem>>, vector<16xf32>,
      %gather3A_226 = tpu.vector_load_idx %arg21[%broadcast_in_dim3A_218, %get3A_27] : memref<16x32xf32, #tpu.memory_space<vmem>>[vector<16xi32>, vector<16xi32>], vector<16xf32>,
      %gather3A_227 = tpu.vector_load_idx %arg21[%broadcast_in_dim3A_218, %get3A_31] : memref<16x32xf32, #tpu.memory_space<vmem>>[vector<16xi32>, vector<16xi32>], vector<16xf32>,
      %gather3A_228 = tpu.vector_load_idx %arg21[%broadcast_in_dim3A_218, %get3A_35] : memref<16x32xf32, #tpu.memory_space<vmem>>[vector<16xi32>, vector<16xi32>], vector<16xf32>,
      %add3A_229 = arith.addf %gather3A_226, %gather3A_227 : vector<16xf32>
      %add3A_230 = arith.addf %add3A_229, %gather3A_228 : vector<16xf32>
      %mul3A_231 = arith.constant 0.333333343 : f32
      %mul3A_232 = vector.broadcast %mul3A_231 : f32 to vector<16xf32>
      %mul3A_233 = arith.mulf %add3A_230, %mul3A_232 : vector<16xf32>
      %mul3A_234 = arith.constant 16 : i32
      %mul3A_235 = arith.muli %scan3A_20, %mul3A_234 : i32
      %swap3A_236 = arith.constant 8 : i32
      %swap3A_237 = arith.index_cast %swap3A_236 : i32 to index
      %swap3A_238 = arith.index_cast %mul3A_235 : i32 to index
      %swap3A_239 = tpu.vector_load %arg23[%swap3A_237, %swap3A_238] {strides = array<i32>} : memref<16x512xf32, #tpu.memory_space<vmem>>, vector<16xf32>,
      tpu.vector_store %arg23[%swap3A_237, %swap3A_238], %mul3A_233 {strides = array<i32>} : memref<16x512xf32, #tpu.memory_space<vmem>>, vector<16xf32>,
      %broadcast_in_dim3A_240 = arith.constant 9 : i32
      %broadcast_in_dim3A_241 = vector.broadcast %broadcast_in_dim3A_240 : i32 to vector<16xi32>
      %gather3A_242 = tpu.vector_load_idx %arg20[%broadcast_in_dim3A_241, %get3A_23] : memref<16x128xf32, #tpu.memory_space<vmem>>[vector<16xi32>, vector<16xi32>], vector<16xf32>,
      %mul3A_243 = arith.constant 16 : i32
      %mul3A_244 = arith.muli %scan3A_20, %mul3A_243 : i32
      %swap3A_245 = arith.constant 9 : i32
      %swap3A_246 = arith.index_cast %swap3A_245 : i32 to index
      %swap3A_247 = arith.index_cast %mul3A_244 : i32 to index
      %swap3A_248 = tpu.vector_load %arg22[%swap3A_246, %swap3A_247] {strides = array<i32>} : memref<16x512xf32, #tpu.memory_space<vmem>>, vector<16xf32>,
      tpu.vector_store %arg22[%swap3A_246, %swap3A_247], %gather3A_242 {strides = array<i32>} : memref<16x512xf32, #tpu.memory_space<vmem>>, vector<16xf32>,
      %gather3A_249 = tpu.vector_load_idx %arg21[%broadcast_in_dim3A_241, %get3A_27] : memref<16x32xf32, #tpu.memory_space<vmem>>[vector<16xi32>, vector<16xi32>], vector<16xf32>,
      %gather3A_250 = tpu.vector_load_idx %arg21[%broadcast_in_dim3A_241, %get3A_31] : memref<16x32xf32, #tpu.memory_space<vmem>>[vector<16xi32>, vector<16xi32>], vector<16xf32>,
      %gather3A_251 = tpu.vector_load_idx %arg21[%broadcast_in_dim3A_241, %get3A_35] : memref<16x32xf32, #tpu.memory_space<vmem>>[vector<16xi32>, vector<16xi32>], vector<16xf32>,
      %add3A_252 = arith.addf %gather3A_249, %gather3A_250 : vector<16xf32>
      %add3A_253 = arith.addf %add3A_252, %gather3A_251 : vector<16xf32>
      %mul3A_254 = arith.constant 0.333333343 : f32
      %mul3A_255 = vector.broadcast %mul3A_254 : f32 to vector<16xf32>
      %mul3A_256 = arith.mulf %add3A_253, %mul3A_255 : vector<16xf32>
      %mul3A_257 = arith.constant 16 : i32
      %mul3A_258 = arith.muli %scan3A_20, %mul3A_257 : i32
      %swap3A_259 = arith.constant 9 : i32
      %swap3A_260 = arith.index_cast %swap3A_259 : i32 to index
      %swap3A_261 = arith.index_cast %mul3A_258 : i32 to index
      %swap3A_262 = tpu.vector_load %arg23[%swap3A_260, %swap3A_261] {strides = array<i32>} : memref<16x512xf32, #tpu.memory_space<vmem>>, vector<16xf32>,
      tpu.vector_store %arg23[%swap3A_260, %swap3A_261], %mul3A_256 {strides = array<i32>} : memref<16x512xf32, #tpu.memory_space<vmem>>, vector<16xf32>,
      %broadcast_in_dim3A_263 = arith.constant 10 : i32
      %broadcast_in_dim3A_264 = vector.broadcast %broadcast_in_dim3A_263 : i32 to vector<16xi32>
      %gather3A_265 = tpu.vector_load_idx %arg20[%broadcast_in_dim3A_264, %get3A_23] : memref<16x128xf32, #tpu.memory_space<vmem>>[vector<16xi32>, vector<16xi32>], vector<16xf32>,
      %mul3A_266 = arith.constant 16 : i32
      %mul3A_267 = arith.muli %scan3A_20, %mul3A_266 : i32
      %swap3A_268 = arith.constant 10 : i32
      %swap3A_269 = arith.index_cast %swap3A_268 : i32 to index
      %swap3A_270 = arith.index_cast %mul3A_267 : i32 to index
      %swap3A_271 = tpu.vector_load %arg22[%swap3A_269, %swap3A_270] {strides = array<i32>} : memref<16x512xf32, #tpu.memory_space<vmem>>, vector<16xf32>,
      tpu.vector_store %arg22[%swap3A_269, %swap3A_270], %gather3A_265 {strides = array<i32>} : memref<16x512xf32, #tpu.memory_space<vmem>>, vector<16xf32>,
      %gather3A_272 = tpu.vector_load_idx %arg21[%broadcast_in_dim3A_264, %get3A_27] : memref<16x32xf32, #tpu.memory_space<vmem>>[vector<16xi32>, vector<16xi32>], vector<16xf32>,
      %gather3A_273 = tpu.vector_load_idx %arg21[%broadcast_in_dim3A_264, %get3A_31] : memref<16x32xf32, #tpu.memory_space<vmem>>[vector<16xi32>, vector<16xi32>], vector<16xf32>,
      %gather3A_274 = tpu.vector_load_idx %arg21[%broadcast_in_dim3A_264, %get3A_35] : memref<16x32xf32, #tpu.memory_space<vmem>>[vector<16xi32>, vector<16xi32>], vector<16xf32>,
      %add3A_275 = arith.addf %gather3A_272, %gather3A_273 : vector<16xf32>
      %add3A_276 = arith.addf %add3A_275, %gather3A_274 : vector<16xf32>
      %mul3A_277 = arith.constant 0.333333343 : f32
      %mul3A_278 = vector.broadcast %mul3A_277 : f32 to vector<16xf32>
      %mul3A_279 = arith.mulf %add3A_276, %mul3A_278 : vector<16xf32>
      %mul3A_280 = arith.constant 16 : i32
      %mul3A_281 = arith.muli %scan3A_20, %mul3A_280 : i32
      %swap3A_282 = arith.constant 10 : i32
      %swap3A_283 = arith.index_cast %swap3A_282 : i32 to index
      %swap3A_284 = arith.index_cast %mul3A_281 : i32 to index
      %swap3A_285 = tpu.vector_load %arg23[%swap3A_283, %swap3A_284] {strides = array<i32>} : memref<16x512xf32, #tpu.memory_space<vmem>>, vector<16xf32>,
      tpu.vector_store %arg23[%swap3A_283, %swap3A_284], %mul3A_279 {strides = array<i32>} : memref<16x512xf32, #tpu.memory_space<vmem>>, vector<16xf32>,
      %broadcast_in_dim3A_286 = arith.constant 11 : i32
      %broadcast_in_dim3A_287 = vector.broadcast %broadcast_in_dim3A_286 : i32 to vector<16xi32>
      %gather3A_288 = tpu.vector_load_idx %arg20[%broadcast_in_dim3A_287, %get3A_23] : memref<16x128xf32, #tpu.memory_space<vmem>>[vector<16xi32>, vector<16xi32>], vector<16xf32>,
      %mul3A_289 = arith.constant 16 : i32
      %mul3A_290 = arith.muli %scan3A_20, %mul3A_289 : i32
      %swap3A_291 = arith.constant 11 : i32
      %swap3A_292 = arith.index_cast %swap3A_291 : i32 to index
      %swap3A_293 = arith.index_cast %mul3A_290 : i32 to index
      %swap3A_294 = tpu.vector_load %arg22[%swap3A_292, %swap3A_293] {strides = array<i32>} : memref<16x512xf32, #tpu.memory_space<vmem>>, vector<16xf32>,
      tpu.vector_store %arg22[%swap3A_292, %swap3A_293], %gather3A_288 {strides = array<i32>} : memref<16x512xf32, #tpu.memory_space<vmem>>, vector<16xf32>,
      %gather3A_295 = tpu.vector_load_idx %arg21[%broadcast_in_dim3A_287, %get3A_27] : memref<16x32xf32, #tpu.memory_space<vmem>>[vector<16xi32>, vector<16xi32>], vector<16xf32>,
      %gather3A_296 = tpu.vector_load_idx %arg21[%broadcast_in_dim3A_287, %get3A_31] : memref<16x32xf32, #tpu.memory_space<vmem>>[vector<16xi32>, vector<16xi32>], vector<16xf32>,
      %gather3A_297 = tpu.vector_load_idx %arg21[%broadcast_in_dim3A_287, %get3A_35] : memref<16x32xf32, #tpu.memory_space<vmem>>[vector<16xi32>, vector<16xi32>], vector<16xf32>,
      %add3A_298 = arith.addf %gather3A_295, %gather3A_296 : vector<16xf32>
      %add3A_299 = arith.addf %add3A_298, %gather3A_297 : vector<16xf32>
      %mul3A_300 = arith.constant 0.333333343 : f32
      %mul3A_301 = vector.broadcast %mul3A_300 : f32 to vector<16xf32>
      %mul3A_302 = arith.mulf %add3A_299, %mul3A_301 : vector<16xf32>
      %mul3A_303 = arith.constant 16 : i32
      %mul3A_304 = arith.muli %scan3A_20, %mul3A_303 : i32
      %swap3A_305 = arith.constant 11 : i32
      %swap3A_306 = arith.index_cast %swap3A_305 : i32 to index
      %swap3A_307 = arith.index_cast %mul3A_304 : i32 to index
      %swap3A_308 = tpu.vector_load %arg23[%swap3A_306, %swap3A_307] {strides = array<i32>} : memref<16x512xf32, #tpu.memory_space<vmem>>, vector<16xf32>,
      tpu.vector_store %arg23[%swap3A_306, %swap3A_307], %mul3A_302 {strides = array<i32>} : memref<16x512xf32, #tpu.memory_space<vmem>>, vector<16xf32>,
      %broadcast_in_dim3A_309 = arith.constant 12 : i32
      %broadcast_in_dim3A_310 = vector.broadcast %broadcast_in_dim3A_309 : i32 to vector<16xi32>
      %gather3A_311 = tpu.vector_load_idx %arg20[%broadcast_in_dim3A_310, %get3A_23] : memref<16x128xf32, #tpu.memory_space<vmem>>[vector<16xi32>, vector<16xi32>], vector<16xf32>,
      %mul3A_312 = arith.constant 16 : i32
      %mul3A_313 = arith.muli %scan3A_20, %mul3A_312 : i32
      %swap3A_314 = arith.constant 12 : i32
      %swap3A_315 = arith.index_cast %swap3A_314 : i32 to index
      %swap3A_316 = arith.index_cast %mul3A_313 : i32 to index
      %swap3A_317 = tpu.vector_load %arg22[%swap3A_315, %swap3A_316] {strides = array<i32>} : memref<16x512xf32, #tpu.memory_space<vmem>>, vector<16xf32>,
      tpu.vector_store %arg22[%swap3A_315, %swap3A_316], %gather3A_311 {strides = array<i32>} : memref<16x512xf32, #tpu.memory_space<vmem>>, vector<16xf32>,
      %gather3A_318 = tpu.vector_load_idx %arg21[%broadcast_in_dim3A_310, %get3A_27] : memref<16x32xf32, #tpu.memory_space<vmem>>[vector<16xi32>, vector<16xi32>], vector<16xf32>,
      %gather3A_319 = tpu.vector_load_idx %arg21[%broadcast_in_dim3A_310, %get3A_31] : memref<16x32xf32, #tpu.memory_space<vmem>>[vector<16xi32>, vector<16xi32>], vector<16xf32>,
      %gather3A_320 = tpu.vector_load_idx %arg21[%broadcast_in_dim3A_310, %get3A_35] : memref<16x32xf32, #tpu.memory_space<vmem>>[vector<16xi32>, vector<16xi32>], vector<16xf32>,
      %add3A_321 = arith.addf %gather3A_318, %gather3A_319 : vector<16xf32>
      %add3A_322 = arith.addf %add3A_321, %gather3A_320 : vector<16xf32>
      %mul3A_323 = arith.constant 0.333333343 : f32
      %mul3A_324 = vector.broadcast %mul3A_323 : f32 to vector<16xf32>
      %mul3A_325 = arith.mulf %add3A_322, %mul3A_324 : vector<16xf32>
      %mul3A_326 = arith.constant 16 : i32
      %mul3A_327 = arith.muli %scan3A_20, %mul3A_326 : i32
      %swap3A_328 = arith.constant 12 : i32
      %swap3A_329 = arith.index_cast %swap3A_328 : i32 to index
      %swap3A_330 = arith.index_cast %mul3A_327 : i32 to index
      %swap3A_331 = tpu.vector_load %arg23[%swap3A_329, %swap3A_330] {strides = array<i32>} : memref<16x512xf32, #tpu.memory_space<vmem>>, vector<16xf32>,
      tpu.vector_store %arg23[%swap3A_329, %swap3A_330], %mul3A_325 {strides = array<i32>} : memref<16x512xf32, #tpu.memory_space<vmem>>, vector<16xf32>,
      %broadcast_in_dim3A_332 = arith.constant 13 : i32
      %broadcast_in_dim3A_333 = vector.broadcast %broadcast_in_dim3A_332 : i32 to vector<16xi32>
      %gather3A_334 = tpu.vector_load_idx %arg20[%broadcast_in_dim3A_333, %get3A_23] : memref<16x128xf32, #tpu.memory_space<vmem>>[vector<16xi32>, vector<16xi32>], vector<16xf32>,
      %mul3A_335 = arith.constant 16 : i32
      %mul3A_336 = arith.muli %scan3A_20, %mul3A_335 : i32
      %swap3A_337 = arith.constant 13 : i32
      %swap3A_338 = arith.index_cast %swap3A_337 : i32 to index
      %swap3A_339 = arith.index_cast %mul3A_336 : i32 to index
      %swap3A_340 = tpu.vector_load %arg22[%swap3A_338, %swap3A_339] {strides = array<i32>} : memref<16x512xf32, #tpu.memory_space<vmem>>, vector<16xf32>,
      tpu.vector_store %arg22[%swap3A_338, %swap3A_339], %gather3A_334 {strides = array<i32>} : memref<16x512xf32, #tpu.memory_space<vmem>>, vector<16xf32>,
      %gather3A_341 = tpu.vector_load_idx %arg21[%broadcast_in_dim3A_333, %get3A_27] : memref<16x32xf32, #tpu.memory_space<vmem>>[vector<16xi32>, vector<16xi32>], vector<16xf32>,
      %gather3A_342 = tpu.vector_load_idx %arg21[%broadcast_in_dim3A_333, %get3A_31] : memref<16x32xf32, #tpu.memory_space<vmem>>[vector<16xi32>, vector<16xi32>], vector<16xf32>,
      %gather3A_343 = tpu.vector_load_idx %arg21[%broadcast_in_dim3A_333, %get3A_35] : memref<16x32xf32, #tpu.memory_space<vmem>>[vector<16xi32>, vector<16xi32>], vector<16xf32>,
      %add3A_344 = arith.addf %gather3A_341, %gather3A_342 : vector<16xf32>
      %add3A_345 = arith.addf %add3A_344, %gather3A_343 : vector<16xf32>
      %mul3A_346 = arith.constant 0.333333343 : f32
      %mul3A_347 = vector.broadcast %mul3A_346 : f32 to vector<16xf32>
      %mul3A_348 = arith.mulf %add3A_345, %mul3A_347 : vector<16xf32>
      %mul3A_349 = arith.constant 16 : i32
      %mul3A_350 = arith.muli %scan3A_20, %mul3A_349 : i32
      %swap3A_351 = arith.constant 13 : i32
      %swap3A_352 = arith.index_cast %swap3A_351 : i32 to index
      %swap3A_353 = arith.index_cast %mul3A_350 : i32 to index
      %swap3A_354 = tpu.vector_load %arg23[%swap3A_352, %swap3A_353] {strides = array<i32>} : memref<16x512xf32, #tpu.memory_space<vmem>>, vector<16xf32>,
      tpu.vector_store %arg23[%swap3A_352, %swap3A_353], %mul3A_348 {strides = array<i32>} : memref<16x512xf32, #tpu.memory_space<vmem>>, vector<16xf32>,
      %broadcast_in_dim3A_355 = arith.constant 14 : i32
      %broadcast_in_dim3A_356 = vector.broadcast %broadcast_in_dim3A_355 : i32 to vector<16xi32>
      %gather3A_357 = tpu.vector_load_idx %arg20[%broadcast_in_dim3A_356, %get3A_23] : memref<16x128xf32, #tpu.memory_space<vmem>>[vector<16xi32>, vector<16xi32>], vector<16xf32>,
      %mul3A_358 = arith.constant 16 : i32
      %mul3A_359 = arith.muli %scan3A_20, %mul3A_358 : i32
      %swap3A_360 = arith.constant 14 : i32
      %swap3A_361 = arith.index_cast %swap3A_360 : i32 to index
      %swap3A_362 = arith.index_cast %mul3A_359 : i32 to index
      %swap3A_363 = tpu.vector_load %arg22[%swap3A_361, %swap3A_362] {strides = array<i32>} : memref<16x512xf32, #tpu.memory_space<vmem>>, vector<16xf32>,
      tpu.vector_store %arg22[%swap3A_361, %swap3A_362], %gather3A_357 {strides = array<i32>} : memref<16x512xf32, #tpu.memory_space<vmem>>, vector<16xf32>,
      %gather3A_364 = tpu.vector_load_idx %arg21[%broadcast_in_dim3A_356, %get3A_27] : memref<16x32xf32, #tpu.memory_space<vmem>>[vector<16xi32>, vector<16xi32>], vector<16xf32>,
      %gather3A_365 = tpu.vector_load_idx %arg21[%broadcast_in_dim3A_356, %get3A_31] : memref<16x32xf32, #tpu.memory_space<vmem>>[vector<16xi32>, vector<16xi32>], vector<16xf32>,
      %gather3A_366 = tpu.vector_load_idx %arg21[%broadcast_in_dim3A_356, %get3A_35] : memref<16x32xf32, #tpu.memory_space<vmem>>[vector<16xi32>, vector<16xi32>], vector<16xf32>,
      %add3A_367 = arith.addf %gather3A_364, %gather3A_365 : vector<16xf32>
      %add3A_368 = arith.addf %add3A_367, %gather3A_366 : vector<16xf32>
      %mul3A_369 = arith.constant 0.333333343 : f32
      %mul3A_370 = vector.broadcast %mul3A_369 : f32 to vector<16xf32>
      %mul3A_371 = arith.mulf %add3A_368, %mul3A_370 : vector<16xf32>
      %mul3A_372 = arith.constant 16 : i32
      %mul3A_373 = arith.muli %scan3A_20, %mul3A_372 : i32
      %swap3A_374 = arith.constant 14 : i32
      %swap3A_375 = arith.index_cast %swap3A_374 : i32 to index
      %swap3A_376 = arith.index_cast %mul3A_373 : i32 to index
      %swap3A_377 = tpu.vector_load %arg23[%swap3A_375, %swap3A_376] {strides = array<i32>} : memref<16x512xf32, #tpu.memory_space<vmem>>, vector<16xf32>,
      tpu.vector_store %arg23[%swap3A_375, %swap3A_376], %mul3A_371 {strides = array<i32>} : memref<16x512xf32, #tpu.memory_space<vmem>>, vector<16xf32>,
      %broadcast_in_dim3A_378 = arith.constant 15 : i32
      %broadcast_in_dim3A_379 = vector.broadcast %broadcast_in_dim3A_378 : i32 to vector<16xi32>
      %gather3A_380 = tpu.vector_load_idx %arg20[%broadcast_in_dim3A_379, %get3A_23] : memref<16x128xf32, #tpu.memory_space<vmem>>[vector<16xi32>, vector<16xi32>], vector<16xf32>,
      %mul3A_381 = arith.constant 16 : i32
      %mul3A_382 = arith.muli %scan3A_20, %mul3A_381 : i32
      %swap3A_383 = arith.constant 15 : i32
      %swap3A_384 = arith.index_cast %swap3A_383 : i32 to index
      %swap3A_385 = arith.index_cast %mul3A_382 : i32 to index
      %swap3A_386 = tpu.vector_load %arg22[%swap3A_384, %swap3A_385] {strides = array<i32>} : memref<16x512xf32, #tpu.memory_space<vmem>>, vector<16xf32>,
      tpu.vector_store %arg22[%swap3A_384, %swap3A_385], %gather3A_380 {strides = array<i32>} : memref<16x512xf32, #tpu.memory_space<vmem>>, vector<16xf32>,
      %gather3A_387 = tpu.vector_load_idx %arg21[%broadcast_in_dim3A_379, %get3A_27] : memref<16x32xf32, #tpu.memory_space<vmem>>[vector<16xi32>, vector<16xi32>], vector<16xf32>,
      %gather3A_388 = tpu.vector_load_idx %arg21[%broadcast_in_dim3A_379, %get3A_31] : memref<16x32xf32, #tpu.memory_space<vmem>>[vector<16xi32>, vector<16xi32>], vector<16xf32>,
      %gather3A_389 = tpu.vector_load_idx %arg21[%broadcast_in_dim3A_379, %get3A_35] : memref<16x32xf32, #tpu.memory_space<vmem>>[vector<16xi32>, vector<16xi32>], vector<16xf32>,
      %add3A_390 = arith.addf %gather3A_387, %gather3A_388 : vector<16xf32>
      %add3A_391 = arith.addf %add3A_390, %gather3A_389 : vector<16xf32>
      %mul3A_392 = arith.constant 0.333333343 : f32
      %mul3A_393 = vector.broadcast %mul3A_392 : f32 to vector<16xf32>
      %mul3A_394 = arith.mulf %add3A_391, %mul3A_393 : vector<16xf32>
      %mul3A_395 = arith.constant 16 : i32
      %mul3A_396 = arith.muli %scan3A_20, %mul3A_395 : i32
      %swap3A_397 = arith.constant 15 : i32
      %swap3A_398 = arith.index_cast %swap3A_397 : i32 to index
      %swap3A_399 = arith.index_cast %mul3A_396 : i32 to index
      %swap3A_400 = tpu.vector_load %arg23[%swap3A_398, %swap3A_399] {strides = array<i32>} : memref<16x512xf32, #tpu.memory_space<vmem>>, vector<16xf32>,
      tpu.vector_store %arg23[%swap3A_398, %swap3A_399], %mul3A_394 {strides = array<i32>} : memref<16x512xf32, #tpu.memory_space<vmem>>, vector<16xf32>,
    }
    %scan3A_19 = arith.constant 32 : i32
    "tpu.region"() ({
      %run_scoped3A = tpu.sem_alloc : memref<!tpu.dma_semaphore, #tpu.memory_space<semaphore_mem>>
      %dma_start3A = arith.constant 0 : i32
      %dma_start3A_20 = tpu.memref_slice %arg11[%dma_start3A, %mul3A_2] : memref<16x16384xf32, #tpu.memory_space<hbm>> -> memref<16x512xf32, #tpu.memory_space<hbm>>
      %dma_start3A_21 = arith.constant 0 : i32
      %dma_start3A_22 = tpu.memref_slice %arg11[%dma_start3A_21, %mul3A_2] : memref<16x16384xf32, #tpu.memory_space<hbm>> -> memref<16x512xf32, #tpu.memory_space<hbm>>
      tpu.enqueue_dma source(%arg22 : memref<16x512xf32, #tpu.memory_space<vmem>>) target(%dma_start3A_22 : memref<16x512xf32, #tpu.memory_space<hbm>>) target_semaphore(%run_scoped3A : memref<!tpu.dma_semaphore, #tpu.memory_space<semaphore_mem>>)
      %dma_wait3A = arith.constant 0 : i32
      %dma_wait3A_23 = tpu.memref_slice %arg11[%dma_wait3A, %mul3A_2] : memref<16x16384xf32, #tpu.memory_space<hbm>> -> memref<16x512xf32, #tpu.memory_space<hbm>>
      %dma_wait3A_24 = arith.constant 0 : i32
      %dma_wait3A_25 = tpu.memref_slice %arg11[%dma_wait3A_24, %mul3A_2] : memref<16x16384xf32, #tpu.memory_space<hbm>> -> memref<16x512xf32, #tpu.memory_space<hbm>>
      tpu.wait_dma2 semaphore(%run_scoped3A : memref<!tpu.dma_semaphore, #tpu.memory_space<semaphore_mem>>) src(%arg22 : memref<16x512xf32, #tpu.memory_space<vmem>>) dst(%dma_wait3A_25 : memref<16x512xf32, #tpu.memory_space<hbm>>)
      tpu.yield
    }) : () -> ()
    "tpu.region"() ({
      %run_scoped3A = tpu.sem_alloc : memref<!tpu.dma_semaphore, #tpu.memory_space<semaphore_mem>>
      %dma_start3A = arith.constant 0 : i32
      %dma_start3A_20 = tpu.memref_slice %arg12[%dma_start3A, %mul3A_2] : memref<16x16384xf32, #tpu.memory_space<hbm>> -> memref<16x512xf32, #tpu.memory_space<hbm>>
      %dma_start3A_21 = arith.constant 0 : i32
      %dma_start3A_22 = tpu.memref_slice %arg12[%dma_start3A_21, %mul3A_2] : memref<16x16384xf32, #tpu.memory_space<hbm>> -> memref<16x512xf32, #tpu.memory_space<hbm>>
      tpu.enqueue_dma source(%arg23 : memref<16x512xf32, #tpu.memory_space<vmem>>) target(%dma_start3A_22 : memref<16x512xf32, #tpu.memory_space<hbm>>) target_semaphore(%run_scoped3A : memref<!tpu.dma_semaphore, #tpu.memory_space<semaphore_mem>>)
      %dma_wait3A = arith.constant 0 : i32
      %dma_wait3A_23 = tpu.memref_slice %arg12[%dma_wait3A, %mul3A_2] : memref<16x16384xf32, #tpu.memory_space<hbm>> -> memref<16x512xf32, #tpu.memory_space<hbm>>
      %dma_wait3A_24 = arith.constant 0 : i32
      %dma_wait3A_25 = tpu.memref_slice %arg12[%dma_wait3A_24, %mul3A_2] : memref<16x16384xf32, #tpu.memory_space<hbm>> -> memref<16x512xf32, #tpu.memory_space<hbm>>
      tpu.wait_dma2 semaphore(%run_scoped3A : memref<!tpu.dma_semaphore, #tpu.memory_space<semaphore_mem>>) src(%arg23 : memref<16x512xf32, #tpu.memory_space<vmem>>) dst(%dma_wait3A_25 : memref<16x512xf32, #tpu.memory_space<hbm>>)
      tpu.yield
    }) : () -> ()
    return
  }
}

module attributes {stable_mosaic.version = 14 : i64} {
  func.func @_transpose_body(%arg0: i32, %arg1: memref<64x16384xf32, #tpu.memory_space<vmem>>, %arg2: memref<64x64xf32, #tpu.memory_space<vmem>>, %arg3: memref<8192x128xf32, #tpu.memory_space<vmem>>) attributes {dimension_semantics = [#tpu.dimension_semantics<arbitrary>], iteration_bounds = array<i64: 62>, scalar_prefetch = 0 : i64, scratch_operands = 0 : i64, tpu.core_type = #tpu.core_type<tc>, window_params = [{transform_indices = @transform_0, window_bounds = array<i64: 64, 16384>}, {pipeline_mode = #tpu.pipeline_mode<synchronous>, transform_indices = @transform_1, window_bounds = array<i64: 64, 64>}, {transform_indices = @transform_2, window_bounds = array<i64: 8192, 128>}]} {
    %get3A = arith.constant 0 : index
    %get3A_0 = arith.constant 0 : index
    %get3A_1 = vector.load %arg1[%get3A, %get3A_0] : memref<64x16384xf32, #tpu.memory_space<vmem>>, vector<64x16384xf32>
    %get3A_2 = arith.constant 0 : index
    %get3A_3 = arith.constant 0 : index
    %get3A_4 = vector.load %arg2[%get3A_2, %get3A_3] : memref<64x64xf32, #tpu.memory_space<vmem>>, vector<64x64xf32>
    %dot_general3A = arith.constant dense<0.000000e+00> : vector<16384x64xf32>
    %dot_general3A_5 = tpu.matmul %get3A_1, %get3A_4, %dot_general3A {dimension_numbers = #tpu.dot_dimension_numbers<[0], [0], [1], [1], [0, 1, 1, 1], [], []>, transpose_lhs_hint = false} : vector<64x16384xf32>, vector<64x64xf32>, vector<16384x64xf32> -> vector<16384x64xf32>
    %slice3A = vector.extract_strided_slice %dot_general3A_5 {offsets = [0, 0], sizes = [8192, 64], strides = [1, 1]} : vector<16384x64xf32> to vector<8192x64xf32>
    %slice3A_6 = vector.extract_strided_slice %dot_general3A_5 {offsets = [8192, 0], sizes = [8192, 64], strides = [1, 1]} : vector<16384x64xf32> to vector<8192x64xf32>
    %concatenate3A = tpu.concatenate %slice3A, %slice3A_6 in 1 : vector<8192x64xf32>, vector<8192x64xf32> -> vector<8192x128xf32>
    %swap3A = arith.constant 0 : index
    %swap3A_7 = arith.constant 0 : index
    %swap3A_8 = vector.load %arg3[%swap3A, %swap3A_7] : memref<8192x128xf32, #tpu.memory_space<vmem>>, vector<8192x128xf32>
    tpu.vector_store %arg3[%swap3A, %swap3A_7], %concatenate3A {strides = array<i32>} : memref<8192x128xf32, #tpu.memory_space<vmem>>, vector<8192x128xf32>,
    return
  }
  func.func @transform_0(%arg0: i32) -> (i32, i32) {
    %c0_i32 = arith.constant 0 : i32
    %c0_i32_0 = arith.constant 0 : i32
    return %c0_i32, %arg0 : i32, i32
  }
  func.func @transform_1(%arg0: i32) -> (i32, i32) {
    %c0_i32 = arith.constant 0 : i32
    %c0_i32_0 = arith.constant 0 : i32
    %c0_i32_1 = arith.constant 0 : i32
    return %c0_i32, %c0_i32_0 : i32, i32
  }
  func.func @transform_2(%arg0: i32) -> (i32, i32) {
    %c0_i32 = arith.constant 0 : i32
    %c0_i32_0 = arith.constant 0 : i32
    return %arg0, %c0_i32 : i32, i32
  }
}

module attributes {stable_mosaic.version = 14 : i64} {
  func.func @_mlp_body(%arg0: i32, %arg1: memref<2048x64xf32, #tpu.memory_space<vmem>>, %arg2: memref<16x2048xf32, #tpu.memory_space<vmem>>, %arg3: memref<16x2048xf32, #tpu.memory_space<vmem>>, %arg4: memref<64x256xf32, #tpu.memory_space<vmem>>, %arg5: memref<16x256xf32, #tpu.memory_space<vmem>>, %arg6: memref<16x256xf32, #tpu.memory_space<vmem>>, %arg7: memref<1x256xf32, #tpu.memory_space<vmem>>, %arg8: memref<256x128xf32, #tpu.memory_space<vmem>>, %arg9: memref<1x128xf32, #tpu.memory_space<vmem>>, %arg10: memref<128x64xf32, #tpu.memory_space<vmem>>, %arg11: memref<64x1xf32, #tpu.memory_space<vmem>>, %arg12: memref<64x2048xf32, #tpu.memory_space<vmem>>) attributes {dimension_semantics = [#tpu.dimension_semantics<arbitrary>], iteration_bounds = array<i64: 8>, scalar_prefetch = 0 : i64, scratch_operands = 0 : i64, tpu.core_type = #tpu.core_type<tc>, window_params = [{transform_indices = @transform_0, window_bounds = array<i64: 2048, 64>}, {transform_indices = @transform_1, window_bounds = array<i64: 16, 2048>}, {transform_indices = @transform_2, window_bounds = array<i64: 16, 2048>}, {pipeline_mode = #tpu.pipeline_mode<synchronous>, transform_indices = @transform_3, window_bounds = array<i64: 64, 256>}, {pipeline_mode = #tpu.pipeline_mode<synchronous>, transform_indices = @transform_4, window_bounds = array<i64: 16, 256>}, {pipeline_mode = #tpu.pipeline_mode<synchronous>, transform_indices = @transform_5, window_bounds = array<i64: 16, 256>}, {pipeline_mode = #tpu.pipeline_mode<synchronous>, transform_indices = @transform_6, window_bounds = array<i64: 1, 256>}, {pipeline_mode = #tpu.pipeline_mode<synchronous>, transform_indices = @transform_7, window_bounds = array<i64: 256, 128>}, {pipeline_mode = #tpu.pipeline_mode<synchronous>, transform_indices = @transform_8, window_bounds = array<i64: 1, 128>}, {pipeline_mode = #tpu.pipeline_mode<synchronous>, transform_indices = @transform_9, window_bounds = array<i64: 128, 64>}, {pipeline_mode = #tpu.pipeline_mode<synchronous>, transform_indices = @transform_10, window_bounds = array<i64: 64, 1>}, {transform_indices = @transform_11, window_bounds = array<i64: 64, 2048>}]} {
    %get3A = arith.constant 0 : index
    %get3A_0 = arith.constant 0 : index
    %get3A_1 = vector.load %arg1[%get3A, %get3A_0] : memref<2048x64xf32, #tpu.memory_space<vmem>>, vector<2048x64xf32>
    %get3A_2 = arith.constant 0 : index
    %get3A_3 = arith.constant 0 : index
    %get3A_4 = vector.load %arg4[%get3A_2, %get3A_3] : memref<64x256xf32, #tpu.memory_space<vmem>>, vector<64x256xf32>
    %dot_general3A = arith.constant dense<0.000000e+00> : vector<2048x256xf32>
    %dot_general3A_5 = tpu.matmul %get3A_1, %get3A_4, %dot_general3A {dimension_numbers = #tpu.dot_dimension_numbers<[1], [0], [0], [1], [0, 0, 1, 1], [], []>, transpose_lhs_hint = false} : vector<2048x64xf32>, vector<64x256xf32>, vector<2048x256xf32> -> vector<2048x256xf32>
    %get3A_6 = arith.constant 0 : index
    %get3A_7 = arith.constant 0 : index
    %get3A_8 = vector.load %arg2[%get3A_6, %get3A_7] : memref<16x2048xf32, #tpu.memory_space<vmem>>, vector<16x2048xf32>
    %get3A_9 = arith.constant 0 : index
    %get3A_10 = arith.constant 0 : index
    %get3A_11 = vector.load %arg5[%get3A_9, %get3A_10] : memref<16x256xf32, #tpu.memory_space<vmem>>, vector<16x256xf32>
    %dot_general3A_12 = arith.constant dense<0.000000e+00> : vector<2048x256xf32>
    %dot_general3A_13 = tpu.matmul %get3A_8, %get3A_11, %dot_general3A_12 {dimension_numbers = #tpu.dot_dimension_numbers<[0], [0], [1], [1], [0, 1, 1, 1], [], []>, transpose_lhs_hint = false} : vector<16x2048xf32>, vector<16x256xf32>, vector<2048x256xf32> -> vector<2048x256xf32>
    %add3A = arith.addf %dot_general3A_5, %dot_general3A_13 : vector<2048x256xf32>
    %get3A_14 = arith.constant 0 : index
    %get3A_15 = arith.constant 0 : index
    %get3A_16 = vector.load %arg3[%get3A_14, %get3A_15] : memref<16x2048xf32, #tpu.memory_space<vmem>>, vector<16x2048xf32>
    %get3A_17 = arith.constant 0 : index
    %get3A_18 = arith.constant 0 : index
    %get3A_19 = vector.load %arg6[%get3A_17, %get3A_18] : memref<16x256xf32, #tpu.memory_space<vmem>>, vector<16x256xf32>
    %dot_general3A_20 = arith.constant dense<0.000000e+00> : vector<2048x256xf32>
    %dot_general3A_21 = tpu.matmul %get3A_16, %get3A_19, %dot_general3A_20 {dimension_numbers = #tpu.dot_dimension_numbers<[0], [0], [1], [1], [0, 1, 1, 1], [], []>, transpose_lhs_hint = false} : vector<16x2048xf32>, vector<16x256xf32>, vector<2048x256xf32> -> vector<2048x256xf32>
    %add3A_22 = arith.addf %add3A, %dot_general3A_21 : vector<2048x256xf32>
    %get3A_23 = arith.constant 0 : index
    %get3A_24 = arith.constant 0 : index
    %get3A_25 = vector.load %arg7[%get3A_23, %get3A_24] : memref<1x256xf32, #tpu.memory_space<vmem>>, vector<1x256xf32>
    %add3A_26 = vector.broadcast %get3A_25 : vector<1x256xf32> to vector<2048x256xf32>
    %add3A_27 = arith.addf %add3A_22, %add3A_26 : vector<2048x256xf32>
    %max3A = arith.constant 0.000000e+00 : f32
    %max3A_28 = vector.broadcast %max3A : f32 to vector<2048x256xf32>
    %max3A_29 = arith.maximumf %add3A_27, %max3A_28 : vector<2048x256xf32>
    %get3A_30 = arith.constant 0 : index
    %get3A_31 = arith.constant 0 : index
    %get3A_32 = vector.load %arg8[%get3A_30, %get3A_31] : memref<256x128xf32, #tpu.memory_space<vmem>>, vector<256x128xf32>
    %dot_general3A_33 = arith.constant dense<0.000000e+00> : vector<2048x128xf32>
    %dot_general3A_34 = tpu.matmul %max3A_29, %get3A_32, %dot_general3A_33 {dimension_numbers = #tpu.dot_dimension_numbers<[1], [0], [0], [1], [0, 0, 1, 1], [], []>, transpose_lhs_hint = false} : vector<2048x256xf32>, vector<256x128xf32>, vector<2048x128xf32> -> vector<2048x128xf32>
    %get3A_35 = arith.constant 0 : index
    %get3A_36 = arith.constant 0 : index
    %get3A_37 = vector.load %arg9[%get3A_35, %get3A_36] : memref<1x128xf32, #tpu.memory_space<vmem>>, vector<1x128xf32>
    %add3A_38 = vector.broadcast %get3A_37 : vector<1x128xf32> to vector<2048x128xf32>
    %add3A_39 = arith.addf %dot_general3A_34, %add3A_38 : vector<2048x128xf32>
    %max3A_40 = arith.constant 0.000000e+00 : f32
    %max3A_41 = vector.broadcast %max3A_40 : f32 to vector<2048x128xf32>
    %max3A_42 = arith.maximumf %add3A_39, %max3A_41 : vector<2048x128xf32>
    %get3A_43 = arith.constant 0 : index
    %get3A_44 = arith.constant 0 : index
    %get3A_45 = vector.load %arg10[%get3A_43, %get3A_44] : memref<128x64xf32, #tpu.memory_space<vmem>>, vector<128x64xf32>
    %dot_general3A_46 = arith.constant dense<0.000000e+00> : vector<64x2048xf32>
    %dot_general3A_47 = tpu.matmul %get3A_45, %max3A_42, %dot_general3A_46 {dimension_numbers = #tpu.dot_dimension_numbers<[0], [1], [1], [0], [0, 1, 1, 0], [], []>, transpose_lhs_hint = false} : vector<128x64xf32>, vector<2048x128xf32>, vector<64x2048xf32> -> vector<64x2048xf32>
    %get3A_48 = arith.constant 0 : index
    %get3A_49 = arith.constant 0 : index
    %get3A_50 = vector.load %arg11[%get3A_48, %get3A_49] : memref<64x1xf32, #tpu.memory_space<vmem>>, vector<64x1xf32>
    %add3A_51 = vector.broadcast %get3A_50 : vector<64x1xf32> to vector<64x2048xf32>
    %add3A_52 = arith.addf %dot_general3A_47, %add3A_51 : vector<64x2048xf32>
    %swap3A = arith.constant 0 : index
    %swap3A_53 = arith.constant 0 : index
    %swap3A_54 = vector.load %arg12[%swap3A, %swap3A_53] : memref<64x2048xf32, #tpu.memory_space<vmem>>, vector<64x2048xf32>
    tpu.vector_store %arg12[%swap3A, %swap3A_53], %add3A_52 {strides = array<i32>} : memref<64x2048xf32, #tpu.memory_space<vmem>>, vector<64x2048xf32>,
    return
  }
  func.func @transform_0(%arg0: i32) -> (i32, i32) {
    %c0_i32 = arith.constant 0 : i32
    %c0_i32_0 = arith.constant 0 : i32
    return %arg0, %c0_i32 : i32, i32
  }
  func.func @transform_1(%arg0: i32) -> (i32, i32) {
    %c0_i32 = arith.constant 0 : i32
    %c0_i32_0 = arith.constant 0 : i32
    return %c0_i32, %arg0 : i32, i32
  }
  func.func @transform_2(%arg0: i32) -> (i32, i32) {
    %c0_i32 = arith.constant 0 : i32
    %c0_i32_0 = arith.constant 0 : i32
    return %c0_i32, %arg0 : i32, i32
  }
  func.func @transform_3(%arg0: i32) -> (i32, i32) {
    %c0_i32 = arith.constant 0 : i32
    %c0_i32_0 = arith.constant 0 : i32
    %c0_i32_1 = arith.constant 0 : i32
    return %c0_i32, %c0_i32_0 : i32, i32
  }
  func.func @transform_4(%arg0: i32) -> (i32, i32) {
    %c0_i32 = arith.constant 0 : i32
    %c0_i32_0 = arith.constant 0 : i32
    %c0_i32_1 = arith.constant 0 : i32
    return %c0_i32, %c0_i32_0 : i32, i32
  }
  func.func @transform_5(%arg0: i32) -> (i32, i32) {
    %c0_i32 = arith.constant 0 : i32
    %c0_i32_0 = arith.constant 0 : i32
    %c0_i32_1 = arith.constant 0 : i32
    return %c0_i32, %c0_i32_0 : i32, i32
  }
  func.func @transform_6(%arg0: i32) -> (i32, i32) {
    %c0_i32 = arith.constant 0 : i32
    %c0_i32_0 = arith.constant 0 : i32
    %c0_i32_1 = arith.constant 0 : i32
    return %c0_i32, %c0_i32_0 : i32, i32
  }
  func.func @transform_7(%arg0: i32) -> (i32, i32) {
    %c0_i32 = arith.constant 0 : i32
    %c0_i32_0 = arith.constant 0 : i32
    %c0_i32_1 = arith.constant 0 : i32
    return %c0_i32, %c0_i32_0 : i32, i32
  }
  func.func @transform_8(%arg0: i32) -> (i32, i32) {
    %c0_i32 = arith.constant 0 : i32
    %c0_i32_0 = arith.constant 0 : i32
    %c0_i32_1 = arith.constant 0 : i32
    return %c0_i32, %c0_i32_0 : i32, i32
  }
  func.func @transform_9(%arg0: i32) -> (i32, i32) {
    %c0_i32 = arith.constant 0 : i32
    %c0_i32_0 = arith.constant 0 : i32
    %c0_i32_1 = arith.constant 0 : i32
    return %c0_i32, %c0_i32_0 : i32, i32
  }
  func.func @transform_10(%arg0: i32) -> (i32, i32) {
    %c0_i32 = arith.constant 0 : i32
    %c0_i32_0 = arith.constant 0 : i32
    %c0_i32_1 = arith.constant 0 : i32
    return %c0_i32, %c0_i32_0 : i32, i32
  }
  func.func @transform_11(%arg0: i32) -> (i32, i32) {
    %c0_i32 = arith.constant 0 : i32
    %c0_i32_0 = arith.constant 0 : i32
    return %c0_i32, %arg0 : i32, i32
  }
}

</mosaic_0001>

<sc_bundles>
// kernel: kernel.5.cloned.1.call-start
scs
__scs_entry_jumppad:
0x0: {  	(pc) =	sbr.rel $0x88, $3  }
0x1: {  	(tag) =	ssettag $0x0;
	lr =	simm.s32 $0x1  }
0x2: {  	[smem:$0x3F95] =	sst lr;
	_ =	strace $0xD0000000  }
0x3: {  	_ = 	snop  }
0x4: {  	_ = 	snop  }
0x5: {  	_ = 	snop  }
0x6: {  	_ = 	snop  }
0x7: {  	_ = 	snop  }
__scs_overlays_trampoline_lowered:
0x8: {  	[smem:$0x3FA4] =	sst s0  }
0x9: {  	[smem:$0x3FA5] =	sst s1  }
0xa: {  	[smem:$0x3FA6] =	sst s2  }
0xb: {  	[smem:$0x3FA7] =	sst s3  }
0xc: {  	[smem:$0x3FA8] =	sst s4  }
0xd: {  	[smem:$0x3FA9] =	sst s5  }
0xe: {  	[smem:$0x3FAA] =	sst s6  }
0xf: {  	[smem:$0x3FAB] =	sst s7  }
0x10: {  	[smem:$0x3FAC] =	sst s8  }
0x11: {  	[smem:$0x3FAD] =	sst s9;
	s0 =	simm.s32 @!p0 $0x0  }
0x12: {  	s1 =	sld [smem:$0x3F93];
	s0 =	simm.s32 @p0 $0x1  }
0x13: {  	[smem:$0x3FAE] =	sst s0;
	s0 =	simm.s32 @!p1 $0x0  }
0x14: {  	s2 =	sld [smem:$0x3F92];
	s0 =	simm.s32 @p1 $0x1  }
0x15: {  	[smem:$0x3FAF] =	sst s0;
	s0 =	simm.s32 @!p2 $0x0  }
0x16: {  	s3 =	sld [smem:$0x3FDB];
	s0 =	simm.s32 @p2 $0x1  }
0x17: {  	s4 =	simm.s32 $0x1BF5;
	[smem:$0x3FB1] =	sst s0  }
0x18: {  	s0 =	sld [smem:$0x3F94];
	_ =	swait.ge [sflag:s4], $0x0  }
0x19: {  	s7 =	sld [smem:$0x3F95]  }
0x1a: {  	s8 =	sadd.s32 $0xFFFFE003, lr  }
0x1b: {  	s9 =	sadd.s32 $0xFFFFFEF7, lr;
	s5 =	simm.s32 $0xFFFFFFFF;
	p2 =	slt.u32 s8, $0xFFFFF086  }
0x1c: {  	p1 =	slt.u32 s9, $0xF7A;
	s5 =	simm.s32 @!p2 $0x0  }
0x1d: {  	s5 =	simm.s32 @p1 $0x1;
	p0 =	seq.s32 s7, s2  }
0x1e: {  	s7 =	smul.u32 @!p0 $0xF7A, s2;
	p2 =	seq.s32 @!p0 s5, $0x0  }
0x1f: {  	s9 =	smul.u32 $0xF7A, s1;
	s8 =	simm.s32 @!p0 $0x1BF5;
	p2 =	por !p2, p0  }
0x20: {  	[sflag:s8] =	ssyncset.s32 @!p0 $0xFFFFF086;
	s6 =	sadd.s32 @!p0 s3, s7;
	s7 =	simm.s32 @!p0 $0x108  }
0x21: {  	s3 =	sadd.s32 s3, s9;
	s6 =	sadd.s32 @!p0 $0x88, s6;
	s7 =	simm.s32 @p2 $0x1082  }
0x22: {  	[simem:s7], [sflag:s8] =	dma.local @!p0 [hbm:s6], $0xF7A  }
0x23: {  	s9 =	sor.u32 $0xD0000000, s2;
	s6 =	simm.s32 $0x108;
	_ =	swait.ge @!p0 [sflag:s8], $0x0  }
0x24: {  	s3 =	sadd.s32 $0x88, s3;
	s6 =	simm.s32 @!p1 $0x1082;
	[sflag:s4] =	ssyncset.s32 $0xFFFFF086  }
0x25: {  	[simem:s6], [sflag:s4] =	dma.local [hbm:s3], $0xF7A  }
0x26: {  	[smem:$0x3F95] =	sst s1;
	(tag) =	ssettag s2;
	_ =	strace s9  }
0x27: {  	s1 =	sld [smem:$0x3FA5]  }
0x28: {  	s2 =	sld [smem:$0x3FA6]  }
0x29: {  	s4 =	sld [smem:$0x3FA8]  }
0x2a: {  	p0 =	seq.s32 s5, $0x0;
	s5 =	sld [smem:$0x3FA9]  }
0x2b: {  	s6 =	sld [smem:$0x3FAA]  }
0x2c: {  	s7 =	sld [smem:$0x3FAB]  }
0x2d: {  	s3 =	simm.s32 $0x108;
	s8 =	sld [smem:$0x3FAC]  }
0x2e: {  	s3 =	simm.s32 @!p0 $0x1082;
	s9 =	sld [smem:$0x3FAD]  }
0x2f: {  	lr =	sadd.s32 s0, s3;
	s0 =	sld [smem:$0x3FA4]  }
0x30: {  	s3 =	sld [smem:$0x3FA7]  }
0x31: {  	[smem:$0x3FB0] =	sst s10  }
0x32: {  	s10 =	sld [smem:$0x3FAE];
	_ =	sdelay $0x3  }
0x33: {  	p0 =	seq.s32 s10, $0x1;
	s10 =	sld [smem:$0x3FB0];
	_ =	sdelay $0x3  }
0x34: {  	[smem:$0x3FB0] =	sst s10  }
0x35: {  	s10 =	sld [smem:$0x3FAF];
	_ =	sdelay $0x3  }
0x36: {  	p1 =	seq.s32 s10, $0x1;
	s10 =	sld [smem:$0x3FB0];
	_ =	sdelay $0x3  }
0x37: {  	[smem:$0x3FB0] =	sst s10  }
0x38: {  	s10 =	sld [smem:$0x3FB1]  }
0x39: {  	_ = 	snop;
	(pc) =	sbr.ind lr, $3  }
0x3a: {  	_ = 	snop  }
0x3b: {  	_ = 	snop  }
0x3c: {  	p2 =	seq.s32 s10, $0x1;
	s10 =	sld [smem:$0x3FB0]  }
0x3d: {  	_ =	shalt  }
0x3e: {  	_ =	shalt  }
0x3f: {  	_ =	shalt  }
0x40: {  	_ =	shalt  }
0x41: {  	_ =	shalt  }
0x42: {  	_ =	shalt  }
0x43: {  	_ =	shalt  }
0x44: {  	_ =	shalt  }
0x45: {  	_ =	shalt  }
0x46: {  	_ =	shalt  }
0x47: {  	_ =	shalt  }
0x48: {  	_ =	shalt  }
0x49: {  	_ =	shalt  }
0x4a: {  	_ =	shalt  }
0x4b: {  	_ =	shalt  }
0x4c: {  	_ =	shalt  }
0x4d: {  	_ =	shalt  }
0x4e: {  	_ =	shalt  }
0x4f: {  	_ =	shalt  }
0x50: {  	_ =	shalt  }
0x51: {  	_ =	shalt  }
0x52: {  	_ =	shalt  }
0x53: {  	_ =	shalt  }
0x54: {  	_ =	shalt  }
0x55: {  	_ =	shalt  }
0x56: {  	_ =	shalt  }
0x57: {  	_ =	shalt  }
0x58: {  	_ =	shalt  }
0x59: {  	_ =	shalt  }
0x5a: {  	_ =	shalt  }
0x5b: {  	_ =	shalt  }
0x5c: {  	_ =	shalt  }
0x5d: {  	_ =	shalt  }
0x5e: {  	_ =	shalt  }
0x5f: {  	_ =	shalt  }
0x60: {  	_ =	shalt  }
0x61: {  	_ =	shalt  }
0x62: {  	_ =	shalt  }
0x63: {  	_ =	shalt  }
0x64: {  	_ =	shalt  }
0x65: {  	_ =	shalt  }
0x66: {  	_ =	shalt  }
0x67: {  	_ =	shalt  }
0x68: {  	_ =	shalt  }
0x69: {  	_ =	shalt  }
0x6a: {  	_ =	shalt  }
0x6b: {  	_ =	shalt  }
0x6c: {  	_ =	shalt  }
0x6d: {  	_ =	shalt  }
0x6e: {  	_ =	shalt  }
0x6f: {  	_ =	shalt  }
0x70: {  	_ =	shalt  }
0x71: {  	_ =	shalt  }
0x72: {  	_ =	shalt  }
0x73: {  	_ =	shalt  }
0x74: {  	_ =	shalt  }
0x75: {  	_ =	shalt  }
0x76: {  	_ =	shalt  }
0x77: {  	_ =	shalt  }
0x78: {  	_ =	shalt  }
0x79: {  	_ =	shalt  }
0x7a: {  	_ =	shalt  }
0x7b: {  	_ =	shalt  }
0x7c: {  	_ =	shalt  }
0x7d: {  	_ =	shalt  }
0x7e: {  	_ =	shalt  }
0x7f: {  	_ =	shalt  }
0x80: {  	_ =	shalt  }
0x81: {  	_ =	shalt  }
0x82: {  	_ =	shalt  }
0x83: {  	_ =	shalt  }
0x84: {  	_ =	shalt  }
0x85: {  	_ =	shalt  }
0x86: {  	_ =	shalt  }
0x87: {  	_ =	shalt  }
.Lfunc_end0:
.L_simem_size_0:
called_computation_lowered:
.L_overlay_start_0:
0x88: {  	s2 =	sld [smem:$0x3FD9]  }
0x89: {  	s3 =	sld [smem:$0x3FFE];
	_ =	sdelay $0x1  }
0x8a: {  	s1 =	srdreg.scid  }
0x8b: {  	s0 =	sand.u32 $0x1, s1  }
0x8c: {  	s17 =	sshll.u32 s0, $0xA;
	s2 =	sadd.s32 s3, s2  }
0x8d: {  	s2 =	sadd.s32 s2, s17  }
0x8e: {  	[smem:$0x3FBC] =	sst s2  }
0x8f: {  	_ = 	snop  }
0x90: {  	s2 =	sld [smem:$0x3FC9]  }
0x91: {  	s18 =	sld [smem:$0x3FC8]  }
0x92: {  	s4 =	sld [smem:$0x3FC5]  }
0x93: {  	s5 =	sld [smem:$0x3FC4]  }
0x94: {  	s6 =	sld [smem:$0x3FD0];
	(tm) =	ssettm $0x1  }
0x95: {  	s7 =	sld [smem:$0x3FFB];
	_ =	sdelay $0x3  }
0x96: {  	_ =	strace s7  }
0x97: {  	s7 =	sld [smem:$0x3FFC];
	_ =	sdelay $0x3  }
0x98: {  	_ =	strace s7  }
0x99: {  	s7 =	sld [smem:$0x3FFD];
	_ =	sdelay $0x3  }
0x9a: {  	_ =	strace s7  }
0x9b: {  	_ =	strace $0x8FFFFFFF  }
0x9c: {  	s19 =	sld [smem:$0x3FDB];
	_ =	sdelay $0x1  }
0x9d: {  	s8 =	simm.s32 $_scs_section_size  }
0x9e: {  	s9 =	simm.s32 $_size__tile_overlayer_lowered;
	s10 =	simm.s32 $_tile_overlayer_lowered  }
0x9f: {  	s22 =	simm.s32 $0x1BFF;
	s21 =	sshll.u32 s10, $0x1;
	s7 =	sadd.s32 s8, s19  }
0xa0: {  	s11 =	simm.s32 $0x0;
	s20 =	sshll.u32 s9, $0x1;
	s9 =	sadd.s32 s21, s7  }
0xa1: {  	[timem:s11], [sflag:s22] =	dma.local [hbm:s9], s20  }
0xa2: {  	_ =	swait.ge [sflag:s22], s20  }
0xa3: {  	s8 =	ssub.s32 $0x0, s20;
	[sflag:s22] =	ssyncset.done $0x0  }
0xa4: {  	[sflag:s22] =	ssyncadd.s32 s8;
	_ =	sdelay $0x1  }
0xa5: {  	s23 =	simm.s32 $0x1B8B  }
0xa6: {  	_ =	swait.ge [sflag:s23], $0x1  }
0xa7: {  	[sflag:s23] =	ssyncset.done $0x0  }
0xa8: {  	s25 =	simm.s32 $0x1B8E;
	s24 =	sld [smem:$0x3FFE];
	[sflag:s23] =	ssyncadd.s32 $0xFFFFFFFF  }
0xa9: {  	s26 =	simm.s32 $execute0_lowered;
	[smem:$0x3FD2] =	sst s25  }
0xaa: {  	s9 =	sshll.u32 s26, $0x1;
	_ =	strace $0x80000046;
	[dreg:$0x1] =	wrdreg $0xFFFFFFFF  }
0xab: {  	s28 =	simm.s32 $_size_execute0_lowered;
	s7 =	sadd.s32 s7, s9;
	[dreg:$0x0] =	wrdreg $0x0  }
0xac: {  	s9 =	sshll.u32 s28, $0x1;
	[dreg:$0x2] =	wrdreg s7  }
0xad: {  	[dreg:$0x3] =	wrdreg s9  }
0xae: {  	[dreg:$0x4] =	wrdreg $0xC0  }
0xaf: {  	_ =	task [dreg:s11], $0x5FFFF  }
0xb0: {  	[dreg:$0x1] =	wrdreg $0xFFFFFFFF  }
0xb1: {  	[dreg:$0x0] =	wrdreg $0x60  }
0xb2: {  	[dreg:$0x2] =	wrdreg s2  }
0xb3: {  	[dreg:$0x3] =	wrdreg s18  }
0xb4: {  	[dreg:$0x4] =	wrdreg s24  }
0xb5: {  	[dreg:$0x5] =	wrdreg s4  }
0xb6: {  	[dreg:$0x6] =	wrdreg s5  }
0xb7: {  	[dreg:$0x7] =	wrdreg s6  }
0xb8: {  	[dreg:$0x8] =	wrdreg $0x9  }
0xb9: {  	_ =	task.clear_ibuf [dreg:s11], $0x9FFFF;
	_ =	strace $0x90000046  }
0xba: {  	s29 =	simm.s32 $0x9;
	_ =	strace $0x80000048  }
0xbb: {  	_ =	swait.ge [sflag:s29], $0x1  }
0xbc: {  	[sflag:s29] =	ssyncadd.s32 $0xFFFFFFFF  }
0xbd: {  	_ =	strace $0x90000048  }
0xbe: {  	_ =	sfence  }
0xbf: {  	s30 =	sld [smem:$0x0];
	_ =	sdelay $0x2  }
0xc0: {  	s31 =	sshll.u32 s1, $0xD;
	s1 =	sshrl.u32 s1, $0x2  }
0xc1: {  	s3 =	sand.u32 $0x4000, s31;
	s1 =	sadd.s32 s1, s30  }
0xc2: {  	s0 =	sor.u32 s3, s0;
	s1 =	sshll.u32 s1, $0x11  }
0xc3: {  	s0 =	sor.u32 s1, s0  }
0xc4: {  	s0 =	sadd.s32 $0x8F2B, s0  }
0xc5: {  	[sflag:s0] =	ssyncadd.remote.s32 $0x1  }
0xc6: {  	_ =	sfence.sel $0xFFFF  }
0xc7: {  	[dreg:$0x0] =	wrdreg $0xFFFFFFFF;
	(pc) =	sbr.abs _section_cstart, $3  }
0xc8: {  	[dreg:$0x1] =	wrdreg $0xFFFFFFFF  }
0xc9: {  	_ =	task.clear_ibuf [dreg:s11], $0x2FFFF;
	_ =	strace $0x9FFFFFFF  }
0xca: {  	(tm) =	ssettm $0x7FFFFFFF  }
0xcb: {  	_ =	shalt  }
tec
execute0_lowered:
.L_overlay_start_1:
0x0: {  	(tag) =	ssettag $0x1  }
0x1: {  	s0 =	rddreg [dreg:$0x0]  }
0x2: {  	s1 =	rddreg [dreg:$0x1]  }
0x3: {  	s2 =	rddreg [dreg:$0x2]  }
0x4: {  	s3 =	srdreg.scid;
	s4 =	stileid.u32  }
0x5: {  	s12 =	rddreg [dreg:$0x5];
	s15 =	simm.s32 $0x2;
	s20 =	simm.s32 $0x11A00  }
0x6: {  	s21 =	simm.s32 $0x12200;
	s22 =	simm.s32 $0x1;
	s23 =	simm.s32 $0x10A00  }
0x7: {  	s24 =	simm.s32 $0x1000;
	s25 =	simm.s32 $0x20000;
	s26 =	simm.s32 $0x12A00  }
0x8: {  	s28 =	simm.s32 $0x14A00;
	s29 =	simm.s32 $0x0;
	s3 =	sand.u32 $0x1, s3  }
0x9: {  	s5 =	sshll.u32 s4, $0xA;
	s4 =	simm.s32 $0x0;
	s6 =	sshll.u32 s3, $0x9  }
0xa: {  	[smem:$0x7FF] =	sst s4;
	s3 =	ssub.s32 $0x2, s3;
	s13 =	sor.u32 s6, s5  }
0xb: {  	_ =	strace $0x80000047;
	s5 =	sadd.s32 $0x3600, s2;
	s31 =	sshrl.u32 s3, $0x1  }
0xc: {  	s7 =	sshrl.u32 s13, $0x3;
	s6 =	sshll.u32 s13, $0x4;
	s3 =	ssub.s32 s3, s31  }
0xd: {  	s12 =	sadd.s32 s12, s13;
	s10 =	sadd.s32 s7, s2;
	s11 =	sadd.s32 s6, s2  }
0xe: {  	s2 =	sadd.s32 s13, s2;
	s6 =	sadd.s32 s0, s7;
	s7 =	sadd.s32 s1, s7  }
0xf: {  	s8 =	sadd.s32 $0x2E00, s10;
	s9 =	sadd.s32 $0x2600, s10;
	s10 =	sadd.s32 $0x1E00, s10  }
0x10: {  	s14 =	smax.u32 s3, $0x1;
	s11 =	sadd.s32 $0x7C3600, s11;
	s13 =	sadd.s32 $0x803600, s2  }
.LBB2_1:
0x11: {  	[tilespmem:s4], [sflag:$0x2] =	stream.linear.gather [hbm4b:s6+s4], $0x200, $0x38;
	[tilespmem:$0x16A00] =	vst v63  }
0x12: {  	_ =	swait.ge [sflag:s15], $0x200  }
0x13: {  	[sflag:s15] =	ssyncset.done $0x0  }
0x14: {  	s0 =	simm.s32 $0x200;
	[sflag:s15] =	ssyncadd.s32 $0xFFFFFE00  }
0x15: {  	[tilespmem:s0], [sflag:$0x2] =	stream.linear.gather [hbm4b:s7+s4], $0x200, $0x38;
	[tilespmem:$0x16A00] =	vst v63  }
0x16: {  	_ =	swait.ge [sflag:s15], $0x200  }
0x17: {  	[sflag:s15] =	ssyncset.done $0x0  }
0x18: {  	s17 =	simm.s32 $0x400;
	[sflag:s15] =	ssyncadd.s32 $0xFFFFFE00  }
0x19: {  	[tilespmem:s17], [sflag:$0x2] =	stream.linear.gather [hbm4b:s8+s4], $0x200, $0x38;
	[tilespmem:$0x16A00] =	vst v63  }
0x1a: {  	_ =	swait.ge [sflag:s15], $0x200  }
0x1b: {  	[sflag:s15] =	ssyncset.done $0x0  }
0x1c: {  	s18 =	simm.s32 $0x600;
	[sflag:s15] =	ssyncadd.s32 $0xFFFFFE00  }
0x1d: {  	[tilespmem:s18], [sflag:$0x2] =	stream.linear.gather [hbm4b:s9+s4], $0x200, $0x38;
	[tilespmem:$0x16A00] =	vst v63  }
0x1e: {  	_ =	swait.ge [sflag:s15], $0x200  }
0x1f: {  	[sflag:s15] =	ssyncset.done $0x0  }
0x20: {  	s19 =	simm.s32 $0x800;
	[sflag:s15] =	ssyncadd.s32 $0xFFFFFE00  }
0x21: {  	[tilespmem:s19], [sflag:$0x2] =	stream.linear.gather [hbm4b:s10+s4], $0x200, $0x38;
	[tilespmem:$0x16A00] =	vst v63  }
0x22: {  	_ =	swait.ge [sflag:s15], $0x200  }
0x23: {  	[sflag:s15] =	ssyncset.done $0x0  }
0x24: {  	[sflag:s15] =	ssyncadd.s32 $0xFFFFFE00  }
0x25: {  	s30 =	rddreg [dreg:$0x3]  }
0x26: {  	[tilespmem:s20], [sflag:$0x2] =	stream.linear.gather [hbm4b:s30+s4], $0x800, $0x38;
	[tilespmem:$0x16A00] =	vst v63  }
0x27: {  	_ =	swait.ge [sflag:s15], $0x800  }
0x28: {  	[sflag:s15] =	ssyncset.done $0x0  }
0x29: {  	[sflag:s15] =	ssyncadd.s32 $0xFFFFF800  }
0x2a: {  	s31 =	rddreg [dreg:$0x4]  }
0x2b: {  	[tilespmem:s21], [sflag:$0x2] =	stream.linear.gather [hbm4b:s31+s4], $0x800, $0x38;
	[tilespmem:$0x16A00] =	vst v63  }
0x2c: {  	_ =	swait.ge [sflag:s15], $0x800  }
0x2d: {  	[sflag:s15] =	ssyncset.done $0x0  }
0x2e: {  	p0 =	por $0x1, $0x1;
	s0 =	simm.s32 $0x0;
	[sflag:s15] =	ssyncadd.s32 $0xFFFFF800  }
.LBB2_2:
0x2f: {  	s1 =	sshll.u32 s0, $0x4  }
0x30: {  	s1 =	sand.u32 $0x3FFFFFF0, s1  }
0x31: {  	v0 =	vld [tilespmem:s1+$0x0];
	_ =	sdelay $0x4  }
0x32: {  	(v2sf) =	vpush v0, $0x0;
	_ =	sdelay $0x3  }
0x33: {  	(v2sf) =	vpush v0, $0x1;
	_ =	sdelay $0x4  }
0x34: {  	(v2sf) =	vpush v0, $0x2;
	_ =	sdelay $0x5  }
0x35: {  	s16 =	spop (v2sf)  }
0x36: {  	s2 =	sshrl.u32 s16, $0x1  }
0x37: {  	(v2sf) =	vpush v0, $0x3;
	s1 =	sand.u32 $0x1FF8, s16;
	s2 =	sand.u32 $0xFFFE000, s2  }
0x38: {  	s17 =	sshll.u32 s0, $0xE;
	s30 =	simm.s32 $0x0;
	s1 =	sor.u32 s1, s2  }
0x39: {  	s0 =	sand.u32 $0x3FFFC000, s17;
	s19 =	spop (v2sf);
	s1 =	sshll.u32 s1, $0x4  }
0x3a: {  	s18 =	sor.u32 $0xA00, s0;
	s31 =	sshrl.u32 s19, $0x1;
	s1 =	sadd.s32 s5, s1  }
0x3b: {  	(v2sf) =	vpush v0, $0x4;
	[tilespmem:s18], [sflag:$0x1] =	stream.linear.gather [hbm4b:s1+s30], $0x400, $0x38;
	[tilespmem:$0x16A00] =	vst v63  }
0x3c: {  	s2 =	sand.u32 $0xFFFE000, s31;
	s1 =	sand.u32 $0x1FF8, s19  }
0x3d: {  	s1 =	sor.u32 s1, s2  }
0x3e: {  	s16 =	spop (v2sf);
	s1 =	sshll.u32 s1, $0x4  }
0x3f: {  	s3 =	sor.u32 $0xE00, s0;
	s17 =	sshrl.u32 s16, $0x1;
	s1 =	sadd.s32 s5, s1  }
0x40: {  	(v2sf) =	vpush v0, $0x5;
	[tilespmem:s3], [sflag:$0x1] =	stream.linear.gather [hbm4b:s1+s30], $0x400, $0x38;
	[tilespmem:$0x16A00] =	vst v63  }
0x41: {  	s2 =	sand.u32 $0xFFFE000, s17;
	s1 =	sand.u32 $0x1FF8, s16  }
0x42: {  	s1 =	sor.u32 s1, s2  }
0x43: {  	s1 =	sshll.u32 s1, $0x4  }
0x44: {  	s18 =	sor.u32 $0x1200, s0;
	s1 =	sadd.s32 s5, s1  }
0x45: {  	[tilespmem:s18], [sflag:$0x1] =	stream.linear.gather [hbm4b:s1+s30], $0x400, $0x38;
	[tilespmem:$0x16A00] =	vst v63  }
0x46: {  	s19 =	spop (v2sf)  }
0x47: {  	s31 =	sshrl.u32 s19, $0x1  }
0x48: {  	(v2sf) =	vpush v0, $0x6;
	s1 =	sand.u32 $0x1FF8, s19;
	s2 =	sand.u32 $0xFFFE000, s31  }
0x49: {  	s1 =	sor.u32 s1, s2  }
0x4a: {  	s16 =	spop (v2sf);
	s1 =	sshll.u32 s1, $0x4  }
0x4b: {  	s3 =	sor.u32 $0x1600, s0;
	s17 =	sshrl.u32 s16, $0x1;
	s1 =	sadd.s32 s5, s1  }
0x4c: {  	(v2sf) =	vpush v0, $0x7;
	[tilespmem:s3], [sflag:$0x1] =	stream.linear.gather [hbm4b:s1+s30], $0x400, $0x38;
	[tilespmem:$0x16A00] =	vst v63  }
0x4d: {  	s2 =	sand.u32 $0xFFFE000, s17;
	s1 =	sand.u32 $0x1FF8, s16  }
0x4e: {  	s1 =	sor.u32 s1, s2  }
0x4f: {  	s19 =	spop (v2sf);
	s1 =	sshll.u32 s1, $0x4  }
0x50: {  	s18 =	sor.u32 $0x1A00, s0;
	s31 =	sshrl.u32 s19, $0x1;
	s1 =	sadd.s32 s5, s1  }
0x51: {  	(v2sf) =	vpush v0, $0x8;
	[tilespmem:s18], [sflag:$0x1] =	stream.linear.gather [hbm4b:s1+s30], $0x400, $0x38;
	[tilespmem:$0x16A00] =	vst v63  }
0x52: {  	s2 =	sand.u32 $0xFFFE000, s31;
	s1 =	sand.u32 $0x1FF8, s19  }
0x53: {  	s1 =	sor.u32 s1, s2  }
0x54: {  	s1 =	sshll.u32 s1, $0x4  }
0x55: {  	s3 =	sor.u32 $0x1E00, s0;
	s1 =	sadd.s32 s5, s1  }
0x56: {  	[tilespmem:s3], [sflag:$0x1] =	stream.linear.gather [hbm4b:s1+s30], $0x400, $0x38;
	[tilespmem:$0x16A00] =	vst v63  }
0x57: {  	s16 =	spop (v2sf)  }
0x58: {  	s17 =	sshrl.u32 s16, $0x1  }
0x59: {  	(v2sf) =	vpush v0, $0x9;
	s1 =	sand.u32 $0x1FF8, s16;
	s2 =	sand.u32 $0xFFFE000, s17  }
0x5a: {  	s1 =	sor.u32 s1, s2  }
0x5b: {  	s19 =	spop (v2sf);
	s1 =	sshll.u32 s1, $0x4  }
0x5c: {  	s18 =	sor.u32 $0x2200, s0;
	s31 =	sshrl.u32 s19, $0x1;
	s1 =	sadd.s32 s5, s1  }
0x5d: {  	(v2sf) =	vpush v0, $0xA;
	[tilespmem:s18], [sflag:$0x1] =	stream.linear.gather [hbm4b:s1+s30], $0x400, $0x38;
	[tilespmem:$0x16A00] =	vst v63  }
0x5e: {  	s2 =	sand.u32 $0xFFFE000, s31;
	s1 =	sand.u32 $0x1FF8, s19  }
0x5f: {  	s1 =	sor.u32 s1, s2  }
0x60: {  	s16 =	spop (v2sf);
	s1 =	sshll.u32 s1, $0x4  }
0x61: {  	s3 =	sor.u32 $0x2600, s0;
	s17 =	sshrl.u32 s16, $0x1;
	s1 =	sadd.s32 s5, s1  }
0x62: {  	(v2sf) =	vpush v0, $0xB;
	[tilespmem:s3], [sflag:$0x1] =	stream.linear.gather [hbm4b:s1+s30], $0x400, $0x38;
	[tilespmem:$0x16A00] =	vst v63  }
0x63: {  	s2 =	sand.u32 $0xFFFE000, s17;
	s1 =	sand.u32 $0x1FF8, s16  }
0x64: {  	s1 =	sor.u32 s1, s2  }
0x65: {  	s1 =	sshll.u32 s1, $0x4  }
0x66: {  	s18 =	sor.u32 $0x2A00, s0;
	s1 =	sadd.s32 s5, s1  }
0x67: {  	[tilespmem:s18], [sflag:$0x1] =	stream.linear.gather [hbm4b:s1+s30], $0x400, $0x38;
	[tilespmem:$0x16A00] =	vst v63  }
0x68: {  	s19 =	spop (v2sf)  }
0x69: {  	s31 =	sshrl.u32 s19, $0x1  }
0x6a: {  	(v2sf) =	vpush v0, $0xC;
	s1 =	sand.u32 $0x1FF8, s19;
	s2 =	sand.u32 $0xFFFE000, s31  }
0x6b: {  	s1 =	sor.u32 s1, s2  }
0x6c: {  	s16 =	spop (v2sf);
	s1 =	sshll.u32 s1, $0x4  }
0x6d: {  	s3 =	sor.u32 $0x2E00, s0;
	s17 =	sshrl.u32 s16, $0x1;
	s1 =	sadd.s32 s5, s1  }
0x6e: {  	(v2sf) =	vpush v0, $0xD;
	[tilespmem:s3], [sflag:$0x1] =	stream.linear.gather [hbm4b:s1+s30], $0x400, $0x38;
	[tilespmem:$0x16A00] =	vst v63  }
0x6f: {  	s2 =	sand.u32 $0xFFFE000, s17;
	s1 =	sand.u32 $0x1FF8, s16  }
0x70: {  	s1 =	sor.u32 s1, s2  }
0x71: {  	s19 =	spop (v2sf);
	s1 =	sshll.u32 s1, $0x4  }
0x72: {  	s18 =	sor.u32 $0x3200, s0;
	s31 =	sshrl.u32 s19, $0x1;
	s1 =	sadd.s32 s5, s1  }
0x73: {  	(v2sf) =	vpush v0, $0xE;
	[tilespmem:s18], [sflag:$0x1] =	stream.linear.gather [hbm4b:s1+s30], $0x400, $0x38;
	[tilespmem:$0x16A00] =	vst v63  }
0x74: {  	s2 =	sand.u32 $0xFFFE000, s31;
	s1 =	sand.u32 $0x1FF8, s19  }
0x75: {  	s1 =	sor.u32 s1, s2  }
0x76: {  	s1 =	sshll.u32 s1, $0x4  }
0x77: {  	s3 =	sor.u32 $0x3600, s0;
	s1 =	sadd.s32 s5, s1  }
0x78: {  	[tilespmem:s3], [sflag:$0x1] =	stream.linear.gather [hbm4b:s1+s30], $0x400, $0x38;
	[tilespmem:$0x16A00] =	vst v63  }
0x79: {  	s16 =	spop (v2sf)  }
0x7a: {  	s17 =	sshrl.u32 s16, $0x1  }
0x7b: {  	(v2sf) =	vpush v0, $0xF;
	s1 =	sand.u32 $0x1FF8, s16;
	s2 =	sand.u32 $0xFFFE000, s17  }
0x7c: {  	s1 =	sor.u32 s1, s2  }
0x7d: {  	s18 =	spop (v2sf);
	s1 =	sshll.u32 s1, $0x4  }
0x7e: {  	s3 =	sor.u32 $0x3A00, s0;
	s19 =	sshrl.u32 s18, $0x1;
	s1 =	sadd.s32 s5, s1  }
0x7f: {  	[tilespmem:s3], [sflag:$0x1] =	stream.linear.gather [hbm4b:s1+s30], $0x400, $0x38;
	[tilespmem:$0x16A00] =	vst v63  }
0x80: {  	s2 =	sand.u32 $0x1FF8, s18;
	s1 =	sand.u32 $0xFFFE000, s19  }
0x81: {  	s1 =	sor.u32 s2, s1  }
0x82: {  	s31 =	spop (v2sf);
	s1 =	sshll.u32 s1, $0x4  }
0x83: {  	s16 =	sor.u32 $0x3E00, s0;
	s17 =	sshrl.u32 s31, $0x1;
	s1 =	sadd.s32 s5, s1  }
0x84: {  	[tilespmem:s16], [sflag:$0x1] =	stream.linear.gather [hbm4b:s1+s30], $0x400, $0x38;
	[tilespmem:$0x16A00] =	vst v63  }
0x85: {  	s2 =	sand.u32 $0x1FF8, s31;
	s1 =	sand.u32 $0xFFFE000, s17  }
0x86: {  	s1 =	sor.u32 s2, s1  }
0x87: {  	s1 =	sshll.u32 s1, $0x4  }
0x88: {  	s18 =	sadd.s32 $0x4200, s0;
	s1 =	sadd.s32 s5, s1  }
0x89: {  	[tilespmem:s18], [sflag:$0x1] =	stream.linear.gather [hbm4b:s1+s30], $0x400, $0x38;
	[tilespmem:$0x16A00] =	vst v63  }
0x8a: {  	s19 =	spop (v2sf)  }
0x8b: {  	s31 =	sshrl.u32 s19, $0x1  }
0x8c: {  	p1 =	por p0, p0;
	s1 =	sand.u32 $0x1FF8, s19;
	s2 =	sand.u32 $0xFFFE000, s31  }
.Ltmp0:
0x8d: {  	s1 =	sor.u32 s1, s2;
	(pc) =	sbr.rel @p1 .LBB2_2-.Ltmp0, $4  }
0x8e: {  	s1 =	sshll.u32 s1, $0x4  }
0x8f: {  	s0 =	sadd.s32 $0x4600, s0;
	s1 =	sadd.s32 s5, s1  }
0x90: {  	[tilespmem:s0], [sflag:$0x1] =	stream.linear.gather [hbm4b:s1+s30], $0x400, $0x38;
	[tilespmem:$0x16A00] =	vst v63  }
0x91: {  	p0 =	por $0x0, $0x0;
	s0 =	simm.s32 $0x1  }
.LBB2_3:
0x92: {  	p0 =	seq.s32 s30, $0xF  }
.Ltmp1:
0x93: {  	_ = 	snop;
	(pc) =	sbr.rel @p0 .LBB2_6-.Ltmp1, $2  }
0x94: {  	_ =	sdelay $0x2  }
0x95: {  	s31 =	sadd.s32 $0x1, s30  }
0x96: {  	s0 =	sshll.u32 s31, $0x5  }
0x97: {  	s2 =	sand.u32 $0x3FFFFFE0, s0  }
0x98: {  	s1 =	sshll.u32 s31, $0xF;
	v0 =	vmov s2  }
0x99: {  	s19 =	sand.u32 $0x8000, s1  }
0x9a: {  	p0 =	por $0x1, $0x1;
	s1 =	simm.s32 $0x0;
	s0 =	sor.u32 $0xA00, s19  }
.LBB2_5:
0x9b: {  	s2 =	sshll.u32 s1, $0x4  }
0x9c: {  	s2 =	sand.u32 $0x3FFFFFF0, s2  }
0x9d: {  	v1 =	vld.idx.msk [tilespmem:v0+s2+$0x0 ss:$0x1], $0xffff;
	_ =	sdelay $0x4  }
0x9e: {  	(v2sf) =	vpush v1, $0x0;
	_ =	sdelay $0x3  }
0x9f: {  	(v2sf) =	vpush v1, $0x1;
	_ =	sdelay $0x4  }
0xa0: {  	(v2sf) =	vpush v1, $0x2;
	_ =	sdelay $0x5  }
0xa1: {  	s18 =	spop (v2sf)  }
0xa2: {  	s3 =	sshrl.u32 s18, $0x1  }
0xa3: {  	(v2sf) =	vpush v1, $0x3;
	s2 =	sand.u32 $0x1FF8, s18;
	s3 =	sand.u32 $0xFFFE000, s3  }
0xa4: {  	s19 =	sshll.u32 s1, $0xE;
	s2 =	sor.u32 s2, s3  }
0xa5: {  	s1 =	sand.u32 $0x3FFFC000, s19;
	s16 =	spop (v2sf);
	s2 =	sshll.u32 s2, $0x4  }
0xa6: {  	s1 =	sadd.s32 s1, s0;
	s17 =	sshrl.u32 s16, $0x1;
	s2 =	sadd.s32 s5, s2  }
0xa7: {  	(v2sf) =	vpush v1, $0x4;
	[tilespmem:s1], [sflag:$0x1] =	stream.linear.gather [hbm4b:s2+s4], $0x400, $0x38;
	[tilespmem:$0x16A00] =	vst v63  }
0xa8: {  	s3 =	sand.u32 $0xFFFE000, s17;
	s2 =	sand.u32 $0x1FF8, s16  }
0xa9: {  	s2 =	sor.u32 s2, s3  }
0xaa: {  	s19 =	spop (v2sf);
	s2 =	sshll.u32 s2, $0x4  }
0xab: {  	s18 =	sadd.s32 $0x400, s1;
	s16 =	sshrl.u32 s19, $0x1;
	s2 =	sadd.s32 s5, s2  }
0xac: {  	(v2sf) =	vpush v1, $0x5;
	[tilespmem:s18], [sflag:$0x1] =	stream.linear.gather [hbm4b:s2+s4], $0x400, $0x38;
	[tilespmem:$0x16A00] =	vst v63  }
0xad: {  	s3 =	sand.u32 $0xFFFE000, s16;
	s2 =	sand.u32 $0x1FF8, s19  }
0xae: {  	s2 =	sor.u32 s2, s3  }
0xaf: {  	s2 =	sshll.u32 s2, $0x4  }
0xb0: {  	s17 =	sadd.s32 $0x800, s1;
	s2 =	sadd.s32 s5, s2  }
0xb1: {  	[tilespmem:s17], [sflag:$0x1] =	stream.linear.gather [hbm4b:s2+s4], $0x400, $0x38;
	[tilespmem:$0x16A00] =	vst v63  }
0xb2: {  	s18 =	spop (v2sf)  }
0xb3: {  	s19 =	sshrl.u32 s18, $0x1  }
0xb4: {  	(v2sf) =	vpush v1, $0x6;
	s2 =	sand.u32 $0x1FF8, s18;
	s3 =	sand.u32 $0xFFFE000, s19  }
0xb5: {  	s2 =	sor.u32 s2, s3  }
0xb6: {  	s17 =	spop (v2sf);
	s2 =	sshll.u32 s2, $0x4  }
0xb7: {  	s16 =	sadd.s32 $0xC00, s1;
	s18 =	sshrl.u32 s17, $0x1;
	s2 =	sadd.s32 s5, s2  }
0xb8: {  	(v2sf) =	vpush v1, $0x7;
	[tilespmem:s16], [sflag:$0x1] =	stream.linear.gather [hbm4b:s2+s4], $0x400, $0x38;
	[tilespmem:$0x16A00] =	vst v63  }
0xb9: {  	s3 =	sand.u32 $0xFFFE000, s18;
	s2 =	sand.u32 $0x1FF8, s17  }
0xba: {  	s2 =	sor.u32 s2, s3  }
0xbb: {  	s16 =	spop (v2sf);
	s2 =	sshll.u32 s2, $0x4  }
0xbc: {  	s19 =	sadd.s32 $0x1000, s1;
	s17 =	sshrl.u32 s16, $0x1;
	s2 =	sadd.s32 s5, s2  }
0xbd: {  	(v2sf) =	vpush v1, $0x8;
	[tilespmem:s19], [sflag:$0x1] =	stream.linear.gather [hbm4b:s2+s4], $0x400, $0x38;
	[tilespmem:$0x16A00] =	vst v63  }
0xbe: {  	s3 =	sand.u32 $0xFFFE000, s17;
	s2 =	sand.u32 $0x1FF8, s16  }
0xbf: {  	s2 =	sor.u32 s2, s3  }
0xc0: {  	s2 =	sshll.u32 s2, $0x4  }
0xc1: {  	s18 =	sadd.s32 $0x1400, s1;
	s2 =	sadd.s32 s5, s2  }
0xc2: {  	[tilespmem:s18], [sflag:$0x1] =	stream.linear.gather [hbm4b:s2+s4], $0x400, $0x38;
	[tilespmem:$0x16A00] =	vst v63  }
0xc3: {  	s19 =	spop (v2sf)  }
0xc4: {  	s16 =	sshrl.u32 s19, $0x1  }
0xc5: {  	(v2sf) =	vpush v1, $0x9;
	s2 =	sand.u32 $0x1FF8, s19;
	s3 =	sand.u32 $0xFFFE000, s16  }
0xc6: {  	s2 =	sor.u32 s2, s3  }
0xc7: {  	s18 =	spop (v2sf);
	s2 =	sshll.u32 s2, $0x4  }
0xc8: {  	s17 =	sadd.s32 $0x1800, s1;
	s19 =	sshrl.u32 s18, $0x1;
	s2 =	sadd.s32 s5, s2  }
0xc9: {  	(v2sf) =	vpush v1, $0xA;
	[tilespmem:s17], [sflag:$0x1] =	stream.linear.gather [hbm4b:s2+s4], $0x400, $0x38;
	[tilespmem:$0x16A00] =	vst v63  }
0xca: {  	s3 =	sand.u32 $0xFFFE000, s19;
	s2 =	sand.u32 $0x1FF8, s18  }
0xcb: {  	s2 =	sor.u32 s2, s3  }
0xcc: {  	s17 =	spop (v2sf);
	s2 =	sshll.u32 s2, $0x4  }
0xcd: {  	s16 =	sadd.s32 $0x1C00, s1;
	s18 =	sshrl.u32 s17, $0x1;
	s2 =	sadd.s32 s5, s2  }
0xce: {  	(v2sf) =	vpush v1, $0xB;
	[tilespmem:s16], [sflag:$0x1] =	stream.linear.gather [hbm4b:s2+s4], $0x400, $0x38;
	[tilespmem:$0x16A00] =	vst v63  }
0xcf: {  	s3 =	sand.u32 $0xFFFE000, s18;
	s2 =	sand.u32 $0x1FF8, s17  }
0xd0: {  	s2 =	sor.u32 s2, s3  }
0xd1: {  	s2 =	sshll.u32 s2, $0x4  }
0xd2: {  	s19 =	sadd.s32 $0x2000, s1;
	s2 =	sadd.s32 s5, s2  }
0xd3: {  	[tilespmem:s19], [sflag:$0x1] =	stream.linear.gather [hbm4b:s2+s4], $0x400, $0x38;
	[tilespmem:$0x16A00] =	vst v63  }
0xd4: {  	s16 =	spop (v2sf)  }
0xd5: {  	s17 =	sshrl.u32 s16, $0x1  }
0xd6: {  	(v2sf) =	vpush v1, $0xC;
	s2 =	sand.u32 $0x1FF8, s16;
	s3 =	sand.u32 $0xFFFE000, s17  }
0xd7: {  	s2 =	sor.u32 s2, s3  }
0xd8: {  	s19 =	spop (v2sf);
	s2 =	sshll.u32 s2, $0x4  }
0xd9: {  	s18 =	sadd.s32 $0x2400, s1;
	s16 =	sshrl.u32 s19, $0x1;
	s2 =	sadd.s32 s5, s2  }
0xda: {  	(v2sf) =	vpush v1, $0xD;
	[tilespmem:s18], [sflag:$0x1] =	stream.linear.gather [hbm4b:s2+s4], $0x400, $0x38;
	[tilespmem:$0x16A00] =	vst v63  }
0xdb: {  	s3 =	sand.u32 $0xFFFE000, s16;
	s2 =	sand.u32 $0x1FF8, s19  }
0xdc: {  	s2 =	sor.u32 s2, s3  }
0xdd: {  	s18 =	spop (v2sf);
	s2 =	sshll.u32 s2, $0x4  }
0xde: {  	s17 =	sadd.s32 $0x2800, s1;
	s19 =	sshrl.u32 s18, $0x1;
	s2 =	sadd.s32 s5, s2  }
0xdf: {  	(v2sf) =	vpush v1, $0xE;
	[tilespmem:s17], [sflag:$0x1] =	stream.linear.gather [hbm4b:s2+s4], $0x400, $0x38;
	[tilespmem:$0x16A00] =	vst v63  }
0xe0: {  	s3 =	sand.u32 $0xFFFE000, s19;
	s2 =	sand.u32 $0x1FF8, s18  }
0xe1: {  	s2 =	sor.u32 s2, s3  }
0xe2: {  	s2 =	sshll.u32 s2, $0x4  }
0xe3: {  	s16 =	sadd.s32 $0x2C00, s1;
	s2 =	sadd.s32 s5, s2  }
0xe4: {  	[tilespmem:s16], [sflag:$0x1] =	stream.linear.gather [hbm4b:s2+s4], $0x400, $0x38;
	[tilespmem:$0x16A00] =	vst v63  }
0xe5: {  	s17 =	spop (v2sf)  }
0xe6: {  	s18 =	sshrl.u32 s17, $0x1  }
0xe7: {  	(v2sf) =	vpush v1, $0xF;
	s2 =	sand.u32 $0x1FF8, s17;
	s3 =	sand.u32 $0xFFFE000, s18  }
0xe8: {  	s2 =	sor.u32 s2, s3  }
0xe9: {  	s19 =	spop (v2sf);
	s2 =	sshll.u32 s2, $0x4  }
0xea: {  	s16 =	sadd.s32 $0x3000, s1;
	s17 =	sshrl.u32 s19, $0x1;
	s2 =	sadd.s32 s5, s2  }
0xeb: {  	[tilespmem:s16], [sflag:$0x1] =	stream.linear.gather [hbm4b:s2+s4], $0x400, $0x38;
	[tilespmem:$0x16A00] =	vst v63  }
0xec: {  	s3 =	sand.u32 $0x1FF8, s19;
	s2 =	sand.u32 $0xFFFE000, s17  }
0xed: {  	s2 =	sor.u32 s3, s2  }
0xee: {  	s18 =	spop (v2sf);
	s2 =	sshll.u32 s2, $0x4  }
0xef: {  	s19 =	sadd.s32 $0x3400, s1;
	s16 =	sshrl.u32 s18, $0x1;
	s2 =	sadd.s32 s5, s2  }
0xf0: {  	[tilespmem:s19], [sflag:$0x1] =	stream.linear.gather [hbm4b:s2+s4], $0x400, $0x38;
	[tilespmem:$0x16A00] =	vst v63  }
0xf1: {  	s3 =	sand.u32 $0x1FF8, s18;
	s2 =	sand.u32 $0xFFFE000, s16  }
0xf2: {  	s2 =	sor.u32 s3, s2  }
0xf3: {  	s2 =	sshll.u32 s2, $0x4  }
0xf4: {  	s17 =	sadd.s32 $0x3800, s1;
	s2 =	sadd.s32 s5, s2  }
0xf5: {  	[tilespmem:s17], [sflag:$0x1] =	stream.linear.gather [hbm4b:s2+s4], $0x400, $0x38;
	[tilespmem:$0x16A00] =	vst v63  }
0xf6: {  	s18 =	spop (v2sf)  }
0xf7: {  	s19 =	sshrl.u32 s18, $0x1  }
0xf8: {  	p1 =	por p0, p0;
	s2 =	sand.u32 $0x1FF8, s18;
	s3 =	sand.u32 $0xFFFE000, s19  }
.Ltmp2:
0xf9: {  	s2 =	sor.u32 s2, s3;
	(pc) =	sbr.rel @p1 .LBB2_5-.Ltmp2, $4  }
0xfa: {  	s2 =	sshll.u32 s2, $0x4  }
0xfb: {  	s1 =	sadd.s32 $0x3C00, s1;
	s2 =	sadd.s32 s5, s2  }
0xfc: {  	[tilespmem:s1], [sflag:$0x1] =	stream.linear.gather [hbm4b:s2+s4], $0x400, $0x38;
	[tilespmem:$0x16A00] =	vst v63  }
0xfd: {  	p0 =	por $0x0, $0x0;
	s1 =	simm.s32 $0x1  }
.LBB2_6:
0xfe: {  	_ =	swait.ge [sflag:s22], $0x400  }
0xff: {  	[sflag:s22] =	ssyncset.done $0x0  }
0x100: {  	[sflag:s22] =	ssyncadd.s32 $0xFFFFFC00  }
0x101: {  	_ =	swait.ge [sflag:s22], $0x400  }
0x102: {  	[sflag:s22] =	ssyncset.done $0x0  }
0x103: {  	[sflag:s22] =	ssyncadd.s32 $0xFFFFFC00  }
0x104: {  	_ =	swait.ge [sflag:s22], $0x400  }
0x105: {  	[sflag:s22] =	ssyncset.done $0x0  }
0x106: {  	[sflag:s22] =	ssyncadd.s32 $0xFFFFFC00  }
0x107: {  	_ =	swait.ge [sflag:s22], $0x400  }
0x108: {  	[sflag:s22] =	ssyncset.done $0x0  }
0x109: {  	[sflag:s22] =	ssyncadd.s32 $0xFFFFFC00  }
0x10a: {  	_ =	swait.ge [sflag:s22], $0x400  }
0x10b: {  	[sflag:s22] =	ssyncset.done $0x0  }
0x10c: {  	[sflag:s22] =	ssyncadd.s32 $0xFFFFFC00  }
0x10d: {  	_ =	swait.ge [sflag:s22], $0x400  }
0x10e: {  	[sflag:s22] =	ssyncset.done $0x0  }
0x10f: {  	[sflag:s22] =	ssyncadd.s32 $0xFFFFFC00  }
0x110: {  	_ =	swait.ge [sflag:s22], $0x400  }
0x111: {  	[sflag:s22] =	ssyncset.done $0x0  }
0x112: {  	[sflag:s22] =	ssyncadd.s32 $0xFFFFFC00  }
0x113: {  	_ =	swait.ge [sflag:s22], $0x400  }
0x114: {  	[sflag:s22] =	ssyncset.done $0x0  }
0x115: {  	[sflag:s22] =	ssyncadd.s32 $0xFFFFFC00  }
0x116: {  	_ =	swait.ge [sflag:s22], $0x400  }
0x117: {  	[sflag:s22] =	ssyncset.done $0x0  }
0x118: {  	[sflag:s22] =	ssyncadd.s32 $0xFFFFFC00  }
0x119: {  	_ =	swait.ge [sflag:s22], $0x400  }
0x11a: {  	[sflag:s22] =	ssyncset.done $0x0  }
0x11b: {  	[sflag:s22] =	ssyncadd.s32 $0xFFFFFC00  }
0x11c: {  	_ =	swait.ge [sflag:s22], $0x400  }
0x11d: {  	[sflag:s22] =	ssyncset.done $0x0  }
0x11e: {  	[sflag:s22] =	ssyncadd.s32 $0xFFFFFC00  }
0x11f: {  	_ =	swait.ge [sflag:s22], $0x400  }
0x120: {  	[sflag:s22] =	ssyncset.done $0x0  }
0x121: {  	[sflag:s22] =	ssyncadd.s32 $0xFFFFFC00  }
0x122: {  	_ =	swait.ge [sflag:s22], $0x400  }
0x123: {  	[sflag:s22] =	ssyncset.done $0x0  }
0x124: {  	[sflag:s22] =	ssyncadd.s32 $0xFFFFFC00  }
0x125: {  	_ =	swait.ge [sflag:s22], $0x400  }
0x126: {  	[sflag:s22] =	ssyncset.done $0x0  }
0x127: {  	[sflag:s22] =	ssyncadd.s32 $0xFFFFFC00  }
0x128: {  	_ =	swait.ge [sflag:s22], $0x400  }
0x129: {  	[sflag:s22] =	ssyncset.done $0x0  }
0x12a: {  	[sflag:s22] =	ssyncadd.s32 $0xFFFFFC00  }
0x12b: {  	_ =	swait.ge [sflag:s22], $0x400  }
0x12c: {  	[sflag:s22] =	ssyncset.done $0x0  }
0x12d: {  	[sflag:s22] =	ssyncadd.s32 $0xFFFFFC00  }
0x12e: {  	_ =	swait.ge [sflag:s22], $0x400  }
0x12f: {  	[sflag:s22] =	ssyncset.done $0x0  }
0x130: {  	[sflag:s22] =	ssyncadd.s32 $0xFFFFFC00  }
0x131: {  	_ =	swait.ge [sflag:s22], $0x400  }
0x132: {  	[sflag:s22] =	ssyncset.done $0x0  }
0x133: {  	[sflag:s22] =	ssyncadd.s32 $0xFFFFFC00  }
0x134: {  	_ =	swait.ge [sflag:s22], $0x400  }
0x135: {  	[sflag:s22] =	ssyncset.done $0x0  }
0x136: {  	[sflag:s22] =	ssyncadd.s32 $0xFFFFFC00  }
0x137: {  	_ =	swait.ge [sflag:s22], $0x400  }
0x138: {  	[sflag:s22] =	ssyncset.done $0x0  }
0x139: {  	[sflag:s22] =	ssyncadd.s32 $0xFFFFFC00  }
0x13a: {  	_ =	swait.ge [sflag:s22], $0x400  }
0x13b: {  	[sflag:s22] =	ssyncset.done $0x0  }
0x13c: {  	[sflag:s22] =	ssyncadd.s32 $0xFFFFFC00  }
0x13d: {  	_ =	swait.ge [sflag:s22], $0x400  }
0x13e: {  	[sflag:s22] =	ssyncset.done $0x0  }
0x13f: {  	[sflag:s22] =	ssyncadd.s32 $0xFFFFFC00  }
0x140: {  	_ =	swait.ge [sflag:s22], $0x400  }
0x141: {  	[sflag:s22] =	ssyncset.done $0x0  }
0x142: {  	[sflag:s22] =	ssyncadd.s32 $0xFFFFFC00  }
0x143: {  	_ =	swait.ge [sflag:s22], $0x400  }
0x144: {  	[sflag:s22] =	ssyncset.done $0x0  }
0x145: {  	[sflag:s22] =	ssyncadd.s32 $0xFFFFFC00  }
0x146: {  	_ =	swait.ge [sflag:s22], $0x400  }
0x147: {  	[sflag:s22] =	ssyncset.done $0x0  }
0x148: {  	[sflag:s22] =	ssyncadd.s32 $0xFFFFFC00  }
0x149: {  	_ =	swait.ge [sflag:s22], $0x400  }
0x14a: {  	[sflag:s22] =	ssyncset.done $0x0  }
0x14b: {  	[sflag:s22] =	ssyncadd.s32 $0xFFFFFC00  }
0x14c: {  	_ =	swait.ge [sflag:s22], $0x400  }
0x14d: {  	[sflag:s22] =	ssyncset.done $0x0  }
0x14e: {  	[sflag:s22] =	ssyncadd.s32 $0xFFFFFC00  }
0x14f: {  	_ =	swait.ge [sflag:s22], $0x400  }
0x150: {  	[sflag:s22] =	ssyncset.done $0x0  }
0x151: {  	[sflag:s22] =	ssyncadd.s32 $0xFFFFFC00  }
0x152: {  	_ =	swait.ge [sflag:s22], $0x400  }
0x153: {  	[sflag:s22] =	ssyncset.done $0x0  }
0x154: {  	[sflag:s22] =	ssyncadd.s32 $0xFFFFFC00  }
0x155: {  	_ =	swait.ge [sflag:s22], $0x400  }
0x156: {  	[sflag:s22] =	ssyncset.done $0x0  }
0x157: {  	[sflag:s22] =	ssyncadd.s32 $0xFFFFFC00  }
0x158: {  	s0 =	sshll.u32 s30, $0x5;
	_ =	swait.ge [sflag:s22], $0x400  }
0x159: {  	s1 =	sand.u32 $0x3FFFFFE0, s0;
	[sflag:s22] =	ssyncset.done $0x0  }
0x15a: {  	v0 =	vmov s1;
	[sflag:s22] =	ssyncadd.s32 $0xFFFFFC00  }
0x15b: {  	_ =	swait.ge [sflag:s22], $0x400  }
0x15c: {  	s19 =	sshll.u32 s30, $0xF;
	p0 =	por $0x1, $0x1;
	[sflag:s22] =	ssyncset.done $0x0  }
0x15d: {  	s2 =	sand.u32 $0x8000, s19;
	s0 =	simm.s32 $0x0;
	[sflag:s22] =	ssyncadd.s32 $0xFFFFFC00  }
.LBB2_7:
0x15e: {  	s1 =	sshll.u32 s0, $0x4  }
0x15f: {  	v1 =	vld.idx.msk [tilespmem:v0+s1+$0x0 ss:$0x1], $0xffff;
	_ =	sdelay $0x4  }
0x160: {  	(v2sf) =	vpush v1, $0x0;
	_ =	sdelay $0xe  }
0x161: {  	s3 =	spop (v2sf)  }
0x162: {  	s17 =	sshll.u32 s0, $0xE;
	s16 =	sshll.u32 s3, $0x7  }
0x163: {  	s17 =	sand.u32 $0x3FFFC000, s17;
	s16 =	sand.u32 $0x380, s16  }
0x164: {  	s3 =	sshrl.u32 s3, $0x7;
	s16 =	sor.u32 s16, s17  }
0x165: {  	s3 =	sand.u32 $0x40, s3;
	s16 =	sadd.s32 s2, s16  }
0x166: {  	s3 =	sadd.s32 s3, s16  }
0x167: {  	v2 =	vld [tilespmem:s3+$0xA00];
	_ =	sdelay $0x2  }
0x168: {  	s19 =	sshll.u32 s0, $0xB;
	(v2sf) =	vpush v1, $0x1  }
0x169: {  	s16 =	sand.u32 $0x3FFFF800, s19  }
0x16a: {  	[tilespmem:s16+$0x10A00] =	vst v2  }
0x16b: {  	v2 =	vld [tilespmem:s3+$0xA10];
	_ =	sdelay $0x4  }
0x16c: {  	[tilespmem:s16+$0x10A10] =	vst v2  }
0x16d: {  	v2 =	vld [tilespmem:s3+$0xA20];
	_ =	sdelay $0x4  }
0x16e: {  	[tilespmem:s16+$0x10A20] =	vst v2  }
0x16f: {  	s17 =	sor.u32 $0x1, s1;
	v2 =	vld [tilespmem:s3+$0xA30];
	s3 =	spop (v2sf)  }
0x170: {  	s19 =	sshll.u32 s17, $0xA;
	s18 =	sshll.u32 s3, $0x7  }
0x171: {  	s19 =	sand.u32 $0x3FFFC400, s19;
	s18 =	sand.u32 $0x380, s18  }
0x172: {  	s3 =	sshrl.u32 s3, $0x7;
	s18 =	sor.u32 s18, s19  }
0x173: {  	s3 =	sand.u32 $0x40, s3;
	s18 =	sadd.s32 s2, s18  }
0x174: {  	[tilespmem:s16+$0x10A30] =	vst v2;
	s3 =	sadd.s32 s3, s18  }
0x175: {  	v2 =	vld [tilespmem:s3+$0xA00];
	_ =	sdelay $0x2  }
0x176: {  	s17 =	sshll.u32 s17, $0x7;
	(v2sf) =	vpush v1, $0x2  }
0x177: {  	s16 =	sand.u32 $0x3FFFF880, s17  }
0x178: {  	[tilespmem:s16+$0x10A00] =	vst v2  }
0x179: {  	v2 =	vld [tilespmem:s3+$0xA10];
	_ =	sdelay $0x4  }
0x17a: {  	[tilespmem:s16+$0x10A10] =	vst v2  }
0x17b: {  	v2 =	vld [tilespmem:s3+$0xA20];
	_ =	sdelay $0x4  }
0x17c: {  	[tilespmem:s16+$0x10A20] =	vst v2  }
0x17d: {  	s17 =	sor.u32 $0x2, s1;
	v2 =	vld [tilespmem:s3+$0xA30];
	s3 =	spop (v2sf)  }
0x17e: {  	s19 =	sshll.u32 s17, $0xA;
	s18 =	sshll.u32 s3, $0x7  }
0x17f: {  	s19 =	sand.u32 $0x3FFFC800, s19;
	s18 =	sand.u32 $0x380, s18  }
0x180: {  	s3 =	sshrl.u32 s3, $0x7;
	s18 =	sor.u32 s18, s19  }
0x181: {  	s3 =	sand.u32 $0x40, s3;
	s18 =	sadd.s32 s2, s18  }
0x182: {  	[tilespmem:s16+$0x10A30] =	vst v2;
	s3 =	sadd.s32 s3, s18  }
0x183: {  	v2 =	vld [tilespmem:s3+$0xA00];
	_ =	sdelay $0x2  }
0x184: {  	(v2sf) =	vpush v1, $0x3;
	s18 =	sshll.u32 s17, $0x7  }
0x185: {  	s16 =	sand.u32 $0x3FFFF900, s18  }
0x186: {  	[tilespmem:s16+$0x10A00] =	vst v2  }
0x187: {  	v2 =	vld [tilespmem:s3+$0xA10];
	_ =	sdelay $0x4  }
0x188: {  	[tilespmem:s16+$0x10A10] =	vst v2  }
0x189: {  	v2 =	vld [tilespmem:s3+$0xA20];
	_ =	sdelay $0x4  }
0x18a: {  	[tilespmem:s16+$0x10A20] =	vst v2  }
0x18b: {  	s17 =	sor.u32 $0x3, s1;
	v2 =	vld [tilespmem:s3+$0xA30];
	s3 =	spop (v2sf)  }
0x18c: {  	s19 =	sshll.u32 s17, $0xA;
	s18 =	sshll.u32 s3, $0x7  }
0x18d: {  	s19 =	sand.u32 $0x3FFFCC00, s19;
	s18 =	sand.u32 $0x380, s18  }
0x18e: {  	s3 =	sshrl.u32 s3, $0x7;
	s18 =	sor.u32 s18, s19  }
0x18f: {  	s3 =	sand.u32 $0x40, s3;
	s18 =	sadd.s32 s2, s18  }
0x190: {  	[tilespmem:s16+$0x10A30] =	vst v2;
	s3 =	sadd.s32 s3, s18  }
0x191: {  	v2 =	vld [tilespmem:s3+$0xA00];
	_ =	sdelay $0x2  }
0x192: {  	(v2sf) =	vpush v1, $0x4;
	s19 =	sshll.u32 s17, $0x7  }
0x193: {  	s16 =	sand.u32 $0x3FFFF980, s19  }
0x194: {  	[tilespmem:s16+$0x10A00] =	vst v2  }
0x195: {  	v2 =	vld [tilespmem:s3+$0xA10];
	_ =	sdelay $0x4  }
0x196: {  	[tilespmem:s16+$0x10A10] =	vst v2  }
0x197: {  	v2 =	vld [tilespmem:s3+$0xA20];
	_ =	sdelay $0x4  }
0x198: {  	[tilespmem:s16+$0x10A20] =	vst v2  }
0x199: {  	s17 =	sor.u32 $0x4, s1;
	v2 =	vld [tilespmem:s3+$0xA30];
	s3 =	spop (v2sf)  }
0x19a: {  	s19 =	sshll.u32 s17, $0xA;
	s18 =	sshll.u32 s3, $0x7  }
0x19b: {  	s19 =	sand.u32 $0x3FFFD000, s19;
	s18 =	sand.u32 $0x380, s18  }
0x19c: {  	s3 =	sshrl.u32 s3, $0x7;
	s18 =	sor.u32 s18, s19  }
0x19d: {  	s3 =	sand.u32 $0x40, s3;
	s18 =	sadd.s32 s2, s18  }
0x19e: {  	[tilespmem:s16+$0x10A30] =	vst v2;
	s3 =	sadd.s32 s3, s18  }
0x19f: {  	v2 =	vld [tilespmem:s3+$0xA00];
	_ =	sdelay $0x2  }
0x1a0: {  	s17 =	sshll.u32 s17, $0x7;
	(v2sf) =	vpush v1, $0x5  }
0x1a1: {  	s16 =	sand.u32 $0x3FFFFA00, s17  }
0x1a2: {  	[tilespmem:s16+$0x10A00] =	vst v2  }
0x1a3: {  	v2 =	vld [tilespmem:s3+$0xA10];
	_ =	sdelay $0x4  }
0x1a4: {  	[tilespmem:s16+$0x10A10] =	vst v2  }
0x1a5: {  	v2 =	vld [tilespmem:s3+$0xA20];
	_ =	sdelay $0x4  }
0x1a6: {  	[tilespmem:s16+$0x10A20] =	vst v2  }
0x1a7: {  	s17 =	sor.u32 $0x5, s1;
	v2 =	vld [tilespmem:s3+$0xA30];
	s3 =	spop (v2sf)  }
0x1a8: {  	s19 =	sshll.u32 s17, $0xA;
	s18 =	sshll.u32 s3, $0x7  }
0x1a9: {  	s19 =	sand.u32 $0x3FFFD400, s19;
	s18 =	sand.u32 $0x380, s18  }
0x1aa: {  	s3 =	sshrl.u32 s3, $0x7;
	s18 =	sor.u32 s18, s19  }
0x1ab: {  	s3 =	sand.u32 $0x40, s3;
	s18 =	sadd.s32 s2, s18  }
0x1ac: {  	[tilespmem:s16+$0x10A30] =	vst v2;
	s3 =	sadd.s32 s3, s18  }
0x1ad: {  	v2 =	vld [tilespmem:s3+$0xA00];
	_ =	sdelay $0x2  }
0x1ae: {  	(v2sf) =	vpush v1, $0x6;
	s18 =	sshll.u32 s17, $0x7  }
0x1af: {  	s16 =	sand.u32 $0x3FFFFA80, s18  }
0x1b0: {  	[tilespmem:s16+$0x10A00] =	vst v2  }
0x1b1: {  	v2 =	vld [tilespmem:s3+$0xA10];
	_ =	sdelay $0x4  }
0x1b2: {  	[tilespmem:s16+$0x10A10] =	vst v2  }
0x1b3: {  	v2 =	vld [tilespmem:s3+$0xA20];
	_ =	sdelay $0x4  }
0x1b4: {  	[tilespmem:s16+$0x10A20] =	vst v2  }
0x1b5: {  	s17 =	sor.u32 $0x6, s1;
	v2 =	vld [tilespmem:s3+$0xA30];
	s3 =	spop (v2sf)  }
0x1b6: {  	s19 =	sshll.u32 s17, $0xA;
	s18 =	sshll.u32 s3, $0x7  }
0x1b7: {  	s19 =	sand.u32 $0x3FFFD800, s19;
	s18 =	sand.u32 $0x380, s18  }
0x1b8: {  	s3 =	sshrl.u32 s3, $0x7;
	s18 =	sor.u32 s18, s19  }
0x1b9: {  	s3 =	sand.u32 $0x40, s3;
	s18 =	sadd.s32 s2, s18  }
0x1ba: {  	[tilespmem:s16+$0x10A30] =	vst v2;
	s3 =	sadd.s32 s3, s18  }
0x1bb: {  	v2 =	vld [tilespmem:s3+$0xA00];
	_ =	sdelay $0x2  }
0x1bc: {  	(v2sf) =	vpush v1, $0x7;
	s19 =	sshll.u32 s17, $0x7  }
0x1bd: {  	s16 =	sand.u32 $0x3FFFFB00, s19  }
0x1be: {  	[tilespmem:s16+$0x10A00] =	vst v2  }
0x1bf: {  	v2 =	vld [tilespmem:s3+$0xA10];
	_ =	sdelay $0x4  }
0x1c0: {  	[tilespmem:s16+$0x10A10] =	vst v2  }
0x1c1: {  	v2 =	vld [tilespmem:s3+$0xA20];
	_ =	sdelay $0x4  }
0x1c2: {  	[tilespmem:s16+$0x10A20] =	vst v2  }
0x1c3: {  	s17 =	sor.u32 $0x7, s1;
	v2 =	vld [tilespmem:s3+$0xA30];
	s3 =	spop (v2sf)  }
0x1c4: {  	s19 =	sshll.u32 s17, $0xA;
	s18 =	sshll.u32 s3, $0x7  }
0x1c5: {  	s19 =	sand.u32 $0x3FFFDC00, s19;
	s18 =	sand.u32 $0x380, s18  }
0x1c6: {  	s3 =	sshrl.u32 s3, $0x7;
	s18 =	sor.u32 s18, s19  }
0x1c7: {  	s3 =	sand.u32 $0x40, s3;
	s18 =	sadd.s32 s2, s18  }
0x1c8: {  	[tilespmem:s16+$0x10A30] =	vst v2;
	s3 =	sadd.s32 s3, s18  }
0x1c9: {  	v2 =	vld [tilespmem:s3+$0xA00];
	_ =	sdelay $0x2  }
0x1ca: {  	s17 =	sshll.u32 s17, $0x7;
	(v2sf) =	vpush v1, $0x8  }
0x1cb: {  	s16 =	sand.u32 $0x3FFFFB80, s17  }
0x1cc: {  	[tilespmem:s16+$0x10A00] =	vst v2  }
0x1cd: {  	v2 =	vld [tilespmem:s3+$0xA10];
	_ =	sdelay $0x4  }
0x1ce: {  	[tilespmem:s16+$0x10A10] =	vst v2  }
0x1cf: {  	v2 =	vld [tilespmem:s3+$0xA20];
	_ =	sdelay $0x4  }
0x1d0: {  	[tilespmem:s16+$0x10A20] =	vst v2  }
0x1d1: {  	s17 =	sor.u32 $0x8, s1;
	v2 =	vld [tilespmem:s3+$0xA30];
	s3 =	spop (v2sf)  }
0x1d2: {  	s19 =	sshll.u32 s17, $0xA;
	s18 =	sshll.u32 s3, $0x7  }
0x1d3: {  	s19 =	sand.u32 $0x3FFFE000, s19;
	s18 =	sand.u32 $0x380, s18  }
0x1d4: {  	s3 =	sshrl.u32 s3, $0x7;
	s18 =	sor.u32 s18, s19  }
0x1d5: {  	s3 =	sand.u32 $0x40, s3;
	s18 =	sadd.s32 s2, s18  }
0x1d6: {  	[tilespmem:s16+$0x10A30] =	vst v2;
	s3 =	sadd.s32 s3, s18  }
0x1d7: {  	v2 =	vld [tilespmem:s3+$0xA00];
	_ =	sdelay $0x2  }
0x1d8: {  	(v2sf) =	vpush v1, $0x9;
	s18 =	sshll.u32 s17, $0x7  }
0x1d9: {  	s16 =	sand.u32 $0x3FFFFC00, s18  }
0x1da: {  	[tilespmem:s16+$0x10A00] =	vst v2  }
0x1db: {  	v2 =	vld [tilespmem:s3+$0xA10];
	_ =	sdelay $0x4  }
0x1dc: {  	[tilespmem:s16+$0x10A10] =	vst v2  }
0x1dd: {  	v2 =	vld [tilespmem:s3+$0xA20];
	_ =	sdelay $0x4  }
0x1de: {  	[tilespmem:s16+$0x10A20] =	vst v2  }
0x1df: {  	s17 =	sor.u32 $0x9, s1;
	v2 =	vld [tilespmem:s3+$0xA30];
	s3 =	spop (v2sf)  }
0x1e0: {  	s19 =	sshll.u32 s17, $0xA;
	s18 =	sshll.u32 s3, $0x7  }
0x1e1: {  	s19 =	sand.u32 $0x3FFFE400, s19;
	s18 =	sand.u32 $0x380, s18  }
0x1e2: {  	s3 =	sshrl.u32 s3, $0x7;
	s18 =	sor.u32 s18, s19  }
0x1e3: {  	s3 =	sand.u32 $0x40, s3;
	s18 =	sadd.s32 s2, s18  }
0x1e4: {  	[tilespmem:s16+$0x10A30] =	vst v2;
	s3 =	sadd.s32 s3, s18  }
0x1e5: {  	v2 =	vld [tilespmem:s3+$0xA00];
	_ =	sdelay $0x2  }
0x1e6: {  	(v2sf) =	vpush v1, $0xA;
	s19 =	sshll.u32 s17, $0x7  }
0x1e7: {  	s16 =	sand.u32 $0x3FFFFC80, s19  }
0x1e8: {  	[tilespmem:s16+$0x10A00] =	vst v2  }
0x1e9: {  	v2 =	vld [tilespmem:s3+$0xA10];
	_ =	sdelay $0x4  }
0x1ea: {  	[tilespmem:s16+$0x10A10] =	vst v2  }
0x1eb: {  	v2 =	vld [tilespmem:s3+$0xA20];
	_ =	sdelay $0x4  }
0x1ec: {  	[tilespmem:s16+$0x10A20] =	vst v2  }
0x1ed: {  	s17 =	sor.u32 $0xA, s1;
	v2 =	vld [tilespmem:s3+$0xA30];
	s3 =	spop (v2sf)  }
0x1ee: {  	s19 =	sshll.u32 s17, $0xA;
	s18 =	sshll.u32 s3, $0x7  }
0x1ef: {  	s19 =	sand.u32 $0x3FFFE800, s19;
	s18 =	sand.u32 $0x380, s18  }
0x1f0: {  	s3 =	sshrl.u32 s3, $0x7;
	s18 =	sor.u32 s18, s19  }
0x1f1: {  	s3 =	sand.u32 $0x40, s3;
	s18 =	sadd.s32 s2, s18  }
0x1f2: {  	[tilespmem:s16+$0x10A30] =	vst v2;
	s3 =	sadd.s32 s3, s18  }
0x1f3: {  	v2 =	vld [tilespmem:s3+$0xA00];
	_ =	sdelay $0x2  }
0x1f4: {  	s17 =	sshll.u32 s17, $0x7;
	(v2sf) =	vpush v1, $0xB  }
0x1f5: {  	s16 =	sand.u32 $0x3FFFFD00, s17  }
0x1f6: {  	[tilespmem:s16+$0x10A00] =	vst v2  }
0x1f7: {  	v2 =	vld [tilespmem:s3+$0xA10];
	_ =	sdelay $0x4  }
0x1f8: {  	[tilespmem:s16+$0x10A10] =	vst v2  }
0x1f9: {  	v2 =	vld [tilespmem:s3+$0xA20];
	_ =	sdelay $0x4  }
0x1fa: {  	[tilespmem:s16+$0x10A20] =	vst v2  }
0x1fb: {  	s17 =	sor.u32 $0xB, s1;
	v2 =	vld [tilespmem:s3+$0xA30];
	s3 =	spop (v2sf)  }
0x1fc: {  	s19 =	sshll.u32 s17, $0xA;
	s18 =	sshll.u32 s3, $0x7  }
0x1fd: {  	s19 =	sand.u32 $0x3FFFEC00, s19;
	s18 =	sand.u32 $0x380, s18  }
0x1fe: {  	s3 =	sshrl.u32 s3, $0x7;
	s18 =	sor.u32 s18, s19  }
0x1ff: {  	s3 =	sand.u32 $0x40, s3;
	s18 =	sadd.s32 s2, s18  }
0x200: {  	[tilespmem:s16+$0x10A30] =	vst v2;
	s3 =	sadd.s32 s3, s18  }
0x201: {  	v2 =	vld [tilespmem:s3+$0xA00];
	_ =	sdelay $0x2  }
0x202: {  	(v2sf) =	vpush v1, $0xC;
	s18 =	sshll.u32 s17, $0x7  }
0x203: {  	s16 =	sand.u32 $0x3FFFFD80, s18  }
0x204: {  	[tilespmem:s16+$0x10A00] =	vst v2  }
0x205: {  	v2 =	vld [tilespmem:s3+$0xA10];
	_ =	sdelay $0x4  }
0x206: {  	[tilespmem:s16+$0x10A10] =	vst v2  }
0x207: {  	v2 =	vld [tilespmem:s3+$0xA20];
	_ =	sdelay $0x4  }
0x208: {  	[tilespmem:s16+$0x10A20] =	vst v2  }
0x209: {  	s17 =	sor.u32 $0xC, s1;
	v2 =	vld [tilespmem:s3+$0xA30];
	s3 =	spop (v2sf)  }
0x20a: {  	s19 =	sshll.u32 s17, $0xA;
	s18 =	sshll.u32 s3, $0x7  }
0x20b: {  	s19 =	sand.u32 $0x3FFFF000, s19;
	s18 =	sand.u32 $0x380, s18  }
0x20c: {  	s3 =	sshrl.u32 s3, $0x7;
	s18 =	sor.u32 s18, s19  }
0x20d: {  	s3 =	sand.u32 $0x40, s3;
	s18 =	sadd.s32 s2, s18  }
0x20e: {  	[tilespmem:s16+$0x10A30] =	vst v2;
	s3 =	sadd.s32 s3, s18  }
0x20f: {  	v2 =	vld [tilespmem:s3+$0xA00];
	_ =	sdelay $0x2  }
0x210: {  	(v2sf) =	vpush v1, $0xD;
	s19 =	sshll.u32 s17, $0x7  }
0x211: {  	s16 =	sand.u32 $0x3FFFFE00, s19  }
0x212: {  	[tilespmem:s16+$0x10A00] =	vst v2  }
0x213: {  	v2 =	vld [tilespmem:s3+$0xA10];
	_ =	sdelay $0x4  }
0x214: {  	[tilespmem:s16+$0x10A10] =	vst v2  }
0x215: {  	v2 =	vld [tilespmem:s3+$0xA20];
	_ =	sdelay $0x4  }
0x216: {  	[tilespmem:s16+$0x10A20] =	vst v2  }
0x217: {  	s17 =	sor.u32 $0xD, s1;
	v2 =	vld [tilespmem:s3+$0xA30];
	s3 =	spop (v2sf)  }
0x218: {  	s19 =	sshll.u32 s17, $0xA;
	s18 =	sshll.u32 s3, $0x7  }
0x219: {  	s19 =	sand.u32 $0x3FFFF400, s19;
	s18 =	sand.u32 $0x380, s18  }
0x21a: {  	s3 =	sshrl.u32 s3, $0x7;
	s18 =	sor.u32 s18, s19  }
0x21b: {  	s3 =	sand.u32 $0x40, s3;
	s18 =	sadd.s32 s2, s18  }
0x21c: {  	[tilespmem:s16+$0x10A30] =	vst v2;
	s3 =	sadd.s32 s3, s18  }
0x21d: {  	v2 =	vld [tilespmem:s3+$0xA00];
	_ =	sdelay $0x2  }
0x21e: {  	s17 =	sshll.u32 s17, $0x7;
	(v2sf) =	vpush v1, $0xE  }
0x21f: {  	s16 =	sand.u32 $0x3FFFFE80, s17  }
0x220: {  	[tilespmem:s16+$0x10A00] =	vst v2  }
0x221: {  	v2 =	vld [tilespmem:s3+$0xA10];
	_ =	sdelay $0x4  }
0x222: {  	[tilespmem:s16+$0x10A10] =	vst v2  }
0x223: {  	v2 =	vld [tilespmem:s3+$0xA20];
	_ =	sdelay $0x4  }
0x224: {  	[tilespmem:s16+$0x10A20] =	vst v2  }
0x225: {  	s1 =	sor.u32 $0xE, s1;
	v2 =	vld [tilespmem:s3+$0xA30];
	s3 =	spop (v2sf)  }
0x226: {  	s19 =	sshll.u32 s1, $0xA;
	s18 =	sshll.u32 s3, $0x7  }
0x227: {  	s17 =	sand.u32 $0x380, s18;
	s18 =	sand.u32 $0x3FFFF800, s19  }
0x228: {  	s3 =	sshrl.u32 s3, $0x7;
	s17 =	sor.u32 s17, s18  }
0x229: {  	s3 =	sand.u32 $0x40, s3;
	s17 =	sadd.s32 s2, s17  }
0x22a: {  	[tilespmem:s16+$0x10A30] =	vst v2;
	s3 =	sadd.s32 s3, s17  }
0x22b: {  	v2 =	vld [tilespmem:s3+$0xA00];
	_ =	sdelay $0x2  }
0x22c: {  	s1 =	sshll.u32 s1, $0x7;
	(v2sf) =	vpush v1, $0xF  }
0x22d: {  	s1 =	sand.u32 $0x3FFFFF00, s1  }
0x22e: {  	[tilespmem:s1+$0x10A00] =	vst v2  }
0x22f: {  	v1 =	vld [tilespmem:s3+$0xA10];
	_ =	sdelay $0x4  }
0x230: {  	[tilespmem:s1+$0x10A10] =	vst v1  }
0x231: {  	v1 =	vld [tilespmem:s3+$0xA20];
	_ =	sdelay $0x4  }
0x232: {  	[tilespmem:s1+$0x10A20] =	vst v1  }
0x233: {  	s0 =	sshllo.u32 s0, $0x4;
	s19 =	spop (v2sf);
	v1 =	vld [tilespmem:s3+$0xA30]  }
0x234: {  	s18 =	sshll.u32 s0, $0xA;
	s17 =	sshll.u32 s19, $0x7  }
0x235: {  	s16 =	sand.u32 $0x380, s17;
	s17 =	sand.u32 $0x3FFFFC00, s18  }
0x236: {  	s16 =	sor.u32 s16, s17;
	s3 =	sshrl.u32 s19, $0x7  }
0x237: {  	s16 =	sadd.s32 s2, s16;
	s3 =	sand.u32 $0x40, s3  }
0x238: {  	s19 =	sadd.s32 s3, s16;
	[tilespmem:s1+$0x10A30] =	vst v1  }
0x239: {  	v1 =	vld [tilespmem:s19+$0xA00];
	_ =	sdelay $0x2  }
0x23a: {  	s0 =	sshll.u32 s0, $0x7  }
0x23b: {  	s0 =	sand.u32 $0x3FFFFF80, s0  }
0x23c: {  	[tilespmem:s0+$0x10A00] =	vst v1  }
0x23d: {  	v1 =	vld [tilespmem:s19+$0xA10];
	_ =	sdelay $0x4  }
0x23e: {  	[tilespmem:s0+$0x10A10] =	vst v1  }
0x23f: {  	v1 =	vld [tilespmem:s19+$0xA20];
	_ =	sdelay $0x4  }
0x240: {  	[tilespmem:s0+$0x10A20] =	vst v1  }
0x241: {  	p1 =	por p0, p0;
	v1 =	vld [tilespmem:s19+$0xA30]  }
.Ltmp3:
0x242: {  	_ = 	snop;
	(pc) =	sbr.rel @p1 .LBB2_7-.Ltmp3, $2  }
0x243: {  	_ =	sdelay $0x2  }
0x244: {  	p0 =	por $0x0, $0x0;
	[tilespmem:s0+$0x10A30] =	vst v1;
	s0 =	simm.s32 $0x1  }
0x245: {  	s0 =	sshll.u32 s30, $0x9;
	p0 =	sne.s32 s31, $0x10  }
.Ltmp4:
0x246: {  	s1 =	sadd.s32 s0, s11;
	s0 =	simm.s32 $0x0;
	(pc) =	sbr.rel @p0 .LBB2_3-.Ltmp4, $4  }
0x247: {  	[hbm4b:s1+s0] =	stream.linear.scatter [tilespmem:s23], [sflag:$0x2], $0x1000, $0x38;
	[tilespmem:$0x16A00] =	vst v63  }
0x248: {  	_ =	swait.ge [sflag:s15], $0x1000  }
0x249: {  	[sflag:s15] =	ssyncset.done $0x0  }
0x24a: {  	s30 =	smov.u32 s31;
	[sflag:s15] =	ssyncadd.s32 $0xFFFFF000  }
0x24b: {  	s1 =	simm.s32 $0x200;
	s2 =	simm.s32 $0x400  }
0x24c: {  	s30 =	simm.s32 $0x600;
	s31 =	simm.s32 $0x800;
	s3 =	simm.s32 $0x0  }
.LBB2_10:
0x24d: {  	v3 =	vld [tilespmem:s1+$0x0];
	_ =	sdelay $0x5  }
0x24e: {  	v0 =	vld [tilespmem:s2+$0x0]  }
0x24f: {  	v1 =	vld [tilespmem:s30+$0x0]  }
0x250: {  	v4 =	vld.idx.msk [tilespmem:v3+s20+$0x0], $0xffff  }
0x251: {  	v2 =	vld [tilespmem:s31+$0x0];
	_ =	sdelay $0x1  }
0x252: {  	s16 =	sand.u32 $0x70, s3;
	s17 =	sand.u32 $0xC00, s0  }
0x253: {  	s16 =	sor.u32 s16, s17  }
0x254: {  	[tilespmem:s16+$0x12A00] =	vst v4  }
0x255: {  	v4 =	vld.idx.msk [tilespmem:v0+s21+$0x0], $0xffff  }
0x256: {  	v5 =	vld.idx.msk [tilespmem:v1+s21+$0x0], $0xffff;
	_ =	sdelay $0x1  }
0x257: {  	v6 =	vld.idx.msk [tilespmem:v2+s21+$0x0], $0xffff;
	_ =	sdelay $0x2  }
0x258: {  	v4 =	vadd.f32 v5, v4;
	_ =	sdelay $0x1  }
0x259: {  	v36 =	vadd.s32 $0x80, v3;
	v4 =	vadd.f32 v6, v4;
	_ =	sdelay $0x1  }
0x25a: {  	v4 =	vmul.f32 $3.333333430e-01, v4;
	_ =	sdelay $0x1  }
0x25b: {  	[tilespmem:s16+$0x14A00] =	vst v4  }
0x25c: {  	v4 =	vld.idx.msk [tilespmem:v36+s20+$0x0], $0xffff  }
0x25d: {  	v37 =	vadd.s32 $0x80, v0  }
0x25e: {  	v38 =	vadd.s32 $0x80, v1;
	_ =	sdelay $0x1  }
0x25f: {  	v7 =	vadd.s32 $0x80, v2  }
0x260: {  	[tilespmem:s16+$0x12A80] =	vst v4  }
0x261: {  	v4 =	vld.idx.msk [tilespmem:v37+s21+$0x0], $0xffff  }
0x262: {  	v39 =	vld.idx.msk [tilespmem:v38+s21+$0x0], $0xffff;
	_ =	sdelay $0x1  }
0x263: {  	v40 =	vld.idx.msk [tilespmem:v7+s21+$0x0], $0xffff;
	_ =	sdelay $0x2  }
0x264: {  	v4 =	vadd.f32 v39, v4;
	_ =	sdelay $0x1  }
0x265: {  	v41 =	vadd.s32 $0x100, v3;
	v4 =	vadd.f32 v40, v4;
	_ =	sdelay $0x1  }
0x266: {  	v4 =	vmul.f32 $3.333333430e-01, v4;
	_ =	sdelay $0x1  }
0x267: {  	[tilespmem:s16+$0x14A80] =	vst v4  }
0x268: {  	v4 =	vld.idx.msk [tilespmem:v41+s20+$0x0], $0xffff  }
0x269: {  	v42 =	vadd.s32 $0x100, v0  }
0x26a: {  	v43 =	vadd.s32 $0x100, v1;
	_ =	sdelay $0x1  }
0x26b: {  	v44 =	vadd.s32 $0x100, v2  }
0x26c: {  	[tilespmem:s16+$0x12B00] =	vst v4  }
0x26d: {  	v4 =	vld.idx.msk [tilespmem:v42+s21+$0x0], $0xffff  }
0x26e: {  	v45 =	vld.idx.msk [tilespmem:v43+s21+$0x0], $0xffff;
	_ =	sdelay $0x1  }
0x26f: {  	v46 =	vld.idx.msk [tilespmem:v44+s21+$0x0], $0xffff;
	_ =	sdelay $0x2  }
0x270: {  	v4 =	vadd.f32 v45, v4;
	_ =	sdelay $0x1  }
0x271: {  	v47 =	vadd.s32 $0x180, v3;
	v4 =	vadd.f32 v46, v4;
	_ =	sdelay $0x1  }
0x272: {  	v4 =	vmul.f32 $3.333333430e-01, v4;
	_ =	sdelay $0x1  }
0x273: {  	[tilespmem:s16+$0x14B00] =	vst v4  }
0x274: {  	v4 =	vld.idx.msk [tilespmem:v47+s20+$0x0], $0xffff  }
0x275: {  	v48 =	vadd.s32 $0x180, v0  }
0x276: {  	s18 =	sand.u32 $0xFFFFFC00, s0;
	v49 =	vadd.s32 $0x180, v1  }
0x277: {  	s17 =	sadd.s32 s18, s3  }
0x278: {  	s18 =	sor.u32 $0x180, s17;
	v50 =	vadd.s32 $0x180, v2  }
0x279: {  	[tilespmem:s18+$0x12A00] =	vst v4  }
0x27a: {  	v4 =	vld.idx.msk [tilespmem:v48+s21+$0x0], $0xffff  }
0x27b: {  	v51 =	vld.idx.msk [tilespmem:v49+s21+$0x0], $0xffff;
	_ =	sdelay $0x1  }
0x27c: {  	v52 =	vld.idx.msk [tilespmem:v50+s21+$0x0], $0xffff;
	_ =	sdelay $0x2  }
0x27d: {  	v4 =	vadd.f32 v51, v4;
	_ =	sdelay $0x1  }
0x27e: {  	v53 =	vadd.s32 $0x200, v3;
	v4 =	vadd.f32 v52, v4;
	_ =	sdelay $0x1  }
0x27f: {  	v4 =	vmul.f32 $3.333333430e-01, v4;
	_ =	sdelay $0x1  }
0x280: {  	[tilespmem:s18+$0x14A00] =	vst v4  }
0x281: {  	v4 =	vld.idx.msk [tilespmem:v53+s20+$0x0], $0xffff  }
0x282: {  	v54 =	vadd.s32 $0x200, v0  }
0x283: {  	v55 =	vadd.s32 $0x200, v1;
	_ =	sdelay $0x1  }
0x284: {  	v56 =	vadd.s32 $0x200, v2  }
0x285: {  	[tilespmem:s16+$0x12C00] =	vst v4  }
0x286: {  	v4 =	vld.idx.msk [tilespmem:v54+s21+$0x0], $0xffff  }
0x287: {  	v57 =	vld.idx.msk [tilespmem:v55+s21+$0x0], $0xffff;
	_ =	sdelay $0x1  }
0x288: {  	v58 =	vld.idx.msk [tilespmem:v56+s21+$0x0], $0xffff;
	_ =	sdelay $0x2  }
0x289: {  	v4 =	vadd.f32 v57, v4;
	_ =	sdelay $0x1  }
0x28a: {  	v59 =	vadd.s32 $0x280, v3;
	v4 =	vadd.f32 v58, v4;
	_ =	sdelay $0x1  }
0x28b: {  	v4 =	vmul.f32 $3.333333430e-01, v4;
	_ =	sdelay $0x1  }
0x28c: {  	[tilespmem:s16+$0x14C00] =	vst v4  }
0x28d: {  	v4 =	vld.idx.msk [tilespmem:v59+s20+$0x0], $0xffff  }
0x28e: {  	v60 =	vadd.s32 $0x280, v0  }
0x28f: {  	v61 =	vadd.s32 $0x280, v1;
	_ =	sdelay $0x1  }
0x290: {  	v62 =	vadd.s32 $0x280, v2  }
0x291: {  	[tilespmem:s16+$0x12C80] =	vst v4  }
0x292: {  	v4 =	vld.idx.msk [tilespmem:v60+s21+$0x0], $0xffff  }
0x293: {  	v63 =	vld.idx.msk [tilespmem:v61+s21+$0x0], $0xffff;
	_ =	sdelay $0x1  }
0x294: {  	v9 =	vld.idx.msk [tilespmem:v62+s21+$0x0], $0xffff;
	_ =	sdelay $0x2  }
0x295: {  	v4 =	vadd.f32 v63, v4;
	_ =	sdelay $0x1  }
0x296: {  	v10 =	vadd.s32 $0x300, v3;
	v4 =	vadd.f32 v9, v4;
	_ =	sdelay $0x1  }
0x297: {  	v4 =	vmul.f32 $3.333333430e-01, v4;
	_ =	sdelay $0x1  }
0x298: {  	[tilespmem:s16+$0x14C80] =	vst v4  }
0x299: {  	v4 =	vld.idx.msk [tilespmem:v10+s20+$0x0], $0xffff  }
0x29a: {  	v11 =	vadd.s32 $0x300, v0  }
0x29b: {  	v12 =	vadd.s32 $0x300, v1;
	_ =	sdelay $0x1  }
0x29c: {  	v13 =	vadd.s32 $0x300, v2  }
0x29d: {  	[tilespmem:s16+$0x12D00] =	vst v4  }
0x29e: {  	v4 =	vld.idx.msk [tilespmem:v11+s21+$0x0], $0xffff  }
0x29f: {  	v14 =	vld.idx.msk [tilespmem:v12+s21+$0x0], $0xffff;
	_ =	sdelay $0x1  }
0x2a0: {  	v15 =	vld.idx.msk [tilespmem:v13+s21+$0x0], $0xffff;
	_ =	sdelay $0x2  }
0x2a1: {  	v4 =	vadd.f32 v14, v4;
	_ =	sdelay $0x1  }
0x2a2: {  	v16 =	vadd.s32 $0x380, v3;
	v4 =	vadd.f32 v15, v4;
	_ =	sdelay $0x1  }
0x2a3: {  	v4 =	vmul.f32 $3.333333430e-01, v4;
	_ =	sdelay $0x1  }
0x2a4: {  	[tilespmem:s16+$0x14D00] =	vst v4  }
0x2a5: {  	v4 =	vld.idx.msk [tilespmem:v16+s20+$0x0], $0xffff  }
0x2a6: {  	v17 =	vadd.s32 $0x380, v0  }
0x2a7: {  	v18 =	vadd.s32 $0x380, v1  }
0x2a8: {  	s18 =	sor.u32 s3, s0  }
0x2a9: {  	v19 =	vadd.s32 $0x380, v2;
	s19 =	sor.u32 $0x380, s18  }
0x2aa: {  	[tilespmem:s19+$0x12A00] =	vst v4  }
0x2ab: {  	v4 =	vld.idx.msk [tilespmem:v17+s21+$0x0], $0xffff  }
0x2ac: {  	v20 =	vld.idx.msk [tilespmem:v18+s21+$0x0], $0xffff;
	_ =	sdelay $0x1  }
0x2ad: {  	v21 =	vld.idx.msk [tilespmem:v19+s21+$0x0], $0xffff;
	_ =	sdelay $0x2  }
0x2ae: {  	v4 =	vadd.f32 v20, v4;
	_ =	sdelay $0x1  }
0x2af: {  	v22 =	vadd.s32 $0x400, v3;
	v4 =	vadd.f32 v21, v4;
	_ =	sdelay $0x1  }
0x2b0: {  	v4 =	vmul.f32 $3.333333430e-01, v4;
	_ =	sdelay $0x1  }
0x2b1: {  	[tilespmem:s19+$0x14A00] =	vst v4  }
0x2b2: {  	v4 =	vld.idx.msk [tilespmem:v22+s20+$0x0], $0xffff  }
0x2b3: {  	v23 =	vadd.s32 $0x400, v0  }
0x2b4: {  	v24 =	vadd.s32 $0x400, v1;
	_ =	sdelay $0x1  }
0x2b5: {  	v25 =	vadd.s32 $0x400, v2  }
0x2b6: {  	[tilespmem:s16+$0x13A00] =	vst v4  }
0x2b7: {  	v4 =	vld.idx.msk [tilespmem:v23+s21+$0x0], $0xffff  }
0x2b8: {  	v26 =	vld.idx.msk [tilespmem:v24+s21+$0x0], $0xffff;
	_ =	sdelay $0x1  }
0x2b9: {  	v27 =	vld.idx.msk [tilespmem:v25+s21+$0x0], $0xffff;
	_ =	sdelay $0x2  }
0x2ba: {  	v4 =	vadd.f32 v26, v4;
	_ =	sdelay $0x1  }
0x2bb: {  	v28 =	vadd.s32 $0x480, v3;
	v4 =	vadd.f32 v27, v4;
	_ =	sdelay $0x1  }
0x2bc: {  	v4 =	vmul.f32 $3.333333430e-01, v4;
	_ =	sdelay $0x1  }
0x2bd: {  	[tilespmem:s16+$0x15A00] =	vst v4  }
0x2be: {  	v4 =	vld.idx.msk [tilespmem:v28+s20+$0x0], $0xffff  }
0x2bf: {  	v29 =	vadd.s32 $0x480, v0  }
0x2c0: {  	v30 =	vadd.s32 $0x480, v1;
	_ =	sdelay $0x1  }
0x2c1: {  	v31 =	vadd.s32 $0x480, v2  }
0x2c2: {  	[tilespmem:s16+$0x13A80] =	vst v4  }
0x2c3: {  	v4 =	vld.idx.msk [tilespmem:v29+s21+$0x0], $0xffff  }
0x2c4: {  	v32 =	vld.idx.msk [tilespmem:v30+s21+$0x0], $0xffff;
	_ =	sdelay $0x1  }
0x2c5: {  	v33 =	vld.idx.msk [tilespmem:v31+s21+$0x0], $0xffff;
	_ =	sdelay $0x2  }
0x2c6: {  	v4 =	vadd.f32 v32, v4;
	_ =	sdelay $0x1  }
0x2c7: {  	v34 =	vadd.s32 $0x500, v3;
	v4 =	vadd.f32 v33, v4;
	_ =	sdelay $0x1  }
0x2c8: {  	v4 =	vmul.f32 $3.333333430e-01, v4;
	_ =	sdelay $0x1  }
0x2c9: {  	[tilespmem:s16+$0x15A80] =	vst v4  }
0x2ca: {  	v4 =	vld.idx.msk [tilespmem:v34+s20+$0x0], $0xffff  }
0x2cb: {  	v35 =	vadd.s32 $0x500, v0  }
0x2cc: {  	v36 =	vadd.s32 $0x500, v1;
	_ =	sdelay $0x1  }
0x2cd: {  	v37 =	vadd.s32 $0x500, v2  }
0x2ce: {  	[tilespmem:s16+$0x13B00] =	vst v4  }
0x2cf: {  	v4 =	vld.idx.msk [tilespmem:v35+s21+$0x0], $0xffff  }
0x2d0: {  	v38 =	vld.idx.msk [tilespmem:v36+s21+$0x0], $0xffff;
	_ =	sdelay $0x1  }
0x2d1: {  	v39 =	vld.idx.msk [tilespmem:v37+s21+$0x0], $0xffff;
	_ =	sdelay $0x2  }
0x2d2: {  	v4 =	vadd.f32 v38, v4;
	_ =	sdelay $0x1  }
0x2d3: {  	v40 =	vadd.s32 $0x580, v3;
	v4 =	vadd.f32 v39, v4;
	_ =	sdelay $0x1  }
0x2d4: {  	v4 =	vmul.f32 $3.333333430e-01, v4;
	_ =	sdelay $0x1  }
0x2d5: {  	[tilespmem:s16+$0x15B00] =	vst v4  }
0x2d6: {  	v4 =	vld.idx.msk [tilespmem:v40+s20+$0x0], $0xffff  }
0x2d7: {  	v41 =	vadd.s32 $0x580, v0  }
0x2d8: {  	v42 =	vadd.s32 $0x580, v1;
	_ =	sdelay $0x1  }
0x2d9: {  	s17 =	sor.u32 $0x1180, s17;
	v43 =	vadd.s32 $0x580, v2  }
0x2da: {  	[tilespmem:s17+$0x12A00] =	vst v4  }
0x2db: {  	v4 =	vld.idx.msk [tilespmem:v41+s21+$0x0], $0xffff  }
0x2dc: {  	v44 =	vld.idx.msk [tilespmem:v42+s21+$0x0], $0xffff;
	_ =	sdelay $0x1  }
0x2dd: {  	v45 =	vld.idx.msk [tilespmem:v43+s21+$0x0], $0xffff;
	_ =	sdelay $0x2  }
0x2de: {  	v4 =	vadd.f32 v44, v4;
	_ =	sdelay $0x1  }
0x2df: {  	v46 =	vadd.s32 $0x600, v3;
	v4 =	vadd.f32 v45, v4;
	_ =	sdelay $0x1  }
0x2e0: {  	v4 =	vmul.f32 $3.333333430e-01, v4;
	_ =	sdelay $0x1  }
0x2e1: {  	[tilespmem:s17+$0x14A00] =	vst v4  }
0x2e2: {  	v4 =	vld.idx.msk [tilespmem:v46+s20+$0x0], $0xffff  }
0x2e3: {  	v47 =	vadd.s32 $0x600, v0  }
0x2e4: {  	v48 =	vadd.s32 $0x600, v1;
	_ =	sdelay $0x1  }
0x2e5: {  	v49 =	vadd.s32 $0x600, v2  }
0x2e6: {  	[tilespmem:s16+$0x13C00] =	vst v4  }
0x2e7: {  	v4 =	vld.idx.msk [tilespmem:v47+s21+$0x0], $0xffff  }
0x2e8: {  	v50 =	vld.idx.msk [tilespmem:v48+s21+$0x0], $0xffff;
	_ =	sdelay $0x1  }
0x2e9: {  	v51 =	vld.idx.msk [tilespmem:v49+s21+$0x0], $0xffff;
	_ =	sdelay $0x2  }
0x2ea: {  	v4 =	vadd.f32 v50, v4;
	_ =	sdelay $0x1  }
0x2eb: {  	v52 =	vadd.s32 $0x680, v3;
	v4 =	vadd.f32 v51, v4;
	_ =	sdelay $0x1  }
0x2ec: {  	v4 =	vmul.f32 $3.333333430e-01, v4;
	_ =	sdelay $0x1  }
0x2ed: {  	[tilespmem:s16+$0x15C00] =	vst v4  }
0x2ee: {  	v4 =	vld.idx.msk [tilespmem:v52+s20+$0x0], $0xffff  }
0x2ef: {  	v53 =	vadd.s32 $0x680, v0  }
0x2f0: {  	v54 =	vadd.s32 $0x680, v1;
	_ =	sdelay $0x1  }
0x2f1: {  	v55 =	vadd.s32 $0x680, v2  }
0x2f2: {  	[tilespmem:s16+$0x13C80] =	vst v4  }
0x2f3: {  	v4 =	vld.idx.msk [tilespmem:v53+s21+$0x0], $0xffff  }
0x2f4: {  	v56 =	vld.idx.msk [tilespmem:v54+s21+$0x0], $0xffff;
	_ =	sdelay $0x1  }
0x2f5: {  	v57 =	vld.idx.msk [tilespmem:v55+s21+$0x0], $0xffff;
	_ =	sdelay $0x2  }
0x2f6: {  	v4 =	vadd.f32 v56, v4;
	_ =	sdelay $0x1  }
0x2f7: {  	v58 =	vadd.s32 $0x700, v3;
	v4 =	vadd.f32 v57, v4;
	_ =	sdelay $0x1  }
0x2f8: {  	v4 =	vmul.f32 $3.333333430e-01, v4;
	_ =	sdelay $0x1  }
0x2f9: {  	[tilespmem:s16+$0x15C80] =	vst v4  }
0x2fa: {  	v4 =	vld.idx.msk [tilespmem:v58+s20+$0x0], $0xffff  }
0x2fb: {  	v59 =	vadd.s32 $0x700, v0  }
0x2fc: {  	v60 =	vadd.s32 $0x700, v1;
	_ =	sdelay $0x1  }
0x2fd: {  	v61 =	vadd.s32 $0x700, v2  }
0x2fe: {  	[tilespmem:s16+$0x13D00] =	vst v4  }
0x2ff: {  	v4 =	vld.idx.msk [tilespmem:v59+s21+$0x0], $0xffff  }
0x300: {  	v62 =	vld.idx.msk [tilespmem:v60+s21+$0x0], $0xffff;
	_ =	sdelay $0x1  }
0x301: {  	v63 =	vld.idx.msk [tilespmem:v61+s21+$0x0], $0xffff;
	_ =	sdelay $0x2  }
0x302: {  	v4 =	vadd.f32 v62, v4;
	_ =	sdelay $0x1  }
0x303: {  	v3 =	vadd.s32 $0x780, v3;
	v4 =	vadd.f32 v63, v4;
	_ =	sdelay $0x1  }
0x304: {  	v4 =	vmul.f32 $3.333333430e-01, v4;
	_ =	sdelay $0x1  }
0x305: {  	[tilespmem:s16+$0x15D00] =	vst v4  }
0x306: {  	v3 =	vld.idx.msk [tilespmem:v3+s20+$0x0], $0xffff  }
0x307: {  	v0 =	vadd.s32 $0x780, v0  }
0x308: {  	v1 =	vadd.s32 $0x780, v1;
	_ =	sdelay $0x1  }
0x309: {  	v2 =	vadd.s32 $0x780, v2;
	s19 =	sor.u32 $0x1380, s18  }
0x30a: {  	[tilespmem:s19+$0x12A00] =	vst v3  }
0x30b: {  	v0 =	vld.idx.msk [tilespmem:v0+s21+$0x0], $0xffff  }
0x30c: {  	v1 =	vld.idx.msk [tilespmem:v1+s21+$0x0], $0xffff;
	_ =	sdelay $0x1  }
0x30d: {  	v2 =	vld.idx.msk [tilespmem:v2+s21+$0x0], $0xffff;
	_ =	sdelay $0x2  }
0x30e: {  	v0 =	vadd.f32 v1, v0  }
0x30f: {  	p0 =	sne.s32 s3, $0x1F0  }
.Ltmp5:
0x310: {  	v0 =	vadd.f32 v2, v0;
	(pc) =	sbr.rel @p0 .LBB2_10-.Ltmp5, $4  }
0x311: {  	_ = 	snop  }
0x312: {  	v0 =	vmul.f32 $3.333333430e-01, v0  }
0x313: {  	s1 =	sadd.s32 $0x10, s1;
	s2 =	sadd.s32 $0x10, s2;
	s30 =	sadd.s32 $0x10, s30  }
0x314: {  	s31 =	sadd.s32 $0x10, s31;
	s0 =	sadd.s32 $0x80, s0;
	s3 =	sadd.s32 $0x10, s3;
	[tilespmem:s19+$0x14A00] =	vst v0  }
0x315: {  	[hbm4b:s12+s24] =	stream.strided.scatter [tilespmem:s26], [sflag:$0x2], $0x2000, s25, s24, $0x38;
	[tilespmem:$0x16A00] =	vst v63  }
0x316: {  	s29 =	sadd.s32 $0x1, s29;
	_ =	swait.ge [sflag:s15], $0x2000  }
0x317: {  	p0 =	sne.s32 s29, s14;
	[sflag:s15] =	ssyncset.done $0x0  }
.Ltmp6:
0x318: {  	[sflag:s15] =	ssyncadd.s32 $0xFFFFE000;
	(pc) =	sbr.rel @p0 .LBB2_1-.Ltmp6, $4  }
0x319: {  	[hbm4b:s13+s24] =	stream.strided.scatter [tilespmem:s28], [sflag:$0x2], $0x2000, s25, s24, $0x38;
	[tilespmem:$0x16A00] =	vst v63  }
0x31a: {  	_ =	swait.ge [sflag:s15], $0x2000  }
0x31b: {  	[sflag:s15] =	ssyncset.done $0x0  }
0x31c: {  	[sflag:s15] =	ssyncadd.s32 $0xFFFFE000  }
0x31d: {  	_ =	sfence.sel $0x180000  }
0x31e: {  	[bflag:$0x0] =	sbarrier.arrive $0xFFFF  }
0x31f: {  	_ =	strace $0x90000047  }
0x320: {  	s0 =	stileid.u32;
	[bflag:$0x2] =	sbarrier.arrive $0xFFFF  }
0x321: {  	p0 =	sne.s32 s0, $0x0;
	s0 =	rddreg [dreg:$0x6]  }
0x322: {  	s0 =	sadd.s32 @!p0 $0x100000, s0  }
0x323: {  	[sflag:s0] =	ssyncadd.tile.s32 @!p0 $0x1;
	_ =	shalt  }
.Lfunc_end2:
_tile_overlayer_lowered:
.L_overlay_start_2:
0x324: {  	(tag) =	ssettag $0x2  }
0x325: {  	s0 =	rddreg [dreg:$0x0];
	s2 =	stileid.u32  }
0x326: {  	s1 =	rddreg [dreg:$0x1];
	p0 =	sne.s32 s2, $0x0  }
0x327: {  	s3 =	rddreg [dreg:$0x2];
	[bflag:$0x3] =	sbarrier.arrive $0xFFFF;
	s2 =	simm.s32 @!p0 $0x1C02  }
0x328: {  	[timem:s3], [sflag:s2] =	dma.local @!p0 [hbm:s0], s1  }
0x329: {  	s0 =	simm.s32 @!p0 $0x2  }
0x32a: {  	_ =	swait.ge @!p0 [sflag:s0], s1  }
0x32b: {  	s1 =	ssub.s32 @!p0 $0x0, s1;
	[sflag:s0] =	ssyncset.done @!p0 $0x0  }
0x32c: {  	[sflag:s0] =	ssyncadd.s32 @!p0 s1  }
0x32d: {  	[bflag:$0x3] =	sbarrier.arrive $0xFFFF  }
0x32e: {  	_ =	shalt  }

</sc_bundles>
